<compile_context>
chip_gen: v7x
topology: tpu7x:2x2x1
jax: 0.10.2.dev20260603
libtpu: 0.0.44.dev20260713+nightly
codegen_flags: <defaults>
</compile_context>

<pallas_src>
import functools

import jax
import jax.numpy as jnp
from jax import lax
from jax.experimental import pallas as pl
from jax.experimental.pallas import tpu as pltpu
from jax.experimental.pallas import tpu_sc as plsc

VOCAB = 100000
TOK_DIM = 32
MAX_LEN = 200
POS_DIM = 32
BATCH = 4096

OUT_DIM = TOK_DIM + POS_DIM
NC, NS = 2, 16
NW = NC * NS
BW = BATCH // NW
CL = 4
NCH = MAX_LEN // CL
NBUF = 2
RT = TOK_DIM // 8
RP = POS_DIM // 8


@functools.partial(
    pl.kernel,
    mesh=plsc.VectorSubcoreMesh(core_axis_name="c", subcore_axis_name="s"),
    out_type=jax.ShapeDtypeStruct((MAX_LEN, OUT_DIM // 8, NW, 8, BW),
                                  jnp.float32),
    compiler_params=pltpu.CompilerParams(use_tc_tiling_on_sc=False,
                                         needs_layout_passes=False),
    scratch_types=[
        pltpu.VMEM((NBUF, CL, BW), jnp.int32),
        pltpu.VMEM((NBUF * CL * BW, TOK_DIM + 8), jnp.float32),
        pltpu.VMEM((NBUF, CL, RT, 8, BW), jnp.float32),
        pltpu.VMEM_SHARED((MAX_LEN, POS_DIM, BW), jnp.float32),
        pltpu.SemaphoreType.DMA,
        pltpu.SemaphoreType.DMA,
        pltpu.SemaphoreType.DMA,
        pltpu.SemaphoreType.DMA,
    ],
)
def _emb(tok_hbm, idxt_hbm, posp_hbm, out_hbm, idx_v, rows_v, s_v, shpos,
         isem, gsem, ssem, psem):
    w = lax.axis_index("s") * NC + lax.axis_index("c")
    b0 = w * BW

    def idx_load(g, fire):
        buf = lax.rem(g, NBUF)
        d = pltpu.make_async_copy(
            idxt_hbm.at[pl.ds(g * CL, CL), pl.ds(b0, BW)],
            idx_v.at[buf], isem)
        d.start() if fire else d.wait()

    def gather(g, fire):
        buf = lax.rem(g, NBUF)
        for j in range(CL):
            d = pltpu.make_async_copy(
                tok_hbm.at[idx_v.at[buf, j]],
                rows_v.at[pl.ds((buf * CL + j) * BW, BW)], gsem)
            d.start() if fire else d.wait()

    def store(g, fire):
        buf = lax.rem(g, NBUF)
        for r in range(RT):
            d = pltpu.make_async_copy(
                s_v.at[buf, slice(None), r],
                out_hbm.at[pl.ds(g * CL, CL), r, w, slice(None), slice(None)],
                ssem)
            d.start() if fire else d.wait()

    def pos_out(g, fire):
        for r in range(RP):
            d = pltpu.make_async_copy(
                shpos.at[pl.ds(g * CL, CL), pl.ds(r * 8, 8)],
                out_hbm.at[pl.ds(g * CL, CL), RT + r, w,
                           slice(None), slice(None)],
                psem)
            d.start() if fire else d.wait()

    iota16 = lax.iota(jnp.int32, 16)

    dsplats = [jnp.full((16,), d, jnp.int32) for d in range(TOK_DIM)]

    def transpose_chunk(buf):
        for j in range(CL):
            base = (buf * CL + j) * BW

            def tbody(tb, c):
                tidx = iota16 + (base + tb * 16)
                t0 = tb * 16
                vs = [plsc.load_gather(rows_v, [tidx, dsplats[d]])
                      for d in range(TOK_DIM)]
                for d in range(TOK_DIM):
                    s_v[buf, j, d // 8, d % 8, pl.ds(t0, 16)] = vs[d]
                return c

            lax.fori_loop(0, BW // 16, tbody, 0)

    idx_load(0, True)
    pl.when(lax.axis_index("s") == 0)(
        lambda: pltpu.sync_copy(posp_hbm, shpos))
    idx_load(0, False)
    gather(0, True)
    idx_load(1, True)
    plsc.subcore_barrier()

    def main(g, carry):
        gather(g, False)
        pl.when(g + 1 < NCH)(lambda: idx_load(g + 1, False))
        pl.when(g + 1 < NCH)(lambda: gather(g + 1, True))
        pl.when(g + 2 < NCH)(lambda: idx_load(g + 2, True))
        pl.when(g >= 1)(lambda: pos_out(g - 1, False))
        pl.when(g >= 2)(lambda: store(g - 2, False))
        transpose_chunk(lax.rem(g, NBUF))
        store(g, True)
        pos_out(g, True)
        return carry

    lax.fori_loop(0, NCH, main, 0)

    store(NCH - 2, False)
    store(NCH - 1, False)
    pos_out(NCH - 1, False)


def kernel(indices, tok_table, pos_table):
    tok_p = jnp.pad(tok_table, ((0, 0), (0, 8)))
    idxt = indices.T.astype(jnp.int32)
    posp = jnp.broadcast_to(
        pos_table.reshape(MAX_LEN, POS_DIM, 1),
        (MAX_LEN, POS_DIM, BW))
    out5 = _emb(tok_p, idxt, posp)
    return out5.transpose(2, 4, 0, 1, 3).reshape(BATCH, MAX_LEN, OUT_DIM)

# --- scband reference (transcript-rebuilt; emitter-appended) ---
"""Pipeline reference for scband-spiking-input-embedding-block-13417477833452 (READ-ONLY COPY).

The authoritative reference and input builder live on the scoring server;
editing this copy changes nothing except your own understanding.
"""

import jax, jax.numpy as jnp
import numpy as np

VOCAB = 100000
TOK_DIM = 32
MAX_LEN = 200
POS_DIM = 32
BATCH = 4096


def setup_inputs(seed: int = 0) -> dict:
    key = jax.random.key(seed)
    k_idx, k_tok, k_pos = jax.random.split(key, 3)
    indices = jax.random.randint(k_idx, (BATCH, MAX_LEN), 0, VOCAB, dtype=jnp.int64 if jax.config.jax_enable_x64 else jnp.int32)
    # learned token embedding table, init normal(0, 1e-5) as in the torch module
    tok_table = jax.random.normal(k_tok, (VOCAB, TOK_DIM), dtype=jnp.float32) * 1e-5
    # learned positional embedding table, init normal(0, 1e-5)
    pos_table = jax.random.normal(k_pos, (MAX_LEN, POS_DIM), dtype=jnp.float32) * 1e-5
    return {"indices": indices, "tok_table": tok_table, "pos_table": pos_table}


def reference(indices, tok_table, pos_table):
    # encodingType == 'learned', position_encoding_strategy == 'learned',
    # float_embedding == True -> binmapping is identity (lambda x: x).
    # Token embedding lookup (SparseCore gather):
    tok = jnp.take(tok_table, indices, axis=0)            # [B, L, TOK_DIM]
    # Positional embedding lookup for positions 0..L-1:
    pos_ids = jnp.arange(indices.shape[1])
    pos = jnp.take(pos_table, pos_ids, axis=0)            # [L, POS_DIM]
    pos = jnp.broadcast_to(pos[None, :, :], (indices.shape[0], indices.shape[1], pos.shape[-1]))
    # Concatenate token and positional encodings along feature dim,
    # mirroring the per-token `letter + position` concatenation in encode().
    out = jnp.concatenate([tok, pos], axis=-1)            # [B, L, TOK_DIM + POS_DIM]
    return out

if __name__ == "__main__":
    import jax
    _d = setup_inputs()
    print(jax.jit(kernel)(*tuple(_d.values())))

</pallas_src>

<mosaic_0001>
#map = affine_map<(d0, d1) -> (0, 0)>
#map1 = affine_map<(d0, d1) -> (0, 0, 0)>
#map2 = affine_map<(d0, d1) -> (0, 0, 0, 0, 0)>
module attributes {stable_mosaic.version = 14 : i64} {
  func.func @_emb(%arg0: i32, %arg1: i32, %arg2: memref<100000x40xf32, #tpu.memory_space<hbm>>, %arg3: memref<200x4096xi32, #tpu.memory_space<hbm>>, %arg4: memref<200x32x128xf32, #tpu.memory_space<hbm>>, %arg5: memref<200x8x32x8x128xf32, #tpu.memory_space<hbm>>, %arg6: memref<2x4x128xi32, #tpu.memory_space<vmem>>, %arg7: memref<1024x40xf32, #tpu.memory_space<vmem>>, %arg8: memref<2x4x4x8x128xf32, #tpu.memory_space<vmem>>, %arg9: memref<200x32x128xf32, #tpu.memory_space<vmem_shared>>, %arg10: memref<!tpu.dma_semaphore, #tpu.memory_space<semaphore_mem>>, %arg11: memref<!tpu.dma_semaphore, #tpu.memory_space<semaphore_mem>>, %arg12: memref<!tpu.dma_semaphore, #tpu.memory_space<semaphore_mem>>, %arg13: memref<!tpu.dma_semaphore, #tpu.memory_space<semaphore_mem>>) attributes {dimension_semantics = [#tpu.dimension_semantics<core_parallel>, #tpu.dimension_semantics<subcore_parallel>], iteration_bounds = array<i64: 2, 16>, scalar_prefetch = 0 : i64, scratch_operands = 8 : i64, tpu.core_type = #tpu.core_type<sc_vector_subcore>, window_params = [{transform_indices = #map}, {transform_indices = #map}, {transform_indices = #map1}, {transform_indices = #map2}]} {
    %mul3A = arith.constant 2 : i32
    %mul3A_0 = arith.muli %arg1, %mul3A : i32
    %add3A = arith.addi %mul3A_0, %arg0 : i32
    %mul3A_1 = arith.constant 128 : i32
    %mul3A_2 = arith.muli %add3A, %mul3A_1 : i32
    %iota3A = tpu.iota {dimensions = array<i32: 0>} : vector<16xi32>
    %broadcast_in_dim3A = arith.constant 0 : i32
    %broadcast_in_dim3A_3 = vector.broadcast %broadcast_in_dim3A : i32 to vector<16xi32>
    %broadcast_in_dim3A_4 = arith.constant 1 : i32
    %broadcast_in_dim3A_5 = vector.broadcast %broadcast_in_dim3A_4 : i32 to vector<16xi32>
    %broadcast_in_dim3A_6 = arith.constant 2 : i32
    %broadcast_in_dim3A_7 = vector.broadcast %broadcast_in_dim3A_6 : i32 to vector<16xi32>
    %broadcast_in_dim3A_8 = arith.constant 3 : i32
    %broadcast_in_dim3A_9 = vector.broadcast %broadcast_in_dim3A_8 : i32 to vector<16xi32>
    %broadcast_in_dim3A_10 = arith.constant 4 : i32
    %broadcast_in_dim3A_11 = vector.broadcast %broadcast_in_dim3A_10 : i32 to vector<16xi32>
    %broadcast_in_dim3A_12 = arith.constant 5 : i32
    %broadcast_in_dim3A_13 = vector.broadcast %broadcast_in_dim3A_12 : i32 to vector<16xi32>
    %broadcast_in_dim3A_14 = arith.constant 6 : i32
    %broadcast_in_dim3A_15 = vector.broadcast %broadcast_in_dim3A_14 : i32 to vector<16xi32>
    %broadcast_in_dim3A_16 = arith.constant 7 : i32
    %broadcast_in_dim3A_17 = vector.broadcast %broadcast_in_dim3A_16 : i32 to vector<16xi32>
    %broadcast_in_dim3A_18 = arith.constant 8 : i32
    %broadcast_in_dim3A_19 = vector.broadcast %broadcast_in_dim3A_18 : i32 to vector<16xi32>
    %broadcast_in_dim3A_20 = arith.constant 9 : i32
    %broadcast_in_dim3A_21 = vector.broadcast %broadcast_in_dim3A_20 : i32 to vector<16xi32>
    %broadcast_in_dim3A_22 = arith.constant 10 : i32
    %broadcast_in_dim3A_23 = vector.broadcast %broadcast_in_dim3A_22 : i32 to vector<16xi32>
    %broadcast_in_dim3A_24 = arith.constant 11 : i32
    %broadcast_in_dim3A_25 = vector.broadcast %broadcast_in_dim3A_24 : i32 to vector<16xi32>
    %broadcast_in_dim3A_26 = arith.constant 12 : i32
    %broadcast_in_dim3A_27 = vector.broadcast %broadcast_in_dim3A_26 : i32 to vector<16xi32>
    %broadcast_in_dim3A_28 = arith.constant 13 : i32
    %broadcast_in_dim3A_29 = vector.broadcast %broadcast_in_dim3A_28 : i32 to vector<16xi32>
    %broadcast_in_dim3A_30 = arith.constant 14 : i32
    %broadcast_in_dim3A_31 = vector.broadcast %broadcast_in_dim3A_30 : i32 to vector<16xi32>
    %broadcast_in_dim3A_32 = arith.constant 15 : i32
    %broadcast_in_dim3A_33 = vector.broadcast %broadcast_in_dim3A_32 : i32 to vector<16xi32>
    %broadcast_in_dim3A_34 = arith.constant 16 : i32
    %broadcast_in_dim3A_35 = vector.broadcast %broadcast_in_dim3A_34 : i32 to vector<16xi32>
    %broadcast_in_dim3A_36 = arith.constant 17 : i32
    %broadcast_in_dim3A_37 = vector.broadcast %broadcast_in_dim3A_36 : i32 to vector<16xi32>
    %broadcast_in_dim3A_38 = arith.constant 18 : i32
    %broadcast_in_dim3A_39 = vector.broadcast %broadcast_in_dim3A_38 : i32 to vector<16xi32>
    %broadcast_in_dim3A_40 = arith.constant 19 : i32
    %broadcast_in_dim3A_41 = vector.broadcast %broadcast_in_dim3A_40 : i32 to vector<16xi32>
    %broadcast_in_dim3A_42 = arith.constant 20 : i32
    %broadcast_in_dim3A_43 = vector.broadcast %broadcast_in_dim3A_42 : i32 to vector<16xi32>
    %broadcast_in_dim3A_44 = arith.constant 21 : i32
    %broadcast_in_dim3A_45 = vector.broadcast %broadcast_in_dim3A_44 : i32 to vector<16xi32>
    %broadcast_in_dim3A_46 = arith.constant 22 : i32
    %broadcast_in_dim3A_47 = vector.broadcast %broadcast_in_dim3A_46 : i32 to vector<16xi32>
    %broadcast_in_dim3A_48 = arith.constant 23 : i32
    %broadcast_in_dim3A_49 = vector.broadcast %broadcast_in_dim3A_48 : i32 to vector<16xi32>
    %broadcast_in_dim3A_50 = arith.constant 24 : i32
    %broadcast_in_dim3A_51 = vector.broadcast %broadcast_in_dim3A_50 : i32 to vector<16xi32>
    %broadcast_in_dim3A_52 = arith.constant 25 : i32
    %broadcast_in_dim3A_53 = vector.broadcast %broadcast_in_dim3A_52 : i32 to vector<16xi32>
    %broadcast_in_dim3A_54 = arith.constant 26 : i32
    %broadcast_in_dim3A_55 = vector.broadcast %broadcast_in_dim3A_54 : i32 to vector<16xi32>
    %broadcast_in_dim3A_56 = arith.constant 27 : i32
    %broadcast_in_dim3A_57 = vector.broadcast %broadcast_in_dim3A_56 : i32 to vector<16xi32>
    %broadcast_in_dim3A_58 = arith.constant 28 : i32
    %broadcast_in_dim3A_59 = vector.broadcast %broadcast_in_dim3A_58 : i32 to vector<16xi32>
    %broadcast_in_dim3A_60 = arith.constant 29 : i32
    %broadcast_in_dim3A_61 = vector.broadcast %broadcast_in_dim3A_60 : i32 to vector<16xi32>
    %broadcast_in_dim3A_62 = arith.constant 30 : i32
    %broadcast_in_dim3A_63 = vector.broadcast %broadcast_in_dim3A_62 : i32 to vector<16xi32>
    %broadcast_in_dim3A_64 = arith.constant 31 : i32
    %broadcast_in_dim3A_65 = vector.broadcast %broadcast_in_dim3A_64 : i32 to vector<16xi32>
    %rem3A = arith.constant 0 : i32
    %rem3A_66 = arith.constant 2 : i32
    %rem3A_67 = arith.remsi %rem3A, %rem3A_66 : i32
    %dma_start3A = arith.constant 0 : i32
    %dma_start3A_68 = arith.constant 0 : i32
    %dma_start3A_69 = tpu.memref_slice %arg6[%rem3A_67, %dma_start3A, %dma_start3A_68] : memref<2x4x128xi32, #tpu.memory_space<vmem>> -> memref<1x4x128xi32, #tpu.memory_space<vmem>>
    %dma_start3A_70 = tpu.memref_squeeze %dma_start3A_69 : memref<1x4x128xi32, #tpu.memory_space<vmem>> -> memref<4x128xi32, #tpu.memory_space<vmem>>
    %dma_start3A_71 = arith.constant 0 : i32
    %dma_start3A_72 = tpu.memref_slice %arg3[%dma_start3A_71, %mul3A_2] : memref<200x4096xi32, #tpu.memory_space<hbm>> -> memref<4x128xi32, #tpu.memory_space<hbm>>
    %dma_start3A_73 = arith.constant 0 : i32
    %dma_start3A_74 = arith.constant 0 : i32
    %dma_start3A_75 = tpu.memref_slice %arg6[%rem3A_67, %dma_start3A_73, %dma_start3A_74] : memref<2x4x128xi32, #tpu.memory_space<vmem>> -> memref<1x4x128xi32, #tpu.memory_space<vmem>>
    %dma_start3A_76 = tpu.memref_squeeze %dma_start3A_75 : memref<1x4x128xi32, #tpu.memory_space<vmem>> -> memref<4x128xi32, #tpu.memory_space<vmem>>
    %dma_start3A_77 = arith.constant 0 : i32
    %dma_start3A_78 = tpu.memref_slice %arg3[%dma_start3A_77, %mul3A_2] : memref<200x4096xi32, #tpu.memory_space<hbm>> -> memref<4x128xi32, #tpu.memory_space<hbm>>
    tpu.enqueue_dma source(%dma_start3A_78 : memref<4x128xi32, #tpu.memory_space<hbm>>) target(%dma_start3A_76 : memref<4x128xi32, #tpu.memory_space<vmem>>) target_semaphore(%arg10 : memref<!tpu.dma_semaphore, #tpu.memory_space<semaphore_mem>>)
    %eq3A = arith.constant 0 : i32
    %eq3A_79 = arith.cmpi eq, %arg1, %eq3A : i32
    %convert_element_type3A = arith.extui %eq3A_79 : i1 to i32
    %cond3A = arith.constant 0 : i32
    %cond3A_80 = arith.cmpi ne, %convert_element_type3A, %cond3A : i32
    scf.if %cond3A_80 {
      "tpu.region"() ({
        %run_scoped3A = tpu.sem_alloc : memref<!tpu.dma_semaphore, #tpu.memory_space<semaphore_mem>>
        tpu.enqueue_dma source(%arg4 : memref<200x32x128xf32, #tpu.memory_space<hbm>>) target(%arg9 : memref<200x32x128xf32, #tpu.memory_space<vmem_shared>>) target_semaphore(%run_scoped3A : memref<!tpu.dma_semaphore, #tpu.memory_space<semaphore_mem>>)
        tpu.wait_dma2 semaphore(%run_scoped3A : memref<!tpu.dma_semaphore, #tpu.memory_space<semaphore_mem>>) src(%arg4 : memref<200x32x128xf32, #tpu.memory_space<hbm>>) dst(%arg9 : memref<200x32x128xf32, #tpu.memory_space<vmem_shared>>)
        tpu.yield
      }) : () -> ()
    } else {
    }
    %rem3A_81 = arith.constant 0 : i32
    %rem3A_82 = arith.constant 2 : i32
    %rem3A_83 = arith.remsi %rem3A_81, %rem3A_82 : i32
    %dma_wait3A = arith.constant 0 : i32
    %dma_wait3A_84 = arith.constant 0 : i32
    %dma_wait3A_85 = tpu.memref_slice %arg6[%rem3A_83, %dma_wait3A, %dma_wait3A_84] : memref<2x4x128xi32, #tpu.memory_space<vmem>> -> memref<1x4x128xi32, #tpu.memory_space<vmem>>
    %dma_wait3A_86 = tpu.memref_squeeze %dma_wait3A_85 : memref<1x4x128xi32, #tpu.memory_space<vmem>> -> memref<4x128xi32, #tpu.memory_space<vmem>>
    %dma_wait3A_87 = arith.constant 0 : i32
    %dma_wait3A_88 = tpu.memref_slice %arg3[%dma_wait3A_87, %mul3A_2] : memref<200x4096xi32, #tpu.memory_space<hbm>> -> memref<4x128xi32, #tpu.memory_space<hbm>>
    %dma_wait3A_89 = arith.constant 0 : i32
    %dma_wait3A_90 = arith.constant 0 : i32
    %dma_wait3A_91 = tpu.memref_slice %arg6[%rem3A_83, %dma_wait3A_89, %dma_wait3A_90] : memref<2x4x128xi32, #tpu.memory_space<vmem>> -> memref<1x4x128xi32, #tpu.memory_space<vmem>>
    %dma_wait3A_92 = tpu.memref_squeeze %dma_wait3A_91 : memref<1x4x128xi32, #tpu.memory_space<vmem>> -> memref<4x128xi32, #tpu.memory_space<vmem>>
    %dma_wait3A_93 = arith.constant 0 : i32
    %dma_wait3A_94 = tpu.memref_slice %arg3[%dma_wait3A_93, %mul3A_2] : memref<200x4096xi32, #tpu.memory_space<hbm>> -> memref<4x128xi32, #tpu.memory_space<hbm>>
    tpu.wait_dma2 semaphore(%arg10 : memref<!tpu.dma_semaphore, #tpu.memory_space<semaphore_mem>>) src(%dma_wait3A_94 : memref<4x128xi32, #tpu.memory_space<hbm>>) dst(%dma_wait3A_92 : memref<4x128xi32, #tpu.memory_space<vmem>>)
    %rem3A_95 = arith.constant 0 : i32
    %rem3A_96 = arith.constant 2 : i32
    %rem3A_97 = arith.remsi %rem3A_95, %rem3A_96 : i32
    %mul3A_98 = arith.constant 4 : i32
    %mul3A_99 = arith.muli %rem3A_97, %mul3A_98 : i32
    %add3A_100 = arith.constant 0 : i32
    %add3A_101 = arith.addi %mul3A_99, %add3A_100 : i32
    %mul3A_102 = arith.constant 128 : i32
    %mul3A_103 = arith.muli %add3A_101, %mul3A_102 : i32
    %dma_start3A_104 = arith.constant 0 : i32
    %dma_start3A_105 = arith.constant 0 : i32
    %dma_start3A_106 = tpu.memref_slice %arg7[%mul3A_103, %dma_start3A_105] : memref<1024x40xf32, #tpu.memory_space<vmem>> -> memref<128x40xf32, #tpu.memory_space<vmem>>
    %dma_start3A_107 = arith.constant 0 : i32
    %dma_start3A_108 = tpu.memref_slice %arg6[%rem3A_97, %dma_start3A_104, %dma_start3A_107] : memref<2x4x128xi32, #tpu.memory_space<vmem>> -> memref<1x1x128xi32, #tpu.memory_space<vmem>>
    %dma_start3A_109 = tpu.memref_squeeze %dma_start3A_108 : memref<1x1x128xi32, #tpu.memory_space<vmem>> -> memref<128xi32, #tpu.memory_space<vmem>>
    %dma_start3A_110 = arith.constant 0 : i32
    %dma_start3A_111 = arith.constant 0 : i32
    %dma_start3A_112 = tpu.memref_slice %arg2[%dma_start3A_110, %dma_start3A_111] : memref<100000x40xf32, #tpu.memory_space<hbm>> -> memref<100000x40xf32, #tpu.memory_space<hbm>>
    tpu.enqueue_indirect_dma source(%dma_start3A_112 : memref<100000x40xf32, #tpu.memory_space<hbm>>) target(%dma_start3A_106 : memref<128x40xf32, #tpu.memory_space<vmem>>) offsets(%dma_start3A_109 : memref<128xi32, #tpu.memory_space<vmem>>) semaphore(%arg11 : memref<!tpu.dma_semaphore, #tpu.memory_space<semaphore_mem>>)
    %mul3A_113 = arith.constant 4 : i32
    %mul3A_114 = arith.muli %rem3A_97, %mul3A_113 : i32
    %add3A_115 = arith.constant 1 : i32
    %add3A_116 = arith.addi %mul3A_114, %add3A_115 : i32
    %mul3A_117 = arith.constant 128 : i32
    %mul3A_118 = arith.muli %add3A_116, %mul3A_117 : i32
    %dma_start3A_119 = arith.constant 1 : i32
    %dma_start3A_120 = arith.constant 0 : i32
    %dma_start3A_121 = tpu.memref_slice %arg7[%mul3A_118, %dma_start3A_120] : memref<1024x40xf32, #tpu.memory_space<vmem>> -> memref<128x40xf32, #tpu.memory_space<vmem>>
    %dma_start3A_122 = arith.constant 0 : i32
    %dma_start3A_123 = tpu.memref_slice %arg6[%rem3A_97, %dma_start3A_119, %dma_start3A_122] : memref<2x4x128xi32, #tpu.memory_space<vmem>> -> memref<1x1x128xi32, #tpu.memory_space<vmem>>
    %dma_start3A_124 = tpu.memref_squeeze %dma_start3A_123 : memref<1x1x128xi32, #tpu.memory_space<vmem>> -> memref<128xi32, #tpu.memory_space<vmem>>
    %dma_start3A_125 = arith.constant 0 : i32
    %dma_start3A_126 = arith.constant 0 : i32
    %dma_start3A_127 = tpu.memref_slice %arg2[%dma_start3A_125, %dma_start3A_126] : memref<100000x40xf32, #tpu.memory_space<hbm>> -> memref<100000x40xf32, #tpu.memory_space<hbm>>
    tpu.enqueue_indirect_dma source(%dma_start3A_127 : memref<100000x40xf32, #tpu.memory_space<hbm>>) target(%dma_start3A_121 : memref<128x40xf32, #tpu.memory_space<vmem>>) offsets(%dma_start3A_124 : memref<128xi32, #tpu.memory_space<vmem>>) semaphore(%arg11 : memref<!tpu.dma_semaphore, #tpu.memory_space<semaphore_mem>>)
    %mul3A_128 = arith.constant 4 : i32
    %mul3A_129 = arith.muli %rem3A_97, %mul3A_128 : i32
    %add3A_130 = arith.constant 2 : i32
    %add3A_131 = arith.addi %mul3A_129, %add3A_130 : i32
    %mul3A_132 = arith.constant 128 : i32
    %mul3A_133 = arith.muli %add3A_131, %mul3A_132 : i32
    %dma_start3A_134 = arith.constant 2 : i32
    %dma_start3A_135 = arith.constant 0 : i32
    %dma_start3A_136 = tpu.memref_slice %arg7[%mul3A_133, %dma_start3A_135] : memref<1024x40xf32, #tpu.memory_space<vmem>> -> memref<128x40xf32, #tpu.memory_space<vmem>>
    %dma_start3A_137 = arith.constant 0 : i32
    %dma_start3A_138 = tpu.memref_slice %arg6[%rem3A_97, %dma_start3A_134, %dma_start3A_137] : memref<2x4x128xi32, #tpu.memory_space<vmem>> -> memref<1x1x128xi32, #tpu.memory_space<vmem>>
    %dma_start3A_139 = tpu.memref_squeeze %dma_start3A_138 : memref<1x1x128xi32, #tpu.memory_space<vmem>> -> memref<128xi32, #tpu.memory_space<vmem>>
    %dma_start3A_140 = arith.constant 0 : i32
    %dma_start3A_141 = arith.constant 0 : i32
    %dma_start3A_142 = tpu.memref_slice %arg2[%dma_start3A_140, %dma_start3A_141] : memref<100000x40xf32, #tpu.memory_space<hbm>> -> memref<100000x40xf32, #tpu.memory_space<hbm>>
    tpu.enqueue_indirect_dma source(%dma_start3A_142 : memref<100000x40xf32, #tpu.memory_space<hbm>>) target(%dma_start3A_136 : memref<128x40xf32, #tpu.memory_space<vmem>>) offsets(%dma_start3A_139 : memref<128xi32, #tpu.memory_space<vmem>>) semaphore(%arg11 : memref<!tpu.dma_semaphore, #tpu.memory_space<semaphore_mem>>)
    %mul3A_143 = arith.constant 4 : i32
    %mul3A_144 = arith.muli %rem3A_97, %mul3A_143 : i32
    %add3A_145 = arith.constant 3 : i32
    %add3A_146 = arith.addi %mul3A_144, %add3A_145 : i32
    %mul3A_147 = arith.constant 128 : i32
    %mul3A_148 = arith.muli %add3A_146, %mul3A_147 : i32
    %dma_start3A_149 = arith.constant 3 : i32
    %dma_start3A_150 = arith.constant 0 : i32
    %dma_start3A_151 = tpu.memref_slice %arg7[%mul3A_148, %dma_start3A_150] : memref<1024x40xf32, #tpu.memory_space<vmem>> -> memref<128x40xf32, #tpu.memory_space<vmem>>
    %dma_start3A_152 = arith.constant 0 : i32
    %dma_start3A_153 = tpu.memref_slice %arg6[%rem3A_97, %dma_start3A_149, %dma_start3A_152] : memref<2x4x128xi32, #tpu.memory_space<vmem>> -> memref<1x1x128xi32, #tpu.memory_space<vmem>>
    %dma_start3A_154 = tpu.memref_squeeze %dma_start3A_153 : memref<1x1x128xi32, #tpu.memory_space<vmem>> -> memref<128xi32, #tpu.memory_space<vmem>>
    %dma_start3A_155 = arith.constant 0 : i32
    %dma_start3A_156 = arith.constant 0 : i32
    %dma_start3A_157 = tpu.memref_slice %arg2[%dma_start3A_155, %dma_start3A_156] : memref<100000x40xf32, #tpu.memory_space<hbm>> -> memref<100000x40xf32, #tpu.memory_space<hbm>>
    tpu.enqueue_indirect_dma source(%dma_start3A_157 : memref<100000x40xf32, #tpu.memory_space<hbm>>) target(%dma_start3A_151 : memref<128x40xf32, #tpu.memory_space<vmem>>) offsets(%dma_start3A_154 : memref<128xi32, #tpu.memory_space<vmem>>) semaphore(%arg11 : memref<!tpu.dma_semaphore, #tpu.memory_space<semaphore_mem>>)
    %rem3A_158 = arith.constant 1 : i32
    %rem3A_159 = arith.constant 2 : i32
    %rem3A_160 = arith.remsi %rem3A_158, %rem3A_159 : i32
    %dma_start3A_161 = arith.constant 0 : i32
    %dma_start3A_162 = arith.constant 0 : i32
    %dma_start3A_163 = tpu.memref_slice %arg6[%rem3A_160, %dma_start3A_161, %dma_start3A_162] : memref<2x4x128xi32, #tpu.memory_space<vmem>> -> memref<1x4x128xi32, #tpu.memory_space<vmem>>
    %dma_start3A_164 = tpu.memref_squeeze %dma_start3A_163 : memref<1x4x128xi32, #tpu.memory_space<vmem>> -> memref<4x128xi32, #tpu.memory_space<vmem>>
    %dma_start3A_165 = arith.constant 4 : i32
    %dma_start3A_166 = tpu.memref_slice %arg3[%dma_start3A_165, %mul3A_2] : memref<200x4096xi32, #tpu.memory_space<hbm>> -> memref<4x128xi32, #tpu.memory_space<hbm>>
    %dma_start3A_167 = arith.constant 0 : i32
    %dma_start3A_168 = arith.constant 0 : i32
    %dma_start3A_169 = tpu.memref_slice %arg6[%rem3A_160, %dma_start3A_167, %dma_start3A_168] : memref<2x4x128xi32, #tpu.memory_space<vmem>> -> memref<1x4x128xi32, #tpu.memory_space<vmem>>
    %dma_start3A_170 = tpu.memref_squeeze %dma_start3A_169 : memref<1x4x128xi32, #tpu.memory_space<vmem>> -> memref<4x128xi32, #tpu.memory_space<vmem>>
    %dma_start3A_171 = arith.constant 4 : i32
    %dma_start3A_172 = tpu.memref_slice %arg3[%dma_start3A_171, %mul3A_2] : memref<200x4096xi32, #tpu.memory_space<hbm>> -> memref<4x128xi32, #tpu.memory_space<hbm>>
    tpu.enqueue_dma source(%dma_start3A_172 : memref<4x128xi32, #tpu.memory_space<hbm>>) target(%dma_start3A_170 : memref<4x128xi32, #tpu.memory_space<vmem>>) target_semaphore(%arg10 : memref<!tpu.dma_semaphore, #tpu.memory_space<semaphore_mem>>)
    %barrier3A = arith.constant 0 : index
    tpu.barrier barrier_id(%barrier3A)
    %scan3A = arith.constant 0 : i32
    %scan3A_173 = arith.constant 0 : i32
    %scan3A_174 = arith.constant 50 : i32
    %scan3A_175 = arith.addi %scan3A_173, %scan3A_174 : i32
    %scan3A_176 = arith.constant 1 : i32
    scf.for %scan3A_400 = %scan3A_173 to %scan3A_175 step %scan3A_176  : i32 {
      %rem3A_401 = arith.constant 2 : i32
      %rem3A_402 = arith.remsi %scan3A_400, %rem3A_401 : i32
      %mul3A_403 = arith.constant 4 : i32
      %mul3A_404 = arith.muli %rem3A_402, %mul3A_403 : i32
      %add3A_405 = arith.constant 0 : i32
      %add3A_406 = arith.addi %mul3A_404, %add3A_405 : i32
      %mul3A_407 = arith.constant 128 : i32
      %mul3A_408 = arith.muli %add3A_406, %mul3A_407 : i32
      %dma_wait3A_409 = arith.constant 0 : i32
      %dma_wait3A_410 = arith.constant 0 : i32
      %dma_wait3A_411 = tpu.memref_slice %arg7[%mul3A_408, %dma_wait3A_410] : memref<1024x40xf32, #tpu.memory_space<vmem>> -> memref<128x40xf32, #tpu.memory_space<vmem>>
      %dma_wait3A_412 = arith.constant 0 : i32
      %dma_wait3A_413 = tpu.memref_slice %arg6[%rem3A_402, %dma_wait3A_409, %dma_wait3A_412] : memref<2x4x128xi32, #tpu.memory_space<vmem>> -> memref<1x1x128xi32, #tpu.memory_space<vmem>>
      %dma_wait3A_414 = tpu.memref_squeeze %dma_wait3A_413 : memref<1x1x128xi32, #tpu.memory_space<vmem>> -> memref<128xi32, #tpu.memory_space<vmem>>
      %dma_wait3A_415 = arith.constant 0 : i32
      %dma_wait3A_416 = arith.constant 0 : i32
      %dma_wait3A_417 = tpu.memref_slice %arg2[%dma_wait3A_415, %dma_wait3A_416] : memref<100000x40xf32, #tpu.memory_space<hbm>> -> memref<100000x40xf32, #tpu.memory_space<hbm>>
      tpu.wait_indirect_dma semaphore(%arg11 : memref<!tpu.dma_semaphore, #tpu.memory_space<semaphore_mem>>) src(%dma_wait3A_417 : memref<100000x40xf32, #tpu.memory_space<hbm>>) dst(%dma_wait3A_411 : memref<128x40xf32, #tpu.memory_space<vmem>>)
      %mul3A_418 = arith.constant 4 : i32
      %mul3A_419 = arith.muli %rem3A_402, %mul3A_418 : i32
      %add3A_420 = arith.constant 1 : i32
      %add3A_421 = arith.addi %mul3A_419, %add3A_420 : i32
      %mul3A_422 = arith.constant 128 : i32
      %mul3A_423 = arith.muli %add3A_421, %mul3A_422 : i32
      %dma_wait3A_424 = arith.constant 1 : i32
      %dma_wait3A_425 = arith.constant 0 : i32
      %dma_wait3A_426 = tpu.memref_slice %arg7[%mul3A_423, %dma_wait3A_425] : memref<1024x40xf32, #tpu.memory_space<vmem>> -> memref<128x40xf32, #tpu.memory_space<vmem>>
      %dma_wait3A_427 = arith.constant 0 : i32
      %dma_wait3A_428 = tpu.memref_slice %arg6[%rem3A_402, %dma_wait3A_424, %dma_wait3A_427] : memref<2x4x128xi32, #tpu.memory_space<vmem>> -> memref<1x1x128xi32, #tpu.memory_space<vmem>>
      %dma_wait3A_429 = tpu.memref_squeeze %dma_wait3A_428 : memref<1x1x128xi32, #tpu.memory_space<vmem>> -> memref<128xi32, #tpu.memory_space<vmem>>
      %dma_wait3A_430 = arith.constant 0 : i32
      %dma_wait3A_431 = arith.constant 0 : i32
      %dma_wait3A_432 = tpu.memref_slice %arg2[%dma_wait3A_430, %dma_wait3A_431] : memref<100000x40xf32, #tpu.memory_space<hbm>> -> memref<100000x40xf32, #tpu.memory_space<hbm>>
      tpu.wait_indirect_dma semaphore(%arg11 : memref<!tpu.dma_semaphore, #tpu.memory_space<semaphore_mem>>) src(%dma_wait3A_432 : memref<100000x40xf32, #tpu.memory_space<hbm>>) dst(%dma_wait3A_426 : memref<128x40xf32, #tpu.memory_space<vmem>>)
      %mul3A_433 = arith.constant 4 : i32
      %mul3A_434 = arith.muli %rem3A_402, %mul3A_433 : i32
      %add3A_435 = arith.constant 2 : i32
      %add3A_436 = arith.addi %mul3A_434, %add3A_435 : i32
      %mul3A_437 = arith.constant 128 : i32
      %mul3A_438 = arith.muli %add3A_436, %mul3A_437 : i32
      %dma_wait3A_439 = arith.constant 2 : i32
      %dma_wait3A_440 = arith.constant 0 : i32
      %dma_wait3A_441 = tpu.memref_slice %arg7[%mul3A_438, %dma_wait3A_440] : memref<1024x40xf32, #tpu.memory_space<vmem>> -> memref<128x40xf32, #tpu.memory_space<vmem>>
      %dma_wait3A_442 = arith.constant 0 : i32
      %dma_wait3A_443 = tpu.memref_slice %arg6[%rem3A_402, %dma_wait3A_439, %dma_wait3A_442] : memref<2x4x128xi32, #tpu.memory_space<vmem>> -> memref<1x1x128xi32, #tpu.memory_space<vmem>>
      %dma_wait3A_444 = tpu.memref_squeeze %dma_wait3A_443 : memref<1x1x128xi32, #tpu.memory_space<vmem>> -> memref<128xi32, #tpu.memory_space<vmem>>
      %dma_wait3A_445 = arith.constant 0 : i32
      %dma_wait3A_446 = arith.constant 0 : i32
      %dma_wait3A_447 = tpu.memref_slice %arg2[%dma_wait3A_445, %dma_wait3A_446] : memref<100000x40xf32, #tpu.memory_space<hbm>> -> memref<100000x40xf32, #tpu.memory_space<hbm>>
      tpu.wait_indirect_dma semaphore(%arg11 : memref<!tpu.dma_semaphore, #tpu.memory_space<semaphore_mem>>) src(%dma_wait3A_447 : memref<100000x40xf32, #tpu.memory_space<hbm>>) dst(%dma_wait3A_441 : memref<128x40xf32, #tpu.memory_space<vmem>>)
      %mul3A_448 = arith.constant 4 : i32
      %mul3A_449 = arith.muli %rem3A_402, %mul3A_448 : i32
      %add3A_450 = arith.constant 3 : i32
      %add3A_451 = arith.addi %mul3A_449, %add3A_450 : i32
      %mul3A_452 = arith.constant 128 : i32
      %mul3A_453 = arith.muli %add3A_451, %mul3A_452 : i32
      %dma_wait3A_454 = arith.constant 3 : i32
      %dma_wait3A_455 = arith.constant 0 : i32
      %dma_wait3A_456 = tpu.memref_slice %arg7[%mul3A_453, %dma_wait3A_455] : memref<1024x40xf32, #tpu.memory_space<vmem>> -> memref<128x40xf32, #tpu.memory_space<vmem>>
      %dma_wait3A_457 = arith.constant 0 : i32
      %dma_wait3A_458 = tpu.memref_slice %arg6[%rem3A_402, %dma_wait3A_454, %dma_wait3A_457] : memref<2x4x128xi32, #tpu.memory_space<vmem>> -> memref<1x1x128xi32, #tpu.memory_space<vmem>>
      %dma_wait3A_459 = tpu.memref_squeeze %dma_wait3A_458 : memref<1x1x128xi32, #tpu.memory_space<vmem>> -> memref<128xi32, #tpu.memory_space<vmem>>
      %dma_wait3A_460 = arith.constant 0 : i32
      %dma_wait3A_461 = arith.constant 0 : i32
      %dma_wait3A_462 = tpu.memref_slice %arg2[%dma_wait3A_460, %dma_wait3A_461] : memref<100000x40xf32, #tpu.memory_space<hbm>> -> memref<100000x40xf32, #tpu.memory_space<hbm>>
      tpu.wait_indirect_dma semaphore(%arg11 : memref<!tpu.dma_semaphore, #tpu.memory_space<semaphore_mem>>) src(%dma_wait3A_462 : memref<100000x40xf32, #tpu.memory_space<hbm>>) dst(%dma_wait3A_456 : memref<128x40xf32, #tpu.memory_space<vmem>>)
      %add3A_463 = arith.constant 1 : i32
      %add3A_464 = arith.addi %scan3A_400, %add3A_463 : i32
      %lt3A = arith.constant 50 : i32
      %lt3A_465 = arith.cmpi slt, %add3A_464, %lt3A : i32
      %convert_element_type3A_466 = arith.extui %lt3A_465 : i1 to i32
      %cond3A_467 = arith.constant 0 : i32
      %cond3A_468 = arith.cmpi ne, %convert_element_type3A_466, %cond3A_467 : i32
      scf.if %cond3A_468 {
        %add3A_680 = arith.constant 1 : i32
        %add3A_681 = arith.addi %scan3A_400, %add3A_680 : i32
        %rem3A_682 = arith.constant 2 : i32
        %rem3A_683 = arith.remsi %add3A_681, %rem3A_682 : i32
        %mul3A_684 = arith.constant 4 : i32
        %mul3A_685 = arith.muli %add3A_681, %mul3A_684 : i32
        %dma_wait3A_686 = arith.constant 0 : i32
        %dma_wait3A_687 = arith.constant 0 : i32
        %dma_wait3A_688 = tpu.memref_slice %arg6[%rem3A_683, %dma_wait3A_686, %dma_wait3A_687] : memref<2x4x128xi32, #tpu.memory_space<vmem>> -> memref<1x4x128xi32, #tpu.memory_space<vmem>>
        %dma_wait3A_689 = tpu.memref_squeeze %dma_wait3A_688 : memref<1x4x128xi32, #tpu.memory_space<vmem>> -> memref<4x128xi32, #tpu.memory_space<vmem>>
        %dma_wait3A_690 = tpu.memref_slice %arg3[%mul3A_685, %mul3A_2] : memref<200x4096xi32, #tpu.memory_space<hbm>> -> memref<4x128xi32, #tpu.memory_space<hbm>>
        %dma_wait3A_691 = arith.constant 0 : i32
        %dma_wait3A_692 = arith.constant 0 : i32
        %dma_wait3A_693 = tpu.memref_slice %arg6[%rem3A_683, %dma_wait3A_691, %dma_wait3A_692] : memref<2x4x128xi32, #tpu.memory_space<vmem>> -> memref<1x4x128xi32, #tpu.memory_space<vmem>>
        %dma_wait3A_694 = tpu.memref_squeeze %dma_wait3A_693 : memref<1x4x128xi32, #tpu.memory_space<vmem>> -> memref<4x128xi32, #tpu.memory_space<vmem>>
        %dma_wait3A_695 = tpu.memref_slice %arg3[%mul3A_685, %mul3A_2] : memref<200x4096xi32, #tpu.memory_space<hbm>> -> memref<4x128xi32, #tpu.memory_space<hbm>>
        tpu.wait_dma2 semaphore(%arg10 : memref<!tpu.dma_semaphore, #tpu.memory_space<semaphore_mem>>) src(%dma_wait3A_695 : memref<4x128xi32, #tpu.memory_space<hbm>>) dst(%dma_wait3A_694 : memref<4x128xi32, #tpu.memory_space<vmem>>)
      } else {
      }
      %add3A_469 = arith.constant 1 : i32
      %add3A_470 = arith.addi %scan3A_400, %add3A_469 : i32
      %lt3A_471 = arith.constant 50 : i32
      %lt3A_472 = arith.cmpi slt, %add3A_470, %lt3A_471 : i32
      %convert_element_type3A_473 = arith.extui %lt3A_472 : i1 to i32
      %cond3A_474 = arith.constant 0 : i32
      %cond3A_475 = arith.cmpi ne, %convert_element_type3A_473, %cond3A_474 : i32
      scf.if %cond3A_475 {
        %add3A_680 = arith.constant 1 : i32
        %add3A_681 = arith.addi %scan3A_400, %add3A_680 : i32
        %rem3A_682 = arith.constant 2 : i32
        %rem3A_683 = arith.remsi %add3A_681, %rem3A_682 : i32
        %mul3A_684 = arith.constant 4 : i32
        %mul3A_685 = arith.muli %rem3A_683, %mul3A_684 : i32
        %add3A_686 = arith.constant 0 : i32
        %add3A_687 = arith.addi %mul3A_685, %add3A_686 : i32
        %mul3A_688 = arith.constant 128 : i32
        %mul3A_689 = arith.muli %add3A_687, %mul3A_688 : i32
        %dma_start3A_690 = arith.constant 0 : i32
        %dma_start3A_691 = arith.constant 0 : i32
        %dma_start3A_692 = tpu.memref_slice %arg7[%mul3A_689, %dma_start3A_691] : memref<1024x40xf32, #tpu.memory_space<vmem>> -> memref<128x40xf32, #tpu.memory_space<vmem>>
        %dma_start3A_693 = arith.constant 0 : i32
        %dma_start3A_694 = tpu.memref_slice %arg6[%rem3A_683, %dma_start3A_690, %dma_start3A_693] : memref<2x4x128xi32, #tpu.memory_space<vmem>> -> memref<1x1x128xi32, #tpu.memory_space<vmem>>
        %dma_start3A_695 = tpu.memref_squeeze %dma_start3A_694 : memref<1x1x128xi32, #tpu.memory_space<vmem>> -> memref<128xi32, #tpu.memory_space<vmem>>
        %dma_start3A_696 = arith.constant 0 : i32
        %dma_start3A_697 = arith.constant 0 : i32
        %dma_start3A_698 = tpu.memref_slice %arg2[%dma_start3A_696, %dma_start3A_697] : memref<100000x40xf32, #tpu.memory_space<hbm>> -> memref<100000x40xf32, #tpu.memory_space<hbm>>
        tpu.enqueue_indirect_dma source(%dma_start3A_698 : memref<100000x40xf32, #tpu.memory_space<hbm>>) target(%dma_start3A_692 : memref<128x40xf32, #tpu.memory_space<vmem>>) offsets(%dma_start3A_695 : memref<128xi32, #tpu.memory_space<vmem>>) semaphore(%arg11 : memref<!tpu.dma_semaphore, #tpu.memory_space<semaphore_mem>>)
        %mul3A_699 = arith.constant 4 : i32
        %mul3A_700 = arith.muli %rem3A_683, %mul3A_699 : i32
        %add3A_701 = arith.constant 1 : i32
        %add3A_702 = arith.addi %mul3A_700, %add3A_701 : i32
        %mul3A_703 = arith.constant 128 : i32
        %mul3A_704 = arith.muli %add3A_702, %mul3A_703 : i32
        %dma_start3A_705 = arith.constant 1 : i32
        %dma_start3A_706 = arith.constant 0 : i32
        %dma_start3A_707 = tpu.memref_slice %arg7[%mul3A_704, %dma_start3A_706] : memref<1024x40xf32, #tpu.memory_space<vmem>> -> memref<128x40xf32, #tpu.memory_space<vmem>>
        %dma_start3A_708 = arith.constant 0 : i32
        %dma_start3A_709 = tpu.memref_slice %arg6[%rem3A_683, %dma_start3A_705, %dma_start3A_708] : memref<2x4x128xi32, #tpu.memory_space<vmem>> -> memref<1x1x128xi32, #tpu.memory_space<vmem>>
        %dma_start3A_710 = tpu.memref_squeeze %dma_start3A_709 : memref<1x1x128xi32, #tpu.memory_space<vmem>> -> memref<128xi32, #tpu.memory_space<vmem>>
        %dma_start3A_711 = arith.constant 0 : i32
        %dma_start3A_712 = arith.constant 0 : i32
        %dma_start3A_713 = tpu.memref_slice %arg2[%dma_start3A_711, %dma_start3A_712] : memref<100000x40xf32, #tpu.memory_space<hbm>> -> memref<100000x40xf32, #tpu.memory_space<hbm>>
        tpu.enqueue_indirect_dma source(%dma_start3A_713 : memref<100000x40xf32, #tpu.memory_space<hbm>>) target(%dma_start3A_707 : memref<128x40xf32, #tpu.memory_space<vmem>>) offsets(%dma_start3A_710 : memref<128xi32, #tpu.memory_space<vmem>>) semaphore(%arg11 : memref<!tpu.dma_semaphore, #tpu.memory_space<semaphore_mem>>)
        %mul3A_714 = arith.constant 4 : i32
        %mul3A_715 = arith.muli %rem3A_683, %mul3A_714 : i32
        %add3A_716 = arith.constant 2 : i32
        %add3A_717 = arith.addi %mul3A_715, %add3A_716 : i32
        %mul3A_718 = arith.constant 128 : i32
        %mul3A_719 = arith.muli %add3A_717, %mul3A_718 : i32
        %dma_start3A_720 = arith.constant 2 : i32
        %dma_start3A_721 = arith.constant 0 : i32
        %dma_start3A_722 = tpu.memref_slice %arg7[%mul3A_719, %dma_start3A_721] : memref<1024x40xf32, #tpu.memory_space<vmem>> -> memref<128x40xf32, #tpu.memory_space<vmem>>
        %dma_start3A_723 = arith.constant 0 : i32
        %dma_start3A_724 = tpu.memref_slice %arg6[%rem3A_683, %dma_start3A_720, %dma_start3A_723] : memref<2x4x128xi32, #tpu.memory_space<vmem>> -> memref<1x1x128xi32, #tpu.memory_space<vmem>>
        %dma_start3A_725 = tpu.memref_squeeze %dma_start3A_724 : memref<1x1x128xi32, #tpu.memory_space<vmem>> -> memref<128xi32, #tpu.memory_space<vmem>>
        %dma_start3A_726 = arith.constant 0 : i32
        %dma_start3A_727 = arith.constant 0 : i32
        %dma_start3A_728 = tpu.memref_slice %arg2[%dma_start3A_726, %dma_start3A_727] : memref<100000x40xf32, #tpu.memory_space<hbm>> -> memref<100000x40xf32, #tpu.memory_space<hbm>>
        tpu.enqueue_indirect_dma source(%dma_start3A_728 : memref<100000x40xf32, #tpu.memory_space<hbm>>) target(%dma_start3A_722 : memref<128x40xf32, #tpu.memory_space<vmem>>) offsets(%dma_start3A_725 : memref<128xi32, #tpu.memory_space<vmem>>) semaphore(%arg11 : memref<!tpu.dma_semaphore, #tpu.memory_space<semaphore_mem>>)
        %mul3A_729 = arith.constant 4 : i32
        %mul3A_730 = arith.muli %rem3A_683, %mul3A_729 : i32
        %add3A_731 = arith.constant 3 : i32
        %add3A_732 = arith.addi %mul3A_730, %add3A_731 : i32
        %mul3A_733 = arith.constant 128 : i32
        %mul3A_734 = arith.muli %add3A_732, %mul3A_733 : i32
        %dma_start3A_735 = arith.constant 3 : i32
        %dma_start3A_736 = arith.constant 0 : i32
        %dma_start3A_737 = tpu.memref_slice %arg7[%mul3A_734, %dma_start3A_736] : memref<1024x40xf32, #tpu.memory_space<vmem>> -> memref<128x40xf32, #tpu.memory_space<vmem>>
        %dma_start3A_738 = arith.constant 0 : i32
        %dma_start3A_739 = tpu.memref_slice %arg6[%rem3A_683, %dma_start3A_735, %dma_start3A_738] : memref<2x4x128xi32, #tpu.memory_space<vmem>> -> memref<1x1x128xi32, #tpu.memory_space<vmem>>
        %dma_start3A_740 = tpu.memref_squeeze %dma_start3A_739 : memref<1x1x128xi32, #tpu.memory_space<vmem>> -> memref<128xi32, #tpu.memory_space<vmem>>
        %dma_start3A_741 = arith.constant 0 : i32
        %dma_start3A_742 = arith.constant 0 : i32
        %dma_start3A_743 = tpu.memref_slice %arg2[%dma_start3A_741, %dma_start3A_742] : memref<100000x40xf32, #tpu.memory_space<hbm>> -> memref<100000x40xf32, #tpu.memory_space<hbm>>
        tpu.enqueue_indirect_dma source(%dma_start3A_743 : memref<100000x40xf32, #tpu.memory_space<hbm>>) target(%dma_start3A_737 : memref<128x40xf32, #tpu.memory_space<vmem>>) offsets(%dma_start3A_740 : memref<128xi32, #tpu.memory_space<vmem>>) semaphore(%arg11 : memref<!tpu.dma_semaphore, #tpu.memory_space<semaphore_mem>>)
      } else {
      }
      %add3A_476 = arith.constant 2 : i32
      %add3A_477 = arith.addi %scan3A_400, %add3A_476 : i32
      %lt3A_478 = arith.constant 50 : i32
      %lt3A_479 = arith.cmpi slt, %add3A_477, %lt3A_478 : i32
      %convert_element_type3A_480 = arith.extui %lt3A_479 : i1 to i32
      %cond3A_481 = arith.constant 0 : i32
      %cond3A_482 = arith.cmpi ne, %convert_element_type3A_480, %cond3A_481 : i32
      scf.if %cond3A_482 {
        %add3A_680 = arith.constant 2 : i32
        %add3A_681 = arith.addi %scan3A_400, %add3A_680 : i32
        %rem3A_682 = arith.constant 2 : i32
        %rem3A_683 = arith.remsi %add3A_681, %rem3A_682 : i32
        %mul3A_684 = arith.constant 4 : i32
        %mul3A_685 = arith.muli %add3A_681, %mul3A_684 : i32
        %dma_start3A_686 = arith.constant 0 : i32
        %dma_start3A_687 = arith.constant 0 : i32
        %dma_start3A_688 = tpu.memref_slice %arg6[%rem3A_683, %dma_start3A_686, %dma_start3A_687] : memref<2x4x128xi32, #tpu.memory_space<vmem>> -> memref<1x4x128xi32, #tpu.memory_space<vmem>>
        %dma_start3A_689 = tpu.memref_squeeze %dma_start3A_688 : memref<1x4x128xi32, #tpu.memory_space<vmem>> -> memref<4x128xi32, #tpu.memory_space<vmem>>
        %dma_start3A_690 = tpu.memref_slice %arg3[%mul3A_685, %mul3A_2] : memref<200x4096xi32, #tpu.memory_space<hbm>> -> memref<4x128xi32, #tpu.memory_space<hbm>>
        %dma_start3A_691 = arith.constant 0 : i32
        %dma_start3A_692 = arith.constant 0 : i32
        %dma_start3A_693 = tpu.memref_slice %arg6[%rem3A_683, %dma_start3A_691, %dma_start3A_692] : memref<2x4x128xi32, #tpu.memory_space<vmem>> -> memref<1x4x128xi32, #tpu.memory_space<vmem>>
        %dma_start3A_694 = tpu.memref_squeeze %dma_start3A_693 : memref<1x4x128xi32, #tpu.memory_space<vmem>> -> memref<4x128xi32, #tpu.memory_space<vmem>>
        %dma_start3A_695 = tpu.memref_slice %arg3[%mul3A_685, %mul3A_2] : memref<200x4096xi32, #tpu.memory_space<hbm>> -> memref<4x128xi32, #tpu.memory_space<hbm>>
        tpu.enqueue_dma source(%dma_start3A_695 : memref<4x128xi32, #tpu.memory_space<hbm>>) target(%dma_start3A_694 : memref<4x128xi32, #tpu.memory_space<vmem>>) target_semaphore(%arg10 : memref<!tpu.dma_semaphore, #tpu.memory_space<semaphore_mem>>)
      } else {
      }
      %ge3A = arith.constant 1 : i32
      %ge3A_483 = arith.cmpi sge, %scan3A_400, %ge3A : i32
      %convert_element_type3A_484 = arith.extui %ge3A_483 : i1 to i32
      %cond3A_485 = arith.constant 0 : i32
      %cond3A_486 = arith.cmpi ne, %convert_element_type3A_484, %cond3A_485 : i32
      scf.if %cond3A_486 {
        %sub3A = arith.constant 1 : i32
        %sub3A_680 = arith.subi %scan3A_400, %sub3A : i32
        %mul3A_681 = arith.constant 4 : i32
        %mul3A_682 = arith.muli %sub3A_680, %mul3A_681 : i32
        %mul3A_683 = arith.constant 4 : i32
        %mul3A_684 = arith.muli %sub3A_680, %mul3A_683 : i32
        %dma_wait3A_685 = arith.constant 4 : i32
        %dma_wait3A_686 = arith.constant 0 : i32
        %dma_wait3A_687 = arith.constant 0 : i32
        %dma_wait3A_688 = tpu.memref_slice %arg5[%mul3A_684, %dma_wait3A_685, %add3A, %dma_wait3A_686, %dma_wait3A_687] : memref<200x8x32x8x128xf32, #tpu.memory_space<hbm>> -> memref<4x1x1x8x128xf32, #tpu.memory_space<hbm>>
        %dma_wait3A_689 = tpu.memref_squeeze %dma_wait3A_688 : memref<4x1x1x8x128xf32, #tpu.memory_space<hbm>> -> memref<4x8x128xf32, #tpu.memory_space<hbm>>
        %dma_wait3A_690 = arith.constant 0 : i32
        %dma_wait3A_691 = arith.constant 0 : i32
        %dma_wait3A_692 = tpu.memref_slice %arg9[%mul3A_682, %dma_wait3A_690, %dma_wait3A_691] : memref<200x32x128xf32, #tpu.memory_space<vmem_shared>> -> memref<4x8x128xf32, #tpu.memory_space<vmem_shared>>
        tpu.wait_dma2 semaphore(%arg13 : memref<!tpu.dma_semaphore, #tpu.memory_space<semaphore_mem>>) src(%dma_wait3A_692 : memref<4x8x128xf32, #tpu.memory_space<vmem_shared>>) dst(%dma_wait3A_689 : memref<4x8x128xf32, #tpu.memory_space<hbm>>)
        %mul3A_693 = arith.constant 4 : i32
        %mul3A_694 = arith.muli %sub3A_680, %mul3A_693 : i32
        %mul3A_695 = arith.constant 4 : i32
        %mul3A_696 = arith.muli %sub3A_680, %mul3A_695 : i32
        %dma_wait3A_697 = arith.constant 5 : i32
        %dma_wait3A_698 = arith.constant 0 : i32
        %dma_wait3A_699 = arith.constant 0 : i32
        %dma_wait3A_700 = tpu.memref_slice %arg5[%mul3A_696, %dma_wait3A_697, %add3A, %dma_wait3A_698, %dma_wait3A_699] : memref<200x8x32x8x128xf32, #tpu.memory_space<hbm>> -> memref<4x1x1x8x128xf32, #tpu.memory_space<hbm>>
        %dma_wait3A_701 = tpu.memref_squeeze %dma_wait3A_700 : memref<4x1x1x8x128xf32, #tpu.memory_space<hbm>> -> memref<4x8x128xf32, #tpu.memory_space<hbm>>
        %dma_wait3A_702 = arith.constant 8 : i32
        %dma_wait3A_703 = arith.constant 0 : i32
        %dma_wait3A_704 = tpu.memref_slice %arg9[%mul3A_694, %dma_wait3A_702, %dma_wait3A_703] : memref<200x32x128xf32, #tpu.memory_space<vmem_shared>> -> memref<4x8x128xf32, #tpu.memory_space<vmem_shared>>
        tpu.wait_dma2 semaphore(%arg13 : memref<!tpu.dma_semaphore, #tpu.memory_space<semaphore_mem>>) src(%dma_wait3A_704 : memref<4x8x128xf32, #tpu.memory_space<vmem_shared>>) dst(%dma_wait3A_701 : memref<4x8x128xf32, #tpu.memory_space<hbm>>)
        %mul3A_705 = arith.constant 4 : i32
        %mul3A_706 = arith.muli %sub3A_680, %mul3A_705 : i32
        %mul3A_707 = arith.constant 4 : i32
        %mul3A_708 = arith.muli %sub3A_680, %mul3A_707 : i32
        %dma_wait3A_709 = arith.constant 6 : i32
        %dma_wait3A_710 = arith.constant 0 : i32
        %dma_wait3A_711 = arith.constant 0 : i32
        %dma_wait3A_712 = tpu.memref_slice %arg5[%mul3A_708, %dma_wait3A_709, %add3A, %dma_wait3A_710, %dma_wait3A_711] : memref<200x8x32x8x128xf32, #tpu.memory_space<hbm>> -> memref<4x1x1x8x128xf32, #tpu.memory_space<hbm>>
        %dma_wait3A_713 = tpu.memref_squeeze %dma_wait3A_712 : memref<4x1x1x8x128xf32, #tpu.memory_space<hbm>> -> memref<4x8x128xf32, #tpu.memory_space<hbm>>
        %dma_wait3A_714 = arith.constant 16 : i32
        %dma_wait3A_715 = arith.constant 0 : i32
        %dma_wait3A_716 = tpu.memref_slice %arg9[%mul3A_706, %dma_wait3A_714, %dma_wait3A_715] : memref<200x32x128xf32, #tpu.memory_space<vmem_shared>> -> memref<4x8x128xf32, #tpu.memory_space<vmem_shared>>
        tpu.wait_dma2 semaphore(%arg13 : memref<!tpu.dma_semaphore, #tpu.memory_space<semaphore_mem>>) src(%dma_wait3A_716 : memref<4x8x128xf32, #tpu.memory_space<vmem_shared>>) dst(%dma_wait3A_713 : memref<4x8x128xf32, #tpu.memory_space<hbm>>)
        %mul3A_717 = arith.constant 4 : i32
        %mul3A_718 = arith.muli %sub3A_680, %mul3A_717 : i32
        %mul3A_719 = arith.constant 4 : i32
        %mul3A_720 = arith.muli %sub3A_680, %mul3A_719 : i32
        %dma_wait3A_721 = arith.constant 7 : i32
        %dma_wait3A_722 = arith.constant 0 : i32
        %dma_wait3A_723 = arith.constant 0 : i32
        %dma_wait3A_724 = tpu.memref_slice %arg5[%mul3A_720, %dma_wait3A_721, %add3A, %dma_wait3A_722, %dma_wait3A_723] : memref<200x8x32x8x128xf32, #tpu.memory_space<hbm>> -> memref<4x1x1x8x128xf32, #tpu.memory_space<hbm>>
        %dma_wait3A_725 = tpu.memref_squeeze %dma_wait3A_724 : memref<4x1x1x8x128xf32, #tpu.memory_space<hbm>> -> memref<4x8x128xf32, #tpu.memory_space<hbm>>
        %dma_wait3A_726 = arith.constant 24 : i32
        %dma_wait3A_727 = arith.constant 0 : i32
        %dma_wait3A_728 = tpu.memref_slice %arg9[%mul3A_718, %dma_wait3A_726, %dma_wait3A_727] : memref<200x32x128xf32, #tpu.memory_space<vmem_shared>> -> memref<4x8x128xf32, #tpu.memory_space<vmem_shared>>
        tpu.wait_dma2 semaphore(%arg13 : memref<!tpu.dma_semaphore, #tpu.memory_space<semaphore_mem>>) src(%dma_wait3A_728 : memref<4x8x128xf32, #tpu.memory_space<vmem_shared>>) dst(%dma_wait3A_725 : memref<4x8x128xf32, #tpu.memory_space<hbm>>)
      } else {
      }
      %ge3A_487 = arith.constant 2 : i32
      %ge3A_488 = arith.cmpi sge, %scan3A_400, %ge3A_487 : i32
      %convert_element_type3A_489 = arith.extui %ge3A_488 : i1 to i32
      %cond3A_490 = arith.constant 0 : i32
      %cond3A_491 = arith.cmpi ne, %convert_element_type3A_489, %cond3A_490 : i32
      scf.if %cond3A_491 {
        %sub3A = arith.constant 2 : i32
        %sub3A_680 = arith.subi %scan3A_400, %sub3A : i32
        %rem3A_681 = arith.constant 2 : i32
        %rem3A_682 = arith.remsi %sub3A_680, %rem3A_681 : i32
        %mul3A_683 = arith.constant 4 : i32
        %mul3A_684 = arith.muli %sub3A_680, %mul3A_683 : i32
        %dma_wait3A_685 = arith.constant 0 : i32
        %dma_wait3A_686 = arith.constant 0 : i32
        %dma_wait3A_687 = arith.constant 0 : i32
        %dma_wait3A_688 = arith.constant 0 : i32
        %dma_wait3A_689 = arith.constant 0 : i32
        %dma_wait3A_690 = tpu.memref_slice %arg8[%rem3A_682, %dma_wait3A_687, %dma_wait3A_685, %dma_wait3A_688, %dma_wait3A_689] : memref<2x4x4x8x128xf32, #tpu.memory_space<vmem>> -> memref<1x4x1x8x128xf32, #tpu.memory_space<vmem>>
        %dma_wait3A_691 = tpu.memref_squeeze %dma_wait3A_690 : memref<1x4x1x8x128xf32, #tpu.memory_space<vmem>> -> memref<4x8x128xf32, #tpu.memory_space<vmem>>
        %dma_wait3A_692 = arith.constant 0 : i32
        %dma_wait3A_693 = arith.constant 0 : i32
        %dma_wait3A_694 = tpu.memref_slice %arg5[%mul3A_684, %dma_wait3A_686, %add3A, %dma_wait3A_692, %dma_wait3A_693] : memref<200x8x32x8x128xf32, #tpu.memory_space<hbm>> -> memref<4x1x1x8x128xf32, #tpu.memory_space<hbm>>
        %dma_wait3A_695 = tpu.memref_squeeze %dma_wait3A_694 : memref<4x1x1x8x128xf32, #tpu.memory_space<hbm>> -> memref<4x8x128xf32, #tpu.memory_space<hbm>>
        %dma_wait3A_696 = arith.constant 0 : i32
        %dma_wait3A_697 = arith.constant 0 : i32
        %dma_wait3A_698 = tpu.memref_slice %arg5[%mul3A_684, %dma_wait3A_686, %add3A, %dma_wait3A_696, %dma_wait3A_697] : memref<200x8x32x8x128xf32, #tpu.memory_space<hbm>> -> memref<4x1x1x8x128xf32, #tpu.memory_space<hbm>>
        %dma_wait3A_699 = tpu.memref_squeeze %dma_wait3A_698 : memref<4x1x1x8x128xf32, #tpu.memory_space<hbm>> -> memref<4x8x128xf32, #tpu.memory_space<hbm>>
        %dma_wait3A_700 = arith.constant 0 : i32
        %dma_wait3A_701 = arith.constant 0 : i32
        %dma_wait3A_702 = arith.constant 0 : i32
        %dma_wait3A_703 = tpu.memref_slice %arg8[%rem3A_682, %dma_wait3A_700, %dma_wait3A_685, %dma_wait3A_701, %dma_wait3A_702] : memref<2x4x4x8x128xf32, #tpu.memory_space<vmem>> -> memref<1x4x1x8x128xf32, #tpu.memory_space<vmem>>
        %dma_wait3A_704 = tpu.memref_squeeze %dma_wait3A_703 : memref<1x4x1x8x128xf32, #tpu.memory_space<vmem>> -> memref<4x8x128xf32, #tpu.memory_space<vmem>>
        tpu.wait_dma2 semaphore(%arg12 : memref<!tpu.dma_semaphore, #tpu.memory_space<semaphore_mem>>) src(%dma_wait3A_704 : memref<4x8x128xf32, #tpu.memory_space<vmem>>) dst(%dma_wait3A_699 : memref<4x8x128xf32, #tpu.memory_space<hbm>>)
        %mul3A_705 = arith.constant 4 : i32
        %mul3A_706 = arith.muli %sub3A_680, %mul3A_705 : i32
        %dma_wait3A_707 = arith.constant 1 : i32
        %dma_wait3A_708 = arith.constant 1 : i32
        %dma_wait3A_709 = arith.constant 0 : i32
        %dma_wait3A_710 = arith.constant 0 : i32
        %dma_wait3A_711 = arith.constant 0 : i32
        %dma_wait3A_712 = tpu.memref_slice %arg8[%rem3A_682, %dma_wait3A_709, %dma_wait3A_707, %dma_wait3A_710, %dma_wait3A_711] : memref<2x4x4x8x128xf32, #tpu.memory_space<vmem>> -> memref<1x4x1x8x128xf32, #tpu.memory_space<vmem>>
        %dma_wait3A_713 = tpu.memref_squeeze %dma_wait3A_712 : memref<1x4x1x8x128xf32, #tpu.memory_space<vmem>> -> memref<4x8x128xf32, #tpu.memory_space<vmem>>
        %dma_wait3A_714 = arith.constant 0 : i32
        %dma_wait3A_715 = arith.constant 0 : i32
        %dma_wait3A_716 = tpu.memref_slice %arg5[%mul3A_706, %dma_wait3A_708, %add3A, %dma_wait3A_714, %dma_wait3A_715] : memref<200x8x32x8x128xf32, #tpu.memory_space<hbm>> -> memref<4x1x1x8x128xf32, #tpu.memory_space<hbm>>
        %dma_wait3A_717 = tpu.memref_squeeze %dma_wait3A_716 : memref<4x1x1x8x128xf32, #tpu.memory_space<hbm>> -> memref<4x8x128xf32, #tpu.memory_space<hbm>>
        %dma_wait3A_718 = arith.constant 0 : i32
        %dma_wait3A_719 = arith.constant 0 : i32
        %dma_wait3A_720 = tpu.memref_slice %arg5[%mul3A_706, %dma_wait3A_708, %add3A, %dma_wait3A_718, %dma_wait3A_719] : memref<200x8x32x8x128xf32, #tpu.memory_space<hbm>> -> memref<4x1x1x8x128xf32, #tpu.memory_space<hbm>>
        %dma_wait3A_721 = tpu.memref_squeeze %dma_wait3A_720 : memref<4x1x1x8x128xf32, #tpu.memory_space<hbm>> -> memref<4x8x128xf32, #tpu.memory_space<hbm>>
        %dma_wait3A_722 = arith.constant 0 : i32
        %dma_wait3A_723 = arith.constant 0 : i32
        %dma_wait3A_724 = arith.constant 0 : i32
        %dma_wait3A_725 = tpu.memref_slice %arg8[%rem3A_682, %dma_wait3A_722, %dma_wait3A_707, %dma_wait3A_723, %dma_wait3A_724] : memref<2x4x4x8x128xf32, #tpu.memory_space<vmem>> -> memref<1x4x1x8x128xf32, #tpu.memory_space<vmem>>
        %dma_wait3A_726 = tpu.memref_squeeze %dma_wait3A_725 : memref<1x4x1x8x128xf32, #tpu.memory_space<vmem>> -> memref<4x8x128xf32, #tpu.memory_space<vmem>>
        tpu.wait_dma2 semaphore(%arg12 : memref<!tpu.dma_semaphore, #tpu.memory_space<semaphore_mem>>) src(%dma_wait3A_726 : memref<4x8x128xf32, #tpu.memory_space<vmem>>) dst(%dma_wait3A_721 : memref<4x8x128xf32, #tpu.memory_space<hbm>>)
        %mul3A_727 = arith.constant 4 : i32
        %mul3A_728 = arith.muli %sub3A_680, %mul3A_727 : i32
        %dma_wait3A_729 = arith.constant 2 : i32
        %dma_wait3A_730 = arith.constant 2 : i32
        %dma_wait3A_731 = arith.constant 0 : i32
        %dma_wait3A_732 = arith.constant 0 : i32
        %dma_wait3A_733 = arith.constant 0 : i32
        %dma_wait3A_734 = tpu.memref_slice %arg8[%rem3A_682, %dma_wait3A_731, %dma_wait3A_729, %dma_wait3A_732, %dma_wait3A_733] : memref<2x4x4x8x128xf32, #tpu.memory_space<vmem>> -> memref<1x4x1x8x128xf32, #tpu.memory_space<vmem>>
        %dma_wait3A_735 = tpu.memref_squeeze %dma_wait3A_734 : memref<1x4x1x8x128xf32, #tpu.memory_space<vmem>> -> memref<4x8x128xf32, #tpu.memory_space<vmem>>
        %dma_wait3A_736 = arith.constant 0 : i32
        %dma_wait3A_737 = arith.constant 0 : i32
        %dma_wait3A_738 = tpu.memref_slice %arg5[%mul3A_728, %dma_wait3A_730, %add3A, %dma_wait3A_736, %dma_wait3A_737] : memref<200x8x32x8x128xf32, #tpu.memory_space<hbm>> -> memref<4x1x1x8x128xf32, #tpu.memory_space<hbm>>
        %dma_wait3A_739 = tpu.memref_squeeze %dma_wait3A_738 : memref<4x1x1x8x128xf32, #tpu.memory_space<hbm>> -> memref<4x8x128xf32, #tpu.memory_space<hbm>>
        %dma_wait3A_740 = arith.constant 0 : i32
        %dma_wait3A_741 = arith.constant 0 : i32
        %dma_wait3A_742 = tpu.memref_slice %arg5[%mul3A_728, %dma_wait3A_730, %add3A, %dma_wait3A_740, %dma_wait3A_741] : memref<200x8x32x8x128xf32, #tpu.memory_space<hbm>> -> memref<4x1x1x8x128xf32, #tpu.memory_space<hbm>>
        %dma_wait3A_743 = tpu.memref_squeeze %dma_wait3A_742 : memref<4x1x1x8x128xf32, #tpu.memory_space<hbm>> -> memref<4x8x128xf32, #tpu.memory_space<hbm>>
        %dma_wait3A_744 = arith.constant 0 : i32
        %dma_wait3A_745 = arith.constant 0 : i32
        %dma_wait3A_746 = arith.constant 0 : i32
        %dma_wait3A_747 = tpu.memref_slice %arg8[%rem3A_682, %dma_wait3A_744, %dma_wait3A_729, %dma_wait3A_745, %dma_wait3A_746] : memref<2x4x4x8x128xf32, #tpu.memory_space<vmem>> -> memref<1x4x1x8x128xf32, #tpu.memory_space<vmem>>
        %dma_wait3A_748 = tpu.memref_squeeze %dma_wait3A_747 : memref<1x4x1x8x128xf32, #tpu.memory_space<vmem>> -> memref<4x8x128xf32, #tpu.memory_space<vmem>>
        tpu.wait_dma2 semaphore(%arg12 : memref<!tpu.dma_semaphore, #tpu.memory_space<semaphore_mem>>) src(%dma_wait3A_748 : memref<4x8x128xf32, #tpu.memory_space<vmem>>) dst(%dma_wait3A_743 : memref<4x8x128xf32, #tpu.memory_space<hbm>>)
        %mul3A_749 = arith.constant 4 : i32
        %mul3A_750 = arith.muli %sub3A_680, %mul3A_749 : i32
        %dma_wait3A_751 = arith.constant 3 : i32
        %dma_wait3A_752 = arith.constant 3 : i32
        %dma_wait3A_753 = arith.constant 0 : i32
        %dma_wait3A_754 = arith.constant 0 : i32
        %dma_wait3A_755 = arith.constant 0 : i32
        %dma_wait3A_756 = tpu.memref_slice %arg8[%rem3A_682, %dma_wait3A_753, %dma_wait3A_751, %dma_wait3A_754, %dma_wait3A_755] : memref<2x4x4x8x128xf32, #tpu.memory_space<vmem>> -> memref<1x4x1x8x128xf32, #tpu.memory_space<vmem>>
        %dma_wait3A_757 = tpu.memref_squeeze %dma_wait3A_756 : memref<1x4x1x8x128xf32, #tpu.memory_space<vmem>> -> memref<4x8x128xf32, #tpu.memory_space<vmem>>
        %dma_wait3A_758 = arith.constant 0 : i32
        %dma_wait3A_759 = arith.constant 0 : i32
        %dma_wait3A_760 = tpu.memref_slice %arg5[%mul3A_750, %dma_wait3A_752, %add3A, %dma_wait3A_758, %dma_wait3A_759] : memref<200x8x32x8x128xf32, #tpu.memory_space<hbm>> -> memref<4x1x1x8x128xf32, #tpu.memory_space<hbm>>
        %dma_wait3A_761 = tpu.memref_squeeze %dma_wait3A_760 : memref<4x1x1x8x128xf32, #tpu.memory_space<hbm>> -> memref<4x8x128xf32, #tpu.memory_space<hbm>>
        %dma_wait3A_762 = arith.constant 0 : i32
        %dma_wait3A_763 = arith.constant 0 : i32
        %dma_wait3A_764 = tpu.memref_slice %arg5[%mul3A_750, %dma_wait3A_752, %add3A, %dma_wait3A_762, %dma_wait3A_763] : memref<200x8x32x8x128xf32, #tpu.memory_space<hbm>> -> memref<4x1x1x8x128xf32, #tpu.memory_space<hbm>>
        %dma_wait3A_765 = tpu.memref_squeeze %dma_wait3A_764 : memref<4x1x1x8x128xf32, #tpu.memory_space<hbm>> -> memref<4x8x128xf32, #tpu.memory_space<hbm>>
        %dma_wait3A_766 = arith.constant 0 : i32
        %dma_wait3A_767 = arith.constant 0 : i32
        %dma_wait3A_768 = arith.constant 0 : i32
        %dma_wait3A_769 = tpu.memref_slice %arg8[%rem3A_682, %dma_wait3A_766, %dma_wait3A_751, %dma_wait3A_767, %dma_wait3A_768] : memref<2x4x4x8x128xf32, #tpu.memory_space<vmem>> -> memref<1x4x1x8x128xf32, #tpu.memory_space<vmem>>
        %dma_wait3A_770 = tpu.memref_squeeze %dma_wait3A_769 : memref<1x4x1x8x128xf32, #tpu.memory_space<vmem>> -> memref<4x8x128xf32, #tpu.memory_space<vmem>>
        tpu.wait_dma2 semaphore(%arg12 : memref<!tpu.dma_semaphore, #tpu.memory_space<semaphore_mem>>) src(%dma_wait3A_770 : memref<4x8x128xf32, #tpu.memory_space<vmem>>) dst(%dma_wait3A_765 : memref<4x8x128xf32, #tpu.memory_space<hbm>>)
      } else {
      }
      %rem3A_492 = arith.constant 2 : i32
      %rem3A_493 = arith.remsi %scan3A_400, %rem3A_492 : i32
      %mul3A_494 = arith.constant 4 : i32
      %mul3A_495 = arith.muli %rem3A_493, %mul3A_494 : i32
      %add3A_496 = arith.constant 0 : i32
      %add3A_497 = arith.addi %mul3A_495, %add3A_496 : i32
      %mul3A_498 = arith.constant 128 : i32
      %mul3A_499 = arith.muli %add3A_497, %mul3A_498 : i32
      %scan3A_500 = arith.constant 0 : i32
      %scan3A_501 = arith.constant 0 : i32
      %scan3A_502 = arith.constant 8 : i32
      %scan3A_503 = arith.addi %scan3A_501, %scan3A_502 : i32
      %scan3A_504 = arith.constant 1 : i32
      scf.for %scan3A_680 = %scan3A_501 to %scan3A_503 step %scan3A_504  : i32 {
        %mul3A_681 = arith.constant 16 : i32
        %mul3A_682 = arith.muli %scan3A_680, %mul3A_681 : i32
        %add3A_683 = arith.addi %mul3A_499, %mul3A_682 : i32
        %add3A_684 = vector.broadcast %add3A_683 : i32 to vector<16xi32>
        %add3A_685 = arith.addi %iota3A, %add3A_684 : vector<16xi32>
        %mul3A_686 = arith.constant 16 : i32
        %mul3A_687 = arith.muli %scan3A_680, %mul3A_686 : i32
        %gather3A = tpu.vector_load_idx %arg7[%add3A_685, %broadcast_in_dim3A_3] : memref<1024x40xf32, #tpu.memory_space<vmem>>[vector<16xi32>, vector<16xi32>], vector<16xf32>,
        %gather3A_688 = tpu.vector_load_idx %arg7[%add3A_685, %broadcast_in_dim3A_5] : memref<1024x40xf32, #tpu.memory_space<vmem>>[vector<16xi32>, vector<16xi32>], vector<16xf32>,
        %gather3A_689 = tpu.vector_load_idx %arg7[%add3A_685, %broadcast_in_dim3A_7] : memref<1024x40xf32, #tpu.memory_space<vmem>>[vector<16xi32>, vector<16xi32>], vector<16xf32>,
        %gather3A_690 = tpu.vector_load_idx %arg7[%add3A_685, %broadcast_in_dim3A_9] : memref<1024x40xf32, #tpu.memory_space<vmem>>[vector<16xi32>, vector<16xi32>], vector<16xf32>,
        %gather3A_691 = tpu.vector_load_idx %arg7[%add3A_685, %broadcast_in_dim3A_11] : memref<1024x40xf32, #tpu.memory_space<vmem>>[vector<16xi32>, vector<16xi32>], vector<16xf32>,
        %gather3A_692 = tpu.vector_load_idx %arg7[%add3A_685, %broadcast_in_dim3A_13] : memref<1024x40xf32, #tpu.memory_space<vmem>>[vector<16xi32>, vector<16xi32>], vector<16xf32>,
        %gather3A_693 = tpu.vector_load_idx %arg7[%add3A_685, %broadcast_in_dim3A_15] : memref<1024x40xf32, #tpu.memory_space<vmem>>[vector<16xi32>, vector<16xi32>], vector<16xf32>,
        %gather3A_694 = tpu.vector_load_idx %arg7[%add3A_685, %broadcast_in_dim3A_17] : memref<1024x40xf32, #tpu.memory_space<vmem>>[vector<16xi32>, vector<16xi32>], vector<16xf32>,
        %gather3A_695 = tpu.vector_load_idx %arg7[%add3A_685, %broadcast_in_dim3A_19] : memref<1024x40xf32, #tpu.memory_space<vmem>>[vector<16xi32>, vector<16xi32>], vector<16xf32>,
        %gather3A_696 = tpu.vector_load_idx %arg7[%add3A_685, %broadcast_in_dim3A_21] : memref<1024x40xf32, #tpu.memory_space<vmem>>[vector<16xi32>, vector<16xi32>], vector<16xf32>,
        %gather3A_697 = tpu.vector_load_idx %arg7[%add3A_685, %broadcast_in_dim3A_23] : memref<1024x40xf32, #tpu.memory_space<vmem>>[vector<16xi32>, vector<16xi32>], vector<16xf32>,
        %gather3A_698 = tpu.vector_load_idx %arg7[%add3A_685, %broadcast_in_dim3A_25] : memref<1024x40xf32, #tpu.memory_space<vmem>>[vector<16xi32>, vector<16xi32>], vector<16xf32>,
        %gather3A_699 = tpu.vector_load_idx %arg7[%add3A_685, %broadcast_in_dim3A_27] : memref<1024x40xf32, #tpu.memory_space<vmem>>[vector<16xi32>, vector<16xi32>], vector<16xf32>,
        %gather3A_700 = tpu.vector_load_idx %arg7[%add3A_685, %broadcast_in_dim3A_29] : memref<1024x40xf32, #tpu.memory_space<vmem>>[vector<16xi32>, vector<16xi32>], vector<16xf32>,
        %gather3A_701 = tpu.vector_load_idx %arg7[%add3A_685, %broadcast_in_dim3A_31] : memref<1024x40xf32, #tpu.memory_space<vmem>>[vector<16xi32>, vector<16xi32>], vector<16xf32>,
        %gather3A_702 = tpu.vector_load_idx %arg7[%add3A_685, %broadcast_in_dim3A_33] : memref<1024x40xf32, #tpu.memory_space<vmem>>[vector<16xi32>, vector<16xi32>], vector<16xf32>,
        %gather3A_703 = tpu.vector_load_idx %arg7[%add3A_685, %broadcast_in_dim3A_35] : memref<1024x40xf32, #tpu.memory_space<vmem>>[vector<16xi32>, vector<16xi32>], vector<16xf32>,
        %gather3A_704 = tpu.vector_load_idx %arg7[%add3A_685, %broadcast_in_dim3A_37] : memref<1024x40xf32, #tpu.memory_space<vmem>>[vector<16xi32>, vector<16xi32>], vector<16xf32>,
        %gather3A_705 = tpu.vector_load_idx %arg7[%add3A_685, %broadcast_in_dim3A_39] : memref<1024x40xf32, #tpu.memory_space<vmem>>[vector<16xi32>, vector<16xi32>], vector<16xf32>,
        %gather3A_706 = tpu.vector_load_idx %arg7[%add3A_685, %broadcast_in_dim3A_41] : memref<1024x40xf32, #tpu.memory_space<vmem>>[vector<16xi32>, vector<16xi32>], vector<16xf32>,
        %gather3A_707 = tpu.vector_load_idx %arg7[%add3A_685, %broadcast_in_dim3A_43] : memref<1024x40xf32, #tpu.memory_space<vmem>>[vector<16xi32>, vector<16xi32>], vector<16xf32>,
        %gather3A_708 = tpu.vector_load_idx %arg7[%add3A_685, %broadcast_in_dim3A_45] : memref<1024x40xf32, #tpu.memory_space<vmem>>[vector<16xi32>, vector<16xi32>], vector<16xf32>,
        %gather3A_709 = tpu.vector_load_idx %arg7[%add3A_685, %broadcast_in_dim3A_47] : memref<1024x40xf32, #tpu.memory_space<vmem>>[vector<16xi32>, vector<16xi32>], vector<16xf32>,
        %gather3A_710 = tpu.vector_load_idx %arg7[%add3A_685, %broadcast_in_dim3A_49] : memref<1024x40xf32, #tpu.memory_space<vmem>>[vector<16xi32>, vector<16xi32>], vector<16xf32>,
        %gather3A_711 = tpu.vector_load_idx %arg7[%add3A_685, %broadcast_in_dim3A_51] : memref<1024x40xf32, #tpu.memory_space<vmem>>[vector<16xi32>, vector<16xi32>], vector<16xf32>,
        %gather3A_712 = tpu.vector_load_idx %arg7[%add3A_685, %broadcast_in_dim3A_53] : memref<1024x40xf32, #tpu.memory_space<vmem>>[vector<16xi32>, vector<16xi32>], vector<16xf32>,
        %gather3A_713 = tpu.vector_load_idx %arg7[%add3A_685, %broadcast_in_dim3A_55] : memref<1024x40xf32, #tpu.memory_space<vmem>>[vector<16xi32>, vector<16xi32>], vector<16xf32>,
        %gather3A_714 = tpu.vector_load_idx %arg7[%add3A_685, %broadcast_in_dim3A_57] : memref<1024x40xf32, #tpu.memory_space<vmem>>[vector<16xi32>, vector<16xi32>], vector<16xf32>,
        %gather3A_715 = tpu.vector_load_idx %arg7[%add3A_685, %broadcast_in_dim3A_59] : memref<1024x40xf32, #tpu.memory_space<vmem>>[vector<16xi32>, vector<16xi32>], vector<16xf32>,
        %gather3A_716 = tpu.vector_load_idx %arg7[%add3A_685, %broadcast_in_dim3A_61] : memref<1024x40xf32, #tpu.memory_space<vmem>>[vector<16xi32>, vector<16xi32>], vector<16xf32>,
        %gather3A_717 = tpu.vector_load_idx %arg7[%add3A_685, %broadcast_in_dim3A_63] : memref<1024x40xf32, #tpu.memory_space<vmem>>[vector<16xi32>, vector<16xi32>], vector<16xf32>,
        %gather3A_718 = tpu.vector_load_idx %arg7[%add3A_685, %broadcast_in_dim3A_65] : memref<1024x40xf32, #tpu.memory_space<vmem>>[vector<16xi32>, vector<16xi32>], vector<16xf32>,
        %swap3A = arith.constant 0 : i32
        %swap3A_719 = arith.constant 0 : i32
        %swap3A_720 = arith.constant 0 : i32
        %swap3A_721 = arith.index_cast %rem3A_493 : i32 to index
        %swap3A_722 = arith.index_cast %swap3A : i32 to index
        %swap3A_723 = arith.index_cast %swap3A_719 : i32 to index
        %swap3A_724 = arith.index_cast %swap3A_720 : i32 to index
        %swap3A_725 = arith.index_cast %mul3A_687 : i32 to index
        %swap3A_726 = tpu.vector_load %arg8[%swap3A_721, %swap3A_722, %swap3A_723, %swap3A_724, %swap3A_725] {strides = array<i32>} : memref<2x4x4x8x128xf32, #tpu.memory_space<vmem>>, vector<16xf32>,
        tpu.vector_store %arg8[%swap3A_721, %swap3A_722, %swap3A_723, %swap3A_724, %swap3A_725], %gather3A {strides = array<i32>} : memref<2x4x4x8x128xf32, #tpu.memory_space<vmem>>, vector<16xf32>,
        %swap3A_727 = arith.constant 0 : i32
        %swap3A_728 = arith.constant 0 : i32
        %swap3A_729 = arith.constant 1 : i32
        %swap3A_730 = arith.index_cast %rem3A_493 : i32 to index
        %swap3A_731 = arith.index_cast %swap3A_727 : i32 to index
        %swap3A_732 = arith.index_cast %swap3A_728 : i32 to index
        %swap3A_733 = arith.index_cast %swap3A_729 : i32 to index
        %swap3A_734 = arith.index_cast %mul3A_687 : i32 to index
        %swap3A_735 = tpu.vector_load %arg8[%swap3A_730, %swap3A_731, %swap3A_732, %swap3A_733, %swap3A_734] {strides = array<i32>} : memref<2x4x4x8x128xf32, #tpu.memory_space<vmem>>, vector<16xf32>,
        tpu.vector_store %arg8[%swap3A_730, %swap3A_731, %swap3A_732, %swap3A_733, %swap3A_734], %gather3A_688 {strides = array<i32>} : memref<2x4x4x8x128xf32, #tpu.memory_space<vmem>>, vector<16xf32>,
        %swap3A_736 = arith.constant 0 : i32
        %swap3A_737 = arith.constant 0 : i32
        %swap3A_738 = arith.constant 2 : i32
        %swap3A_739 = arith.index_cast %rem3A_493 : i32 to index
        %swap3A_740 = arith.index_cast %swap3A_736 : i32 to index
        %swap3A_741 = arith.index_cast %swap3A_737 : i32 to index
        %swap3A_742 = arith.index_cast %swap3A_738 : i32 to index
        %swap3A_743 = arith.index_cast %mul3A_687 : i32 to index
        %swap3A_744 = tpu.vector_load %arg8[%swap3A_739, %swap3A_740, %swap3A_741, %swap3A_742, %swap3A_743] {strides = array<i32>} : memref<2x4x4x8x128xf32, #tpu.memory_space<vmem>>, vector<16xf32>,
        tpu.vector_store %arg8[%swap3A_739, %swap3A_740, %swap3A_741, %swap3A_742, %swap3A_743], %gather3A_689 {strides = array<i32>} : memref<2x4x4x8x128xf32, #tpu.memory_space<vmem>>, vector<16xf32>,
        %swap3A_745 = arith.constant 0 : i32
        %swap3A_746 = arith.constant 0 : i32
        %swap3A_747 = arith.constant 3 : i32
        %swap3A_748 = arith.index_cast %rem3A_493 : i32 to index
        %swap3A_749 = arith.index_cast %swap3A_745 : i32 to index
        %swap3A_750 = arith.index_cast %swap3A_746 : i32 to index
        %swap3A_751 = arith.index_cast %swap3A_747 : i32 to index
        %swap3A_752 = arith.index_cast %mul3A_687 : i32 to index
        %swap3A_753 = tpu.vector_load %arg8[%swap3A_748, %swap3A_749, %swap3A_750, %swap3A_751, %swap3A_752] {strides = array<i32>} : memref<2x4x4x8x128xf32, #tpu.memory_space<vmem>>, vector<16xf32>,
        tpu.vector_store %arg8[%swap3A_748, %swap3A_749, %swap3A_750, %swap3A_751, %swap3A_752], %gather3A_690 {strides = array<i32>} : memref<2x4x4x8x128xf32, #tpu.memory_space<vmem>>, vector<16xf32>,
        %swap3A_754 = arith.constant 0 : i32
        %swap3A_755 = arith.constant 0 : i32
        %swap3A_756 = arith.constant 4 : i32
        %swap3A_757 = arith.index_cast %rem3A_493 : i32 to index
        %swap3A_758 = arith.index_cast %swap3A_754 : i32 to index
        %swap3A_759 = arith.index_cast %swap3A_755 : i32 to index
        %swap3A_760 = arith.index_cast %swap3A_756 : i32 to index
        %swap3A_761 = arith.index_cast %mul3A_687 : i32 to index
        %swap3A_762 = tpu.vector_load %arg8[%swap3A_757, %swap3A_758, %swap3A_759, %swap3A_760, %swap3A_761] {strides = array<i32>} : memref<2x4x4x8x128xf32, #tpu.memory_space<vmem>>, vector<16xf32>,
        tpu.vector_store %arg8[%swap3A_757, %swap3A_758, %swap3A_759, %swap3A_760, %swap3A_761], %gather3A_691 {strides = array<i32>} : memref<2x4x4x8x128xf32, #tpu.memory_space<vmem>>, vector<16xf32>,
        %swap3A_763 = arith.constant 0 : i32
        %swap3A_764 = arith.constant 0 : i32
        %swap3A_765 = arith.constant 5 : i32
        %swap3A_766 = arith.index_cast %rem3A_493 : i32 to index
        %swap3A_767 = arith.index_cast %swap3A_763 : i32 to index
        %swap3A_768 = arith.index_cast %swap3A_764 : i32 to index
        %swap3A_769 = arith.index_cast %swap3A_765 : i32 to index
        %swap3A_770 = arith.index_cast %mul3A_687 : i32 to index
        %swap3A_771 = tpu.vector_load %arg8[%swap3A_766, %swap3A_767, %swap3A_768, %swap3A_769, %swap3A_770] {strides = array<i32>} : memref<2x4x4x8x128xf32, #tpu.memory_space<vmem>>, vector<16xf32>,
        tpu.vector_store %arg8[%swap3A_766, %swap3A_767, %swap3A_768, %swap3A_769, %swap3A_770], %gather3A_692 {strides = array<i32>} : memref<2x4x4x8x128xf32, #tpu.memory_space<vmem>>, vector<16xf32>,
        %swap3A_772 = arith.constant 0 : i32
        %swap3A_773 = arith.constant 0 : i32
        %swap3A_774 = arith.constant 6 : i32
        %swap3A_775 = arith.index_cast %rem3A_493 : i32 to index
        %swap3A_776 = arith.index_cast %swap3A_772 : i32 to index
        %swap3A_777 = arith.index_cast %swap3A_773 : i32 to index
        %swap3A_778 = arith.index_cast %swap3A_774 : i32 to index
        %swap3A_779 = arith.index_cast %mul3A_687 : i32 to index
        %swap3A_780 = tpu.vector_load %arg8[%swap3A_775, %swap3A_776, %swap3A_777, %swap3A_778, %swap3A_779] {strides = array<i32>} : memref<2x4x4x8x128xf32, #tpu.memory_space<vmem>>, vector<16xf32>,
        tpu.vector_store %arg8[%swap3A_775, %swap3A_776, %swap3A_777, %swap3A_778, %swap3A_779], %gather3A_693 {strides = array<i32>} : memref<2x4x4x8x128xf32, #tpu.memory_space<vmem>>, vector<16xf32>,
        %swap3A_781 = arith.constant 0 : i32
        %swap3A_782 = arith.constant 0 : i32
        %swap3A_783 = arith.constant 7 : i32
        %swap3A_784 = arith.index_cast %rem3A_493 : i32 to index
        %swap3A_785 = arith.index_cast %swap3A_781 : i32 to index
        %swap3A_786 = arith.index_cast %swap3A_782 : i32 to index
        %swap3A_787 = arith.index_cast %swap3A_783 : i32 to index
        %swap3A_788 = arith.index_cast %mul3A_687 : i32 to index
        %swap3A_789 = tpu.vector_load %arg8[%swap3A_784, %swap3A_785, %swap3A_786, %swap3A_787, %swap3A_788] {strides = array<i32>} : memref<2x4x4x8x128xf32, #tpu.memory_space<vmem>>, vector<16xf32>,
        tpu.vector_store %arg8[%swap3A_784, %swap3A_785, %swap3A_786, %swap3A_787, %swap3A_788], %gather3A_694 {strides = array<i32>} : memref<2x4x4x8x128xf32, #tpu.memory_space<vmem>>, vector<16xf32>,
        %swap3A_790 = arith.constant 0 : i32
        %swap3A_791 = arith.constant 1 : i32
        %swap3A_792 = arith.constant 0 : i32
        %swap3A_793 = arith.index_cast %rem3A_493 : i32 to index
        %swap3A_794 = arith.index_cast %swap3A_790 : i32 to index
        %swap3A_795 = arith.index_cast %swap3A_791 : i32 to index
        %swap3A_796 = arith.index_cast %swap3A_792 : i32 to index
        %swap3A_797 = arith.index_cast %mul3A_687 : i32 to index
        %swap3A_798 = tpu.vector_load %arg8[%swap3A_793, %swap3A_794, %swap3A_795, %swap3A_796, %swap3A_797] {strides = array<i32>} : memref<2x4x4x8x128xf32, #tpu.memory_space<vmem>>, vector<16xf32>,
        tpu.vector_store %arg8[%swap3A_793, %swap3A_794, %swap3A_795, %swap3A_796, %swap3A_797], %gather3A_695 {strides = array<i32>} : memref<2x4x4x8x128xf32, #tpu.memory_space<vmem>>, vector<16xf32>,
        %swap3A_799 = arith.constant 0 : i32
        %swap3A_800 = arith.constant 1 : i32
        %swap3A_801 = arith.constant 1 : i32
        %swap3A_802 = arith.index_cast %rem3A_493 : i32 to index
        %swap3A_803 = arith.index_cast %swap3A_799 : i32 to index
        %swap3A_804 = arith.index_cast %swap3A_800 : i32 to index
        %swap3A_805 = arith.index_cast %swap3A_801 : i32 to index
        %swap3A_806 = arith.index_cast %mul3A_687 : i32 to index
        %swap3A_807 = tpu.vector_load %arg8[%swap3A_802, %swap3A_803, %swap3A_804, %swap3A_805, %swap3A_806] {strides = array<i32>} : memref<2x4x4x8x128xf32, #tpu.memory_space<vmem>>, vector<16xf32>,
        tpu.vector_store %arg8[%swap3A_802, %swap3A_803, %swap3A_804, %swap3A_805, %swap3A_806], %gather3A_696 {strides = array<i32>} : memref<2x4x4x8x128xf32, #tpu.memory_space<vmem>>, vector<16xf32>,
        %swap3A_808 = arith.constant 0 : i32
        %swap3A_809 = arith.constant 1 : i32
        %swap3A_810 = arith.constant 2 : i32
        %swap3A_811 = arith.index_cast %rem3A_493 : i32 to index
        %swap3A_812 = arith.index_cast %swap3A_808 : i32 to index
        %swap3A_813 = arith.index_cast %swap3A_809 : i32 to index
        %swap3A_814 = arith.index_cast %swap3A_810 : i32 to index
        %swap3A_815 = arith.index_cast %mul3A_687 : i32 to index
        %swap3A_816 = tpu.vector_load %arg8[%swap3A_811, %swap3A_812, %swap3A_813, %swap3A_814, %swap3A_815] {strides = array<i32>} : memref<2x4x4x8x128xf32, #tpu.memory_space<vmem>>, vector<16xf32>,
        tpu.vector_store %arg8[%swap3A_811, %swap3A_812, %swap3A_813, %swap3A_814, %swap3A_815], %gather3A_697 {strides = array<i32>} : memref<2x4x4x8x128xf32, #tpu.memory_space<vmem>>, vector<16xf32>,
        %swap3A_817 = arith.constant 0 : i32
        %swap3A_818 = arith.constant 1 : i32
        %swap3A_819 = arith.constant 3 : i32
        %swap3A_820 = arith.index_cast %rem3A_493 : i32 to index
        %swap3A_821 = arith.index_cast %swap3A_817 : i32 to index
        %swap3A_822 = arith.index_cast %swap3A_818 : i32 to index
        %swap3A_823 = arith.index_cast %swap3A_819 : i32 to index
        %swap3A_824 = arith.index_cast %mul3A_687 : i32 to index
        %swap3A_825 = tpu.vector_load %arg8[%swap3A_820, %swap3A_821, %swap3A_822, %swap3A_823, %swap3A_824] {strides = array<i32>} : memref<2x4x4x8x128xf32, #tpu.memory_space<vmem>>, vector<16xf32>,
        tpu.vector_store %arg8[%swap3A_820, %swap3A_821, %swap3A_822, %swap3A_823, %swap3A_824], %gather3A_698 {strides = array<i32>} : memref<2x4x4x8x128xf32, #tpu.memory_space<vmem>>, vector<16xf32>,
        %swap3A_826 = arith.constant 0 : i32
        %swap3A_827 = arith.constant 1 : i32
        %swap3A_828 = arith.constant 4 : i32
        %swap3A_829 = arith.index_cast %rem3A_493 : i32 to index
        %swap3A_830 = arith.index_cast %swap3A_826 : i32 to index
        %swap3A_831 = arith.index_cast %swap3A_827 : i32 to index
        %swap3A_832 = arith.index_cast %swap3A_828 : i32 to index
        %swap3A_833 = arith.index_cast %mul3A_687 : i32 to index
        %swap3A_834 = tpu.vector_load %arg8[%swap3A_829, %swap3A_830, %swap3A_831, %swap3A_832, %swap3A_833] {strides = array<i32>} : memref<2x4x4x8x128xf32, #tpu.memory_space<vmem>>, vector<16xf32>,
        tpu.vector_store %arg8[%swap3A_829, %swap3A_830, %swap3A_831, %swap3A_832, %swap3A_833], %gather3A_699 {strides = array<i32>} : memref<2x4x4x8x128xf32, #tpu.memory_space<vmem>>, vector<16xf32>,
        %swap3A_835 = arith.constant 0 : i32
        %swap3A_836 = arith.constant 1 : i32
        %swap3A_837 = arith.constant 5 : i32
        %swap3A_838 = arith.index_cast %rem3A_493 : i32 to index
        %swap3A_839 = arith.index_cast %swap3A_835 : i32 to index
        %swap3A_840 = arith.index_cast %swap3A_836 : i32 to index
        %swap3A_841 = arith.index_cast %swap3A_837 : i32 to index
        %swap3A_842 = arith.index_cast %mul3A_687 : i32 to index
        %swap3A_843 = tpu.vector_load %arg8[%swap3A_838, %swap3A_839, %swap3A_840, %swap3A_841, %swap3A_842] {strides = array<i32>} : memref<2x4x4x8x128xf32, #tpu.memory_space<vmem>>, vector<16xf32>,
        tpu.vector_store %arg8[%swap3A_838, %swap3A_839, %swap3A_840, %swap3A_841, %swap3A_842], %gather3A_700 {strides = array<i32>} : memref<2x4x4x8x128xf32, #tpu.memory_space<vmem>>, vector<16xf32>,
        %swap3A_844 = arith.constant 0 : i32
        %swap3A_845 = arith.constant 1 : i32
        %swap3A_846 = arith.constant 6 : i32
        %swap3A_847 = arith.index_cast %rem3A_493 : i32 to index
        %swap3A_848 = arith.index_cast %swap3A_844 : i32 to index
        %swap3A_849 = arith.index_cast %swap3A_845 : i32 to index
        %swap3A_850 = arith.index_cast %swap3A_846 : i32 to index
        %swap3A_851 = arith.index_cast %mul3A_687 : i32 to index
        %swap3A_852 = tpu.vector_load %arg8[%swap3A_847, %swap3A_848, %swap3A_849, %swap3A_850, %swap3A_851] {strides = array<i32>} : memref<2x4x4x8x128xf32, #tpu.memory_space<vmem>>, vector<16xf32>,
        tpu.vector_store %arg8[%swap3A_847, %swap3A_848, %swap3A_849, %swap3A_850, %swap3A_851], %gather3A_701 {strides = array<i32>} : memref<2x4x4x8x128xf32, #tpu.memory_space<vmem>>, vector<16xf32>,
        %swap3A_853 = arith.constant 0 : i32
        %swap3A_854 = arith.constant 1 : i32
        %swap3A_855 = arith.constant 7 : i32
        %swap3A_856 = arith.index_cast %rem3A_493 : i32 to index
        %swap3A_857 = arith.index_cast %swap3A_853 : i32 to index
        %swap3A_858 = arith.index_cast %swap3A_854 : i32 to index
        %swap3A_859 = arith.index_cast %swap3A_855 : i32 to index
        %swap3A_860 = arith.index_cast %mul3A_687 : i32 to index
        %swap3A_861 = tpu.vector_load %arg8[%swap3A_856, %swap3A_857, %swap3A_858, %swap3A_859, %swap3A_860] {strides = array<i32>} : memref<2x4x4x8x128xf32, #tpu.memory_space<vmem>>, vector<16xf32>,
        tpu.vector_store %arg8[%swap3A_856, %swap3A_857, %swap3A_858, %swap3A_859, %swap3A_860], %gather3A_702 {strides = array<i32>} : memref<2x4x4x8x128xf32, #tpu.memory_space<vmem>>, vector<16xf32>,
        %swap3A_862 = arith.constant 0 : i32
        %swap3A_863 = arith.constant 2 : i32
        %swap3A_864 = arith.constant 0 : i32
        %swap3A_865 = arith.index_cast %rem3A_493 : i32 to index
        %swap3A_866 = arith.index_cast %swap3A_862 : i32 to index
        %swap3A_867 = arith.index_cast %swap3A_863 : i32 to index
        %swap3A_868 = arith.index_cast %swap3A_864 : i32 to index
        %swap3A_869 = arith.index_cast %mul3A_687 : i32 to index
        %swap3A_870 = tpu.vector_load %arg8[%swap3A_865, %swap3A_866, %swap3A_867, %swap3A_868, %swap3A_869] {strides = array<i32>} : memref<2x4x4x8x128xf32, #tpu.memory_space<vmem>>, vector<16xf32>,
        tpu.vector_store %arg8[%swap3A_865, %swap3A_866, %swap3A_867, %swap3A_868, %swap3A_869], %gather3A_703 {strides = array<i32>} : memref<2x4x4x8x128xf32, #tpu.memory_space<vmem>>, vector<16xf32>,
        %swap3A_871 = arith.constant 0 : i32
        %swap3A_872 = arith.constant 2 : i32
        %swap3A_873 = arith.constant 1 : i32
        %swap3A_874 = arith.index_cast %rem3A_493 : i32 to index
        %swap3A_875 = arith.index_cast %swap3A_871 : i32 to index
        %swap3A_876 = arith.index_cast %swap3A_872 : i32 to index
        %swap3A_877 = arith.index_cast %swap3A_873 : i32 to index
        %swap3A_878 = arith.index_cast %mul3A_687 : i32 to index
        %swap3A_879 = tpu.vector_load %arg8[%swap3A_874, %swap3A_875, %swap3A_876, %swap3A_877, %swap3A_878] {strides = array<i32>} : memref<2x4x4x8x128xf32, #tpu.memory_space<vmem>>, vector<16xf32>,
        tpu.vector_store %arg8[%swap3A_874, %swap3A_875, %swap3A_876, %swap3A_877, %swap3A_878], %gather3A_704 {strides = array<i32>} : memref<2x4x4x8x128xf32, #tpu.memory_space<vmem>>, vector<16xf32>,
        %swap3A_880 = arith.constant 0 : i32
        %swap3A_881 = arith.constant 2 : i32
        %swap3A_882 = arith.constant 2 : i32
        %swap3A_883 = arith.index_cast %rem3A_493 : i32 to index
        %swap3A_884 = arith.index_cast %swap3A_880 : i32 to index
        %swap3A_885 = arith.index_cast %swap3A_881 : i32 to index
        %swap3A_886 = arith.index_cast %swap3A_882 : i32 to index
        %swap3A_887 = arith.index_cast %mul3A_687 : i32 to index
        %swap3A_888 = tpu.vector_load %arg8[%swap3A_883, %swap3A_884, %swap3A_885, %swap3A_886, %swap3A_887] {strides = array<i32>} : memref<2x4x4x8x128xf32, #tpu.memory_space<vmem>>, vector<16xf32>,
        tpu.vector_store %arg8[%swap3A_883, %swap3A_884, %swap3A_885, %swap3A_886, %swap3A_887], %gather3A_705 {strides = array<i32>} : memref<2x4x4x8x128xf32, #tpu.memory_space<vmem>>, vector<16xf32>,
        %swap3A_889 = arith.constant 0 : i32
        %swap3A_890 = arith.constant 2 : i32
        %swap3A_891 = arith.constant 3 : i32
        %swap3A_892 = arith.index_cast %rem3A_493 : i32 to index
        %swap3A_893 = arith.index_cast %swap3A_889 : i32 to index
        %swap3A_894 = arith.index_cast %swap3A_890 : i32 to index
        %swap3A_895 = arith.index_cast %swap3A_891 : i32 to index
        %swap3A_896 = arith.index_cast %mul3A_687 : i32 to index
        %swap3A_897 = tpu.vector_load %arg8[%swap3A_892, %swap3A_893, %swap3A_894, %swap3A_895, %swap3A_896] {strides = array<i32>} : memref<2x4x4x8x128xf32, #tpu.memory_space<vmem>>, vector<16xf32>,
        tpu.vector_store %arg8[%swap3A_892, %swap3A_893, %swap3A_894, %swap3A_895, %swap3A_896], %gather3A_706 {strides = array<i32>} : memref<2x4x4x8x128xf32, #tpu.memory_space<vmem>>, vector<16xf32>,
        %swap3A_898 = arith.constant 0 : i32
        %swap3A_899 = arith.constant 2 : i32
        %swap3A_900 = arith.constant 4 : i32
        %swap3A_901 = arith.index_cast %rem3A_493 : i32 to index
        %swap3A_902 = arith.index_cast %swap3A_898 : i32 to index
        %swap3A_903 = arith.index_cast %swap3A_899 : i32 to index
        %swap3A_904 = arith.index_cast %swap3A_900 : i32 to index
        %swap3A_905 = arith.index_cast %mul3A_687 : i32 to index
        %swap3A_906 = tpu.vector_load %arg8[%swap3A_901, %swap3A_902, %swap3A_903, %swap3A_904, %swap3A_905] {strides = array<i32>} : memref<2x4x4x8x128xf32, #tpu.memory_space<vmem>>, vector<16xf32>,
        tpu.vector_store %arg8[%swap3A_901, %swap3A_902, %swap3A_903, %swap3A_904, %swap3A_905], %gather3A_707 {strides = array<i32>} : memref<2x4x4x8x128xf32, #tpu.memory_space<vmem>>, vector<16xf32>,
        %swap3A_907 = arith.constant 0 : i32
        %swap3A_908 = arith.constant 2 : i32
        %swap3A_909 = arith.constant 5 : i32
        %swap3A_910 = arith.index_cast %rem3A_493 : i32 to index
        %swap3A_911 = arith.index_cast %swap3A_907 : i32 to index
        %swap3A_912 = arith.index_cast %swap3A_908 : i32 to index
        %swap3A_913 = arith.index_cast %swap3A_909 : i32 to index
        %swap3A_914 = arith.index_cast %mul3A_687 : i32 to index
        %swap3A_915 = tpu.vector_load %arg8[%swap3A_910, %swap3A_911, %swap3A_912, %swap3A_913, %swap3A_914] {strides = array<i32>} : memref<2x4x4x8x128xf32, #tpu.memory_space<vmem>>, vector<16xf32>,
        tpu.vector_store %arg8[%swap3A_910, %swap3A_911, %swap3A_912, %swap3A_913, %swap3A_914], %gather3A_708 {strides = array<i32>} : memref<2x4x4x8x128xf32, #tpu.memory_space<vmem>>, vector<16xf32>,
        %swap3A_916 = arith.constant 0 : i32
        %swap3A_917 = arith.constant 2 : i32
        %swap3A_918 = arith.constant 6 : i32
        %swap3A_919 = arith.index_cast %rem3A_493 : i32 to index
        %swap3A_920 = arith.index_cast %swap3A_916 : i32 to index
        %swap3A_921 = arith.index_cast %swap3A_917 : i32 to index
        %swap3A_922 = arith.index_cast %swap3A_918 : i32 to index
        %swap3A_923 = arith.index_cast %mul3A_687 : i32 to index
        %swap3A_924 = tpu.vector_load %arg8[%swap3A_919, %swap3A_920, %swap3A_921, %swap3A_922, %swap3A_923] {strides = array<i32>} : memref<2x4x4x8x128xf32, #tpu.memory_space<vmem>>, vector<16xf32>,
        tpu.vector_store %arg8[%swap3A_919, %swap3A_920, %swap3A_921, %swap3A_922, %swap3A_923], %gather3A_709 {strides = array<i32>} : memref<2x4x4x8x128xf32, #tpu.memory_space<vmem>>, vector<16xf32>,
        %swap3A_925 = arith.constant 0 : i32
        %swap3A_926 = arith.constant 2 : i32
        %swap3A_927 = arith.constant 7 : i32
        %swap3A_928 = arith.index_cast %rem3A_493 : i32 to index
        %swap3A_929 = arith.index_cast %swap3A_925 : i32 to index
        %swap3A_930 = arith.index_cast %swap3A_926 : i32 to index
        %swap3A_931 = arith.index_cast %swap3A_927 : i32 to index
        %swap3A_932 = arith.index_cast %mul3A_687 : i32 to index
        %swap3A_933 = tpu.vector_load %arg8[%swap3A_928, %swap3A_929, %swap3A_930, %swap3A_931, %swap3A_932] {strides = array<i32>} : memref<2x4x4x8x128xf32, #tpu.memory_space<vmem>>, vector<16xf32>,
        tpu.vector_store %arg8[%swap3A_928, %swap3A_929, %swap3A_930, %swap3A_931, %swap3A_932], %gather3A_710 {strides = array<i32>} : memref<2x4x4x8x128xf32, #tpu.memory_space<vmem>>, vector<16xf32>,
        %swap3A_934 = arith.constant 0 : i32
        %swap3A_935 = arith.constant 3 : i32
        %swap3A_936 = arith.constant 0 : i32
        %swap3A_937 = arith.index_cast %rem3A_493 : i32 to index
        %swap3A_938 = arith.index_cast %swap3A_934 : i32 to index
        %swap3A_939 = arith.index_cast %swap3A_935 : i32 to index
        %swap3A_940 = arith.index_cast %swap3A_936 : i32 to index
        %swap3A_941 = arith.index_cast %mul3A_687 : i32 to index
        %swap3A_942 = tpu.vector_load %arg8[%swap3A_937, %swap3A_938, %swap3A_939, %swap3A_940, %swap3A_941] {strides = array<i32>} : memref<2x4x4x8x128xf32, #tpu.memory_space<vmem>>, vector<16xf32>,
        tpu.vector_store %arg8[%swap3A_937, %swap3A_938, %swap3A_939, %swap3A_940, %swap3A_941], %gather3A_711 {strides = array<i32>} : memref<2x4x4x8x128xf32, #tpu.memory_space<vmem>>, vector<16xf32>,
        %swap3A_943 = arith.constant 0 : i32
        %swap3A_944 = arith.constant 3 : i32
        %swap3A_945 = arith.constant 1 : i32
        %swap3A_946 = arith.index_cast %rem3A_493 : i32 to index
        %swap3A_947 = arith.index_cast %swap3A_943 : i32 to index
        %swap3A_948 = arith.index_cast %swap3A_944 : i32 to index
        %swap3A_949 = arith.index_cast %swap3A_945 : i32 to index
        %swap3A_950 = arith.index_cast %mul3A_687 : i32 to index
        %swap3A_951 = tpu.vector_load %arg8[%swap3A_946, %swap3A_947, %swap3A_948, %swap3A_949, %swap3A_950] {strides = array<i32>} : memref<2x4x4x8x128xf32, #tpu.memory_space<vmem>>, vector<16xf32>,
        tpu.vector_store %arg8[%swap3A_946, %swap3A_947, %swap3A_948, %swap3A_949, %swap3A_950], %gather3A_712 {strides = array<i32>} : memref<2x4x4x8x128xf32, #tpu.memory_space<vmem>>, vector<16xf32>,
        %swap3A_952 = arith.constant 0 : i32
        %swap3A_953 = arith.constant 3 : i32
        %swap3A_954 = arith.constant 2 : i32
        %swap3A_955 = arith.index_cast %rem3A_493 : i32 to index
        %swap3A_956 = arith.index_cast %swap3A_952 : i32 to index
        %swap3A_957 = arith.index_cast %swap3A_953 : i32 to index
        %swap3A_958 = arith.index_cast %swap3A_954 : i32 to index
        %swap3A_959 = arith.index_cast %mul3A_687 : i32 to index
        %swap3A_960 = tpu.vector_load %arg8[%swap3A_955, %swap3A_956, %swap3A_957, %swap3A_958, %swap3A_959] {strides = array<i32>} : memref<2x4x4x8x128xf32, #tpu.memory_space<vmem>>, vector<16xf32>,
        tpu.vector_store %arg8[%swap3A_955, %swap3A_956, %swap3A_957, %swap3A_958, %swap3A_959], %gather3A_713 {strides = array<i32>} : memref<2x4x4x8x128xf32, #tpu.memory_space<vmem>>, vector<16xf32>,
        %swap3A_961 = arith.constant 0 : i32
        %swap3A_962 = arith.constant 3 : i32
        %swap3A_963 = arith.constant 3 : i32
        %swap3A_964 = arith.index_cast %rem3A_493 : i32 to index
        %swap3A_965 = arith.index_cast %swap3A_961 : i32 to index
        %swap3A_966 = arith.index_cast %swap3A_962 : i32 to index
        %swap3A_967 = arith.index_cast %swap3A_963 : i32 to index
        %swap3A_968 = arith.index_cast %mul3A_687 : i32 to index
        %swap3A_969 = tpu.vector_load %arg8[%swap3A_964, %swap3A_965, %swap3A_966, %swap3A_967, %swap3A_968] {strides = array<i32>} : memref<2x4x4x8x128xf32, #tpu.memory_space<vmem>>, vector<16xf32>,
        tpu.vector_store %arg8[%swap3A_964, %swap3A_965, %swap3A_966, %swap3A_967, %swap3A_968], %gather3A_714 {strides = array<i32>} : memref<2x4x4x8x128xf32, #tpu.memory_space<vmem>>, vector<16xf32>,
        %swap3A_970 = arith.constant 0 : i32
        %swap3A_971 = arith.constant 3 : i32
        %swap3A_972 = arith.constant 4 : i32
        %swap3A_973 = arith.index_cast %rem3A_493 : i32 to index
        %swap3A_974 = arith.index_cast %swap3A_970 : i32 to index
        %swap3A_975 = arith.index_cast %swap3A_971 : i32 to index
        %swap3A_976 = arith.index_cast %swap3A_972 : i32 to index
        %swap3A_977 = arith.index_cast %mul3A_687 : i32 to index
        %swap3A_978 = tpu.vector_load %arg8[%swap3A_973, %swap3A_974, %swap3A_975, %swap3A_976, %swap3A_977] {strides = array<i32>} : memref<2x4x4x8x128xf32, #tpu.memory_space<vmem>>, vector<16xf32>,
        tpu.vector_store %arg8[%swap3A_973, %swap3A_974, %swap3A_975, %swap3A_976, %swap3A_977], %gather3A_715 {strides = array<i32>} : memref<2x4x4x8x128xf32, #tpu.memory_space<vmem>>, vector<16xf32>,
        %swap3A_979 = arith.constant 0 : i32
        %swap3A_980 = arith.constant 3 : i32
        %swap3A_981 = arith.constant 5 : i32
        %swap3A_982 = arith.index_cast %rem3A_493 : i32 to index
        %swap3A_983 = arith.index_cast %swap3A_979 : i32 to index
        %swap3A_984 = arith.index_cast %swap3A_980 : i32 to index
        %swap3A_985 = arith.index_cast %swap3A_981 : i32 to index
        %swap3A_986 = arith.index_cast %mul3A_687 : i32 to index
        %swap3A_987 = tpu.vector_load %arg8[%swap3A_982, %swap3A_983, %swap3A_984, %swap3A_985, %swap3A_986] {strides = array<i32>} : memref<2x4x4x8x128xf32, #tpu.memory_space<vmem>>, vector<16xf32>,
        tpu.vector_store %arg8[%swap3A_982, %swap3A_983, %swap3A_984, %swap3A_985, %swap3A_986], %gather3A_716 {strides = array<i32>} : memref<2x4x4x8x128xf32, #tpu.memory_space<vmem>>, vector<16xf32>,
        %swap3A_988 = arith.constant 0 : i32
        %swap3A_989 = arith.constant 3 : i32
        %swap3A_990 = arith.constant 6 : i32
        %swap3A_991 = arith.index_cast %rem3A_493 : i32 to index
        %swap3A_992 = arith.index_cast %swap3A_988 : i32 to index
        %swap3A_993 = arith.index_cast %swap3A_989 : i32 to index
        %swap3A_994 = arith.index_cast %swap3A_990 : i32 to index
        %swap3A_995 = arith.index_cast %mul3A_687 : i32 to index
        %swap3A_996 = tpu.vector_load %arg8[%swap3A_991, %swap3A_992, %swap3A_993, %swap3A_994, %swap3A_995] {strides = array<i32>} : memref<2x4x4x8x128xf32, #tpu.memory_space<vmem>>, vector<16xf32>,
        tpu.vector_store %arg8[%swap3A_991, %swap3A_992, %swap3A_993, %swap3A_994, %swap3A_995], %gather3A_717 {strides = array<i32>} : memref<2x4x4x8x128xf32, #tpu.memory_space<vmem>>, vector<16xf32>,
        %swap3A_997 = arith.constant 0 : i32
        %swap3A_998 = arith.constant 3 : i32
        %swap3A_999 = arith.constant 7 : i32
        %swap3A_1000 = arith.index_cast %rem3A_493 : i32 to index
        %swap3A_1001 = arith.index_cast %swap3A_997 : i32 to index
        %swap3A_1002 = arith.index_cast %swap3A_998 : i32 to index
        %swap3A_1003 = arith.index_cast %swap3A_999 : i32 to index
        %swap3A_1004 = arith.index_cast %mul3A_687 : i32 to index
        %swap3A_1005 = tpu.vector_load %arg8[%swap3A_1000, %swap3A_1001, %swap3A_1002, %swap3A_1003, %swap3A_1004] {strides = array<i32>} : memref<2x4x4x8x128xf32, #tpu.memory_space<vmem>>, vector<16xf32>,
        tpu.vector_store %arg8[%swap3A_1000, %swap3A_1001, %swap3A_1002, %swap3A_1003, %swap3A_1004], %gather3A_718 {strides = array<i32>} : memref<2x4x4x8x128xf32, #tpu.memory_space<vmem>>, vector<16xf32>,
      }
      %scan3A_505 = arith.constant 8 : i32
      %mul3A_506 = arith.constant 4 : i32
      %mul3A_507 = arith.muli %rem3A_493, %mul3A_506 : i32
      %add3A_508 = arith.constant 1 : i32
      %add3A_509 = arith.addi %mul3A_507, %add3A_508 : i32
      %mul3A_510 = arith.constant 128 : i32
      %mul3A_511 = arith.muli %add3A_509, %mul3A_510 : i32
      %scan3A_512 = arith.constant 0 : i32
      %scan3A_513 = arith.constant 0 : i32
      %scan3A_514 = arith.constant 8 : i32
      %scan3A_515 = arith.addi %scan3A_513, %scan3A_514 : i32
      %scan3A_516 = arith.constant 1 : i32
      scf.for %scan3A_680 = %scan3A_513 to %scan3A_515 step %scan3A_516  : i32 {
        %mul3A_681 = arith.constant 16 : i32
        %mul3A_682 = arith.muli %scan3A_680, %mul3A_681 : i32
        %add3A_683 = arith.addi %mul3A_511, %mul3A_682 : i32
        %add3A_684 = vector.broadcast %add3A_683 : i32 to vector<16xi32>
        %add3A_685 = arith.addi %iota3A, %add3A_684 : vector<16xi32>
        %mul3A_686 = arith.constant 16 : i32
        %mul3A_687 = arith.muli %scan3A_680, %mul3A_686 : i32
        %gather3A = tpu.vector_load_idx %arg7[%add3A_685, %broadcast_in_dim3A_3] : memref<1024x40xf32, #tpu.memory_space<vmem>>[vector<16xi32>, vector<16xi32>], vector<16xf32>,
        %gather3A_688 = tpu.vector_load_idx %arg7[%add3A_685, %broadcast_in_dim3A_5] : memref<1024x40xf32, #tpu.memory_space<vmem>>[vector<16xi32>, vector<16xi32>], vector<16xf32>,
        %gather3A_689 = tpu.vector_load_idx %arg7[%add3A_685, %broadcast_in_dim3A_7] : memref<1024x40xf32, #tpu.memory_space<vmem>>[vector<16xi32>, vector<16xi32>], vector<16xf32>,
        %gather3A_690 = tpu.vector_load_idx %arg7[%add3A_685, %broadcast_in_dim3A_9] : memref<1024x40xf32, #tpu.memory_space<vmem>>[vector<16xi32>, vector<16xi32>], vector<16xf32>,
        %gather3A_691 = tpu.vector_load_idx %arg7[%add3A_685, %broadcast_in_dim3A_11] : memref<1024x40xf32, #tpu.memory_space<vmem>>[vector<16xi32>, vector<16xi32>], vector<16xf32>,
        %gather3A_692 = tpu.vector_load_idx %arg7[%add3A_685, %broadcast_in_dim3A_13] : memref<1024x40xf32, #tpu.memory_space<vmem>>[vector<16xi32>, vector<16xi32>], vector<16xf32>,
        %gather3A_693 = tpu.vector_load_idx %arg7[%add3A_685, %broadcast_in_dim3A_15] : memref<1024x40xf32, #tpu.memory_space<vmem>>[vector<16xi32>, vector<16xi32>], vector<16xf32>,
        %gather3A_694 = tpu.vector_load_idx %arg7[%add3A_685, %broadcast_in_dim3A_17] : memref<1024x40xf32, #tpu.memory_space<vmem>>[vector<16xi32>, vector<16xi32>], vector<16xf32>,
        %gather3A_695 = tpu.vector_load_idx %arg7[%add3A_685, %broadcast_in_dim3A_19] : memref<1024x40xf32, #tpu.memory_space<vmem>>[vector<16xi32>, vector<16xi32>], vector<16xf32>,
        %gather3A_696 = tpu.vector_load_idx %arg7[%add3A_685, %broadcast_in_dim3A_21] : memref<1024x40xf32, #tpu.memory_space<vmem>>[vector<16xi32>, vector<16xi32>], vector<16xf32>,
        %gather3A_697 = tpu.vector_load_idx %arg7[%add3A_685, %broadcast_in_dim3A_23] : memref<1024x40xf32, #tpu.memory_space<vmem>>[vector<16xi32>, vector<16xi32>], vector<16xf32>,
        %gather3A_698 = tpu.vector_load_idx %arg7[%add3A_685, %broadcast_in_dim3A_25] : memref<1024x40xf32, #tpu.memory_space<vmem>>[vector<16xi32>, vector<16xi32>], vector<16xf32>,
        %gather3A_699 = tpu.vector_load_idx %arg7[%add3A_685, %broadcast_in_dim3A_27] : memref<1024x40xf32, #tpu.memory_space<vmem>>[vector<16xi32>, vector<16xi32>], vector<16xf32>,
        %gather3A_700 = tpu.vector_load_idx %arg7[%add3A_685, %broadcast_in_dim3A_29] : memref<1024x40xf32, #tpu.memory_space<vmem>>[vector<16xi32>, vector<16xi32>], vector<16xf32>,
        %gather3A_701 = tpu.vector_load_idx %arg7[%add3A_685, %broadcast_in_dim3A_31] : memref<1024x40xf32, #tpu.memory_space<vmem>>[vector<16xi32>, vector<16xi32>], vector<16xf32>,
        %gather3A_702 = tpu.vector_load_idx %arg7[%add3A_685, %broadcast_in_dim3A_33] : memref<1024x40xf32, #tpu.memory_space<vmem>>[vector<16xi32>, vector<16xi32>], vector<16xf32>,
        %gather3A_703 = tpu.vector_load_idx %arg7[%add3A_685, %broadcast_in_dim3A_35] : memref<1024x40xf32, #tpu.memory_space<vmem>>[vector<16xi32>, vector<16xi32>], vector<16xf32>,
        %gather3A_704 = tpu.vector_load_idx %arg7[%add3A_685, %broadcast_in_dim3A_37] : memref<1024x40xf32, #tpu.memory_space<vmem>>[vector<16xi32>, vector<16xi32>], vector<16xf32>,
        %gather3A_705 = tpu.vector_load_idx %arg7[%add3A_685, %broadcast_in_dim3A_39] : memref<1024x40xf32, #tpu.memory_space<vmem>>[vector<16xi32>, vector<16xi32>], vector<16xf32>,
        %gather3A_706 = tpu.vector_load_idx %arg7[%add3A_685, %broadcast_in_dim3A_41] : memref<1024x40xf32, #tpu.memory_space<vmem>>[vector<16xi32>, vector<16xi32>], vector<16xf32>,
        %gather3A_707 = tpu.vector_load_idx %arg7[%add3A_685, %broadcast_in_dim3A_43] : memref<1024x40xf32, #tpu.memory_space<vmem>>[vector<16xi32>, vector<16xi32>], vector<16xf32>,
        %gather3A_708 = tpu.vector_load_idx %arg7[%add3A_685, %broadcast_in_dim3A_45] : memref<1024x40xf32, #tpu.memory_space<vmem>>[vector<16xi32>, vector<16xi32>], vector<16xf32>,
        %gather3A_709 = tpu.vector_load_idx %arg7[%add3A_685, %broadcast_in_dim3A_47] : memref<1024x40xf32, #tpu.memory_space<vmem>>[vector<16xi32>, vector<16xi32>], vector<16xf32>,
        %gather3A_710 = tpu.vector_load_idx %arg7[%add3A_685, %broadcast_in_dim3A_49] : memref<1024x40xf32, #tpu.memory_space<vmem>>[vector<16xi32>, vector<16xi32>], vector<16xf32>,
        %gather3A_711 = tpu.vector_load_idx %arg7[%add3A_685, %broadcast_in_dim3A_51] : memref<1024x40xf32, #tpu.memory_space<vmem>>[vector<16xi32>, vector<16xi32>], vector<16xf32>,
        %gather3A_712 = tpu.vector_load_idx %arg7[%add3A_685, %broadcast_in_dim3A_53] : memref<1024x40xf32, #tpu.memory_space<vmem>>[vector<16xi32>, vector<16xi32>], vector<16xf32>,
        %gather3A_713 = tpu.vector_load_idx %arg7[%add3A_685, %broadcast_in_dim3A_55] : memref<1024x40xf32, #tpu.memory_space<vmem>>[vector<16xi32>, vector<16xi32>], vector<16xf32>,
        %gather3A_714 = tpu.vector_load_idx %arg7[%add3A_685, %broadcast_in_dim3A_57] : memref<1024x40xf32, #tpu.memory_space<vmem>>[vector<16xi32>, vector<16xi32>], vector<16xf32>,
        %gather3A_715 = tpu.vector_load_idx %arg7[%add3A_685, %broadcast_in_dim3A_59] : memref<1024x40xf32, #tpu.memory_space<vmem>>[vector<16xi32>, vector<16xi32>], vector<16xf32>,
        %gather3A_716 = tpu.vector_load_idx %arg7[%add3A_685, %broadcast_in_dim3A_61] : memref<1024x40xf32, #tpu.memory_space<vmem>>[vector<16xi32>, vector<16xi32>], vector<16xf32>,
        %gather3A_717 = tpu.vector_load_idx %arg7[%add3A_685, %broadcast_in_dim3A_63] : memref<1024x40xf32, #tpu.memory_space<vmem>>[vector<16xi32>, vector<16xi32>], vector<16xf32>,
        %gather3A_718 = tpu.vector_load_idx %arg7[%add3A_685, %broadcast_in_dim3A_65] : memref<1024x40xf32, #tpu.memory_space<vmem>>[vector<16xi32>, vector<16xi32>], vector<16xf32>,
        %swap3A = arith.constant 1 : i32
        %swap3A_719 = arith.constant 0 : i32
        %swap3A_720 = arith.constant 0 : i32
        %swap3A_721 = arith.index_cast %rem3A_493 : i32 to index
        %swap3A_722 = arith.index_cast %swap3A : i32 to index
        %swap3A_723 = arith.index_cast %swap3A_719 : i32 to index
        %swap3A_724 = arith.index_cast %swap3A_720 : i32 to index
        %swap3A_725 = arith.index_cast %mul3A_687 : i32 to index
        %swap3A_726 = tpu.vector_load %arg8[%swap3A_721, %swap3A_722, %swap3A_723, %swap3A_724, %swap3A_725] {strides = array<i32>} : memref<2x4x4x8x128xf32, #tpu.memory_space<vmem>>, vector<16xf32>,
        tpu.vector_store %arg8[%swap3A_721, %swap3A_722, %swap3A_723, %swap3A_724, %swap3A_725], %gather3A {strides = array<i32>} : memref<2x4x4x8x128xf32, #tpu.memory_space<vmem>>, vector<16xf32>,
        %swap3A_727 = arith.constant 1 : i32
        %swap3A_728 = arith.constant 0 : i32
        %swap3A_729 = arith.constant 1 : i32
        %swap3A_730 = arith.index_cast %rem3A_493 : i32 to index
        %swap3A_731 = arith.index_cast %swap3A_727 : i32 to index
        %swap3A_732 = arith.index_cast %swap3A_728 : i32 to index
        %swap3A_733 = arith.index_cast %swap3A_729 : i32 to index
        %swap3A_734 = arith.index_cast %mul3A_687 : i32 to index
        %swap3A_735 = tpu.vector_load %arg8[%swap3A_730, %swap3A_731, %swap3A_732, %swap3A_733, %swap3A_734] {strides = array<i32>} : memref<2x4x4x8x128xf32, #tpu.memory_space<vmem>>, vector<16xf32>,
        tpu.vector_store %arg8[%swap3A_730, %swap3A_731, %swap3A_732, %swap3A_733, %swap3A_734], %gather3A_688 {strides = array<i32>} : memref<2x4x4x8x128xf32, #tpu.memory_space<vmem>>, vector<16xf32>,
        %swap3A_736 = arith.constant 1 : i32
        %swap3A_737 = arith.constant 0 : i32
        %swap3A_738 = arith.constant 2 : i32
        %swap3A_739 = arith.index_cast %rem3A_493 : i32 to index
        %swap3A_740 = arith.index_cast %swap3A_736 : i32 to index
        %swap3A_741 = arith.index_cast %swap3A_737 : i32 to index
        %swap3A_742 = arith.index_cast %swap3A_738 : i32 to index
        %swap3A_743 = arith.index_cast %mul3A_687 : i32 to index
        %swap3A_744 = tpu.vector_load %arg8[%swap3A_739, %swap3A_740, %swap3A_741, %swap3A_742, %swap3A_743] {strides = array<i32>} : memref<2x4x4x8x128xf32, #tpu.memory_space<vmem>>, vector<16xf32>,
        tpu.vector_store %arg8[%swap3A_739, %swap3A_740, %swap3A_741, %swap3A_742, %swap3A_743], %gather3A_689 {strides = array<i32>} : memref<2x4x4x8x128xf32, #tpu.memory_space<vmem>>, vector<16xf32>,
        %swap3A_745 = arith.constant 1 : i32
        %swap3A_746 = arith.constant 0 : i32
        %swap3A_747 = arith.constant 3 : i32
        %swap3A_748 = arith.index_cast %rem3A_493 : i32 to index
        %swap3A_749 = arith.index_cast %swap3A_745 : i32 to index
        %swap3A_750 = arith.index_cast %swap3A_746 : i32 to index
        %swap3A_751 = arith.index_cast %swap3A_747 : i32 to index
        %swap3A_752 = arith.index_cast %mul3A_687 : i32 to index
        %swap3A_753 = tpu.vector_load %arg8[%swap3A_748, %swap3A_749, %swap3A_750, %swap3A_751, %swap3A_752] {strides = array<i32>} : memref<2x4x4x8x128xf32, #tpu.memory_space<vmem>>, vector<16xf32>,
        tpu.vector_store %arg8[%swap3A_748, %swap3A_749, %swap3A_750, %swap3A_751, %swap3A_752], %gather3A_690 {strides = array<i32>} : memref<2x4x4x8x128xf32, #tpu.memory_space<vmem>>, vector<16xf32>,
        %swap3A_754 = arith.constant 1 : i32
        %swap3A_755 = arith.constant 0 : i32
        %swap3A_756 = arith.constant 4 : i32
        %swap3A_757 = arith.index_cast %rem3A_493 : i32 to index
        %swap3A_758 = arith.index_cast %swap3A_754 : i32 to index
        %swap3A_759 = arith.index_cast %swap3A_755 : i32 to index
        %swap3A_760 = arith.index_cast %swap3A_756 : i32 to index
        %swap3A_761 = arith.index_cast %mul3A_687 : i32 to index
        %swap3A_762 = tpu.vector_load %arg8[%swap3A_757, %swap3A_758, %swap3A_759, %swap3A_760, %swap3A_761] {strides = array<i32>} : memref<2x4x4x8x128xf32, #tpu.memory_space<vmem>>, vector<16xf32>,
        tpu.vector_store %arg8[%swap3A_757, %swap3A_758, %swap3A_759, %swap3A_760, %swap3A_761], %gather3A_691 {strides = array<i32>} : memref<2x4x4x8x128xf32, #tpu.memory_space<vmem>>, vector<16xf32>,
        %swap3A_763 = arith.constant 1 : i32
        %swap3A_764 = arith.constant 0 : i32
        %swap3A_765 = arith.constant 5 : i32
        %swap3A_766 = arith.index_cast %rem3A_493 : i32 to index
        %swap3A_767 = arith.index_cast %swap3A_763 : i32 to index
        %swap3A_768 = arith.index_cast %swap3A_764 : i32 to index
        %swap3A_769 = arith.index_cast %swap3A_765 : i32 to index
        %swap3A_770 = arith.index_cast %mul3A_687 : i32 to index
        %swap3A_771 = tpu.vector_load %arg8[%swap3A_766, %swap3A_767, %swap3A_768, %swap3A_769, %swap3A_770] {strides = array<i32>} : memref<2x4x4x8x128xf32, #tpu.memory_space<vmem>>, vector<16xf32>,
        tpu.vector_store %arg8[%swap3A_766, %swap3A_767, %swap3A_768, %swap3A_769, %swap3A_770], %gather3A_692 {strides = array<i32>} : memref<2x4x4x8x128xf32, #tpu.memory_space<vmem>>, vector<16xf32>,
        %swap3A_772 = arith.constant 1 : i32
        %swap3A_773 = arith.constant 0 : i32
        %swap3A_774 = arith.constant 6 : i32
        %swap3A_775 = arith.index_cast %rem3A_493 : i32 to index
        %swap3A_776 = arith.index_cast %swap3A_772 : i32 to index
        %swap3A_777 = arith.index_cast %swap3A_773 : i32 to index
        %swap3A_778 = arith.index_cast %swap3A_774 : i32 to index
        %swap3A_779 = arith.index_cast %mul3A_687 : i32 to index
        %swap3A_780 = tpu.vector_load %arg8[%swap3A_775, %swap3A_776, %swap3A_777, %swap3A_778, %swap3A_779] {strides = array<i32>} : memref<2x4x4x8x128xf32, #tpu.memory_space<vmem>>, vector<16xf32>,
        tpu.vector_store %arg8[%swap3A_775, %swap3A_776, %swap3A_777, %swap3A_778, %swap3A_779], %gather3A_693 {strides = array<i32>} : memref<2x4x4x8x128xf32, #tpu.memory_space<vmem>>, vector<16xf32>,
        %swap3A_781 = arith.constant 1 : i32
        %swap3A_782 = arith.constant 0 : i32
        %swap3A_783 = arith.constant 7 : i32
        %swap3A_784 = arith.index_cast %rem3A_493 : i32 to index
        %swap3A_785 = arith.index_cast %swap3A_781 : i32 to index
        %swap3A_786 = arith.index_cast %swap3A_782 : i32 to index
        %swap3A_787 = arith.index_cast %swap3A_783 : i32 to index
        %swap3A_788 = arith.index_cast %mul3A_687 : i32 to index
        %swap3A_789 = tpu.vector_load %arg8[%swap3A_784, %swap3A_785, %swap3A_786, %swap3A_787, %swap3A_788] {strides = array<i32>} : memref<2x4x4x8x128xf32, #tpu.memory_space<vmem>>, vector<16xf32>,
        tpu.vector_store %arg8[%swap3A_784, %swap3A_785, %swap3A_786, %swap3A_787, %swap3A_788], %gather3A_694 {strides = array<i32>} : memref<2x4x4x8x128xf32, #tpu.memory_space<vmem>>, vector<16xf32>,
        %swap3A_790 = arith.constant 1 : i32
        %swap3A_791 = arith.constant 1 : i32
        %swap3A_792 = arith.constant 0 : i32
        %swap3A_793 = arith.index_cast %rem3A_493 : i32 to index
        %swap3A_794 = arith.index_cast %swap3A_790 : i32 to index
        %swap3A_795 = arith.index_cast %swap3A_791 : i32 to index
        %swap3A_796 = arith.index_cast %swap3A_792 : i32 to index
        %swap3A_797 = arith.index_cast %mul3A_687 : i32 to index
        %swap3A_798 = tpu.vector_load %arg8[%swap3A_793, %swap3A_794, %swap3A_795, %swap3A_796, %swap3A_797] {strides = array<i32>} : memref<2x4x4x8x128xf32, #tpu.memory_space<vmem>>, vector<16xf32>,
        tpu.vector_store %arg8[%swap3A_793, %swap3A_794, %swap3A_795, %swap3A_796, %swap3A_797], %gather3A_695 {strides = array<i32>} : memref<2x4x4x8x128xf32, #tpu.memory_space<vmem>>, vector<16xf32>,
        %swap3A_799 = arith.constant 1 : i32
        %swap3A_800 = arith.constant 1 : i32
        %swap3A_801 = arith.constant 1 : i32
        %swap3A_802 = arith.index_cast %rem3A_493 : i32 to index
        %swap3A_803 = arith.index_cast %swap3A_799 : i32 to index
        %swap3A_804 = arith.index_cast %swap3A_800 : i32 to index
        %swap3A_805 = arith.index_cast %swap3A_801 : i32 to index
        %swap3A_806 = arith.index_cast %mul3A_687 : i32 to index
        %swap3A_807 = tpu.vector_load %arg8[%swap3A_802, %swap3A_803, %swap3A_804, %swap3A_805, %swap3A_806] {strides = array<i32>} : memref<2x4x4x8x128xf32, #tpu.memory_space<vmem>>, vector<16xf32>,
        tpu.vector_store %arg8[%swap3A_802, %swap3A_803, %swap3A_804, %swap3A_805, %swap3A_806], %gather3A_696 {strides = array<i32>} : memref<2x4x4x8x128xf32, #tpu.memory_space<vmem>>, vector<16xf32>,
        %swap3A_808 = arith.constant 1 : i32
        %swap3A_809 = arith.constant 1 : i32
        %swap3A_810 = arith.constant 2 : i32
        %swap3A_811 = arith.index_cast %rem3A_493 : i32 to index
        %swap3A_812 = arith.index_cast %swap3A_808 : i32 to index
        %swap3A_813 = arith.index_cast %swap3A_809 : i32 to index
        %swap3A_814 = arith.index_cast %swap3A_810 : i32 to index
        %swap3A_815 = arith.index_cast %mul3A_687 : i32 to index
        %swap3A_816 = tpu.vector_load %arg8[%swap3A_811, %swap3A_812, %swap3A_813, %swap3A_814, %swap3A_815] {strides = array<i32>} : memref<2x4x4x8x128xf32, #tpu.memory_space<vmem>>, vector<16xf32>,
        tpu.vector_store %arg8[%swap3A_811, %swap3A_812, %swap3A_813, %swap3A_814, %swap3A_815], %gather3A_697 {strides = array<i32>} : memref<2x4x4x8x128xf32, #tpu.memory_space<vmem>>, vector<16xf32>,
        %swap3A_817 = arith.constant 1 : i32
        %swap3A_818 = arith.constant 1 : i32
        %swap3A_819 = arith.constant 3 : i32
        %swap3A_820 = arith.index_cast %rem3A_493 : i32 to index
        %swap3A_821 = arith.index_cast %swap3A_817 : i32 to index
        %swap3A_822 = arith.index_cast %swap3A_818 : i32 to index
        %swap3A_823 = arith.index_cast %swap3A_819 : i32 to index
        %swap3A_824 = arith.index_cast %mul3A_687 : i32 to index
        %swap3A_825 = tpu.vector_load %arg8[%swap3A_820, %swap3A_821, %swap3A_822, %swap3A_823, %swap3A_824] {strides = array<i32>} : memref<2x4x4x8x128xf32, #tpu.memory_space<vmem>>, vector<16xf32>,
        tpu.vector_store %arg8[%swap3A_820, %swap3A_821, %swap3A_822, %swap3A_823, %swap3A_824], %gather3A_698 {strides = array<i32>} : memref<2x4x4x8x128xf32, #tpu.memory_space<vmem>>, vector<16xf32>,
        %swap3A_826 = arith.constant 1 : i32
        %swap3A_827 = arith.constant 1 : i32
        %swap3A_828 = arith.constant 4 : i32
        %swap3A_829 = arith.index_cast %rem3A_493 : i32 to index
        %swap3A_830 = arith.index_cast %swap3A_826 : i32 to index
        %swap3A_831 = arith.index_cast %swap3A_827 : i32 to index
        %swap3A_832 = arith.index_cast %swap3A_828 : i32 to index
        %swap3A_833 = arith.index_cast %mul3A_687 : i32 to index
        %swap3A_834 = tpu.vector_load %arg8[%swap3A_829, %swap3A_830, %swap3A_831, %swap3A_832, %swap3A_833] {strides = array<i32>} : memref<2x4x4x8x128xf32, #tpu.memory_space<vmem>>, vector<16xf32>,
        tpu.vector_store %arg8[%swap3A_829, %swap3A_830, %swap3A_831, %swap3A_832, %swap3A_833], %gather3A_699 {strides = array<i32>} : memref<2x4x4x8x128xf32, #tpu.memory_space<vmem>>, vector<16xf32>,
        %swap3A_835 = arith.constant 1 : i32
        %swap3A_836 = arith.constant 1 : i32
        %swap3A_837 = arith.constant 5 : i32
        %swap3A_838 = arith.index_cast %rem3A_493 : i32 to index
        %swap3A_839 = arith.index_cast %swap3A_835 : i32 to index
        %swap3A_840 = arith.index_cast %swap3A_836 : i32 to index
        %swap3A_841 = arith.index_cast %swap3A_837 : i32 to index
        %swap3A_842 = arith.index_cast %mul3A_687 : i32 to index
        %swap3A_843 = tpu.vector_load %arg8[%swap3A_838, %swap3A_839, %swap3A_840, %swap3A_841, %swap3A_842] {strides = array<i32>} : memref<2x4x4x8x128xf32, #tpu.memory_space<vmem>>, vector<16xf32>,
        tpu.vector_store %arg8[%swap3A_838, %swap3A_839, %swap3A_840, %swap3A_841, %swap3A_842], %gather3A_700 {strides = array<i32>} : memref<2x4x4x8x128xf32, #tpu.memory_space<vmem>>, vector<16xf32>,
        %swap3A_844 = arith.constant 1 : i32
        %swap3A_845 = arith.constant 1 : i32
        %swap3A_846 = arith.constant 6 : i32
        %swap3A_847 = arith.index_cast %rem3A_493 : i32 to index
        %swap3A_848 = arith.index_cast %swap3A_844 : i32 to index
        %swap3A_849 = arith.index_cast %swap3A_845 : i32 to index
        %swap3A_850 = arith.index_cast %swap3A_846 : i32 to index
        %swap3A_851 = arith.index_cast %mul3A_687 : i32 to index
        %swap3A_852 = tpu.vector_load %arg8[%swap3A_847, %swap3A_848, %swap3A_849, %swap3A_850, %swap3A_851] {strides = array<i32>} : memref<2x4x4x8x128xf32, #tpu.memory_space<vmem>>, vector<16xf32>,
        tpu.vector_store %arg8[%swap3A_847, %swap3A_848, %swap3A_849, %swap3A_850, %swap3A_851], %gather3A_701 {strides = array<i32>} : memref<2x4x4x8x128xf32, #tpu.memory_space<vmem>>, vector<16xf32>,
        %swap3A_853 = arith.constant 1 : i32
        %swap3A_854 = arith.constant 1 : i32
        %swap3A_855 = arith.constant 7 : i32
        %swap3A_856 = arith.index_cast %rem3A_493 : i32 to index
        %swap3A_857 = arith.index_cast %swap3A_853 : i32 to index
        %swap3A_858 = arith.index_cast %swap3A_854 : i32 to index
        %swap3A_859 = arith.index_cast %swap3A_855 : i32 to index
        %swap3A_860 = arith.index_cast %mul3A_687 : i32 to index
        %swap3A_861 = tpu.vector_load %arg8[%swap3A_856, %swap3A_857, %swap3A_858, %swap3A_859, %swap3A_860] {strides = array<i32>} : memref<2x4x4x8x128xf32, #tpu.memory_space<vmem>>, vector<16xf32>,
        tpu.vector_store %arg8[%swap3A_856, %swap3A_857, %swap3A_858, %swap3A_859, %swap3A_860], %gather3A_702 {strides = array<i32>} : memref<2x4x4x8x128xf32, #tpu.memory_space<vmem>>, vector<16xf32>,
        %swap3A_862 = arith.constant 1 : i32
        %swap3A_863 = arith.constant 2 : i32
        %swap3A_864 = arith.constant 0 : i32
        %swap3A_865 = arith.index_cast %rem3A_493 : i32 to index
        %swap3A_866 = arith.index_cast %swap3A_862 : i32 to index
        %swap3A_867 = arith.index_cast %swap3A_863 : i32 to index
        %swap3A_868 = arith.index_cast %swap3A_864 : i32 to index
        %swap3A_869 = arith.index_cast %mul3A_687 : i32 to index
        %swap3A_870 = tpu.vector_load %arg8[%swap3A_865, %swap3A_866, %swap3A_867, %swap3A_868, %swap3A_869] {strides = array<i32>} : memref<2x4x4x8x128xf32, #tpu.memory_space<vmem>>, vector<16xf32>,
        tpu.vector_store %arg8[%swap3A_865, %swap3A_866, %swap3A_867, %swap3A_868, %swap3A_869], %gather3A_703 {strides = array<i32>} : memref<2x4x4x8x128xf32, #tpu.memory_space<vmem>>, vector<16xf32>,
        %swap3A_871 = arith.constant 1 : i32
        %swap3A_872 = arith.constant 2 : i32
        %swap3A_873 = arith.constant 1 : i32
        %swap3A_874 = arith.index_cast %rem3A_493 : i32 to index
        %swap3A_875 = arith.index_cast %swap3A_871 : i32 to index
        %swap3A_876 = arith.index_cast %swap3A_872 : i32 to index
        %swap3A_877 = arith.index_cast %swap3A_873 : i32 to index
        %swap3A_878 = arith.index_cast %mul3A_687 : i32 to index
        %swap3A_879 = tpu.vector_load %arg8[%swap3A_874, %swap3A_875, %swap3A_876, %swap3A_877, %swap3A_878] {strides = array<i32>} : memref<2x4x4x8x128xf32, #tpu.memory_space<vmem>>, vector<16xf32>,
        tpu.vector_store %arg8[%swap3A_874, %swap3A_875, %swap3A_876, %swap3A_877, %swap3A_878], %gather3A_704 {strides = array<i32>} : memref<2x4x4x8x128xf32, #tpu.memory_space<vmem>>, vector<16xf32>,
        %swap3A_880 = arith.constant 1 : i32
        %swap3A_881 = arith.constant 2 : i32
        %swap3A_882 = arith.constant 2 : i32
        %swap3A_883 = arith.index_cast %rem3A_493 : i32 to index
        %swap3A_884 = arith.index_cast %swap3A_880 : i32 to index
        %swap3A_885 = arith.index_cast %swap3A_881 : i32 to index
        %swap3A_886 = arith.index_cast %swap3A_882 : i32 to index
        %swap3A_887 = arith.index_cast %mul3A_687 : i32 to index
        %swap3A_888 = tpu.vector_load %arg8[%swap3A_883, %swap3A_884, %swap3A_885, %swap3A_886, %swap3A_887] {strides = array<i32>} : memref<2x4x4x8x128xf32, #tpu.memory_space<vmem>>, vector<16xf32>,
        tpu.vector_store %arg8[%swap3A_883, %swap3A_884, %swap3A_885, %swap3A_886, %swap3A_887], %gather3A_705 {strides = array<i32>} : memref<2x4x4x8x128xf32, #tpu.memory_space<vmem>>, vector<16xf32>,
        %swap3A_889 = arith.constant 1 : i32
        %swap3A_890 = arith.constant 2 : i32
        %swap3A_891 = arith.constant 3 : i32
        %swap3A_892 = arith.index_cast %rem3A_493 : i32 to index
        %swap3A_893 = arith.index_cast %swap3A_889 : i32 to index
        %swap3A_894 = arith.index_cast %swap3A_890 : i32 to index
        %swap3A_895 = arith.index_cast %swap3A_891 : i32 to index
        %swap3A_896 = arith.index_cast %mul3A_687 : i32 to index
        %swap3A_897 = tpu.vector_load %arg8[%swap3A_892, %swap3A_893, %swap3A_894, %swap3A_895, %swap3A_896] {strides = array<i32>} : memref<2x4x4x8x128xf32, #tpu.memory_space<vmem>>, vector<16xf32>,
        tpu.vector_store %arg8[%swap3A_892, %swap3A_893, %swap3A_894, %swap3A_895, %swap3A_896], %gather3A_706 {strides = array<i32>} : memref<2x4x4x8x128xf32, #tpu.memory_space<vmem>>, vector<16xf32>,
        %swap3A_898 = arith.constant 1 : i32
        %swap3A_899 = arith.constant 2 : i32
        %swap3A_900 = arith.constant 4 : i32
        %swap3A_901 = arith.index_cast %rem3A_493 : i32 to index
        %swap3A_902 = arith.index_cast %swap3A_898 : i32 to index
        %swap3A_903 = arith.index_cast %swap3A_899 : i32 to index
        %swap3A_904 = arith.index_cast %swap3A_900 : i32 to index
        %swap3A_905 = arith.index_cast %mul3A_687 : i32 to index
        %swap3A_906 = tpu.vector_load %arg8[%swap3A_901, %swap3A_902, %swap3A_903, %swap3A_904, %swap3A_905] {strides = array<i32>} : memref<2x4x4x8x128xf32, #tpu.memory_space<vmem>>, vector<16xf32>,
        tpu.vector_store %arg8[%swap3A_901, %swap3A_902, %swap3A_903, %swap3A_904, %swap3A_905], %gather3A_707 {strides = array<i32>} : memref<2x4x4x8x128xf32, #tpu.memory_space<vmem>>, vector<16xf32>,
        %swap3A_907 = arith.constant 1 : i32
        %swap3A_908 = arith.constant 2 : i32
        %swap3A_909 = arith.constant 5 : i32
        %swap3A_910 = arith.index_cast %rem3A_493 : i32 to index
        %swap3A_911 = arith.index_cast %swap3A_907 : i32 to index
        %swap3A_912 = arith.index_cast %swap3A_908 : i32 to index
        %swap3A_913 = arith.index_cast %swap3A_909 : i32 to index
        %swap3A_914 = arith.index_cast %mul3A_687 : i32 to index
        %swap3A_915 = tpu.vector_load %arg8[%swap3A_910, %swap3A_911, %swap3A_912, %swap3A_913, %swap3A_914] {strides = array<i32>} : memref<2x4x4x8x128xf32, #tpu.memory_space<vmem>>, vector<16xf32>,
        tpu.vector_store %arg8[%swap3A_910, %swap3A_911, %swap3A_912, %swap3A_913, %swap3A_914], %gather3A_708 {strides = array<i32>} : memref<2x4x4x8x128xf32, #tpu.memory_space<vmem>>, vector<16xf32>,
        %swap3A_916 = arith.constant 1 : i32
        %swap3A_917 = arith.constant 2 : i32
        %swap3A_918 = arith.constant 6 : i32
        %swap3A_919 = arith.index_cast %rem3A_493 : i32 to index
        %swap3A_920 = arith.index_cast %swap3A_916 : i32 to index
        %swap3A_921 = arith.index_cast %swap3A_917 : i32 to index
        %swap3A_922 = arith.index_cast %swap3A_918 : i32 to index
        %swap3A_923 = arith.index_cast %mul3A_687 : i32 to index
        %swap3A_924 = tpu.vector_load %arg8[%swap3A_919, %swap3A_920, %swap3A_921, %swap3A_922, %swap3A_923] {strides = array<i32>} : memref<2x4x4x8x128xf32, #tpu.memory_space<vmem>>, vector<16xf32>,
        tpu.vector_store %arg8[%swap3A_919, %swap3A_920, %swap3A_921, %swap3A_922, %swap3A_923], %gather3A_709 {strides = array<i32>} : memref<2x4x4x8x128xf32, #tpu.memory_space<vmem>>, vector<16xf32>,
        %swap3A_925 = arith.constant 1 : i32
        %swap3A_926 = arith.constant 2 : i32
        %swap3A_927 = arith.constant 7 : i32
        %swap3A_928 = arith.index_cast %rem3A_493 : i32 to index
        %swap3A_929 = arith.index_cast %swap3A_925 : i32 to index
        %swap3A_930 = arith.index_cast %swap3A_926 : i32 to index
        %swap3A_931 = arith.index_cast %swap3A_927 : i32 to index
        %swap3A_932 = arith.index_cast %mul3A_687 : i32 to index
        %swap3A_933 = tpu.vector_load %arg8[%swap3A_928, %swap3A_929, %swap3A_930, %swap3A_931, %swap3A_932] {strides = array<i32>} : memref<2x4x4x8x128xf32, #tpu.memory_space<vmem>>, vector<16xf32>,
        tpu.vector_store %arg8[%swap3A_928, %swap3A_929, %swap3A_930, %swap3A_931, %swap3A_932], %gather3A_710 {strides = array<i32>} : memref<2x4x4x8x128xf32, #tpu.memory_space<vmem>>, vector<16xf32>,
        %swap3A_934 = arith.constant 1 : i32
        %swap3A_935 = arith.constant 3 : i32
        %swap3A_936 = arith.constant 0 : i32
        %swap3A_937 = arith.index_cast %rem3A_493 : i32 to index
        %swap3A_938 = arith.index_cast %swap3A_934 : i32 to index
        %swap3A_939 = arith.index_cast %swap3A_935 : i32 to index
        %swap3A_940 = arith.index_cast %swap3A_936 : i32 to index
        %swap3A_941 = arith.index_cast %mul3A_687 : i32 to index
        %swap3A_942 = tpu.vector_load %arg8[%swap3A_937, %swap3A_938, %swap3A_939, %swap3A_940, %swap3A_941] {strides = array<i32>} : memref<2x4x4x8x128xf32, #tpu.memory_space<vmem>>, vector<16xf32>,
        tpu.vector_store %arg8[%swap3A_937, %swap3A_938, %swap3A_939, %swap3A_940, %swap3A_941], %gather3A_711 {strides = array<i32>} : memref<2x4x4x8x128xf32, #tpu.memory_space<vmem>>, vector<16xf32>,
        %swap3A_943 = arith.constant 1 : i32
        %swap3A_944 = arith.constant 3 : i32
        %swap3A_945 = arith.constant 1 : i32
        %swap3A_946 = arith.index_cast %rem3A_493 : i32 to index
        %swap3A_947 = arith.index_cast %swap3A_943 : i32 to index
        %swap3A_948 = arith.index_cast %swap3A_944 : i32 to index
        %swap3A_949 = arith.index_cast %swap3A_945 : i32 to index
        %swap3A_950 = arith.index_cast %mul3A_687 : i32 to index
        %swap3A_951 = tpu.vector_load %arg8[%swap3A_946, %swap3A_947, %swap3A_948, %swap3A_949, %swap3A_950] {strides = array<i32>} : memref<2x4x4x8x128xf32, #tpu.memory_space<vmem>>, vector<16xf32>,
        tpu.vector_store %arg8[%swap3A_946, %swap3A_947, %swap3A_948, %swap3A_949, %swap3A_950], %gather3A_712 {strides = array<i32>} : memref<2x4x4x8x128xf32, #tpu.memory_space<vmem>>, vector<16xf32>,
        %swap3A_952 = arith.constant 1 : i32
        %swap3A_953 = arith.constant 3 : i32
        %swap3A_954 = arith.constant 2 : i32
        %swap3A_955 = arith.index_cast %rem3A_493 : i32 to index
        %swap3A_956 = arith.index_cast %swap3A_952 : i32 to index
        %swap3A_957 = arith.index_cast %swap3A_953 : i32 to index
        %swap3A_958 = arith.index_cast %swap3A_954 : i32 to index
        %swap3A_959 = arith.index_cast %mul3A_687 : i32 to index
        %swap3A_960 = tpu.vector_load %arg8[%swap3A_955, %swap3A_956, %swap3A_957, %swap3A_958, %swap3A_959] {strides = array<i32>} : memref<2x4x4x8x128xf32, #tpu.memory_space<vmem>>, vector<16xf32>,
        tpu.vector_store %arg8[%swap3A_955, %swap3A_956, %swap3A_957, %swap3A_958, %swap3A_959], %gather3A_713 {strides = array<i32>} : memref<2x4x4x8x128xf32, #tpu.memory_space<vmem>>, vector<16xf32>,
        %swap3A_961 = arith.constant 1 : i32
        %swap3A_962 = arith.constant 3 : i32
        %swap3A_963 = arith.constant 3 : i32
        %swap3A_964 = arith.index_cast %rem3A_493 : i32 to index
        %swap3A_965 = arith.index_cast %swap3A_961 : i32 to index
        %swap3A_966 = arith.index_cast %swap3A_962 : i32 to index
        %swap3A_967 = arith.index_cast %swap3A_963 : i32 to index
        %swap3A_968 = arith.index_cast %mul3A_687 : i32 to index
        %swap3A_969 = tpu.vector_load %arg8[%swap3A_964, %swap3A_965, %swap3A_966, %swap3A_967, %swap3A_968] {strides = array<i32>} : memref<2x4x4x8x128xf32, #tpu.memory_space<vmem>>, vector<16xf32>,
        tpu.vector_store %arg8[%swap3A_964, %swap3A_965, %swap3A_966, %swap3A_967, %swap3A_968], %gather3A_714 {strides = array<i32>} : memref<2x4x4x8x128xf32, #tpu.memory_space<vmem>>, vector<16xf32>,
        %swap3A_970 = arith.constant 1 : i32
        %swap3A_971 = arith.constant 3 : i32
        %swap3A_972 = arith.constant 4 : i32
        %swap3A_973 = arith.index_cast %rem3A_493 : i32 to index
        %swap3A_974 = arith.index_cast %swap3A_970 : i32 to index
        %swap3A_975 = arith.index_cast %swap3A_971 : i32 to index
        %swap3A_976 = arith.index_cast %swap3A_972 : i32 to index
        %swap3A_977 = arith.index_cast %mul3A_687 : i32 to index
        %swap3A_978 = tpu.vector_load %arg8[%swap3A_973, %swap3A_974, %swap3A_975, %swap3A_976, %swap3A_977] {strides = array<i32>} : memref<2x4x4x8x128xf32, #tpu.memory_space<vmem>>, vector<16xf32>,
        tpu.vector_store %arg8[%swap3A_973, %swap3A_974, %swap3A_975, %swap3A_976, %swap3A_977], %gather3A_715 {strides = array<i32>} : memref<2x4x4x8x128xf32, #tpu.memory_space<vmem>>, vector<16xf32>,
        %swap3A_979 = arith.constant 1 : i32
        %swap3A_980 = arith.constant 3 : i32
        %swap3A_981 = arith.constant 5 : i32
        %swap3A_982 = arith.index_cast %rem3A_493 : i32 to index
        %swap3A_983 = arith.index_cast %swap3A_979 : i32 to index
        %swap3A_984 = arith.index_cast %swap3A_980 : i32 to index
        %swap3A_985 = arith.index_cast %swap3A_981 : i32 to index
        %swap3A_986 = arith.index_cast %mul3A_687 : i32 to index
        %swap3A_987 = tpu.vector_load %arg8[%swap3A_982, %swap3A_983, %swap3A_984, %swap3A_985, %swap3A_986] {strides = array<i32>} : memref<2x4x4x8x128xf32, #tpu.memory_space<vmem>>, vector<16xf32>,
        tpu.vector_store %arg8[%swap3A_982, %swap3A_983, %swap3A_984, %swap3A_985, %swap3A_986], %gather3A_716 {strides = array<i32>} : memref<2x4x4x8x128xf32, #tpu.memory_space<vmem>>, vector<16xf32>,
        %swap3A_988 = arith.constant 1 : i32
        %swap3A_989 = arith.constant 3 : i32
        %swap3A_990 = arith.constant 6 : i32
        %swap3A_991 = arith.index_cast %rem3A_493 : i32 to index
        %swap3A_992 = arith.index_cast %swap3A_988 : i32 to index
        %swap3A_993 = arith.index_cast %swap3A_989 : i32 to index
        %swap3A_994 = arith.index_cast %swap3A_990 : i32 to index
        %swap3A_995 = arith.index_cast %mul3A_687 : i32 to index
        %swap3A_996 = tpu.vector_load %arg8[%swap3A_991, %swap3A_992, %swap3A_993, %swap3A_994, %swap3A_995] {strides = array<i32>} : memref<2x4x4x8x128xf32, #tpu.memory_space<vmem>>, vector<16xf32>,
        tpu.vector_store %arg8[%swap3A_991, %swap3A_992, %swap3A_993, %swap3A_994, %swap3A_995], %gather3A_717 {strides = array<i32>} : memref<2x4x4x8x128xf32, #tpu.memory_space<vmem>>, vector<16xf32>,
        %swap3A_997 = arith.constant 1 : i32
        %swap3A_998 = arith.constant 3 : i32
        %swap3A_999 = arith.constant 7 : i32
        %swap3A_1000 = arith.index_cast %rem3A_493 : i32 to index
        %swap3A_1001 = arith.index_cast %swap3A_997 : i32 to index
        %swap3A_1002 = arith.index_cast %swap3A_998 : i32 to index
        %swap3A_1003 = arith.index_cast %swap3A_999 : i32 to index
        %swap3A_1004 = arith.index_cast %mul3A_687 : i32 to index
        %swap3A_1005 = tpu.vector_load %arg8[%swap3A_1000, %swap3A_1001, %swap3A_1002, %swap3A_1003, %swap3A_1004] {strides = array<i32>} : memref<2x4x4x8x128xf32, #tpu.memory_space<vmem>>, vector<16xf32>,
        tpu.vector_store %arg8[%swap3A_1000, %swap3A_1001, %swap3A_1002, %swap3A_1003, %swap3A_1004], %gather3A_718 {strides = array<i32>} : memref<2x4x4x8x128xf32, #tpu.memory_space<vmem>>, vector<16xf32>,
      }
      %scan3A_517 = arith.constant 8 : i32
      %mul3A_518 = arith.constant 4 : i32
      %mul3A_519 = arith.muli %rem3A_493, %mul3A_518 : i32
      %add3A_520 = arith.constant 2 : i32
      %add3A_521 = arith.addi %mul3A_519, %add3A_520 : i32
      %mul3A_522 = arith.constant 128 : i32
      %mul3A_523 = arith.muli %add3A_521, %mul3A_522 : i32
      %scan3A_524 = arith.constant 0 : i32
      %scan3A_525 = arith.constant 0 : i32
      %scan3A_526 = arith.constant 8 : i32
      %scan3A_527 = arith.addi %scan3A_525, %scan3A_526 : i32
      %scan3A_528 = arith.constant 1 : i32
      scf.for %scan3A_680 = %scan3A_525 to %scan3A_527 step %scan3A_528  : i32 {
        %mul3A_681 = arith.constant 16 : i32
        %mul3A_682 = arith.muli %scan3A_680, %mul3A_681 : i32
        %add3A_683 = arith.addi %mul3A_523, %mul3A_682 : i32
        %add3A_684 = vector.broadcast %add3A_683 : i32 to vector<16xi32>
        %add3A_685 = arith.addi %iota3A, %add3A_684 : vector<16xi32>
        %mul3A_686 = arith.constant 16 : i32
        %mul3A_687 = arith.muli %scan3A_680, %mul3A_686 : i32
        %gather3A = tpu.vector_load_idx %arg7[%add3A_685, %broadcast_in_dim3A_3] : memref<1024x40xf32, #tpu.memory_space<vmem>>[vector<16xi32>, vector<16xi32>], vector<16xf32>,
        %gather3A_688 = tpu.vector_load_idx %arg7[%add3A_685, %broadcast_in_dim3A_5] : memref<1024x40xf32, #tpu.memory_space<vmem>>[vector<16xi32>, vector<16xi32>], vector<16xf32>,
        %gather3A_689 = tpu.vector_load_idx %arg7[%add3A_685, %broadcast_in_dim3A_7] : memref<1024x40xf32, #tpu.memory_space<vmem>>[vector<16xi32>, vector<16xi32>], vector<16xf32>,
        %gather3A_690 = tpu.vector_load_idx %arg7[%add3A_685, %broadcast_in_dim3A_9] : memref<1024x40xf32, #tpu.memory_space<vmem>>[vector<16xi32>, vector<16xi32>], vector<16xf32>,
        %gather3A_691 = tpu.vector_load_idx %arg7[%add3A_685, %broadcast_in_dim3A_11] : memref<1024x40xf32, #tpu.memory_space<vmem>>[vector<16xi32>, vector<16xi32>], vector<16xf32>,
        %gather3A_692 = tpu.vector_load_idx %arg7[%add3A_685, %broadcast_in_dim3A_13] : memref<1024x40xf32, #tpu.memory_space<vmem>>[vector<16xi32>, vector<16xi32>], vector<16xf32>,
        %gather3A_693 = tpu.vector_load_idx %arg7[%add3A_685, %broadcast_in_dim3A_15] : memref<1024x40xf32, #tpu.memory_space<vmem>>[vector<16xi32>, vector<16xi32>], vector<16xf32>,
        %gather3A_694 = tpu.vector_load_idx %arg7[%add3A_685, %broadcast_in_dim3A_17] : memref<1024x40xf32, #tpu.memory_space<vmem>>[vector<16xi32>, vector<16xi32>], vector<16xf32>,
        %gather3A_695 = tpu.vector_load_idx %arg7[%add3A_685, %broadcast_in_dim3A_19] : memref<1024x40xf32, #tpu.memory_space<vmem>>[vector<16xi32>, vector<16xi32>], vector<16xf32>,
        %gather3A_696 = tpu.vector_load_idx %arg7[%add3A_685, %broadcast_in_dim3A_21] : memref<1024x40xf32, #tpu.memory_space<vmem>>[vector<16xi32>, vector<16xi32>], vector<16xf32>,
        %gather3A_697 = tpu.vector_load_idx %arg7[%add3A_685, %broadcast_in_dim3A_23] : memref<1024x40xf32, #tpu.memory_space<vmem>>[vector<16xi32>, vector<16xi32>], vector<16xf32>,
        %gather3A_698 = tpu.vector_load_idx %arg7[%add3A_685, %broadcast_in_dim3A_25] : memref<1024x40xf32, #tpu.memory_space<vmem>>[vector<16xi32>, vector<16xi32>], vector<16xf32>,
        %gather3A_699 = tpu.vector_load_idx %arg7[%add3A_685, %broadcast_in_dim3A_27] : memref<1024x40xf32, #tpu.memory_space<vmem>>[vector<16xi32>, vector<16xi32>], vector<16xf32>,
        %gather3A_700 = tpu.vector_load_idx %arg7[%add3A_685, %broadcast_in_dim3A_29] : memref<1024x40xf32, #tpu.memory_space<vmem>>[vector<16xi32>, vector<16xi32>], vector<16xf32>,
        %gather3A_701 = tpu.vector_load_idx %arg7[%add3A_685, %broadcast_in_dim3A_31] : memref<1024x40xf32, #tpu.memory_space<vmem>>[vector<16xi32>, vector<16xi32>], vector<16xf32>,
        %gather3A_702 = tpu.vector_load_idx %arg7[%add3A_685, %broadcast_in_dim3A_33] : memref<1024x40xf32, #tpu.memory_space<vmem>>[vector<16xi32>, vector<16xi32>], vector<16xf32>,
        %gather3A_703 = tpu.vector_load_idx %arg7[%add3A_685, %broadcast_in_dim3A_35] : memref<1024x40xf32, #tpu.memory_space<vmem>>[vector<16xi32>, vector<16xi32>], vector<16xf32>,
        %gather3A_704 = tpu.vector_load_idx %arg7[%add3A_685, %broadcast_in_dim3A_37] : memref<1024x40xf32, #tpu.memory_space<vmem>>[vector<16xi32>, vector<16xi32>], vector<16xf32>,
        %gather3A_705 = tpu.vector_load_idx %arg7[%add3A_685, %broadcast_in_dim3A_39] : memref<1024x40xf32, #tpu.memory_space<vmem>>[vector<16xi32>, vector<16xi32>], vector<16xf32>,
        %gather3A_706 = tpu.vector_load_idx %arg7[%add3A_685, %broadcast_in_dim3A_41] : memref<1024x40xf32, #tpu.memory_space<vmem>>[vector<16xi32>, vector<16xi32>], vector<16xf32>,
        %gather3A_707 = tpu.vector_load_idx %arg7[%add3A_685, %broadcast_in_dim3A_43] : memref<1024x40xf32, #tpu.memory_space<vmem>>[vector<16xi32>, vector<16xi32>], vector<16xf32>,
        %gather3A_708 = tpu.vector_load_idx %arg7[%add3A_685, %broadcast_in_dim3A_45] : memref<1024x40xf32, #tpu.memory_space<vmem>>[vector<16xi32>, vector<16xi32>], vector<16xf32>,
        %gather3A_709 = tpu.vector_load_idx %arg7[%add3A_685, %broadcast_in_dim3A_47] : memref<1024x40xf32, #tpu.memory_space<vmem>>[vector<16xi32>, vector<16xi32>], vector<16xf32>,
        %gather3A_710 = tpu.vector_load_idx %arg7[%add3A_685, %broadcast_in_dim3A_49] : memref<1024x40xf32, #tpu.memory_space<vmem>>[vector<16xi32>, vector<16xi32>], vector<16xf32>,
        %gather3A_711 = tpu.vector_load_idx %arg7[%add3A_685, %broadcast_in_dim3A_51] : memref<1024x40xf32, #tpu.memory_space<vmem>>[vector<16xi32>, vector<16xi32>], vector<16xf32>,
        %gather3A_712 = tpu.vector_load_idx %arg7[%add3A_685, %broadcast_in_dim3A_53] : memref<1024x40xf32, #tpu.memory_space<vmem>>[vector<16xi32>, vector<16xi32>], vector<16xf32>,
        %gather3A_713 = tpu.vector_load_idx %arg7[%add3A_685, %broadcast_in_dim3A_55] : memref<1024x40xf32, #tpu.memory_space<vmem>>[vector<16xi32>, vector<16xi32>], vector<16xf32>,
        %gather3A_714 = tpu.vector_load_idx %arg7[%add3A_685, %broadcast_in_dim3A_57] : memref<1024x40xf32, #tpu.memory_space<vmem>>[vector<16xi32>, vector<16xi32>], vector<16xf32>,
        %gather3A_715 = tpu.vector_load_idx %arg7[%add3A_685, %broadcast_in_dim3A_59] : memref<1024x40xf32, #tpu.memory_space<vmem>>[vector<16xi32>, vector<16xi32>], vector<16xf32>,
        %gather3A_716 = tpu.vector_load_idx %arg7[%add3A_685, %broadcast_in_dim3A_61] : memref<1024x40xf32, #tpu.memory_space<vmem>>[vector<16xi32>, vector<16xi32>], vector<16xf32>,
        %gather3A_717 = tpu.vector_load_idx %arg7[%add3A_685, %broadcast_in_dim3A_63] : memref<1024x40xf32, #tpu.memory_space<vmem>>[vector<16xi32>, vector<16xi32>], vector<16xf32>,
        %gather3A_718 = tpu.vector_load_idx %arg7[%add3A_685, %broadcast_in_dim3A_65] : memref<1024x40xf32, #tpu.memory_space<vmem>>[vector<16xi32>, vector<16xi32>], vector<16xf32>,
        %swap3A = arith.constant 2 : i32
        %swap3A_719 = arith.constant 0 : i32
        %swap3A_720 = arith.constant 0 : i32
        %swap3A_721 = arith.index_cast %rem3A_493 : i32 to index
        %swap3A_722 = arith.index_cast %swap3A : i32 to index
        %swap3A_723 = arith.index_cast %swap3A_719 : i32 to index
        %swap3A_724 = arith.index_cast %swap3A_720 : i32 to index
        %swap3A_725 = arith.index_cast %mul3A_687 : i32 to index
        %swap3A_726 = tpu.vector_load %arg8[%swap3A_721, %swap3A_722, %swap3A_723, %swap3A_724, %swap3A_725] {strides = array<i32>} : memref<2x4x4x8x128xf32, #tpu.memory_space<vmem>>, vector<16xf32>,
        tpu.vector_store %arg8[%swap3A_721, %swap3A_722, %swap3A_723, %swap3A_724, %swap3A_725], %gather3A {strides = array<i32>} : memref<2x4x4x8x128xf32, #tpu.memory_space<vmem>>, vector<16xf32>,
        %swap3A_727 = arith.constant 2 : i32
        %swap3A_728 = arith.constant 0 : i32
        %swap3A_729 = arith.constant 1 : i32
        %swap3A_730 = arith.index_cast %rem3A_493 : i32 to index
        %swap3A_731 = arith.index_cast %swap3A_727 : i32 to index
        %swap3A_732 = arith.index_cast %swap3A_728 : i32 to index
        %swap3A_733 = arith.index_cast %swap3A_729 : i32 to index
        %swap3A_734 = arith.index_cast %mul3A_687 : i32 to index
        %swap3A_735 = tpu.vector_load %arg8[%swap3A_730, %swap3A_731, %swap3A_732, %swap3A_733, %swap3A_734] {strides = array<i32>} : memref<2x4x4x8x128xf32, #tpu.memory_space<vmem>>, vector<16xf32>,
        tpu.vector_store %arg8[%swap3A_730, %swap3A_731, %swap3A_732, %swap3A_733, %swap3A_734], %gather3A_688 {strides = array<i32>} : memref<2x4x4x8x128xf32, #tpu.memory_space<vmem>>, vector<16xf32>,
        %swap3A_736 = arith.constant 2 : i32
        %swap3A_737 = arith.constant 0 : i32
        %swap3A_738 = arith.constant 2 : i32
        %swap3A_739 = arith.index_cast %rem3A_493 : i32 to index
        %swap3A_740 = arith.index_cast %swap3A_736 : i32 to index
        %swap3A_741 = arith.index_cast %swap3A_737 : i32 to index
        %swap3A_742 = arith.index_cast %swap3A_738 : i32 to index
        %swap3A_743 = arith.index_cast %mul3A_687 : i32 to index
        %swap3A_744 = tpu.vector_load %arg8[%swap3A_739, %swap3A_740, %swap3A_741, %swap3A_742, %swap3A_743] {strides = array<i32>} : memref<2x4x4x8x128xf32, #tpu.memory_space<vmem>>, vector<16xf32>,
        tpu.vector_store %arg8[%swap3A_739, %swap3A_740, %swap3A_741, %swap3A_742, %swap3A_743], %gather3A_689 {strides = array<i32>} : memref<2x4x4x8x128xf32, #tpu.memory_space<vmem>>, vector<16xf32>,
        %swap3A_745 = arith.constant 2 : i32
        %swap3A_746 = arith.constant 0 : i32
        %swap3A_747 = arith.constant 3 : i32
        %swap3A_748 = arith.index_cast %rem3A_493 : i32 to index
        %swap3A_749 = arith.index_cast %swap3A_745 : i32 to index
        %swap3A_750 = arith.index_cast %swap3A_746 : i32 to index
        %swap3A_751 = arith.index_cast %swap3A_747 : i32 to index
        %swap3A_752 = arith.index_cast %mul3A_687 : i32 to index
        %swap3A_753 = tpu.vector_load %arg8[%swap3A_748, %swap3A_749, %swap3A_750, %swap3A_751, %swap3A_752] {strides = array<i32>} : memref<2x4x4x8x128xf32, #tpu.memory_space<vmem>>, vector<16xf32>,
        tpu.vector_store %arg8[%swap3A_748, %swap3A_749, %swap3A_750, %swap3A_751, %swap3A_752], %gather3A_690 {strides = array<i32>} : memref<2x4x4x8x128xf32, #tpu.memory_space<vmem>>, vector<16xf32>,
        %swap3A_754 = arith.constant 2 : i32
        %swap3A_755 = arith.constant 0 : i32
        %swap3A_756 = arith.constant 4 : i32
        %swap3A_757 = arith.index_cast %rem3A_493 : i32 to index
        %swap3A_758 = arith.index_cast %swap3A_754 : i32 to index
        %swap3A_759 = arith.index_cast %swap3A_755 : i32 to index
        %swap3A_760 = arith.index_cast %swap3A_756 : i32 to index
        %swap3A_761 = arith.index_cast %mul3A_687 : i32 to index
        %swap3A_762 = tpu.vector_load %arg8[%swap3A_757, %swap3A_758, %swap3A_759, %swap3A_760, %swap3A_761] {strides = array<i32>} : memref<2x4x4x8x128xf32, #tpu.memory_space<vmem>>, vector<16xf32>,
        tpu.vector_store %arg8[%swap3A_757, %swap3A_758, %swap3A_759, %swap3A_760, %swap3A_761], %gather3A_691 {strides = array<i32>} : memref<2x4x4x8x128xf32, #tpu.memory_space<vmem>>, vector<16xf32>,
        %swap3A_763 = arith.constant 2 : i32
        %swap3A_764 = arith.constant 0 : i32
        %swap3A_765 = arith.constant 5 : i32
        %swap3A_766 = arith.index_cast %rem3A_493 : i32 to index
        %swap3A_767 = arith.index_cast %swap3A_763 : i32 to index
        %swap3A_768 = arith.index_cast %swap3A_764 : i32 to index
        %swap3A_769 = arith.index_cast %swap3A_765 : i32 to index
        %swap3A_770 = arith.index_cast %mul3A_687 : i32 to index
        %swap3A_771 = tpu.vector_load %arg8[%swap3A_766, %swap3A_767, %swap3A_768, %swap3A_769, %swap3A_770] {strides = array<i32>} : memref<2x4x4x8x128xf32, #tpu.memory_space<vmem>>, vector<16xf32>,
        tpu.vector_store %arg8[%swap3A_766, %swap3A_767, %swap3A_768, %swap3A_769, %swap3A_770], %gather3A_692 {strides = array<i32>} : memref<2x4x4x8x128xf32, #tpu.memory_space<vmem>>, vector<16xf32>,
        %swap3A_772 = arith.constant 2 : i32
        %swap3A_773 = arith.constant 0 : i32
        %swap3A_774 = arith.constant 6 : i32
        %swap3A_775 = arith.index_cast %rem3A_493 : i32 to index
        %swap3A_776 = arith.index_cast %swap3A_772 : i32 to index
        %swap3A_777 = arith.index_cast %swap3A_773 : i32 to index
        %swap3A_778 = arith.index_cast %swap3A_774 : i32 to index
        %swap3A_779 = arith.index_cast %mul3A_687 : i32 to index
        %swap3A_780 = tpu.vector_load %arg8[%swap3A_775, %swap3A_776, %swap3A_777, %swap3A_778, %swap3A_779] {strides = array<i32>} : memref<2x4x4x8x128xf32, #tpu.memory_space<vmem>>, vector<16xf32>,
        tpu.vector_store %arg8[%swap3A_775, %swap3A_776, %swap3A_777, %swap3A_778, %swap3A_779], %gather3A_693 {strides = array<i32>} : memref<2x4x4x8x128xf32, #tpu.memory_space<vmem>>, vector<16xf32>,
        %swap3A_781 = arith.constant 2 : i32
        %swap3A_782 = arith.constant 0 : i32
        %swap3A_783 = arith.constant 7 : i32
        %swap3A_784 = arith.index_cast %rem3A_493 : i32 to index
        %swap3A_785 = arith.index_cast %swap3A_781 : i32 to index
        %swap3A_786 = arith.index_cast %swap3A_782 : i32 to index
        %swap3A_787 = arith.index_cast %swap3A_783 : i32 to index
        %swap3A_788 = arith.index_cast %mul3A_687 : i32 to index
        %swap3A_789 = tpu.vector_load %arg8[%swap3A_784, %swap3A_785, %swap3A_786, %swap3A_787, %swap3A_788] {strides = array<i32>} : memref<2x4x4x8x128xf32, #tpu.memory_space<vmem>>, vector<16xf32>,
        tpu.vector_store %arg8[%swap3A_784, %swap3A_785, %swap3A_786, %swap3A_787, %swap3A_788], %gather3A_694 {strides = array<i32>} : memref<2x4x4x8x128xf32, #tpu.memory_space<vmem>>, vector<16xf32>,
        %swap3A_790 = arith.constant 2 : i32
        %swap3A_791 = arith.constant 1 : i32
        %swap3A_792 = arith.constant 0 : i32
        %swap3A_793 = arith.index_cast %rem3A_493 : i32 to index
        %swap3A_794 = arith.index_cast %swap3A_790 : i32 to index
        %swap3A_795 = arith.index_cast %swap3A_791 : i32 to index
        %swap3A_796 = arith.index_cast %swap3A_792 : i32 to index
        %swap3A_797 = arith.index_cast %mul3A_687 : i32 to index
        %swap3A_798 = tpu.vector_load %arg8[%swap3A_793, %swap3A_794, %swap3A_795, %swap3A_796, %swap3A_797] {strides = array<i32>} : memref<2x4x4x8x128xf32, #tpu.memory_space<vmem>>, vector<16xf32>,
        tpu.vector_store %arg8[%swap3A_793, %swap3A_794, %swap3A_795, %swap3A_796, %swap3A_797], %gather3A_695 {strides = array<i32>} : memref<2x4x4x8x128xf32, #tpu.memory_space<vmem>>, vector<16xf32>,
        %swap3A_799 = arith.constant 2 : i32
        %swap3A_800 = arith.constant 1 : i32
        %swap3A_801 = arith.constant 1 : i32
        %swap3A_802 = arith.index_cast %rem3A_493 : i32 to index
        %swap3A_803 = arith.index_cast %swap3A_799 : i32 to index
        %swap3A_804 = arith.index_cast %swap3A_800 : i32 to index
        %swap3A_805 = arith.index_cast %swap3A_801 : i32 to index
        %swap3A_806 = arith.index_cast %mul3A_687 : i32 to index
        %swap3A_807 = tpu.vector_load %arg8[%swap3A_802, %swap3A_803, %swap3A_804, %swap3A_805, %swap3A_806] {strides = array<i32>} : memref<2x4x4x8x128xf32, #tpu.memory_space<vmem>>, vector<16xf32>,
        tpu.vector_store %arg8[%swap3A_802, %swap3A_803, %swap3A_804, %swap3A_805, %swap3A_806], %gather3A_696 {strides = array<i32>} : memref<2x4x4x8x128xf32, #tpu.memory_space<vmem>>, vector<16xf32>,
        %swap3A_808 = arith.constant 2 : i32
        %swap3A_809 = arith.constant 1 : i32
        %swap3A_810 = arith.constant 2 : i32
        %swap3A_811 = arith.index_cast %rem3A_493 : i32 to index
        %swap3A_812 = arith.index_cast %swap3A_808 : i32 to index
        %swap3A_813 = arith.index_cast %swap3A_809 : i32 to index
        %swap3A_814 = arith.index_cast %swap3A_810 : i32 to index
        %swap3A_815 = arith.index_cast %mul3A_687 : i32 to index
        %swap3A_816 = tpu.vector_load %arg8[%swap3A_811, %swap3A_812, %swap3A_813, %swap3A_814, %swap3A_815] {strides = array<i32>} : memref<2x4x4x8x128xf32, #tpu.memory_space<vmem>>, vector<16xf32>,
        tpu.vector_store %arg8[%swap3A_811, %swap3A_812, %swap3A_813, %swap3A_814, %swap3A_815], %gather3A_697 {strides = array<i32>} : memref<2x4x4x8x128xf32, #tpu.memory_space<vmem>>, vector<16xf32>,
        %swap3A_817 = arith.constant 2 : i32
        %swap3A_818 = arith.constant 1 : i32
        %swap3A_819 = arith.constant 3 : i32
        %swap3A_820 = arith.index_cast %rem3A_493 : i32 to index
        %swap3A_821 = arith.index_cast %swap3A_817 : i32 to index
        %swap3A_822 = arith.index_cast %swap3A_818 : i32 to index
        %swap3A_823 = arith.index_cast %swap3A_819 : i32 to index
        %swap3A_824 = arith.index_cast %mul3A_687 : i32 to index
        %swap3A_825 = tpu.vector_load %arg8[%swap3A_820, %swap3A_821, %swap3A_822, %swap3A_823, %swap3A_824] {strides = array<i32>} : memref<2x4x4x8x128xf32, #tpu.memory_space<vmem>>, vector<16xf32>,
        tpu.vector_store %arg8[%swap3A_820, %swap3A_821, %swap3A_822, %swap3A_823, %swap3A_824], %gather3A_698 {strides = array<i32>} : memref<2x4x4x8x128xf32, #tpu.memory_space<vmem>>, vector<16xf32>,
        %swap3A_826 = arith.constant 2 : i32
        %swap3A_827 = arith.constant 1 : i32
        %swap3A_828 = arith.constant 4 : i32
        %swap3A_829 = arith.index_cast %rem3A_493 : i32 to index
        %swap3A_830 = arith.index_cast %swap3A_826 : i32 to index
        %swap3A_831 = arith.index_cast %swap3A_827 : i32 to index
        %swap3A_832 = arith.index_cast %swap3A_828 : i32 to index
        %swap3A_833 = arith.index_cast %mul3A_687 : i32 to index
        %swap3A_834 = tpu.vector_load %arg8[%swap3A_829, %swap3A_830, %swap3A_831, %swap3A_832, %swap3A_833] {strides = array<i32>} : memref<2x4x4x8x128xf32, #tpu.memory_space<vmem>>, vector<16xf32>,
        tpu.vector_store %arg8[%swap3A_829, %swap3A_830, %swap3A_831, %swap3A_832, %swap3A_833], %gather3A_699 {strides = array<i32>} : memref<2x4x4x8x128xf32, #tpu.memory_space<vmem>>, vector<16xf32>,
        %swap3A_835 = arith.constant 2 : i32
        %swap3A_836 = arith.constant 1 : i32
        %swap3A_837 = arith.constant 5 : i32
        %swap3A_838 = arith.index_cast %rem3A_493 : i32 to index
        %swap3A_839 = arith.index_cast %swap3A_835 : i32 to index
        %swap3A_840 = arith.index_cast %swap3A_836 : i32 to index
        %swap3A_841 = arith.index_cast %swap3A_837 : i32 to index
        %swap3A_842 = arith.index_cast %mul3A_687 : i32 to index
        %swap3A_843 = tpu.vector_load %arg8[%swap3A_838, %swap3A_839, %swap3A_840, %swap3A_841, %swap3A_842] {strides = array<i32>} : memref<2x4x4x8x128xf32, #tpu.memory_space<vmem>>, vector<16xf32>,
        tpu.vector_store %arg8[%swap3A_838, %swap3A_839, %swap3A_840, %swap3A_841, %swap3A_842], %gather3A_700 {strides = array<i32>} : memref<2x4x4x8x128xf32, #tpu.memory_space<vmem>>, vector<16xf32>,
        %swap3A_844 = arith.constant 2 : i32
        %swap3A_845 = arith.constant 1 : i32
        %swap3A_846 = arith.constant 6 : i32
        %swap3A_847 = arith.index_cast %rem3A_493 : i32 to index
        %swap3A_848 = arith.index_cast %swap3A_844 : i32 to index
        %swap3A_849 = arith.index_cast %swap3A_845 : i32 to index
        %swap3A_850 = arith.index_cast %swap3A_846 : i32 to index
        %swap3A_851 = arith.index_cast %mul3A_687 : i32 to index
        %swap3A_852 = tpu.vector_load %arg8[%swap3A_847, %swap3A_848, %swap3A_849, %swap3A_850, %swap3A_851] {strides = array<i32>} : memref<2x4x4x8x128xf32, #tpu.memory_space<vmem>>, vector<16xf32>,
        tpu.vector_store %arg8[%swap3A_847, %swap3A_848, %swap3A_849, %swap3A_850, %swap3A_851], %gather3A_701 {strides = array<i32>} : memref<2x4x4x8x128xf32, #tpu.memory_space<vmem>>, vector<16xf32>,
        %swap3A_853 = arith.constant 2 : i32
        %swap3A_854 = arith.constant 1 : i32
        %swap3A_855 = arith.constant 7 : i32
        %swap3A_856 = arith.index_cast %rem3A_493 : i32 to index
        %swap3A_857 = arith.index_cast %swap3A_853 : i32 to index
        %swap3A_858 = arith.index_cast %swap3A_854 : i32 to index
        %swap3A_859 = arith.index_cast %swap3A_855 : i32 to index
        %swap3A_860 = arith.index_cast %mul3A_687 : i32 to index
        %swap3A_861 = tpu.vector_load %arg8[%swap3A_856, %swap3A_857, %swap3A_858, %swap3A_859, %swap3A_860] {strides = array<i32>} : memref<2x4x4x8x128xf32, #tpu.memory_space<vmem>>, vector<16xf32>,
        tpu.vector_store %arg8[%swap3A_856, %swap3A_857, %swap3A_858, %swap3A_859, %swap3A_860], %gather3A_702 {strides = array<i32>} : memref<2x4x4x8x128xf32, #tpu.memory_space<vmem>>, vector<16xf32>,
        %swap3A_862 = arith.constant 2 : i32
        %swap3A_863 = arith.constant 2 : i32
        %swap3A_864 = arith.constant 0 : i32
        %swap3A_865 = arith.index_cast %rem3A_493 : i32 to index
        %swap3A_866 = arith.index_cast %swap3A_862 : i32 to index
        %swap3A_867 = arith.index_cast %swap3A_863 : i32 to index
        %swap3A_868 = arith.index_cast %swap3A_864 : i32 to index
        %swap3A_869 = arith.index_cast %mul3A_687 : i32 to index
        %swap3A_870 = tpu.vector_load %arg8[%swap3A_865, %swap3A_866, %swap3A_867, %swap3A_868, %swap3A_869] {strides = array<i32>} : memref<2x4x4x8x128xf32, #tpu.memory_space<vmem>>, vector<16xf32>,
        tpu.vector_store %arg8[%swap3A_865, %swap3A_866, %swap3A_867, %swap3A_868, %swap3A_869], %gather3A_703 {strides = array<i32>} : memref<2x4x4x8x128xf32, #tpu.memory_space<vmem>>, vector<16xf32>,
        %swap3A_871 = arith.constant 2 : i32
        %swap3A_872 = arith.constant 2 : i32
        %swap3A_873 = arith.constant 1 : i32
        %swap3A_874 = arith.index_cast %rem3A_493 : i32 to index
        %swap3A_875 = arith.index_cast %swap3A_871 : i32 to index
        %swap3A_876 = arith.index_cast %swap3A_872 : i32 to index
        %swap3A_877 = arith.index_cast %swap3A_873 : i32 to index
        %swap3A_878 = arith.index_cast %mul3A_687 : i32 to index
        %swap3A_879 = tpu.vector_load %arg8[%swap3A_874, %swap3A_875, %swap3A_876, %swap3A_877, %swap3A_878] {strides = array<i32>} : memref<2x4x4x8x128xf32, #tpu.memory_space<vmem>>, vector<16xf32>,
        tpu.vector_store %arg8[%swap3A_874, %swap3A_875, %swap3A_876, %swap3A_877, %swap3A_878], %gather3A_704 {strides = array<i32>} : memref<2x4x4x8x128xf32, #tpu.memory_space<vmem>>, vector<16xf32>,
        %swap3A_880 = arith.constant 2 : i32
        %swap3A_881 = arith.constant 2 : i32
        %swap3A_882 = arith.constant 2 : i32
        %swap3A_883 = arith.index_cast %rem3A_493 : i32 to index
        %swap3A_884 = arith.index_cast %swap3A_880 : i32 to index
        %swap3A_885 = arith.index_cast %swap3A_881 : i32 to index
        %swap3A_886 = arith.index_cast %swap3A_882 : i32 to index
        %swap3A_887 = arith.index_cast %mul3A_687 : i32 to index
        %swap3A_888 = tpu.vector_load %arg8[%swap3A_883, %swap3A_884, %swap3A_885, %swap3A_886, %swap3A_887] {strides = array<i32>} : memref<2x4x4x8x128xf32, #tpu.memory_space<vmem>>, vector<16xf32>,
        tpu.vector_store %arg8[%swap3A_883, %swap3A_884, %swap3A_885, %swap3A_886, %swap3A_887], %gather3A_705 {strides = array<i32>} : memref<2x4x4x8x128xf32, #tpu.memory_space<vmem>>, vector<16xf32>,
        %swap3A_889 = arith.constant 2 : i32
        %swap3A_890 = arith.constant 2 : i32
        %swap3A_891 = arith.constant 3 : i32
        %swap3A_892 = arith.index_cast %rem3A_493 : i32 to index
        %swap3A_893 = arith.index_cast %swap3A_889 : i32 to index
        %swap3A_894 = arith.index_cast %swap3A_890 : i32 to index
        %swap3A_895 = arith.index_cast %swap3A_891 : i32 to index
        %swap3A_896 = arith.index_cast %mul3A_687 : i32 to index
        %swap3A_897 = tpu.vector_load %arg8[%swap3A_892, %swap3A_893, %swap3A_894, %swap3A_895, %swap3A_896] {strides = array<i32>} : memref<2x4x4x8x128xf32, #tpu.memory_space<vmem>>, vector<16xf32>,
        tpu.vector_store %arg8[%swap3A_892, %swap3A_893, %swap3A_894, %swap3A_895, %swap3A_896], %gather3A_706 {strides = array<i32>} : memref<2x4x4x8x128xf32, #tpu.memory_space<vmem>>, vector<16xf32>,
        %swap3A_898 = arith.constant 2 : i32
        %swap3A_899 = arith.constant 2 : i32
        %swap3A_900 = arith.constant 4 : i32
        %swap3A_901 = arith.index_cast %rem3A_493 : i32 to index
        %swap3A_902 = arith.index_cast %swap3A_898 : i32 to index
        %swap3A_903 = arith.index_cast %swap3A_899 : i32 to index
        %swap3A_904 = arith.index_cast %swap3A_900 : i32 to index
        %swap3A_905 = arith.index_cast %mul3A_687 : i32 to index
        %swap3A_906 = tpu.vector_load %arg8[%swap3A_901, %swap3A_902, %swap3A_903, %swap3A_904, %swap3A_905] {strides = array<i32>} : memref<2x4x4x8x128xf32, #tpu.memory_space<vmem>>, vector<16xf32>,
        tpu.vector_store %arg8[%swap3A_901, %swap3A_902, %swap3A_903, %swap3A_904, %swap3A_905], %gather3A_707 {strides = array<i32>} : memref<2x4x4x8x128xf32, #tpu.memory_space<vmem>>, vector<16xf32>,
        %swap3A_907 = arith.constant 2 : i32
        %swap3A_908 = arith.constant 2 : i32
        %swap3A_909 = arith.constant 5 : i32
        %swap3A_910 = arith.index_cast %rem3A_493 : i32 to index
        %swap3A_911 = arith.index_cast %swap3A_907 : i32 to index
        %swap3A_912 = arith.index_cast %swap3A_908 : i32 to index
        %swap3A_913 = arith.index_cast %swap3A_909 : i32 to index
        %swap3A_914 = arith.index_cast %mul3A_687 : i32 to index
        %swap3A_915 = tpu.vector_load %arg8[%swap3A_910, %swap3A_911, %swap3A_912, %swap3A_913, %swap3A_914] {strides = array<i32>} : memref<2x4x4x8x128xf32, #tpu.memory_space<vmem>>, vector<16xf32>,
        tpu.vector_store %arg8[%swap3A_910, %swap3A_911, %swap3A_912, %swap3A_913, %swap3A_914], %gather3A_708 {strides = array<i32>} : memref<2x4x4x8x128xf32, #tpu.memory_space<vmem>>, vector<16xf32>,
        %swap3A_916 = arith.constant 2 : i32
        %swap3A_917 = arith.constant 2 : i32
        %swap3A_918 = arith.constant 6 : i32
        %swap3A_919 = arith.index_cast %rem3A_493 : i32 to index
        %swap3A_920 = arith.index_cast %swap3A_916 : i32 to index
        %swap3A_921 = arith.index_cast %swap3A_917 : i32 to index
        %swap3A_922 = arith.index_cast %swap3A_918 : i32 to index
        %swap3A_923 = arith.index_cast %mul3A_687 : i32 to index
        %swap3A_924 = tpu.vector_load %arg8[%swap3A_919, %swap3A_920, %swap3A_921, %swap3A_922, %swap3A_923] {strides = array<i32>} : memref<2x4x4x8x128xf32, #tpu.memory_space<vmem>>, vector<16xf32>,
        tpu.vector_store %arg8[%swap3A_919, %swap3A_920, %swap3A_921, %swap3A_922, %swap3A_923], %gather3A_709 {strides = array<i32>} : memref<2x4x4x8x128xf32, #tpu.memory_space<vmem>>, vector<16xf32>,
        %swap3A_925 = arith.constant 2 : i32
        %swap3A_926 = arith.constant 2 : i32
        %swap3A_927 = arith.constant 7 : i32
        %swap3A_928 = arith.index_cast %rem3A_493 : i32 to index
        %swap3A_929 = arith.index_cast %swap3A_925 : i32 to index
        %swap3A_930 = arith.index_cast %swap3A_926 : i32 to index
        %swap3A_931 = arith.index_cast %swap3A_927 : i32 to index
        %swap3A_932 = arith.index_cast %mul3A_687 : i32 to index
        %swap3A_933 = tpu.vector_load %arg8[%swap3A_928, %swap3A_929, %swap3A_930, %swap3A_931, %swap3A_932] {strides = array<i32>} : memref<2x4x4x8x128xf32, #tpu.memory_space<vmem>>, vector<16xf32>,
        tpu.vector_store %arg8[%swap3A_928, %swap3A_929, %swap3A_930, %swap3A_931, %swap3A_932], %gather3A_710 {strides = array<i32>} : memref<2x4x4x8x128xf32, #tpu.memory_space<vmem>>, vector<16xf32>,
        %swap3A_934 = arith.constant 2 : i32
        %swap3A_935 = arith.constant 3 : i32
        %swap3A_936 = arith.constant 0 : i32
        %swap3A_937 = arith.index_cast %rem3A_493 : i32 to index
        %swap3A_938 = arith.index_cast %swap3A_934 : i32 to index
        %swap3A_939 = arith.index_cast %swap3A_935 : i32 to index
        %swap3A_940 = arith.index_cast %swap3A_936 : i32 to index
        %swap3A_941 = arith.index_cast %mul3A_687 : i32 to index
        %swap3A_942 = tpu.vector_load %arg8[%swap3A_937, %swap3A_938, %swap3A_939, %swap3A_940, %swap3A_941] {strides = array<i32>} : memref<2x4x4x8x128xf32, #tpu.memory_space<vmem>>, vector<16xf32>,
        tpu.vector_store %arg8[%swap3A_937, %swap3A_938, %swap3A_939, %swap3A_940, %swap3A_941], %gather3A_711 {strides = array<i32>} : memref<2x4x4x8x128xf32, #tpu.memory_space<vmem>>, vector<16xf32>,
        %swap3A_943 = arith.constant 2 : i32
        %swap3A_944 = arith.constant 3 : i32
        %swap3A_945 = arith.constant 1 : i32
        %swap3A_946 = arith.index_cast %rem3A_493 : i32 to index
        %swap3A_947 = arith.index_cast %swap3A_943 : i32 to index
        %swap3A_948 = arith.index_cast %swap3A_944 : i32 to index
        %swap3A_949 = arith.index_cast %swap3A_945 : i32 to index
        %swap3A_950 = arith.index_cast %mul3A_687 : i32 to index
        %swap3A_951 = tpu.vector_load %arg8[%swap3A_946, %swap3A_947, %swap3A_948, %swap3A_949, %swap3A_950] {strides = array<i32>} : memref<2x4x4x8x128xf32, #tpu.memory_space<vmem>>, vector<16xf32>,
        tpu.vector_store %arg8[%swap3A_946, %swap3A_947, %swap3A_948, %swap3A_949, %swap3A_950], %gather3A_712 {strides = array<i32>} : memref<2x4x4x8x128xf32, #tpu.memory_space<vmem>>, vector<16xf32>,
        %swap3A_952 = arith.constant 2 : i32
        %swap3A_953 = arith.constant 3 : i32
        %swap3A_954 = arith.constant 2 : i32
        %swap3A_955 = arith.index_cast %rem3A_493 : i32 to index
        %swap3A_956 = arith.index_cast %swap3A_952 : i32 to index
        %swap3A_957 = arith.index_cast %swap3A_953 : i32 to index
        %swap3A_958 = arith.index_cast %swap3A_954 : i32 to index
        %swap3A_959 = arith.index_cast %mul3A_687 : i32 to index
        %swap3A_960 = tpu.vector_load %arg8[%swap3A_955, %swap3A_956, %swap3A_957, %swap3A_958, %swap3A_959] {strides = array<i32>} : memref<2x4x4x8x128xf32, #tpu.memory_space<vmem>>, vector<16xf32>,
        tpu.vector_store %arg8[%swap3A_955, %swap3A_956, %swap3A_957, %swap3A_958, %swap3A_959], %gather3A_713 {strides = array<i32>} : memref<2x4x4x8x128xf32, #tpu.memory_space<vmem>>, vector<16xf32>,
        %swap3A_961 = arith.constant 2 : i32
        %swap3A_962 = arith.constant 3 : i32
        %swap3A_963 = arith.constant 3 : i32
        %swap3A_964 = arith.index_cast %rem3A_493 : i32 to index
        %swap3A_965 = arith.index_cast %swap3A_961 : i32 to index
        %swap3A_966 = arith.index_cast %swap3A_962 : i32 to index
        %swap3A_967 = arith.index_cast %swap3A_963 : i32 to index
        %swap3A_968 = arith.index_cast %mul3A_687 : i32 to index
        %swap3A_969 = tpu.vector_load %arg8[%swap3A_964, %swap3A_965, %swap3A_966, %swap3A_967, %swap3A_968] {strides = array<i32>} : memref<2x4x4x8x128xf32, #tpu.memory_space<vmem>>, vector<16xf32>,
        tpu.vector_store %arg8[%swap3A_964, %swap3A_965, %swap3A_966, %swap3A_967, %swap3A_968], %gather3A_714 {strides = array<i32>} : memref<2x4x4x8x128xf32, #tpu.memory_space<vmem>>, vector<16xf32>,
        %swap3A_970 = arith.constant 2 : i32
        %swap3A_971 = arith.constant 3 : i32
        %swap3A_972 = arith.constant 4 : i32
        %swap3A_973 = arith.index_cast %rem3A_493 : i32 to index
        %swap3A_974 = arith.index_cast %swap3A_970 : i32 to index
        %swap3A_975 = arith.index_cast %swap3A_971 : i32 to index
        %swap3A_976 = arith.index_cast %swap3A_972 : i32 to index
        %swap3A_977 = arith.index_cast %mul3A_687 : i32 to index
        %swap3A_978 = tpu.vector_load %arg8[%swap3A_973, %swap3A_974, %swap3A_975, %swap3A_976, %swap3A_977] {strides = array<i32>} : memref<2x4x4x8x128xf32, #tpu.memory_space<vmem>>, vector<16xf32>,
        tpu.vector_store %arg8[%swap3A_973, %swap3A_974, %swap3A_975, %swap3A_976, %swap3A_977], %gather3A_715 {strides = array<i32>} : memref<2x4x4x8x128xf32, #tpu.memory_space<vmem>>, vector<16xf32>,
        %swap3A_979 = arith.constant 2 : i32
        %swap3A_980 = arith.constant 3 : i32
        %swap3A_981 = arith.constant 5 : i32
        %swap3A_982 = arith.index_cast %rem3A_493 : i32 to index
        %swap3A_983 = arith.index_cast %swap3A_979 : i32 to index
        %swap3A_984 = arith.index_cast %swap3A_980 : i32 to index
        %swap3A_985 = arith.index_cast %swap3A_981 : i32 to index
        %swap3A_986 = arith.index_cast %mul3A_687 : i32 to index
        %swap3A_987 = tpu.vector_load %arg8[%swap3A_982, %swap3A_983, %swap3A_984, %swap3A_985, %swap3A_986] {strides = array<i32>} : memref<2x4x4x8x128xf32, #tpu.memory_space<vmem>>, vector<16xf32>,
        tpu.vector_store %arg8[%swap3A_982, %swap3A_983, %swap3A_984, %swap3A_985, %swap3A_986], %gather3A_716 {strides = array<i32>} : memref<2x4x4x8x128xf32, #tpu.memory_space<vmem>>, vector<16xf32>,
        %swap3A_988 = arith.constant 2 : i32
        %swap3A_989 = arith.constant 3 : i32
        %swap3A_990 = arith.constant 6 : i32
        %swap3A_991 = arith.index_cast %rem3A_493 : i32 to index
        %swap3A_992 = arith.index_cast %swap3A_988 : i32 to index
        %swap3A_993 = arith.index_cast %swap3A_989 : i32 to index
        %swap3A_994 = arith.index_cast %swap3A_990 : i32 to index
        %swap3A_995 = arith.index_cast %mul3A_687 : i32 to index
        %swap3A_996 = tpu.vector_load %arg8[%swap3A_991, %swap3A_992, %swap3A_993, %swap3A_994, %swap3A_995] {strides = array<i32>} : memref<2x4x4x8x128xf32, #tpu.memory_space<vmem>>, vector<16xf32>,
        tpu.vector_store %arg8[%swap3A_991, %swap3A_992, %swap3A_993, %swap3A_994, %swap3A_995], %gather3A_717 {strides = array<i32>} : memref<2x4x4x8x128xf32, #tpu.memory_space<vmem>>, vector<16xf32>,
        %swap3A_997 = arith.constant 2 : i32
        %swap3A_998 = arith.constant 3 : i32
        %swap3A_999 = arith.constant 7 : i32
        %swap3A_1000 = arith.index_cast %rem3A_493 : i32 to index
        %swap3A_1001 = arith.index_cast %swap3A_997 : i32 to index
        %swap3A_1002 = arith.index_cast %swap3A_998 : i32 to index
        %swap3A_1003 = arith.index_cast %swap3A_999 : i32 to index
        %swap3A_1004 = arith.index_cast %mul3A_687 : i32 to index
        %swap3A_1005 = tpu.vector_load %arg8[%swap3A_1000, %swap3A_1001, %swap3A_1002, %swap3A_1003, %swap3A_1004] {strides = array<i32>} : memref<2x4x4x8x128xf32, #tpu.memory_space<vmem>>, vector<16xf32>,
        tpu.vector_store %arg8[%swap3A_1000, %swap3A_1001, %swap3A_1002, %swap3A_1003, %swap3A_1004], %gather3A_718 {strides = array<i32>} : memref<2x4x4x8x128xf32, #tpu.memory_space<vmem>>, vector<16xf32>,
      }
      %scan3A_529 = arith.constant 8 : i32
      %mul3A_530 = arith.constant 4 : i32
      %mul3A_531 = arith.muli %rem3A_493, %mul3A_530 : i32
      %add3A_532 = arith.constant 3 : i32
      %add3A_533 = arith.addi %mul3A_531, %add3A_532 : i32
      %mul3A_534 = arith.constant 128 : i32
      %mul3A_535 = arith.muli %add3A_533, %mul3A_534 : i32
      %scan3A_536 = arith.constant 0 : i32
      %scan3A_537 = arith.constant 0 : i32
      %scan3A_538 = arith.constant 8 : i32
      %scan3A_539 = arith.addi %scan3A_537, %scan3A_538 : i32
      %scan3A_540 = arith.constant 1 : i32
      scf.for %scan3A_680 = %scan3A_537 to %scan3A_539 step %scan3A_540  : i32 {
        %mul3A_681 = arith.constant 16 : i32
        %mul3A_682 = arith.muli %scan3A_680, %mul3A_681 : i32
        %add3A_683 = arith.addi %mul3A_535, %mul3A_682 : i32
        %add3A_684 = vector.broadcast %add3A_683 : i32 to vector<16xi32>
        %add3A_685 = arith.addi %iota3A, %add3A_684 : vector<16xi32>
        %mul3A_686 = arith.constant 16 : i32
        %mul3A_687 = arith.muli %scan3A_680, %mul3A_686 : i32
        %gather3A = tpu.vector_load_idx %arg7[%add3A_685, %broadcast_in_dim3A_3] : memref<1024x40xf32, #tpu.memory_space<vmem>>[vector<16xi32>, vector<16xi32>], vector<16xf32>,
        %gather3A_688 = tpu.vector_load_idx %arg7[%add3A_685, %broadcast_in_dim3A_5] : memref<1024x40xf32, #tpu.memory_space<vmem>>[vector<16xi32>, vector<16xi32>], vector<16xf32>,
        %gather3A_689 = tpu.vector_load_idx %arg7[%add3A_685, %broadcast_in_dim3A_7] : memref<1024x40xf32, #tpu.memory_space<vmem>>[vector<16xi32>, vector<16xi32>], vector<16xf32>,
        %gather3A_690 = tpu.vector_load_idx %arg7[%add3A_685, %broadcast_in_dim3A_9] : memref<1024x40xf32, #tpu.memory_space<vmem>>[vector<16xi32>, vector<16xi32>], vector<16xf32>,
        %gather3A_691 = tpu.vector_load_idx %arg7[%add3A_685, %broadcast_in_dim3A_11] : memref<1024x40xf32, #tpu.memory_space<vmem>>[vector<16xi32>, vector<16xi32>], vector<16xf32>,
        %gather3A_692 = tpu.vector_load_idx %arg7[%add3A_685, %broadcast_in_dim3A_13] : memref<1024x40xf32, #tpu.memory_space<vmem>>[vector<16xi32>, vector<16xi32>], vector<16xf32>,
        %gather3A_693 = tpu.vector_load_idx %arg7[%add3A_685, %broadcast_in_dim3A_15] : memref<1024x40xf32, #tpu.memory_space<vmem>>[vector<16xi32>, vector<16xi32>], vector<16xf32>,
        %gather3A_694 = tpu.vector_load_idx %arg7[%add3A_685, %broadcast_in_dim3A_17] : memref<1024x40xf32, #tpu.memory_space<vmem>>[vector<16xi32>, vector<16xi32>], vector<16xf32>,
        %gather3A_695 = tpu.vector_load_idx %arg7[%add3A_685, %broadcast_in_dim3A_19] : memref<1024x40xf32, #tpu.memory_space<vmem>>[vector<16xi32>, vector<16xi32>], vector<16xf32>,
        %gather3A_696 = tpu.vector_load_idx %arg7[%add3A_685, %broadcast_in_dim3A_21] : memref<1024x40xf32, #tpu.memory_space<vmem>>[vector<16xi32>, vector<16xi32>], vector<16xf32>,
        %gather3A_697 = tpu.vector_load_idx %arg7[%add3A_685, %broadcast_in_dim3A_23] : memref<1024x40xf32, #tpu.memory_space<vmem>>[vector<16xi32>, vector<16xi32>], vector<16xf32>,
        %gather3A_698 = tpu.vector_load_idx %arg7[%add3A_685, %broadcast_in_dim3A_25] : memref<1024x40xf32, #tpu.memory_space<vmem>>[vector<16xi32>, vector<16xi32>], vector<16xf32>,
        %gather3A_699 = tpu.vector_load_idx %arg7[%add3A_685, %broadcast_in_dim3A_27] : memref<1024x40xf32, #tpu.memory_space<vmem>>[vector<16xi32>, vector<16xi32>], vector<16xf32>,
        %gather3A_700 = tpu.vector_load_idx %arg7[%add3A_685, %broadcast_in_dim3A_29] : memref<1024x40xf32, #tpu.memory_space<vmem>>[vector<16xi32>, vector<16xi32>], vector<16xf32>,
        %gather3A_701 = tpu.vector_load_idx %arg7[%add3A_685, %broadcast_in_dim3A_31] : memref<1024x40xf32, #tpu.memory_space<vmem>>[vector<16xi32>, vector<16xi32>], vector<16xf32>,
        %gather3A_702 = tpu.vector_load_idx %arg7[%add3A_685, %broadcast_in_dim3A_33] : memref<1024x40xf32, #tpu.memory_space<vmem>>[vector<16xi32>, vector<16xi32>], vector<16xf32>,
        %gather3A_703 = tpu.vector_load_idx %arg7[%add3A_685, %broadcast_in_dim3A_35] : memref<1024x40xf32, #tpu.memory_space<vmem>>[vector<16xi32>, vector<16xi32>], vector<16xf32>,
        %gather3A_704 = tpu.vector_load_idx %arg7[%add3A_685, %broadcast_in_dim3A_37] : memref<1024x40xf32, #tpu.memory_space<vmem>>[vector<16xi32>, vector<16xi32>], vector<16xf32>,
        %gather3A_705 = tpu.vector_load_idx %arg7[%add3A_685, %broadcast_in_dim3A_39] : memref<1024x40xf32, #tpu.memory_space<vmem>>[vector<16xi32>, vector<16xi32>], vector<16xf32>,
        %gather3A_706 = tpu.vector_load_idx %arg7[%add3A_685, %broadcast_in_dim3A_41] : memref<1024x40xf32, #tpu.memory_space<vmem>>[vector<16xi32>, vector<16xi32>], vector<16xf32>,
        %gather3A_707 = tpu.vector_load_idx %arg7[%add3A_685, %broadcast_in_dim3A_43] : memref<1024x40xf32, #tpu.memory_space<vmem>>[vector<16xi32>, vector<16xi32>], vector<16xf32>,
        %gather3A_708 = tpu.vector_load_idx %arg7[%add3A_685, %broadcast_in_dim3A_45] : memref<1024x40xf32, #tpu.memory_space<vmem>>[vector<16xi32>, vector<16xi32>], vector<16xf32>,
        %gather3A_709 = tpu.vector_load_idx %arg7[%add3A_685, %broadcast_in_dim3A_47] : memref<1024x40xf32, #tpu.memory_space<vmem>>[vector<16xi32>, vector<16xi32>], vector<16xf32>,
        %gather3A_710 = tpu.vector_load_idx %arg7[%add3A_685, %broadcast_in_dim3A_49] : memref<1024x40xf32, #tpu.memory_space<vmem>>[vector<16xi32>, vector<16xi32>], vector<16xf32>,
        %gather3A_711 = tpu.vector_load_idx %arg7[%add3A_685, %broadcast_in_dim3A_51] : memref<1024x40xf32, #tpu.memory_space<vmem>>[vector<16xi32>, vector<16xi32>], vector<16xf32>,
        %gather3A_712 = tpu.vector_load_idx %arg7[%add3A_685, %broadcast_in_dim3A_53] : memref<1024x40xf32, #tpu.memory_space<vmem>>[vector<16xi32>, vector<16xi32>], vector<16xf32>,
        %gather3A_713 = tpu.vector_load_idx %arg7[%add3A_685, %broadcast_in_dim3A_55] : memref<1024x40xf32, #tpu.memory_space<vmem>>[vector<16xi32>, vector<16xi32>], vector<16xf32>,
        %gather3A_714 = tpu.vector_load_idx %arg7[%add3A_685, %broadcast_in_dim3A_57] : memref<1024x40xf32, #tpu.memory_space<vmem>>[vector<16xi32>, vector<16xi32>], vector<16xf32>,
        %gather3A_715 = tpu.vector_load_idx %arg7[%add3A_685, %broadcast_in_dim3A_59] : memref<1024x40xf32, #tpu.memory_space<vmem>>[vector<16xi32>, vector<16xi32>], vector<16xf32>,
        %gather3A_716 = tpu.vector_load_idx %arg7[%add3A_685, %broadcast_in_dim3A_61] : memref<1024x40xf32, #tpu.memory_space<vmem>>[vector<16xi32>, vector<16xi32>], vector<16xf32>,
        %gather3A_717 = tpu.vector_load_idx %arg7[%add3A_685, %broadcast_in_dim3A_63] : memref<1024x40xf32, #tpu.memory_space<vmem>>[vector<16xi32>, vector<16xi32>], vector<16xf32>,
        %gather3A_718 = tpu.vector_load_idx %arg7[%add3A_685, %broadcast_in_dim3A_65] : memref<1024x40xf32, #tpu.memory_space<vmem>>[vector<16xi32>, vector<16xi32>], vector<16xf32>,
        %swap3A = arith.constant 3 : i32
        %swap3A_719 = arith.constant 0 : i32
        %swap3A_720 = arith.constant 0 : i32
        %swap3A_721 = arith.index_cast %rem3A_493 : i32 to index
        %swap3A_722 = arith.index_cast %swap3A : i32 to index
        %swap3A_723 = arith.index_cast %swap3A_719 : i32 to index
        %swap3A_724 = arith.index_cast %swap3A_720 : i32 to index
        %swap3A_725 = arith.index_cast %mul3A_687 : i32 to index
        %swap3A_726 = tpu.vector_load %arg8[%swap3A_721, %swap3A_722, %swap3A_723, %swap3A_724, %swap3A_725] {strides = array<i32>} : memref<2x4x4x8x128xf32, #tpu.memory_space<vmem>>, vector<16xf32>,
        tpu.vector_store %arg8[%swap3A_721, %swap3A_722, %swap3A_723, %swap3A_724, %swap3A_725], %gather3A {strides = array<i32>} : memref<2x4x4x8x128xf32, #tpu.memory_space<vmem>>, vector<16xf32>,
        %swap3A_727 = arith.constant 3 : i32
        %swap3A_728 = arith.constant 0 : i32
        %swap3A_729 = arith.constant 1 : i32
        %swap3A_730 = arith.index_cast %rem3A_493 : i32 to index
        %swap3A_731 = arith.index_cast %swap3A_727 : i32 to index
        %swap3A_732 = arith.index_cast %swap3A_728 : i32 to index
        %swap3A_733 = arith.index_cast %swap3A_729 : i32 to index
        %swap3A_734 = arith.index_cast %mul3A_687 : i32 to index
        %swap3A_735 = tpu.vector_load %arg8[%swap3A_730, %swap3A_731, %swap3A_732, %swap3A_733, %swap3A_734] {strides = array<i32>} : memref<2x4x4x8x128xf32, #tpu.memory_space<vmem>>, vector<16xf32>,
        tpu.vector_store %arg8[%swap3A_730, %swap3A_731, %swap3A_732, %swap3A_733, %swap3A_734], %gather3A_688 {strides = array<i32>} : memref<2x4x4x8x128xf32, #tpu.memory_space<vmem>>, vector<16xf32>,
        %swap3A_736 = arith.constant 3 : i32
        %swap3A_737 = arith.constant 0 : i32
        %swap3A_738 = arith.constant 2 : i32
        %swap3A_739 = arith.index_cast %rem3A_493 : i32 to index
        %swap3A_740 = arith.index_cast %swap3A_736 : i32 to index
        %swap3A_741 = arith.index_cast %swap3A_737 : i32 to index
        %swap3A_742 = arith.index_cast %swap3A_738 : i32 to index
        %swap3A_743 = arith.index_cast %mul3A_687 : i32 to index
        %swap3A_744 = tpu.vector_load %arg8[%swap3A_739, %swap3A_740, %swap3A_741, %swap3A_742, %swap3A_743] {strides = array<i32>} : memref<2x4x4x8x128xf32, #tpu.memory_space<vmem>>, vector<16xf32>,
        tpu.vector_store %arg8[%swap3A_739, %swap3A_740, %swap3A_741, %swap3A_742, %swap3A_743], %gather3A_689 {strides = array<i32>} : memref<2x4x4x8x128xf32, #tpu.memory_space<vmem>>, vector<16xf32>,
        %swap3A_745 = arith.constant 3 : i32
        %swap3A_746 = arith.constant 0 : i32
        %swap3A_747 = arith.constant 3 : i32
        %swap3A_748 = arith.index_cast %rem3A_493 : i32 to index
        %swap3A_749 = arith.index_cast %swap3A_745 : i32 to index
        %swap3A_750 = arith.index_cast %swap3A_746 : i32 to index
        %swap3A_751 = arith.index_cast %swap3A_747 : i32 to index
        %swap3A_752 = arith.index_cast %mul3A_687 : i32 to index
        %swap3A_753 = tpu.vector_load %arg8[%swap3A_748, %swap3A_749, %swap3A_750, %swap3A_751, %swap3A_752] {strides = array<i32>} : memref<2x4x4x8x128xf32, #tpu.memory_space<vmem>>, vector<16xf32>,
        tpu.vector_store %arg8[%swap3A_748, %swap3A_749, %swap3A_750, %swap3A_751, %swap3A_752], %gather3A_690 {strides = array<i32>} : memref<2x4x4x8x128xf32, #tpu.memory_space<vmem>>, vector<16xf32>,
        %swap3A_754 = arith.constant 3 : i32
        %swap3A_755 = arith.constant 0 : i32
        %swap3A_756 = arith.constant 4 : i32
        %swap3A_757 = arith.index_cast %rem3A_493 : i32 to index
        %swap3A_758 = arith.index_cast %swap3A_754 : i32 to index
        %swap3A_759 = arith.index_cast %swap3A_755 : i32 to index
        %swap3A_760 = arith.index_cast %swap3A_756 : i32 to index
        %swap3A_761 = arith.index_cast %mul3A_687 : i32 to index
        %swap3A_762 = tpu.vector_load %arg8[%swap3A_757, %swap3A_758, %swap3A_759, %swap3A_760, %swap3A_761] {strides = array<i32>} : memref<2x4x4x8x128xf32, #tpu.memory_space<vmem>>, vector<16xf32>,
        tpu.vector_store %arg8[%swap3A_757, %swap3A_758, %swap3A_759, %swap3A_760, %swap3A_761], %gather3A_691 {strides = array<i32>} : memref<2x4x4x8x128xf32, #tpu.memory_space<vmem>>, vector<16xf32>,
        %swap3A_763 = arith.constant 3 : i32
        %swap3A_764 = arith.constant 0 : i32
        %swap3A_765 = arith.constant 5 : i32
        %swap3A_766 = arith.index_cast %rem3A_493 : i32 to index
        %swap3A_767 = arith.index_cast %swap3A_763 : i32 to index
        %swap3A_768 = arith.index_cast %swap3A_764 : i32 to index
        %swap3A_769 = arith.index_cast %swap3A_765 : i32 to index
        %swap3A_770 = arith.index_cast %mul3A_687 : i32 to index
        %swap3A_771 = tpu.vector_load %arg8[%swap3A_766, %swap3A_767, %swap3A_768, %swap3A_769, %swap3A_770] {strides = array<i32>} : memref<2x4x4x8x128xf32, #tpu.memory_space<vmem>>, vector<16xf32>,
        tpu.vector_store %arg8[%swap3A_766, %swap3A_767, %swap3A_768, %swap3A_769, %swap3A_770], %gather3A_692 {strides = array<i32>} : memref<2x4x4x8x128xf32, #tpu.memory_space<vmem>>, vector<16xf32>,
        %swap3A_772 = arith.constant 3 : i32
        %swap3A_773 = arith.constant 0 : i32
        %swap3A_774 = arith.constant 6 : i32
        %swap3A_775 = arith.index_cast %rem3A_493 : i32 to index
        %swap3A_776 = arith.index_cast %swap3A_772 : i32 to index
        %swap3A_777 = arith.index_cast %swap3A_773 : i32 to index
        %swap3A_778 = arith.index_cast %swap3A_774 : i32 to index
        %swap3A_779 = arith.index_cast %mul3A_687 : i32 to index
        %swap3A_780 = tpu.vector_load %arg8[%swap3A_775, %swap3A_776, %swap3A_777, %swap3A_778, %swap3A_779] {strides = array<i32>} : memref<2x4x4x8x128xf32, #tpu.memory_space<vmem>>, vector<16xf32>,
        tpu.vector_store %arg8[%swap3A_775, %swap3A_776, %swap3A_777, %swap3A_778, %swap3A_779], %gather3A_693 {strides = array<i32>} : memref<2x4x4x8x128xf32, #tpu.memory_space<vmem>>, vector<16xf32>,
        %swap3A_781 = arith.constant 3 : i32
        %swap3A_782 = arith.constant 0 : i32
        %swap3A_783 = arith.constant 7 : i32
        %swap3A_784 = arith.index_cast %rem3A_493 : i32 to index
        %swap3A_785 = arith.index_cast %swap3A_781 : i32 to index
        %swap3A_786 = arith.index_cast %swap3A_782 : i32 to index
        %swap3A_787 = arith.index_cast %swap3A_783 : i32 to index
        %swap3A_788 = arith.index_cast %mul3A_687 : i32 to index
        %swap3A_789 = tpu.vector_load %arg8[%swap3A_784, %swap3A_785, %swap3A_786, %swap3A_787, %swap3A_788] {strides = array<i32>} : memref<2x4x4x8x128xf32, #tpu.memory_space<vmem>>, vector<16xf32>,
        tpu.vector_store %arg8[%swap3A_784, %swap3A_785, %swap3A_786, %swap3A_787, %swap3A_788], %gather3A_694 {strides = array<i32>} : memref<2x4x4x8x128xf32, #tpu.memory_space<vmem>>, vector<16xf32>,
        %swap3A_790 = arith.constant 3 : i32
        %swap3A_791 = arith.constant 1 : i32
        %swap3A_792 = arith.constant 0 : i32
        %swap3A_793 = arith.index_cast %rem3A_493 : i32 to index
        %swap3A_794 = arith.index_cast %swap3A_790 : i32 to index
        %swap3A_795 = arith.index_cast %swap3A_791 : i32 to index
        %swap3A_796 = arith.index_cast %swap3A_792 : i32 to index
        %swap3A_797 = arith.index_cast %mul3A_687 : i32 to index
        %swap3A_798 = tpu.vector_load %arg8[%swap3A_793, %swap3A_794, %swap3A_795, %swap3A_796, %swap3A_797] {strides = array<i32>} : memref<2x4x4x8x128xf32, #tpu.memory_space<vmem>>, vector<16xf32>,
        tpu.vector_store %arg8[%swap3A_793, %swap3A_794, %swap3A_795, %swap3A_796, %swap3A_797], %gather3A_695 {strides = array<i32>} : memref<2x4x4x8x128xf32, #tpu.memory_space<vmem>>, vector<16xf32>,
        %swap3A_799 = arith.constant 3 : i32
        %swap3A_800 = arith.constant 1 : i32
        %swap3A_801 = arith.constant 1 : i32
        %swap3A_802 = arith.index_cast %rem3A_493 : i32 to index
        %swap3A_803 = arith.index_cast %swap3A_799 : i32 to index
        %swap3A_804 = arith.index_cast %swap3A_800 : i32 to index
        %swap3A_805 = arith.index_cast %swap3A_801 : i32 to index
        %swap3A_806 = arith.index_cast %mul3A_687 : i32 to index
        %swap3A_807 = tpu.vector_load %arg8[%swap3A_802, %swap3A_803, %swap3A_804, %swap3A_805, %swap3A_806] {strides = array<i32>} : memref<2x4x4x8x128xf32, #tpu.memory_space<vmem>>, vector<16xf32>,
        tpu.vector_store %arg8[%swap3A_802, %swap3A_803, %swap3A_804, %swap3A_805, %swap3A_806], %gather3A_696 {strides = array<i32>} : memref<2x4x4x8x128xf32, #tpu.memory_space<vmem>>, vector<16xf32>,
        %swap3A_808 = arith.constant 3 : i32
        %swap3A_809 = arith.constant 1 : i32
        %swap3A_810 = arith.constant 2 : i32
        %swap3A_811 = arith.index_cast %rem3A_493 : i32 to index
        %swap3A_812 = arith.index_cast %swap3A_808 : i32 to index
        %swap3A_813 = arith.index_cast %swap3A_809 : i32 to index
        %swap3A_814 = arith.index_cast %swap3A_810 : i32 to index
        %swap3A_815 = arith.index_cast %mul3A_687 : i32 to index
        %swap3A_816 = tpu.vector_load %arg8[%swap3A_811, %swap3A_812, %swap3A_813, %swap3A_814, %swap3A_815] {strides = array<i32>} : memref<2x4x4x8x128xf32, #tpu.memory_space<vmem>>, vector<16xf32>,
        tpu.vector_store %arg8[%swap3A_811, %swap3A_812, %swap3A_813, %swap3A_814, %swap3A_815], %gather3A_697 {strides = array<i32>} : memref<2x4x4x8x128xf32, #tpu.memory_space<vmem>>, vector<16xf32>,
        %swap3A_817 = arith.constant 3 : i32
        %swap3A_818 = arith.constant 1 : i32
        %swap3A_819 = arith.constant 3 : i32
        %swap3A_820 = arith.index_cast %rem3A_493 : i32 to index
        %swap3A_821 = arith.index_cast %swap3A_817 : i32 to index
        %swap3A_822 = arith.index_cast %swap3A_818 : i32 to index
        %swap3A_823 = arith.index_cast %swap3A_819 : i32 to index
        %swap3A_824 = arith.index_cast %mul3A_687 : i32 to index
        %swap3A_825 = tpu.vector_load %arg8[%swap3A_820, %swap3A_821, %swap3A_822, %swap3A_823, %swap3A_824] {strides = array<i32>} : memref<2x4x4x8x128xf32, #tpu.memory_space<vmem>>, vector<16xf32>,
        tpu.vector_store %arg8[%swap3A_820, %swap3A_821, %swap3A_822, %swap3A_823, %swap3A_824], %gather3A_698 {strides = array<i32>} : memref<2x4x4x8x128xf32, #tpu.memory_space<vmem>>, vector<16xf32>,
        %swap3A_826 = arith.constant 3 : i32
        %swap3A_827 = arith.constant 1 : i32
        %swap3A_828 = arith.constant 4 : i32
        %swap3A_829 = arith.index_cast %rem3A_493 : i32 to index
        %swap3A_830 = arith.index_cast %swap3A_826 : i32 to index
        %swap3A_831 = arith.index_cast %swap3A_827 : i32 to index
        %swap3A_832 = arith.index_cast %swap3A_828 : i32 to index
        %swap3A_833 = arith.index_cast %mul3A_687 : i32 to index
        %swap3A_834 = tpu.vector_load %arg8[%swap3A_829, %swap3A_830, %swap3A_831, %swap3A_832, %swap3A_833] {strides = array<i32>} : memref<2x4x4x8x128xf32, #tpu.memory_space<vmem>>, vector<16xf32>,
        tpu.vector_store %arg8[%swap3A_829, %swap3A_830, %swap3A_831, %swap3A_832, %swap3A_833], %gather3A_699 {strides = array<i32>} : memref<2x4x4x8x128xf32, #tpu.memory_space<vmem>>, vector<16xf32>,
        %swap3A_835 = arith.constant 3 : i32
        %swap3A_836 = arith.constant 1 : i32
        %swap3A_837 = arith.constant 5 : i32
        %swap3A_838 = arith.index_cast %rem3A_493 : i32 to index
        %swap3A_839 = arith.index_cast %swap3A_835 : i32 to index
        %swap3A_840 = arith.index_cast %swap3A_836 : i32 to index
        %swap3A_841 = arith.index_cast %swap3A_837 : i32 to index
        %swap3A_842 = arith.index_cast %mul3A_687 : i32 to index
        %swap3A_843 = tpu.vector_load %arg8[%swap3A_838, %swap3A_839, %swap3A_840, %swap3A_841, %swap3A_842] {strides = array<i32>} : memref<2x4x4x8x128xf32, #tpu.memory_space<vmem>>, vector<16xf32>,
        tpu.vector_store %arg8[%swap3A_838, %swap3A_839, %swap3A_840, %swap3A_841, %swap3A_842], %gather3A_700 {strides = array<i32>} : memref<2x4x4x8x128xf32, #tpu.memory_space<vmem>>, vector<16xf32>,
        %swap3A_844 = arith.constant 3 : i32
        %swap3A_845 = arith.constant 1 : i32
        %swap3A_846 = arith.constant 6 : i32
        %swap3A_847 = arith.index_cast %rem3A_493 : i32 to index
        %swap3A_848 = arith.index_cast %swap3A_844 : i32 to index
        %swap3A_849 = arith.index_cast %swap3A_845 : i32 to index
        %swap3A_850 = arith.index_cast %swap3A_846 : i32 to index
        %swap3A_851 = arith.index_cast %mul3A_687 : i32 to index
        %swap3A_852 = tpu.vector_load %arg8[%swap3A_847, %swap3A_848, %swap3A_849, %swap3A_850, %swap3A_851] {strides = array<i32>} : memref<2x4x4x8x128xf32, #tpu.memory_space<vmem>>, vector<16xf32>,
        tpu.vector_store %arg8[%swap3A_847, %swap3A_848, %swap3A_849, %swap3A_850, %swap3A_851], %gather3A_701 {strides = array<i32>} : memref<2x4x4x8x128xf32, #tpu.memory_space<vmem>>, vector<16xf32>,
        %swap3A_853 = arith.constant 3 : i32
        %swap3A_854 = arith.constant 1 : i32
        %swap3A_855 = arith.constant 7 : i32
        %swap3A_856 = arith.index_cast %rem3A_493 : i32 to index
        %swap3A_857 = arith.index_cast %swap3A_853 : i32 to index
        %swap3A_858 = arith.index_cast %swap3A_854 : i32 to index
        %swap3A_859 = arith.index_cast %swap3A_855 : i32 to index
        %swap3A_860 = arith.index_cast %mul3A_687 : i32 to index
        %swap3A_861 = tpu.vector_load %arg8[%swap3A_856, %swap3A_857, %swap3A_858, %swap3A_859, %swap3A_860] {strides = array<i32>} : memref<2x4x4x8x128xf32, #tpu.memory_space<vmem>>, vector<16xf32>,
        tpu.vector_store %arg8[%swap3A_856, %swap3A_857, %swap3A_858, %swap3A_859, %swap3A_860], %gather3A_702 {strides = array<i32>} : memref<2x4x4x8x128xf32, #tpu.memory_space<vmem>>, vector<16xf32>,
        %swap3A_862 = arith.constant 3 : i32
        %swap3A_863 = arith.constant 2 : i32
        %swap3A_864 = arith.constant 0 : i32
        %swap3A_865 = arith.index_cast %rem3A_493 : i32 to index
        %swap3A_866 = arith.index_cast %swap3A_862 : i32 to index
        %swap3A_867 = arith.index_cast %swap3A_863 : i32 to index
        %swap3A_868 = arith.index_cast %swap3A_864 : i32 to index
        %swap3A_869 = arith.index_cast %mul3A_687 : i32 to index
        %swap3A_870 = tpu.vector_load %arg8[%swap3A_865, %swap3A_866, %swap3A_867, %swap3A_868, %swap3A_869] {strides = array<i32>} : memref<2x4x4x8x128xf32, #tpu.memory_space<vmem>>, vector<16xf32>,
        tpu.vector_store %arg8[%swap3A_865, %swap3A_866, %swap3A_867, %swap3A_868, %swap3A_869], %gather3A_703 {strides = array<i32>} : memref<2x4x4x8x128xf32, #tpu.memory_space<vmem>>, vector<16xf32>,
        %swap3A_871 = arith.constant 3 : i32
        %swap3A_872 = arith.constant 2 : i32
        %swap3A_873 = arith.constant 1 : i32
        %swap3A_874 = arith.index_cast %rem3A_493 : i32 to index
        %swap3A_875 = arith.index_cast %swap3A_871 : i32 to index
        %swap3A_876 = arith.index_cast %swap3A_872 : i32 to index
        %swap3A_877 = arith.index_cast %swap3A_873 : i32 to index
        %swap3A_878 = arith.index_cast %mul3A_687 : i32 to index
        %swap3A_879 = tpu.vector_load %arg8[%swap3A_874, %swap3A_875, %swap3A_876, %swap3A_877, %swap3A_878] {strides = array<i32>} : memref<2x4x4x8x128xf32, #tpu.memory_space<vmem>>, vector<16xf32>,
        tpu.vector_store %arg8[%swap3A_874, %swap3A_875, %swap3A_876, %swap3A_877, %swap3A_878], %gather3A_704 {strides = array<i32>} : memref<2x4x4x8x128xf32, #tpu.memory_space<vmem>>, vector<16xf32>,
        %swap3A_880 = arith.constant 3 : i32
        %swap3A_881 = arith.constant 2 : i32
        %swap3A_882 = arith.constant 2 : i32
        %swap3A_883 = arith.index_cast %rem3A_493 : i32 to index
        %swap3A_884 = arith.index_cast %swap3A_880 : i32 to index
        %swap3A_885 = arith.index_cast %swap3A_881 : i32 to index
        %swap3A_886 = arith.index_cast %swap3A_882 : i32 to index
        %swap3A_887 = arith.index_cast %mul3A_687 : i32 to index
        %swap3A_888 = tpu.vector_load %arg8[%swap3A_883, %swap3A_884, %swap3A_885, %swap3A_886, %swap3A_887] {strides = array<i32>} : memref<2x4x4x8x128xf32, #tpu.memory_space<vmem>>, vector<16xf32>,
        tpu.vector_store %arg8[%swap3A_883, %swap3A_884, %swap3A_885, %swap3A_886, %swap3A_887], %gather3A_705 {strides = array<i32>} : memref<2x4x4x8x128xf32, #tpu.memory_space<vmem>>, vector<16xf32>,
        %swap3A_889 = arith.constant 3 : i32
        %swap3A_890 = arith.constant 2 : i32
        %swap3A_891 = arith.constant 3 : i32
        %swap3A_892 = arith.index_cast %rem3A_493 : i32 to index
        %swap3A_893 = arith.index_cast %swap3A_889 : i32 to index
        %swap3A_894 = arith.index_cast %swap3A_890 : i32 to index
        %swap3A_895 = arith.index_cast %swap3A_891 : i32 to index
        %swap3A_896 = arith.index_cast %mul3A_687 : i32 to index
        %swap3A_897 = tpu.vector_load %arg8[%swap3A_892, %swap3A_893, %swap3A_894, %swap3A_895, %swap3A_896] {strides = array<i32>} : memref<2x4x4x8x128xf32, #tpu.memory_space<vmem>>, vector<16xf32>,
        tpu.vector_store %arg8[%swap3A_892, %swap3A_893, %swap3A_894, %swap3A_895, %swap3A_896], %gather3A_706 {strides = array<i32>} : memref<2x4x4x8x128xf32, #tpu.memory_space<vmem>>, vector<16xf32>,
        %swap3A_898 = arith.constant 3 : i32
        %swap3A_899 = arith.constant 2 : i32
        %swap3A_900 = arith.constant 4 : i32
        %swap3A_901 = arith.index_cast %rem3A_493 : i32 to index
        %swap3A_902 = arith.index_cast %swap3A_898 : i32 to index
        %swap3A_903 = arith.index_cast %swap3A_899 : i32 to index
        %swap3A_904 = arith.index_cast %swap3A_900 : i32 to index
        %swap3A_905 = arith.index_cast %mul3A_687 : i32 to index
        %swap3A_906 = tpu.vector_load %arg8[%swap3A_901, %swap3A_902, %swap3A_903, %swap3A_904, %swap3A_905] {strides = array<i32>} : memref<2x4x4x8x128xf32, #tpu.memory_space<vmem>>, vector<16xf32>,
        tpu.vector_store %arg8[%swap3A_901, %swap3A_902, %swap3A_903, %swap3A_904, %swap3A_905], %gather3A_707 {strides = array<i32>} : memref<2x4x4x8x128xf32, #tpu.memory_space<vmem>>, vector<16xf32>,
        %swap3A_907 = arith.constant 3 : i32
        %swap3A_908 = arith.constant 2 : i32
        %swap3A_909 = arith.constant 5 : i32
        %swap3A_910 = arith.index_cast %rem3A_493 : i32 to index
        %swap3A_911 = arith.index_cast %swap3A_907 : i32 to index
        %swap3A_912 = arith.index_cast %swap3A_908 : i32 to index
        %swap3A_913 = arith.index_cast %swap3A_909 : i32 to index
        %swap3A_914 = arith.index_cast %mul3A_687 : i32 to index
        %swap3A_915 = tpu.vector_load %arg8[%swap3A_910, %swap3A_911, %swap3A_912, %swap3A_913, %swap3A_914] {strides = array<i32>} : memref<2x4x4x8x128xf32, #tpu.memory_space<vmem>>, vector<16xf32>,
        tpu.vector_store %arg8[%swap3A_910, %swap3A_911, %swap3A_912, %swap3A_913, %swap3A_914], %gather3A_708 {strides = array<i32>} : memref<2x4x4x8x128xf32, #tpu.memory_space<vmem>>, vector<16xf32>,
        %swap3A_916 = arith.constant 3 : i32
        %swap3A_917 = arith.constant 2 : i32
        %swap3A_918 = arith.constant 6 : i32
        %swap3A_919 = arith.index_cast %rem3A_493 : i32 to index
        %swap3A_920 = arith.index_cast %swap3A_916 : i32 to index
        %swap3A_921 = arith.index_cast %swap3A_917 : i32 to index
        %swap3A_922 = arith.index_cast %swap3A_918 : i32 to index
        %swap3A_923 = arith.index_cast %mul3A_687 : i32 to index
        %swap3A_924 = tpu.vector_load %arg8[%swap3A_919, %swap3A_920, %swap3A_921, %swap3A_922, %swap3A_923] {strides = array<i32>} : memref<2x4x4x8x128xf32, #tpu.memory_space<vmem>>, vector<16xf32>,
        tpu.vector_store %arg8[%swap3A_919, %swap3A_920, %swap3A_921, %swap3A_922, %swap3A_923], %gather3A_709 {strides = array<i32>} : memref<2x4x4x8x128xf32, #tpu.memory_space<vmem>>, vector<16xf32>,
        %swap3A_925 = arith.constant 3 : i32
        %swap3A_926 = arith.constant 2 : i32
        %swap3A_927 = arith.constant 7 : i32
        %swap3A_928 = arith.index_cast %rem3A_493 : i32 to index
        %swap3A_929 = arith.index_cast %swap3A_925 : i32 to index
        %swap3A_930 = arith.index_cast %swap3A_926 : i32 to index
        %swap3A_931 = arith.index_cast %swap3A_927 : i32 to index
        %swap3A_932 = arith.index_cast %mul3A_687 : i32 to index
        %swap3A_933 = tpu.vector_load %arg8[%swap3A_928, %swap3A_929, %swap3A_930, %swap3A_931, %swap3A_932] {strides = array<i32>} : memref<2x4x4x8x128xf32, #tpu.memory_space<vmem>>, vector<16xf32>,
        tpu.vector_store %arg8[%swap3A_928, %swap3A_929, %swap3A_930, %swap3A_931, %swap3A_932], %gather3A_710 {strides = array<i32>} : memref<2x4x4x8x128xf32, #tpu.memory_space<vmem>>, vector<16xf32>,
        %swap3A_934 = arith.constant 3 : i32
        %swap3A_935 = arith.constant 3 : i32
        %swap3A_936 = arith.constant 0 : i32
        %swap3A_937 = arith.index_cast %rem3A_493 : i32 to index
        %swap3A_938 = arith.index_cast %swap3A_934 : i32 to index
        %swap3A_939 = arith.index_cast %swap3A_935 : i32 to index
        %swap3A_940 = arith.index_cast %swap3A_936 : i32 to index
        %swap3A_941 = arith.index_cast %mul3A_687 : i32 to index
        %swap3A_942 = tpu.vector_load %arg8[%swap3A_937, %swap3A_938, %swap3A_939, %swap3A_940, %swap3A_941] {strides = array<i32>} : memref<2x4x4x8x128xf32, #tpu.memory_space<vmem>>, vector<16xf32>,
        tpu.vector_store %arg8[%swap3A_937, %swap3A_938, %swap3A_939, %swap3A_940, %swap3A_941], %gather3A_711 {strides = array<i32>} : memref<2x4x4x8x128xf32, #tpu.memory_space<vmem>>, vector<16xf32>,
        %swap3A_943 = arith.constant 3 : i32
        %swap3A_944 = arith.constant 3 : i32
        %swap3A_945 = arith.constant 1 : i32
        %swap3A_946 = arith.index_cast %rem3A_493 : i32 to index
        %swap3A_947 = arith.index_cast %swap3A_943 : i32 to index
        %swap3A_948 = arith.index_cast %swap3A_944 : i32 to index
        %swap3A_949 = arith.index_cast %swap3A_945 : i32 to index
        %swap3A_950 = arith.index_cast %mul3A_687 : i32 to index
        %swap3A_951 = tpu.vector_load %arg8[%swap3A_946, %swap3A_947, %swap3A_948, %swap3A_949, %swap3A_950] {strides = array<i32>} : memref<2x4x4x8x128xf32, #tpu.memory_space<vmem>>, vector<16xf32>,
        tpu.vector_store %arg8[%swap3A_946, %swap3A_947, %swap3A_948, %swap3A_949, %swap3A_950], %gather3A_712 {strides = array<i32>} : memref<2x4x4x8x128xf32, #tpu.memory_space<vmem>>, vector<16xf32>,
        %swap3A_952 = arith.constant 3 : i32
        %swap3A_953 = arith.constant 3 : i32
        %swap3A_954 = arith.constant 2 : i32
        %swap3A_955 = arith.index_cast %rem3A_493 : i32 to index
        %swap3A_956 = arith.index_cast %swap3A_952 : i32 to index
        %swap3A_957 = arith.index_cast %swap3A_953 : i32 to index
        %swap3A_958 = arith.index_cast %swap3A_954 : i32 to index
        %swap3A_959 = arith.index_cast %mul3A_687 : i32 to index
        %swap3A_960 = tpu.vector_load %arg8[%swap3A_955, %swap3A_956, %swap3A_957, %swap3A_958, %swap3A_959] {strides = array<i32>} : memref<2x4x4x8x128xf32, #tpu.memory_space<vmem>>, vector<16xf32>,
        tpu.vector_store %arg8[%swap3A_955, %swap3A_956, %swap3A_957, %swap3A_958, %swap3A_959], %gather3A_713 {strides = array<i32>} : memref<2x4x4x8x128xf32, #tpu.memory_space<vmem>>, vector<16xf32>,
        %swap3A_961 = arith.constant 3 : i32
        %swap3A_962 = arith.constant 3 : i32
        %swap3A_963 = arith.constant 3 : i32
        %swap3A_964 = arith.index_cast %rem3A_493 : i32 to index
        %swap3A_965 = arith.index_cast %swap3A_961 : i32 to index
        %swap3A_966 = arith.index_cast %swap3A_962 : i32 to index
        %swap3A_967 = arith.index_cast %swap3A_963 : i32 to index
        %swap3A_968 = arith.index_cast %mul3A_687 : i32 to index
        %swap3A_969 = tpu.vector_load %arg8[%swap3A_964, %swap3A_965, %swap3A_966, %swap3A_967, %swap3A_968] {strides = array<i32>} : memref<2x4x4x8x128xf32, #tpu.memory_space<vmem>>, vector<16xf32>,
        tpu.vector_store %arg8[%swap3A_964, %swap3A_965, %swap3A_966, %swap3A_967, %swap3A_968], %gather3A_714 {strides = array<i32>} : memref<2x4x4x8x128xf32, #tpu.memory_space<vmem>>, vector<16xf32>,
        %swap3A_970 = arith.constant 3 : i32
        %swap3A_971 = arith.constant 3 : i32
        %swap3A_972 = arith.constant 4 : i32
        %swap3A_973 = arith.index_cast %rem3A_493 : i32 to index
        %swap3A_974 = arith.index_cast %swap3A_970 : i32 to index
        %swap3A_975 = arith.index_cast %swap3A_971 : i32 to index
        %swap3A_976 = arith.index_cast %swap3A_972 : i32 to index
        %swap3A_977 = arith.index_cast %mul3A_687 : i32 to index
        %swap3A_978 = tpu.vector_load %arg8[%swap3A_973, %swap3A_974, %swap3A_975, %swap3A_976, %swap3A_977] {strides = array<i32>} : memref<2x4x4x8x128xf32, #tpu.memory_space<vmem>>, vector<16xf32>,
        tpu.vector_store %arg8[%swap3A_973, %swap3A_974, %swap3A_975, %swap3A_976, %swap3A_977], %gather3A_715 {strides = array<i32>} : memref<2x4x4x8x128xf32, #tpu.memory_space<vmem>>, vector<16xf32>,
        %swap3A_979 = arith.constant 3 : i32
        %swap3A_980 = arith.constant 3 : i32
        %swap3A_981 = arith.constant 5 : i32
        %swap3A_982 = arith.index_cast %rem3A_493 : i32 to index
        %swap3A_983 = arith.index_cast %swap3A_979 : i32 to index
        %swap3A_984 = arith.index_cast %swap3A_980 : i32 to index
        %swap3A_985 = arith.index_cast %swap3A_981 : i32 to index
        %swap3A_986 = arith.index_cast %mul3A_687 : i32 to index
        %swap3A_987 = tpu.vector_load %arg8[%swap3A_982, %swap3A_983, %swap3A_984, %swap3A_985, %swap3A_986] {strides = array<i32>} : memref<2x4x4x8x128xf32, #tpu.memory_space<vmem>>, vector<16xf32>,
        tpu.vector_store %arg8[%swap3A_982, %swap3A_983, %swap3A_984, %swap3A_985, %swap3A_986], %gather3A_716 {strides = array<i32>} : memref<2x4x4x8x128xf32, #tpu.memory_space<vmem>>, vector<16xf32>,
        %swap3A_988 = arith.constant 3 : i32
        %swap3A_989 = arith.constant 3 : i32
        %swap3A_990 = arith.constant 6 : i32
        %swap3A_991 = arith.index_cast %rem3A_493 : i32 to index
        %swap3A_992 = arith.index_cast %swap3A_988 : i32 to index
        %swap3A_993 = arith.index_cast %swap3A_989 : i32 to index
        %swap3A_994 = arith.index_cast %swap3A_990 : i32 to index
        %swap3A_995 = arith.index_cast %mul3A_687 : i32 to index
        %swap3A_996 = tpu.vector_load %arg8[%swap3A_991, %swap3A_992, %swap3A_993, %swap3A_994, %swap3A_995] {strides = array<i32>} : memref<2x4x4x8x128xf32, #tpu.memory_space<vmem>>, vector<16xf32>,
        tpu.vector_store %arg8[%swap3A_991, %swap3A_992, %swap3A_993, %swap3A_994, %swap3A_995], %gather3A_717 {strides = array<i32>} : memref<2x4x4x8x128xf32, #tpu.memory_space<vmem>>, vector<16xf32>,
        %swap3A_997 = arith.constant 3 : i32
        %swap3A_998 = arith.constant 3 : i32
        %swap3A_999 = arith.constant 7 : i32
        %swap3A_1000 = arith.index_cast %rem3A_493 : i32 to index
        %swap3A_1001 = arith.index_cast %swap3A_997 : i32 to index
        %swap3A_1002 = arith.index_cast %swap3A_998 : i32 to index
        %swap3A_1003 = arith.index_cast %swap3A_999 : i32 to index
        %swap3A_1004 = arith.index_cast %mul3A_687 : i32 to index
        %swap3A_1005 = tpu.vector_load %arg8[%swap3A_1000, %swap3A_1001, %swap3A_1002, %swap3A_1003, %swap3A_1004] {strides = array<i32>} : memref<2x4x4x8x128xf32, #tpu.memory_space<vmem>>, vector<16xf32>,
        tpu.vector_store %arg8[%swap3A_1000, %swap3A_1001, %swap3A_1002, %swap3A_1003, %swap3A_1004], %gather3A_718 {strides = array<i32>} : memref<2x4x4x8x128xf32, #tpu.memory_space<vmem>>, vector<16xf32>,
      }
      %scan3A_541 = arith.constant 8 : i32
      %rem3A_542 = arith.constant 2 : i32
      %rem3A_543 = arith.remsi %scan3A_400, %rem3A_542 : i32
      %mul3A_544 = arith.constant 4 : i32
      %mul3A_545 = arith.muli %scan3A_400, %mul3A_544 : i32
      %dma_start3A_546 = arith.constant 0 : i32
      %dma_start3A_547 = arith.constant 0 : i32
      %dma_start3A_548 = arith.constant 0 : i32
      %dma_start3A_549 = arith.constant 0 : i32
      %dma_start3A_550 = arith.constant 0 : i32
      %dma_start3A_551 = tpu.memref_slice %arg8[%rem3A_543, %dma_start3A_548, %dma_start3A_546, %dma_start3A_549, %dma_start3A_550] : memref<2x4x4x8x128xf32, #tpu.memory_space<vmem>> -> memref<1x4x1x8x128xf32, #tpu.memory_space<vmem>>
      %dma_start3A_552 = tpu.memref_squeeze %dma_start3A_551 : memref<1x4x1x8x128xf32, #tpu.memory_space<vmem>> -> memref<4x8x128xf32, #tpu.memory_space<vmem>>
      %dma_start3A_553 = arith.constant 0 : i32
      %dma_start3A_554 = arith.constant 0 : i32
      %dma_start3A_555 = tpu.memref_slice %arg5[%mul3A_545, %dma_start3A_547, %add3A, %dma_start3A_553, %dma_start3A_554] : memref<200x8x32x8x128xf32, #tpu.memory_space<hbm>> -> memref<4x1x1x8x128xf32, #tpu.memory_space<hbm>>
      %dma_start3A_556 = tpu.memref_squeeze %dma_start3A_555 : memref<4x1x1x8x128xf32, #tpu.memory_space<hbm>> -> memref<4x8x128xf32, #tpu.memory_space<hbm>>
      %dma_start3A_557 = arith.constant 0 : i32
      %dma_start3A_558 = arith.constant 0 : i32
      %dma_start3A_559 = tpu.memref_slice %arg5[%mul3A_545, %dma_start3A_547, %add3A, %dma_start3A_557, %dma_start3A_558] : memref<200x8x32x8x128xf32, #tpu.memory_space<hbm>> -> memref<4x1x1x8x128xf32, #tpu.memory_space<hbm>>
      %dma_start3A_560 = tpu.memref_squeeze %dma_start3A_559 : memref<4x1x1x8x128xf32, #tpu.memory_space<hbm>> -> memref<4x8x128xf32, #tpu.memory_space<hbm>>
      %dma_start3A_561 = arith.constant 0 : i32
      %dma_start3A_562 = arith.constant 0 : i32
      %dma_start3A_563 = arith.constant 0 : i32
      %dma_start3A_564 = tpu.memref_slice %arg8[%rem3A_543, %dma_start3A_561, %dma_start3A_546, %dma_start3A_562, %dma_start3A_563] : memref<2x4x4x8x128xf32, #tpu.memory_space<vmem>> -> memref<1x4x1x8x128xf32, #tpu.memory_space<vmem>>
      %dma_start3A_565 = tpu.memref_squeeze %dma_start3A_564 : memref<1x4x1x8x128xf32, #tpu.memory_space<vmem>> -> memref<4x8x128xf32, #tpu.memory_space<vmem>>
      tpu.enqueue_dma source(%dma_start3A_565 : memref<4x8x128xf32, #tpu.memory_space<vmem>>) target(%dma_start3A_560 : memref<4x8x128xf32, #tpu.memory_space<hbm>>) target_semaphore(%arg12 : memref<!tpu.dma_semaphore, #tpu.memory_space<semaphore_mem>>)
      %mul3A_566 = arith.constant 4 : i32
      %mul3A_567 = arith.muli %scan3A_400, %mul3A_566 : i32
      %dma_start3A_568 = arith.constant 1 : i32
      %dma_start3A_569 = arith.constant 1 : i32
      %dma_start3A_570 = arith.constant 0 : i32
      %dma_start3A_571 = arith.constant 0 : i32
      %dma_start3A_572 = arith.constant 0 : i32
      %dma_start3A_573 = tpu.memref_slice %arg8[%rem3A_543, %dma_start3A_570, %dma_start3A_568, %dma_start3A_571, %dma_start3A_572] : memref<2x4x4x8x128xf32, #tpu.memory_space<vmem>> -> memref<1x4x1x8x128xf32, #tpu.memory_space<vmem>>
      %dma_start3A_574 = tpu.memref_squeeze %dma_start3A_573 : memref<1x4x1x8x128xf32, #tpu.memory_space<vmem>> -> memref<4x8x128xf32, #tpu.memory_space<vmem>>
      %dma_start3A_575 = arith.constant 0 : i32
      %dma_start3A_576 = arith.constant 0 : i32
      %dma_start3A_577 = tpu.memref_slice %arg5[%mul3A_567, %dma_start3A_569, %add3A, %dma_start3A_575, %dma_start3A_576] : memref<200x8x32x8x128xf32, #tpu.memory_space<hbm>> -> memref<4x1x1x8x128xf32, #tpu.memory_space<hbm>>
      %dma_start3A_578 = tpu.memref_squeeze %dma_start3A_577 : memref<4x1x1x8x128xf32, #tpu.memory_space<hbm>> -> memref<4x8x128xf32, #tpu.memory_space<hbm>>
      %dma_start3A_579 = arith.constant 0 : i32
      %dma_start3A_580 = arith.constant 0 : i32
      %dma_start3A_581 = tpu.memref_slice %arg5[%mul3A_567, %dma_start3A_569, %add3A, %dma_start3A_579, %dma_start3A_580] : memref<200x8x32x8x128xf32, #tpu.memory_space<hbm>> -> memref<4x1x1x8x128xf32, #tpu.memory_space<hbm>>
      %dma_start3A_582 = tpu.memref_squeeze %dma_start3A_581 : memref<4x1x1x8x128xf32, #tpu.memory_space<hbm>> -> memref<4x8x128xf32, #tpu.memory_space<hbm>>
      %dma_start3A_583 = arith.constant 0 : i32
      %dma_start3A_584 = arith.constant 0 : i32
      %dma_start3A_585 = arith.constant 0 : i32
      %dma_start3A_586 = tpu.memref_slice %arg8[%rem3A_543, %dma_start3A_583, %dma_start3A_568, %dma_start3A_584, %dma_start3A_585] : memref<2x4x4x8x128xf32, #tpu.memory_space<vmem>> -> memref<1x4x1x8x128xf32, #tpu.memory_space<vmem>>
      %dma_start3A_587 = tpu.memref_squeeze %dma_start3A_586 : memref<1x4x1x8x128xf32, #tpu.memory_space<vmem>> -> memref<4x8x128xf32, #tpu.memory_space<vmem>>
      tpu.enqueue_dma source(%dma_start3A_587 : memref<4x8x128xf32, #tpu.memory_space<vmem>>) target(%dma_start3A_582 : memref<4x8x128xf32, #tpu.memory_space<hbm>>) target_semaphore(%arg12 : memref<!tpu.dma_semaphore, #tpu.memory_space<semaphore_mem>>)
      %mul3A_588 = arith.constant 4 : i32
      %mul3A_589 = arith.muli %scan3A_400, %mul3A_588 : i32
      %dma_start3A_590 = arith.constant 2 : i32
      %dma_start3A_591 = arith.constant 2 : i32
      %dma_start3A_592 = arith.constant 0 : i32
      %dma_start3A_593 = arith.constant 0 : i32
      %dma_start3A_594 = arith.constant 0 : i32
      %dma_start3A_595 = tpu.memref_slice %arg8[%rem3A_543, %dma_start3A_592, %dma_start3A_590, %dma_start3A_593, %dma_start3A_594] : memref<2x4x4x8x128xf32, #tpu.memory_space<vmem>> -> memref<1x4x1x8x128xf32, #tpu.memory_space<vmem>>
      %dma_start3A_596 = tpu.memref_squeeze %dma_start3A_595 : memref<1x4x1x8x128xf32, #tpu.memory_space<vmem>> -> memref<4x8x128xf32, #tpu.memory_space<vmem>>
      %dma_start3A_597 = arith.constant 0 : i32
      %dma_start3A_598 = arith.constant 0 : i32
      %dma_start3A_599 = tpu.memref_slice %arg5[%mul3A_589, %dma_start3A_591, %add3A, %dma_start3A_597, %dma_start3A_598] : memref<200x8x32x8x128xf32, #tpu.memory_space<hbm>> -> memref<4x1x1x8x128xf32, #tpu.memory_space<hbm>>
      %dma_start3A_600 = tpu.memref_squeeze %dma_start3A_599 : memref<4x1x1x8x128xf32, #tpu.memory_space<hbm>> -> memref<4x8x128xf32, #tpu.memory_space<hbm>>
      %dma_start3A_601 = arith.constant 0 : i32
      %dma_start3A_602 = arith.constant 0 : i32
      %dma_start3A_603 = tpu.memref_slice %arg5[%mul3A_589, %dma_start3A_591, %add3A, %dma_start3A_601, %dma_start3A_602] : memref<200x8x32x8x128xf32, #tpu.memory_space<hbm>> -> memref<4x1x1x8x128xf32, #tpu.memory_space<hbm>>
      %dma_start3A_604 = tpu.memref_squeeze %dma_start3A_603 : memref<4x1x1x8x128xf32, #tpu.memory_space<hbm>> -> memref<4x8x128xf32, #tpu.memory_space<hbm>>
      %dma_start3A_605 = arith.constant 0 : i32
      %dma_start3A_606 = arith.constant 0 : i32
      %dma_start3A_607 = arith.constant 0 : i32
      %dma_start3A_608 = tpu.memref_slice %arg8[%rem3A_543, %dma_start3A_605, %dma_start3A_590, %dma_start3A_606, %dma_start3A_607] : memref<2x4x4x8x128xf32, #tpu.memory_space<vmem>> -> memref<1x4x1x8x128xf32, #tpu.memory_space<vmem>>
      %dma_start3A_609 = tpu.memref_squeeze %dma_start3A_608 : memref<1x4x1x8x128xf32, #tpu.memory_space<vmem>> -> memref<4x8x128xf32, #tpu.memory_space<vmem>>
      tpu.enqueue_dma source(%dma_start3A_609 : memref<4x8x128xf32, #tpu.memory_space<vmem>>) target(%dma_start3A_604 : memref<4x8x128xf32, #tpu.memory_space<hbm>>) target_semaphore(%arg12 : memref<!tpu.dma_semaphore, #tpu.memory_space<semaphore_mem>>)
      %mul3A_610 = arith.constant 4 : i32
      %mul3A_611 = arith.muli %scan3A_400, %mul3A_610 : i32
      %dma_start3A_612 = arith.constant 3 : i32
      %dma_start3A_613 = arith.constant 3 : i32
      %dma_start3A_614 = arith.constant 0 : i32
      %dma_start3A_615 = arith.constant 0 : i32
      %dma_start3A_616 = arith.constant 0 : i32
      %dma_start3A_617 = tpu.memref_slice %arg8[%rem3A_543, %dma_start3A_614, %dma_start3A_612, %dma_start3A_615, %dma_start3A_616] : memref<2x4x4x8x128xf32, #tpu.memory_space<vmem>> -> memref<1x4x1x8x128xf32, #tpu.memory_space<vmem>>
      %dma_start3A_618 = tpu.memref_squeeze %dma_start3A_617 : memref<1x4x1x8x128xf32, #tpu.memory_space<vmem>> -> memref<4x8x128xf32, #tpu.memory_space<vmem>>
      %dma_start3A_619 = arith.constant 0 : i32
      %dma_start3A_620 = arith.constant 0 : i32
      %dma_start3A_621 = tpu.memref_slice %arg5[%mul3A_611, %dma_start3A_613, %add3A, %dma_start3A_619, %dma_start3A_620] : memref<200x8x32x8x128xf32, #tpu.memory_space<hbm>> -> memref<4x1x1x8x128xf32, #tpu.memory_space<hbm>>
      %dma_start3A_622 = tpu.memref_squeeze %dma_start3A_621 : memref<4x1x1x8x128xf32, #tpu.memory_space<hbm>> -> memref<4x8x128xf32, #tpu.memory_space<hbm>>
      %dma_start3A_623 = arith.constant 0 : i32
      %dma_start3A_624 = arith.constant 0 : i32
      %dma_start3A_625 = tpu.memref_slice %arg5[%mul3A_611, %dma_start3A_613, %add3A, %dma_start3A_623, %dma_start3A_624] : memref<200x8x32x8x128xf32, #tpu.memory_space<hbm>> -> memref<4x1x1x8x128xf32, #tpu.memory_space<hbm>>
      %dma_start3A_626 = tpu.memref_squeeze %dma_start3A_625 : memref<4x1x1x8x128xf32, #tpu.memory_space<hbm>> -> memref<4x8x128xf32, #tpu.memory_space<hbm>>
      %dma_start3A_627 = arith.constant 0 : i32
      %dma_start3A_628 = arith.constant 0 : i32
      %dma_start3A_629 = arith.constant 0 : i32
      %dma_start3A_630 = tpu.memref_slice %arg8[%rem3A_543, %dma_start3A_627, %dma_start3A_612, %dma_start3A_628, %dma_start3A_629] : memref<2x4x4x8x128xf32, #tpu.memory_space<vmem>> -> memref<1x4x1x8x128xf32, #tpu.memory_space<vmem>>
      %dma_start3A_631 = tpu.memref_squeeze %dma_start3A_630 : memref<1x4x1x8x128xf32, #tpu.memory_space<vmem>> -> memref<4x8x128xf32, #tpu.memory_space<vmem>>
      tpu.enqueue_dma source(%dma_start3A_631 : memref<4x8x128xf32, #tpu.memory_space<vmem>>) target(%dma_start3A_626 : memref<4x8x128xf32, #tpu.memory_space<hbm>>) target_semaphore(%arg12 : memref<!tpu.dma_semaphore, #tpu.memory_space<semaphore_mem>>)
      %mul3A_632 = arith.constant 4 : i32
      %mul3A_633 = arith.muli %scan3A_400, %mul3A_632 : i32
      %mul3A_634 = arith.constant 4 : i32
      %mul3A_635 = arith.muli %scan3A_400, %mul3A_634 : i32
      %dma_start3A_636 = arith.constant 4 : i32
      %dma_start3A_637 = arith.constant 0 : i32
      %dma_start3A_638 = arith.constant 0 : i32
      %dma_start3A_639 = tpu.memref_slice %arg5[%mul3A_635, %dma_start3A_636, %add3A, %dma_start3A_637, %dma_start3A_638] : memref<200x8x32x8x128xf32, #tpu.memory_space<hbm>> -> memref<4x1x1x8x128xf32, #tpu.memory_space<hbm>>
      %dma_start3A_640 = tpu.memref_squeeze %dma_start3A_639 : memref<4x1x1x8x128xf32, #tpu.memory_space<hbm>> -> memref<4x8x128xf32, #tpu.memory_space<hbm>>
      %dma_start3A_641 = arith.constant 0 : i32
      %dma_start3A_642 = arith.constant 0 : i32
      %dma_start3A_643 = tpu.memref_slice %arg9[%mul3A_633, %dma_start3A_641, %dma_start3A_642] : memref<200x32x128xf32, #tpu.memory_space<vmem_shared>> -> memref<4x8x128xf32, #tpu.memory_space<vmem_shared>>
      tpu.enqueue_dma source(%dma_start3A_643 : memref<4x8x128xf32, #tpu.memory_space<vmem_shared>>) target(%dma_start3A_640 : memref<4x8x128xf32, #tpu.memory_space<hbm>>) target_semaphore(%arg13 : memref<!tpu.dma_semaphore, #tpu.memory_space<semaphore_mem>>)
      %mul3A_644 = arith.constant 4 : i32
      %mul3A_645 = arith.muli %scan3A_400, %mul3A_644 : i32
      %mul3A_646 = arith.constant 4 : i32
      %mul3A_647 = arith.muli %scan3A_400, %mul3A_646 : i32
      %dma_start3A_648 = arith.constant 5 : i32
      %dma_start3A_649 = arith.constant 0 : i32
      %dma_start3A_650 = arith.constant 0 : i32
      %dma_start3A_651 = tpu.memref_slice %arg5[%mul3A_647, %dma_start3A_648, %add3A, %dma_start3A_649, %dma_start3A_650] : memref<200x8x32x8x128xf32, #tpu.memory_space<hbm>> -> memref<4x1x1x8x128xf32, #tpu.memory_space<hbm>>
      %dma_start3A_652 = tpu.memref_squeeze %dma_start3A_651 : memref<4x1x1x8x128xf32, #tpu.memory_space<hbm>> -> memref<4x8x128xf32, #tpu.memory_space<hbm>>
      %dma_start3A_653 = arith.constant 8 : i32
      %dma_start3A_654 = arith.constant 0 : i32
      %dma_start3A_655 = tpu.memref_slice %arg9[%mul3A_645, %dma_start3A_653, %dma_start3A_654] : memref<200x32x128xf32, #tpu.memory_space<vmem_shared>> -> memref<4x8x128xf32, #tpu.memory_space<vmem_shared>>
      tpu.enqueue_dma source(%dma_start3A_655 : memref<4x8x128xf32, #tpu.memory_space<vmem_shared>>) target(%dma_start3A_652 : memref<4x8x128xf32, #tpu.memory_space<hbm>>) target_semaphore(%arg13 : memref<!tpu.dma_semaphore, #tpu.memory_space<semaphore_mem>>)
      %mul3A_656 = arith.constant 4 : i32
      %mul3A_657 = arith.muli %scan3A_400, %mul3A_656 : i32
      %mul3A_658 = arith.constant 4 : i32
      %mul3A_659 = arith.muli %scan3A_400, %mul3A_658 : i32
      %dma_start3A_660 = arith.constant 6 : i32
      %dma_start3A_661 = arith.constant 0 : i32
      %dma_start3A_662 = arith.constant 0 : i32
      %dma_start3A_663 = tpu.memref_slice %arg5[%mul3A_659, %dma_start3A_660, %add3A, %dma_start3A_661, %dma_start3A_662] : memref<200x8x32x8x128xf32, #tpu.memory_space<hbm>> -> memref<4x1x1x8x128xf32, #tpu.memory_space<hbm>>
      %dma_start3A_664 = tpu.memref_squeeze %dma_start3A_663 : memref<4x1x1x8x128xf32, #tpu.memory_space<hbm>> -> memref<4x8x128xf32, #tpu.memory_space<hbm>>
      %dma_start3A_665 = arith.constant 16 : i32
      %dma_start3A_666 = arith.constant 0 : i32
      %dma_start3A_667 = tpu.memref_slice %arg9[%mul3A_657, %dma_start3A_665, %dma_start3A_666] : memref<200x32x128xf32, #tpu.memory_space<vmem_shared>> -> memref<4x8x128xf32, #tpu.memory_space<vmem_shared>>
      tpu.enqueue_dma source(%dma_start3A_667 : memref<4x8x128xf32, #tpu.memory_space<vmem_shared>>) target(%dma_start3A_664 : memref<4x8x128xf32, #tpu.memory_space<hbm>>) target_semaphore(%arg13 : memref<!tpu.dma_semaphore, #tpu.memory_space<semaphore_mem>>)
      %mul3A_668 = arith.constant 4 : i32
      %mul3A_669 = arith.muli %scan3A_400, %mul3A_668 : i32
      %mul3A_670 = arith.constant 4 : i32
      %mul3A_671 = arith.muli %scan3A_400, %mul3A_670 : i32
      %dma_start3A_672 = arith.constant 7 : i32
      %dma_start3A_673 = arith.constant 0 : i32
      %dma_start3A_674 = arith.constant 0 : i32
      %dma_start3A_675 = tpu.memref_slice %arg5[%mul3A_671, %dma_start3A_672, %add3A, %dma_start3A_673, %dma_start3A_674] : memref<200x8x32x8x128xf32, #tpu.memory_space<hbm>> -> memref<4x1x1x8x128xf32, #tpu.memory_space<hbm>>
      %dma_start3A_676 = tpu.memref_squeeze %dma_start3A_675 : memref<4x1x1x8x128xf32, #tpu.memory_space<hbm>> -> memref<4x8x128xf32, #tpu.memory_space<hbm>>
      %dma_start3A_677 = arith.constant 24 : i32
      %dma_start3A_678 = arith.constant 0 : i32
      %dma_start3A_679 = tpu.memref_slice %arg9[%mul3A_669, %dma_start3A_677, %dma_start3A_678] : memref<200x32x128xf32, #tpu.memory_space<vmem_shared>> -> memref<4x8x128xf32, #tpu.memory_space<vmem_shared>>
      tpu.enqueue_dma source(%dma_start3A_679 : memref<4x8x128xf32, #tpu.memory_space<vmem_shared>>) target(%dma_start3A_676 : memref<4x8x128xf32, #tpu.memory_space<hbm>>) target_semaphore(%arg13 : memref<!tpu.dma_semaphore, #tpu.memory_space<semaphore_mem>>)
    }
    %scan3A_177 = arith.constant 50 : i32
    %rem3A_178 = arith.constant 48 : i32
    %rem3A_179 = arith.constant 2 : i32
    %rem3A_180 = arith.remsi %rem3A_178, %rem3A_179 : i32
    %dma_wait3A_181 = arith.constant 0 : i32
    %dma_wait3A_182 = arith.constant 0 : i32
    %dma_wait3A_183 = arith.constant 0 : i32
    %dma_wait3A_184 = arith.constant 0 : i32
    %dma_wait3A_185 = arith.constant 0 : i32
    %dma_wait3A_186 = tpu.memref_slice %arg8[%rem3A_180, %dma_wait3A_183, %dma_wait3A_181, %dma_wait3A_184, %dma_wait3A_185] : memref<2x4x4x8x128xf32, #tpu.memory_space<vmem>> -> memref<1x4x1x8x128xf32, #tpu.memory_space<vmem>>
    %dma_wait3A_187 = tpu.memref_squeeze %dma_wait3A_186 : memref<1x4x1x8x128xf32, #tpu.memory_space<vmem>> -> memref<4x8x128xf32, #tpu.memory_space<vmem>>
    %dma_wait3A_188 = arith.constant 192 : i32
    %dma_wait3A_189 = arith.constant 0 : i32
    %dma_wait3A_190 = arith.constant 0 : i32
    %dma_wait3A_191 = tpu.memref_slice %arg5[%dma_wait3A_188, %dma_wait3A_182, %add3A, %dma_wait3A_189, %dma_wait3A_190] : memref<200x8x32x8x128xf32, #tpu.memory_space<hbm>> -> memref<4x1x1x8x128xf32, #tpu.memory_space<hbm>>
    %dma_wait3A_192 = tpu.memref_squeeze %dma_wait3A_191 : memref<4x1x1x8x128xf32, #tpu.memory_space<hbm>> -> memref<4x8x128xf32, #tpu.memory_space<hbm>>
    %dma_wait3A_193 = arith.constant 192 : i32
    %dma_wait3A_194 = arith.constant 0 : i32
    %dma_wait3A_195 = arith.constant 0 : i32
    %dma_wait3A_196 = tpu.memref_slice %arg5[%dma_wait3A_193, %dma_wait3A_182, %add3A, %dma_wait3A_194, %dma_wait3A_195] : memref<200x8x32x8x128xf32, #tpu.memory_space<hbm>> -> memref<4x1x1x8x128xf32, #tpu.memory_space<hbm>>
    %dma_wait3A_197 = tpu.memref_squeeze %dma_wait3A_196 : memref<4x1x1x8x128xf32, #tpu.memory_space<hbm>> -> memref<4x8x128xf32, #tpu.memory_space<hbm>>
    %dma_wait3A_198 = arith.constant 0 : i32
    %dma_wait3A_199 = arith.constant 0 : i32
    %dma_wait3A_200 = arith.constant 0 : i32
    %dma_wait3A_201 = tpu.memref_slice %arg8[%rem3A_180, %dma_wait3A_198, %dma_wait3A_181, %dma_wait3A_199, %dma_wait3A_200] : memref<2x4x4x8x128xf32, #tpu.memory_space<vmem>> -> memref<1x4x1x8x128xf32, #tpu.memory_space<vmem>>
    %dma_wait3A_202 = tpu.memref_squeeze %dma_wait3A_201 : memref<1x4x1x8x128xf32, #tpu.memory_space<vmem>> -> memref<4x8x128xf32, #tpu.memory_space<vmem>>
    tpu.wait_dma2 semaphore(%arg12 : memref<!tpu.dma_semaphore, #tpu.memory_space<semaphore_mem>>) src(%dma_wait3A_202 : memref<4x8x128xf32, #tpu.memory_space<vmem>>) dst(%dma_wait3A_197 : memref<4x8x128xf32, #tpu.memory_space<hbm>>)
    %dma_wait3A_203 = arith.constant 1 : i32
    %dma_wait3A_204 = arith.constant 1 : i32
    %dma_wait3A_205 = arith.constant 0 : i32
    %dma_wait3A_206 = arith.constant 0 : i32
    %dma_wait3A_207 = arith.constant 0 : i32
    %dma_wait3A_208 = tpu.memref_slice %arg8[%rem3A_180, %dma_wait3A_205, %dma_wait3A_203, %dma_wait3A_206, %dma_wait3A_207] : memref<2x4x4x8x128xf32, #tpu.memory_space<vmem>> -> memref<1x4x1x8x128xf32, #tpu.memory_space<vmem>>
    %dma_wait3A_209 = tpu.memref_squeeze %dma_wait3A_208 : memref<1x4x1x8x128xf32, #tpu.memory_space<vmem>> -> memref<4x8x128xf32, #tpu.memory_space<vmem>>
    %dma_wait3A_210 = arith.constant 192 : i32
    %dma_wait3A_211 = arith.constant 0 : i32
    %dma_wait3A_212 = arith.constant 0 : i32
    %dma_wait3A_213 = tpu.memref_slice %arg5[%dma_wait3A_210, %dma_wait3A_204, %add3A, %dma_wait3A_211, %dma_wait3A_212] : memref<200x8x32x8x128xf32, #tpu.memory_space<hbm>> -> memref<4x1x1x8x128xf32, #tpu.memory_space<hbm>>
    %dma_wait3A_214 = tpu.memref_squeeze %dma_wait3A_213 : memref<4x1x1x8x128xf32, #tpu.memory_space<hbm>> -> memref<4x8x128xf32, #tpu.memory_space<hbm>>
    %dma_wait3A_215 = arith.constant 192 : i32
    %dma_wait3A_216 = arith.constant 0 : i32
    %dma_wait3A_217 = arith.constant 0 : i32
    %dma_wait3A_218 = tpu.memref_slice %arg5[%dma_wait3A_215, %dma_wait3A_204, %add3A, %dma_wait3A_216, %dma_wait3A_217] : memref<200x8x32x8x128xf32, #tpu.memory_space<hbm>> -> memref<4x1x1x8x128xf32, #tpu.memory_space<hbm>>
    %dma_wait3A_219 = tpu.memref_squeeze %dma_wait3A_218 : memref<4x1x1x8x128xf32, #tpu.memory_space<hbm>> -> memref<4x8x128xf32, #tpu.memory_space<hbm>>
    %dma_wait3A_220 = arith.constant 0 : i32
    %dma_wait3A_221 = arith.constant 0 : i32
    %dma_wait3A_222 = arith.constant 0 : i32
    %dma_wait3A_223 = tpu.memref_slice %arg8[%rem3A_180, %dma_wait3A_220, %dma_wait3A_203, %dma_wait3A_221, %dma_wait3A_222] : memref<2x4x4x8x128xf32, #tpu.memory_space<vmem>> -> memref<1x4x1x8x128xf32, #tpu.memory_space<vmem>>
    %dma_wait3A_224 = tpu.memref_squeeze %dma_wait3A_223 : memref<1x4x1x8x128xf32, #tpu.memory_space<vmem>> -> memref<4x8x128xf32, #tpu.memory_space<vmem>>
    tpu.wait_dma2 semaphore(%arg12 : memref<!tpu.dma_semaphore, #tpu.memory_space<semaphore_mem>>) src(%dma_wait3A_224 : memref<4x8x128xf32, #tpu.memory_space<vmem>>) dst(%dma_wait3A_219 : memref<4x8x128xf32, #tpu.memory_space<hbm>>)
    %dma_wait3A_225 = arith.constant 2 : i32
    %dma_wait3A_226 = arith.constant 2 : i32
    %dma_wait3A_227 = arith.constant 0 : i32
    %dma_wait3A_228 = arith.constant 0 : i32
    %dma_wait3A_229 = arith.constant 0 : i32
    %dma_wait3A_230 = tpu.memref_slice %arg8[%rem3A_180, %dma_wait3A_227, %dma_wait3A_225, %dma_wait3A_228, %dma_wait3A_229] : memref<2x4x4x8x128xf32, #tpu.memory_space<vmem>> -> memref<1x4x1x8x128xf32, #tpu.memory_space<vmem>>
    %dma_wait3A_231 = tpu.memref_squeeze %dma_wait3A_230 : memref<1x4x1x8x128xf32, #tpu.memory_space<vmem>> -> memref<4x8x128xf32, #tpu.memory_space<vmem>>
    %dma_wait3A_232 = arith.constant 192 : i32
    %dma_wait3A_233 = arith.constant 0 : i32
    %dma_wait3A_234 = arith.constant 0 : i32
    %dma_wait3A_235 = tpu.memref_slice %arg5[%dma_wait3A_232, %dma_wait3A_226, %add3A, %dma_wait3A_233, %dma_wait3A_234] : memref<200x8x32x8x128xf32, #tpu.memory_space<hbm>> -> memref<4x1x1x8x128xf32, #tpu.memory_space<hbm>>
    %dma_wait3A_236 = tpu.memref_squeeze %dma_wait3A_235 : memref<4x1x1x8x128xf32, #tpu.memory_space<hbm>> -> memref<4x8x128xf32, #tpu.memory_space<hbm>>
    %dma_wait3A_237 = arith.constant 192 : i32
    %dma_wait3A_238 = arith.constant 0 : i32
    %dma_wait3A_239 = arith.constant 0 : i32
    %dma_wait3A_240 = tpu.memref_slice %arg5[%dma_wait3A_237, %dma_wait3A_226, %add3A, %dma_wait3A_238, %dma_wait3A_239] : memref<200x8x32x8x128xf32, #tpu.memory_space<hbm>> -> memref<4x1x1x8x128xf32, #tpu.memory_space<hbm>>
    %dma_wait3A_241 = tpu.memref_squeeze %dma_wait3A_240 : memref<4x1x1x8x128xf32, #tpu.memory_space<hbm>> -> memref<4x8x128xf32, #tpu.memory_space<hbm>>
    %dma_wait3A_242 = arith.constant 0 : i32
    %dma_wait3A_243 = arith.constant 0 : i32
    %dma_wait3A_244 = arith.constant 0 : i32
    %dma_wait3A_245 = tpu.memref_slice %arg8[%rem3A_180, %dma_wait3A_242, %dma_wait3A_225, %dma_wait3A_243, %dma_wait3A_244] : memref<2x4x4x8x128xf32, #tpu.memory_space<vmem>> -> memref<1x4x1x8x128xf32, #tpu.memory_space<vmem>>
    %dma_wait3A_246 = tpu.memref_squeeze %dma_wait3A_245 : memref<1x4x1x8x128xf32, #tpu.memory_space<vmem>> -> memref<4x8x128xf32, #tpu.memory_space<vmem>>
    tpu.wait_dma2 semaphore(%arg12 : memref<!tpu.dma_semaphore, #tpu.memory_space<semaphore_mem>>) src(%dma_wait3A_246 : memref<4x8x128xf32, #tpu.memory_space<vmem>>) dst(%dma_wait3A_241 : memref<4x8x128xf32, #tpu.memory_space<hbm>>)
    %dma_wait3A_247 = arith.constant 3 : i32
    %dma_wait3A_248 = arith.constant 3 : i32
    %dma_wait3A_249 = arith.constant 0 : i32
    %dma_wait3A_250 = arith.constant 0 : i32
    %dma_wait3A_251 = arith.constant 0 : i32
    %dma_wait3A_252 = tpu.memref_slice %arg8[%rem3A_180, %dma_wait3A_249, %dma_wait3A_247, %dma_wait3A_250, %dma_wait3A_251] : memref<2x4x4x8x128xf32, #tpu.memory_space<vmem>> -> memref<1x4x1x8x128xf32, #tpu.memory_space<vmem>>
    %dma_wait3A_253 = tpu.memref_squeeze %dma_wait3A_252 : memref<1x4x1x8x128xf32, #tpu.memory_space<vmem>> -> memref<4x8x128xf32, #tpu.memory_space<vmem>>
    %dma_wait3A_254 = arith.constant 192 : i32
    %dma_wait3A_255 = arith.constant 0 : i32
    %dma_wait3A_256 = arith.constant 0 : i32
    %dma_wait3A_257 = tpu.memref_slice %arg5[%dma_wait3A_254, %dma_wait3A_248, %add3A, %dma_wait3A_255, %dma_wait3A_256] : memref<200x8x32x8x128xf32, #tpu.memory_space<hbm>> -> memref<4x1x1x8x128xf32, #tpu.memory_space<hbm>>
    %dma_wait3A_258 = tpu.memref_squeeze %dma_wait3A_257 : memref<4x1x1x8x128xf32, #tpu.memory_space<hbm>> -> memref<4x8x128xf32, #tpu.memory_space<hbm>>
    %dma_wait3A_259 = arith.constant 192 : i32
    %dma_wait3A_260 = arith.constant 0 : i32
    %dma_wait3A_261 = arith.constant 0 : i32
    %dma_wait3A_262 = tpu.memref_slice %arg5[%dma_wait3A_259, %dma_wait3A_248, %add3A, %dma_wait3A_260, %dma_wait3A_261] : memref<200x8x32x8x128xf32, #tpu.memory_space<hbm>> -> memref<4x1x1x8x128xf32, #tpu.memory_space<hbm>>
    %dma_wait3A_263 = tpu.memref_squeeze %dma_wait3A_262 : memref<4x1x1x8x128xf32, #tpu.memory_space<hbm>> -> memref<4x8x128xf32, #tpu.memory_space<hbm>>
    %dma_wait3A_264 = arith.constant 0 : i32
    %dma_wait3A_265 = arith.constant 0 : i32
    %dma_wait3A_266 = arith.constant 0 : i32
    %dma_wait3A_267 = tpu.memref_slice %arg8[%rem3A_180, %dma_wait3A_264, %dma_wait3A_247, %dma_wait3A_265, %dma_wait3A_266] : memref<2x4x4x8x128xf32, #tpu.memory_space<vmem>> -> memref<1x4x1x8x128xf32, #tpu.memory_space<vmem>>
    %dma_wait3A_268 = tpu.memref_squeeze %dma_wait3A_267 : memref<1x4x1x8x128xf32, #tpu.memory_space<vmem>> -> memref<4x8x128xf32, #tpu.memory_space<vmem>>
    tpu.wait_dma2 semaphore(%arg12 : memref<!tpu.dma_semaphore, #tpu.memory_space<semaphore_mem>>) src(%dma_wait3A_268 : memref<4x8x128xf32, #tpu.memory_space<vmem>>) dst(%dma_wait3A_263 : memref<4x8x128xf32, #tpu.memory_space<hbm>>)
    %rem3A_269 = arith.constant 49 : i32
    %rem3A_270 = arith.constant 2 : i32
    %rem3A_271 = arith.remsi %rem3A_269, %rem3A_270 : i32
    %dma_wait3A_272 = arith.constant 0 : i32
    %dma_wait3A_273 = arith.constant 0 : i32
    %dma_wait3A_274 = arith.constant 0 : i32
    %dma_wait3A_275 = arith.constant 0 : i32
    %dma_wait3A_276 = arith.constant 0 : i32
    %dma_wait3A_277 = tpu.memref_slice %arg8[%rem3A_271, %dma_wait3A_274, %dma_wait3A_272, %dma_wait3A_275, %dma_wait3A_276] : memref<2x4x4x8x128xf32, #tpu.memory_space<vmem>> -> memref<1x4x1x8x128xf32, #tpu.memory_space<vmem>>
    %dma_wait3A_278 = tpu.memref_squeeze %dma_wait3A_277 : memref<1x4x1x8x128xf32, #tpu.memory_space<vmem>> -> memref<4x8x128xf32, #tpu.memory_space<vmem>>
    %dma_wait3A_279 = arith.constant 196 : i32
    %dma_wait3A_280 = arith.constant 0 : i32
    %dma_wait3A_281 = arith.constant 0 : i32
    %dma_wait3A_282 = tpu.memref_slice %arg5[%dma_wait3A_279, %dma_wait3A_273, %add3A, %dma_wait3A_280, %dma_wait3A_281] : memref<200x8x32x8x128xf32, #tpu.memory_space<hbm>> -> memref<4x1x1x8x128xf32, #tpu.memory_space<hbm>>
    %dma_wait3A_283 = tpu.memref_squeeze %dma_wait3A_282 : memref<4x1x1x8x128xf32, #tpu.memory_space<hbm>> -> memref<4x8x128xf32, #tpu.memory_space<hbm>>
    %dma_wait3A_284 = arith.constant 196 : i32
    %dma_wait3A_285 = arith.constant 0 : i32
    %dma_wait3A_286 = arith.constant 0 : i32
    %dma_wait3A_287 = tpu.memref_slice %arg5[%dma_wait3A_284, %dma_wait3A_273, %add3A, %dma_wait3A_285, %dma_wait3A_286] : memref<200x8x32x8x128xf32, #tpu.memory_space<hbm>> -> memref<4x1x1x8x128xf32, #tpu.memory_space<hbm>>
    %dma_wait3A_288 = tpu.memref_squeeze %dma_wait3A_287 : memref<4x1x1x8x128xf32, #tpu.memory_space<hbm>> -> memref<4x8x128xf32, #tpu.memory_space<hbm>>
    %dma_wait3A_289 = arith.constant 0 : i32
    %dma_wait3A_290 = arith.constant 0 : i32
    %dma_wait3A_291 = arith.constant 0 : i32
    %dma_wait3A_292 = tpu.memref_slice %arg8[%rem3A_271, %dma_wait3A_289, %dma_wait3A_272, %dma_wait3A_290, %dma_wait3A_291] : memref<2x4x4x8x128xf32, #tpu.memory_space<vmem>> -> memref<1x4x1x8x128xf32, #tpu.memory_space<vmem>>
    %dma_wait3A_293 = tpu.memref_squeeze %dma_wait3A_292 : memref<1x4x1x8x128xf32, #tpu.memory_space<vmem>> -> memref<4x8x128xf32, #tpu.memory_space<vmem>>
    tpu.wait_dma2 semaphore(%arg12 : memref<!tpu.dma_semaphore, #tpu.memory_space<semaphore_mem>>) src(%dma_wait3A_293 : memref<4x8x128xf32, #tpu.memory_space<vmem>>) dst(%dma_wait3A_288 : memref<4x8x128xf32, #tpu.memory_space<hbm>>)
    %dma_wait3A_294 = arith.constant 1 : i32
    %dma_wait3A_295 = arith.constant 1 : i32
    %dma_wait3A_296 = arith.constant 0 : i32
    %dma_wait3A_297 = arith.constant 0 : i32
    %dma_wait3A_298 = arith.constant 0 : i32
    %dma_wait3A_299 = tpu.memref_slice %arg8[%rem3A_271, %dma_wait3A_296, %dma_wait3A_294, %dma_wait3A_297, %dma_wait3A_298] : memref<2x4x4x8x128xf32, #tpu.memory_space<vmem>> -> memref<1x4x1x8x128xf32, #tpu.memory_space<vmem>>
    %dma_wait3A_300 = tpu.memref_squeeze %dma_wait3A_299 : memref<1x4x1x8x128xf32, #tpu.memory_space<vmem>> -> memref<4x8x128xf32, #tpu.memory_space<vmem>>
    %dma_wait3A_301 = arith.constant 196 : i32
    %dma_wait3A_302 = arith.constant 0 : i32
    %dma_wait3A_303 = arith.constant 0 : i32
    %dma_wait3A_304 = tpu.memref_slice %arg5[%dma_wait3A_301, %dma_wait3A_295, %add3A, %dma_wait3A_302, %dma_wait3A_303] : memref<200x8x32x8x128xf32, #tpu.memory_space<hbm>> -> memref<4x1x1x8x128xf32, #tpu.memory_space<hbm>>
    %dma_wait3A_305 = tpu.memref_squeeze %dma_wait3A_304 : memref<4x1x1x8x128xf32, #tpu.memory_space<hbm>> -> memref<4x8x128xf32, #tpu.memory_space<hbm>>
    %dma_wait3A_306 = arith.constant 196 : i32
    %dma_wait3A_307 = arith.constant 0 : i32
    %dma_wait3A_308 = arith.constant 0 : i32
    %dma_wait3A_309 = tpu.memref_slice %arg5[%dma_wait3A_306, %dma_wait3A_295, %add3A, %dma_wait3A_307, %dma_wait3A_308] : memref<200x8x32x8x128xf32, #tpu.memory_space<hbm>> -> memref<4x1x1x8x128xf32, #tpu.memory_space<hbm>>
    %dma_wait3A_310 = tpu.memref_squeeze %dma_wait3A_309 : memref<4x1x1x8x128xf32, #tpu.memory_space<hbm>> -> memref<4x8x128xf32, #tpu.memory_space<hbm>>
    %dma_wait3A_311 = arith.constant 0 : i32
    %dma_wait3A_312 = arith.constant 0 : i32
    %dma_wait3A_313 = arith.constant 0 : i32
    %dma_wait3A_314 = tpu.memref_slice %arg8[%rem3A_271, %dma_wait3A_311, %dma_wait3A_294, %dma_wait3A_312, %dma_wait3A_313] : memref<2x4x4x8x128xf32, #tpu.memory_space<vmem>> -> memref<1x4x1x8x128xf32, #tpu.memory_space<vmem>>
    %dma_wait3A_315 = tpu.memref_squeeze %dma_wait3A_314 : memref<1x4x1x8x128xf32, #tpu.memory_space<vmem>> -> memref<4x8x128xf32, #tpu.memory_space<vmem>>
    tpu.wait_dma2 semaphore(%arg12 : memref<!tpu.dma_semaphore, #tpu.memory_space<semaphore_mem>>) src(%dma_wait3A_315 : memref<4x8x128xf32, #tpu.memory_space<vmem>>) dst(%dma_wait3A_310 : memref<4x8x128xf32, #tpu.memory_space<hbm>>)
    %dma_wait3A_316 = arith.constant 2 : i32
    %dma_wait3A_317 = arith.constant 2 : i32
    %dma_wait3A_318 = arith.constant 0 : i32
    %dma_wait3A_319 = arith.constant 0 : i32
    %dma_wait3A_320 = arith.constant 0 : i32
    %dma_wait3A_321 = tpu.memref_slice %arg8[%rem3A_271, %dma_wait3A_318, %dma_wait3A_316, %dma_wait3A_319, %dma_wait3A_320] : memref<2x4x4x8x128xf32, #tpu.memory_space<vmem>> -> memref<1x4x1x8x128xf32, #tpu.memory_space<vmem>>
    %dma_wait3A_322 = tpu.memref_squeeze %dma_wait3A_321 : memref<1x4x1x8x128xf32, #tpu.memory_space<vmem>> -> memref<4x8x128xf32, #tpu.memory_space<vmem>>
    %dma_wait3A_323 = arith.constant 196 : i32
    %dma_wait3A_324 = arith.constant 0 : i32
    %dma_wait3A_325 = arith.constant 0 : i32
    %dma_wait3A_326 = tpu.memref_slice %arg5[%dma_wait3A_323, %dma_wait3A_317, %add3A, %dma_wait3A_324, %dma_wait3A_325] : memref<200x8x32x8x128xf32, #tpu.memory_space<hbm>> -> memref<4x1x1x8x128xf32, #tpu.memory_space<hbm>>
    %dma_wait3A_327 = tpu.memref_squeeze %dma_wait3A_326 : memref<4x1x1x8x128xf32, #tpu.memory_space<hbm>> -> memref<4x8x128xf32, #tpu.memory_space<hbm>>
    %dma_wait3A_328 = arith.constant 196 : i32
    %dma_wait3A_329 = arith.constant 0 : i32
    %dma_wait3A_330 = arith.constant 0 : i32
    %dma_wait3A_331 = tpu.memref_slice %arg5[%dma_wait3A_328, %dma_wait3A_317, %add3A, %dma_wait3A_329, %dma_wait3A_330] : memref<200x8x32x8x128xf32, #tpu.memory_space<hbm>> -> memref<4x1x1x8x128xf32, #tpu.memory_space<hbm>>
    %dma_wait3A_332 = tpu.memref_squeeze %dma_wait3A_331 : memref<4x1x1x8x128xf32, #tpu.memory_space<hbm>> -> memref<4x8x128xf32, #tpu.memory_space<hbm>>
    %dma_wait3A_333 = arith.constant 0 : i32
    %dma_wait3A_334 = arith.constant 0 : i32
    %dma_wait3A_335 = arith.constant 0 : i32
    %dma_wait3A_336 = tpu.memref_slice %arg8[%rem3A_271, %dma_wait3A_333, %dma_wait3A_316, %dma_wait3A_334, %dma_wait3A_335] : memref<2x4x4x8x128xf32, #tpu.memory_space<vmem>> -> memref<1x4x1x8x128xf32, #tpu.memory_space<vmem>>
    %dma_wait3A_337 = tpu.memref_squeeze %dma_wait3A_336 : memref<1x4x1x8x128xf32, #tpu.memory_space<vmem>> -> memref<4x8x128xf32, #tpu.memory_space<vmem>>
    tpu.wait_dma2 semaphore(%arg12 : memref<!tpu.dma_semaphore, #tpu.memory_space<semaphore_mem>>) src(%dma_wait3A_337 : memref<4x8x128xf32, #tpu.memory_space<vmem>>) dst(%dma_wait3A_332 : memref<4x8x128xf32, #tpu.memory_space<hbm>>)
    %dma_wait3A_338 = arith.constant 3 : i32
    %dma_wait3A_339 = arith.constant 3 : i32
    %dma_wait3A_340 = arith.constant 0 : i32
    %dma_wait3A_341 = arith.constant 0 : i32
    %dma_wait3A_342 = arith.constant 0 : i32
    %dma_wait3A_343 = tpu.memref_slice %arg8[%rem3A_271, %dma_wait3A_340, %dma_wait3A_338, %dma_wait3A_341, %dma_wait3A_342] : memref<2x4x4x8x128xf32, #tpu.memory_space<vmem>> -> memref<1x4x1x8x128xf32, #tpu.memory_space<vmem>>
    %dma_wait3A_344 = tpu.memref_squeeze %dma_wait3A_343 : memref<1x4x1x8x128xf32, #tpu.memory_space<vmem>> -> memref<4x8x128xf32, #tpu.memory_space<vmem>>
    %dma_wait3A_345 = arith.constant 196 : i32
    %dma_wait3A_346 = arith.constant 0 : i32
    %dma_wait3A_347 = arith.constant 0 : i32
    %dma_wait3A_348 = tpu.memref_slice %arg5[%dma_wait3A_345, %dma_wait3A_339, %add3A, %dma_wait3A_346, %dma_wait3A_347] : memref<200x8x32x8x128xf32, #tpu.memory_space<hbm>> -> memref<4x1x1x8x128xf32, #tpu.memory_space<hbm>>
    %dma_wait3A_349 = tpu.memref_squeeze %dma_wait3A_348 : memref<4x1x1x8x128xf32, #tpu.memory_space<hbm>> -> memref<4x8x128xf32, #tpu.memory_space<hbm>>
    %dma_wait3A_350 = arith.constant 196 : i32
    %dma_wait3A_351 = arith.constant 0 : i32
    %dma_wait3A_352 = arith.constant 0 : i32
    %dma_wait3A_353 = tpu.memref_slice %arg5[%dma_wait3A_350, %dma_wait3A_339, %add3A, %dma_wait3A_351, %dma_wait3A_352] : memref<200x8x32x8x128xf32, #tpu.memory_space<hbm>> -> memref<4x1x1x8x128xf32, #tpu.memory_space<hbm>>
    %dma_wait3A_354 = tpu.memref_squeeze %dma_wait3A_353 : memref<4x1x1x8x128xf32, #tpu.memory_space<hbm>> -> memref<4x8x128xf32, #tpu.memory_space<hbm>>
    %dma_wait3A_355 = arith.constant 0 : i32
    %dma_wait3A_356 = arith.constant 0 : i32
    %dma_wait3A_357 = arith.constant 0 : i32
    %dma_wait3A_358 = tpu.memref_slice %arg8[%rem3A_271, %dma_wait3A_355, %dma_wait3A_338, %dma_wait3A_356, %dma_wait3A_357] : memref<2x4x4x8x128xf32, #tpu.memory_space<vmem>> -> memref<1x4x1x8x128xf32, #tpu.memory_space<vmem>>
    %dma_wait3A_359 = tpu.memref_squeeze %dma_wait3A_358 : memref<1x4x1x8x128xf32, #tpu.memory_space<vmem>> -> memref<4x8x128xf32, #tpu.memory_space<vmem>>
    tpu.wait_dma2 semaphore(%arg12 : memref<!tpu.dma_semaphore, #tpu.memory_space<semaphore_mem>>) src(%dma_wait3A_359 : memref<4x8x128xf32, #tpu.memory_space<vmem>>) dst(%dma_wait3A_354 : memref<4x8x128xf32, #tpu.memory_space<hbm>>)
    %dma_wait3A_360 = arith.constant 4 : i32
    %dma_wait3A_361 = arith.constant 196 : i32
    %dma_wait3A_362 = arith.constant 0 : i32
    %dma_wait3A_363 = arith.constant 0 : i32
    %dma_wait3A_364 = tpu.memref_slice %arg5[%dma_wait3A_361, %dma_wait3A_360, %add3A, %dma_wait3A_362, %dma_wait3A_363] : memref<200x8x32x8x128xf32, #tpu.memory_space<hbm>> -> memref<4x1x1x8x128xf32, #tpu.memory_space<hbm>>
    %dma_wait3A_365 = tpu.memref_squeeze %dma_wait3A_364 : memref<4x1x1x8x128xf32, #tpu.memory_space<hbm>> -> memref<4x8x128xf32, #tpu.memory_space<hbm>>
    %dma_wait3A_366 = arith.constant 196 : i32
    %dma_wait3A_367 = arith.constant 0 : i32
    %dma_wait3A_368 = arith.constant 0 : i32
    %dma_wait3A_369 = tpu.memref_slice %arg9[%dma_wait3A_366, %dma_wait3A_367, %dma_wait3A_368] : memref<200x32x128xf32, #tpu.memory_space<vmem_shared>> -> memref<4x8x128xf32, #tpu.memory_space<vmem_shared>>
    tpu.wait_dma2 semaphore(%arg13 : memref<!tpu.dma_semaphore, #tpu.memory_space<semaphore_mem>>) src(%dma_wait3A_369 : memref<4x8x128xf32, #tpu.memory_space<vmem_shared>>) dst(%dma_wait3A_365 : memref<4x8x128xf32, #tpu.memory_space<hbm>>)
    %dma_wait3A_370 = arith.constant 5 : i32
    %dma_wait3A_371 = arith.constant 196 : i32
    %dma_wait3A_372 = arith.constant 0 : i32
    %dma_wait3A_373 = arith.constant 0 : i32
    %dma_wait3A_374 = tpu.memref_slice %arg5[%dma_wait3A_371, %dma_wait3A_370, %add3A, %dma_wait3A_372, %dma_wait3A_373] : memref<200x8x32x8x128xf32, #tpu.memory_space<hbm>> -> memref<4x1x1x8x128xf32, #tpu.memory_space<hbm>>
    %dma_wait3A_375 = tpu.memref_squeeze %dma_wait3A_374 : memref<4x1x1x8x128xf32, #tpu.memory_space<hbm>> -> memref<4x8x128xf32, #tpu.memory_space<hbm>>
    %dma_wait3A_376 = arith.constant 196 : i32
    %dma_wait3A_377 = arith.constant 8 : i32
    %dma_wait3A_378 = arith.constant 0 : i32
    %dma_wait3A_379 = tpu.memref_slice %arg9[%dma_wait3A_376, %dma_wait3A_377, %dma_wait3A_378] : memref<200x32x128xf32, #tpu.memory_space<vmem_shared>> -> memref<4x8x128xf32, #tpu.memory_space<vmem_shared>>
    tpu.wait_dma2 semaphore(%arg13 : memref<!tpu.dma_semaphore, #tpu.memory_space<semaphore_mem>>) src(%dma_wait3A_379 : memref<4x8x128xf32, #tpu.memory_space<vmem_shared>>) dst(%dma_wait3A_375 : memref<4x8x128xf32, #tpu.memory_space<hbm>>)
    %dma_wait3A_380 = arith.constant 6 : i32
    %dma_wait3A_381 = arith.constant 196 : i32
    %dma_wait3A_382 = arith.constant 0 : i32
    %dma_wait3A_383 = arith.constant 0 : i32
    %dma_wait3A_384 = tpu.memref_slice %arg5[%dma_wait3A_381, %dma_wait3A_380, %add3A, %dma_wait3A_382, %dma_wait3A_383] : memref<200x8x32x8x128xf32, #tpu.memory_space<hbm>> -> memref<4x1x1x8x128xf32, #tpu.memory_space<hbm>>
    %dma_wait3A_385 = tpu.memref_squeeze %dma_wait3A_384 : memref<4x1x1x8x128xf32, #tpu.memory_space<hbm>> -> memref<4x8x128xf32, #tpu.memory_space<hbm>>
    %dma_wait3A_386 = arith.constant 196 : i32
    %dma_wait3A_387 = arith.constant 16 : i32
    %dma_wait3A_388 = arith.constant 0 : i32
    %dma_wait3A_389 = tpu.memref_slice %arg9[%dma_wait3A_386, %dma_wait3A_387, %dma_wait3A_388] : memref<200x32x128xf32, #tpu.memory_space<vmem_shared>> -> memref<4x8x128xf32, #tpu.memory_space<vmem_shared>>
    tpu.wait_dma2 semaphore(%arg13 : memref<!tpu.dma_semaphore, #tpu.memory_space<semaphore_mem>>) src(%dma_wait3A_389 : memref<4x8x128xf32, #tpu.memory_space<vmem_shared>>) dst(%dma_wait3A_385 : memref<4x8x128xf32, #tpu.memory_space<hbm>>)
    %dma_wait3A_390 = arith.constant 7 : i32
    %dma_wait3A_391 = arith.constant 196 : i32
    %dma_wait3A_392 = arith.constant 0 : i32
    %dma_wait3A_393 = arith.constant 0 : i32
    %dma_wait3A_394 = tpu.memref_slice %arg5[%dma_wait3A_391, %dma_wait3A_390, %add3A, %dma_wait3A_392, %dma_wait3A_393] : memref<200x8x32x8x128xf32, #tpu.memory_space<hbm>> -> memref<4x1x1x8x128xf32, #tpu.memory_space<hbm>>
    %dma_wait3A_395 = tpu.memref_squeeze %dma_wait3A_394 : memref<4x1x1x8x128xf32, #tpu.memory_space<hbm>> -> memref<4x8x128xf32, #tpu.memory_space<hbm>>
    %dma_wait3A_396 = arith.constant 196 : i32
    %dma_wait3A_397 = arith.constant 24 : i32
    %dma_wait3A_398 = arith.constant 0 : i32
    %dma_wait3A_399 = tpu.memref_slice %arg9[%dma_wait3A_396, %dma_wait3A_397, %dma_wait3A_398] : memref<200x32x128xf32, #tpu.memory_space<vmem_shared>> -> memref<4x8x128xf32, #tpu.memory_space<vmem_shared>>
    tpu.wait_dma2 semaphore(%arg13 : memref<!tpu.dma_semaphore, #tpu.memory_space<semaphore_mem>>) src(%dma_wait3A_399 : memref<4x8x128xf32, #tpu.memory_space<vmem_shared>>) dst(%dma_wait3A_395 : memref<4x8x128xf32, #tpu.memory_space<hbm>>)
    return
  }
}

</mosaic_0001>

<sc_bundles>
// kernel: kernel.3.cloned.1.call-start
scs
__scs_entry_jumppad:
0x0: {  	(pc) =	sbr.rel $0x88, $3  }
0x1: {  	(tag) =	ssettag $0x0;
	lr =	simm.s32 $0x1  }
0x2: {  	[smem:$0x3F9E] =	sst lr;
	_ =	strace $0xD0000000  }
0x3: {  	_ = 	snop  }
0x4: {  	_ = 	snop  }
0x5: {  	_ = 	snop  }
0x6: {  	_ = 	snop  }
0x7: {  	_ = 	snop  }
__scs_overlays_trampoline_lowered:
0x8: {  	[smem:$0x3FAD] =	sst s0  }
0x9: {  	[smem:$0x3FAE] =	sst s1  }
0xa: {  	[smem:$0x3FAF] =	sst s2  }
0xb: {  	[smem:$0x3FB0] =	sst s3  }
0xc: {  	[smem:$0x3FB1] =	sst s4  }
0xd: {  	[smem:$0x3FB2] =	sst s5  }
0xe: {  	[smem:$0x3FB3] =	sst s6  }
0xf: {  	[smem:$0x3FB4] =	sst s7  }
0x10: {  	[smem:$0x3FB5] =	sst s8  }
0x11: {  	[smem:$0x3FB6] =	sst s9;
	s0 =	simm.s32 @!p0 $0x0  }
0x12: {  	s1 =	sld [smem:$0x3F9C];
	s0 =	simm.s32 @p0 $0x1  }
0x13: {  	[smem:$0x3FB7] =	sst s0;
	s0 =	simm.s32 @!p1 $0x0  }
0x14: {  	s2 =	sld [smem:$0x3F9B];
	s0 =	simm.s32 @p1 $0x1  }
0x15: {  	[smem:$0x3FB8] =	sst s0;
	s0 =	simm.s32 @!p2 $0x0  }
0x16: {  	s3 =	sld [smem:$0x3FDB];
	s0 =	simm.s32 @p2 $0x1  }
0x17: {  	s4 =	simm.s32 $0x1BF5;
	[smem:$0x3FBA] =	sst s0  }
0x18: {  	s0 =	sld [smem:$0x3F9D];
	_ =	swait.ge [sflag:s4], $0x0  }
0x19: {  	s7 =	sld [smem:$0x3F9E]  }
0x1a: {  	s8 =	sadd.s32 $0xFFFFE003, lr  }
0x1b: {  	s9 =	sadd.s32 $0xFFFFFEF7, lr;
	s5 =	simm.s32 $0xFFFFFFFF;
	p2 =	slt.u32 s8, $0xFFFFF086  }
0x1c: {  	p1 =	slt.u32 s9, $0xF7A;
	s5 =	simm.s32 @!p2 $0x0  }
0x1d: {  	s5 =	simm.s32 @p1 $0x1;
	p0 =	seq.s32 s7, s2  }
0x1e: {  	s7 =	smul.u32 @!p0 $0xF7A, s2;
	p2 =	seq.s32 @!p0 s5, $0x0  }
0x1f: {  	s9 =	smul.u32 $0xF7A, s1;
	s8 =	simm.s32 @!p0 $0x1BF5;
	p2 =	por !p2, p0  }
0x20: {  	[sflag:s8] =	ssyncset.s32 @!p0 $0xFFFFF086;
	s6 =	sadd.s32 @!p0 s3, s7;
	s7 =	simm.s32 @!p0 $0x108  }
0x21: {  	s3 =	sadd.s32 s3, s9;
	s6 =	sadd.s32 @!p0 $0x88, s6;
	s7 =	simm.s32 @p2 $0x1082  }
0x22: {  	[simem:s7], [sflag:s8] =	dma.local @!p0 [hbm:s6], $0xF7A  }
0x23: {  	s9 =	sor.u32 $0xD0000000, s2;
	s6 =	simm.s32 $0x108;
	_ =	swait.ge @!p0 [sflag:s8], $0x0  }
0x24: {  	s3 =	sadd.s32 $0x88, s3;
	s6 =	simm.s32 @!p1 $0x1082;
	[sflag:s4] =	ssyncset.s32 $0xFFFFF086  }
0x25: {  	[simem:s6], [sflag:s4] =	dma.local [hbm:s3], $0xF7A  }
0x26: {  	[smem:$0x3F9E] =	sst s1;
	(tag) =	ssettag s2;
	_ =	strace s9  }
0x27: {  	s1 =	sld [smem:$0x3FAE]  }
0x28: {  	s2 =	sld [smem:$0x3FAF]  }
0x29: {  	s4 =	sld [smem:$0x3FB1]  }
0x2a: {  	p0 =	seq.s32 s5, $0x0;
	s5 =	sld [smem:$0x3FB2]  }
0x2b: {  	s6 =	sld [smem:$0x3FB3]  }
0x2c: {  	s7 =	sld [smem:$0x3FB4]  }
0x2d: {  	s3 =	simm.s32 $0x108;
	s8 =	sld [smem:$0x3FB5]  }
0x2e: {  	s3 =	simm.s32 @!p0 $0x1082;
	s9 =	sld [smem:$0x3FB6]  }
0x2f: {  	lr =	sadd.s32 s0, s3;
	s0 =	sld [smem:$0x3FAD]  }
0x30: {  	s3 =	sld [smem:$0x3FB0]  }
0x31: {  	[smem:$0x3FB9] =	sst s10  }
0x32: {  	s10 =	sld [smem:$0x3FB7];
	_ =	sdelay $0x3  }
0x33: {  	p0 =	seq.s32 s10, $0x1;
	s10 =	sld [smem:$0x3FB9];
	_ =	sdelay $0x3  }
0x34: {  	[smem:$0x3FB9] =	sst s10  }
0x35: {  	s10 =	sld [smem:$0x3FB8];
	_ =	sdelay $0x3  }
0x36: {  	p1 =	seq.s32 s10, $0x1;
	s10 =	sld [smem:$0x3FB9];
	_ =	sdelay $0x3  }
0x37: {  	[smem:$0x3FB9] =	sst s10  }
0x38: {  	s10 =	sld [smem:$0x3FBA]  }
0x39: {  	_ = 	snop;
	(pc) =	sbr.ind lr, $3  }
0x3a: {  	_ = 	snop  }
0x3b: {  	_ = 	snop  }
0x3c: {  	p2 =	seq.s32 s10, $0x1;
	s10 =	sld [smem:$0x3FB9]  }
0x3d: {  	_ =	shalt  }
0x3e: {  	_ =	shalt  }
0x3f: {  	_ =	shalt  }
0x40: {  	_ =	shalt  }
0x41: {  	_ =	shalt  }
0x42: {  	_ =	shalt  }
0x43: {  	_ =	shalt  }
0x44: {  	_ =	shalt  }
0x45: {  	_ =	shalt  }
0x46: {  	_ =	shalt  }
0x47: {  	_ =	shalt  }
0x48: {  	_ =	shalt  }
0x49: {  	_ =	shalt  }
0x4a: {  	_ =	shalt  }
0x4b: {  	_ =	shalt  }
0x4c: {  	_ =	shalt  }
0x4d: {  	_ =	shalt  }
0x4e: {  	_ =	shalt  }
0x4f: {  	_ =	shalt  }
0x50: {  	_ =	shalt  }
0x51: {  	_ =	shalt  }
0x52: {  	_ =	shalt  }
0x53: {  	_ =	shalt  }
0x54: {  	_ =	shalt  }
0x55: {  	_ =	shalt  }
0x56: {  	_ =	shalt  }
0x57: {  	_ =	shalt  }
0x58: {  	_ =	shalt  }
0x59: {  	_ =	shalt  }
0x5a: {  	_ =	shalt  }
0x5b: {  	_ =	shalt  }
0x5c: {  	_ =	shalt  }
0x5d: {  	_ =	shalt  }
0x5e: {  	_ =	shalt  }
0x5f: {  	_ =	shalt  }
0x60: {  	_ =	shalt  }
0x61: {  	_ =	shalt  }
0x62: {  	_ =	shalt  }
0x63: {  	_ =	shalt  }
0x64: {  	_ =	shalt  }
0x65: {  	_ =	shalt  }
0x66: {  	_ =	shalt  }
0x67: {  	_ =	shalt  }
0x68: {  	_ =	shalt  }
0x69: {  	_ =	shalt  }
0x6a: {  	_ =	shalt  }
0x6b: {  	_ =	shalt  }
0x6c: {  	_ =	shalt  }
0x6d: {  	_ =	shalt  }
0x6e: {  	_ =	shalt  }
0x6f: {  	_ =	shalt  }
0x70: {  	_ =	shalt  }
0x71: {  	_ =	shalt  }
0x72: {  	_ =	shalt  }
0x73: {  	_ =	shalt  }
0x74: {  	_ =	shalt  }
0x75: {  	_ =	shalt  }
0x76: {  	_ =	shalt  }
0x77: {  	_ =	shalt  }
0x78: {  	_ =	shalt  }
0x79: {  	_ =	shalt  }
0x7a: {  	_ =	shalt  }
0x7b: {  	_ =	shalt  }
0x7c: {  	_ =	shalt  }
0x7d: {  	_ =	shalt  }
0x7e: {  	_ =	shalt  }
0x7f: {  	_ =	shalt  }
0x80: {  	_ =	shalt  }
0x81: {  	_ =	shalt  }
0x82: {  	_ =	shalt  }
0x83: {  	_ =	shalt  }
0x84: {  	_ =	shalt  }
0x85: {  	_ =	shalt  }
0x86: {  	_ =	shalt  }
0x87: {  	_ =	shalt  }
.Lfunc_end0:
.L_simem_size_0:
called_computation_lowered:
.L_overlay_start_0:
0x88: {  	s2 =	sld [smem:$0x3FD9]  }
0x89: {  	s3 =	sld [smem:$0x3FFE];
	_ =	sdelay $0x1  }
0x8a: {  	s1 =	srdreg.scid  }
0x8b: {  	s0 =	sand.u32 $0x1, s1  }
0x8c: {  	s17 =	sshll.u32 s0, $0xA;
	s2 =	sadd.s32 s3, s2  }
0x8d: {  	s2 =	sadd.s32 s2, s17  }
0x8e: {  	[smem:$0x3FC5] =	sst s2  }
0x8f: {  	_ = 	snop  }
0x90: {  	s2 =	sld [smem:$0x3FD0];
	(tm) =	ssettm $0x1  }
0x91: {  	s18 =	sld [smem:$0x3FFB];
	_ =	sdelay $0x3  }
0x92: {  	_ =	strace s18  }
0x93: {  	s3 =	sld [smem:$0x3FFC];
	_ =	sdelay $0x3  }
0x94: {  	_ =	strace s3  }
0x95: {  	s3 =	sld [smem:$0x3FFD];
	_ =	sdelay $0x3  }
0x96: {  	_ =	strace s3  }
0x97: {  	_ =	strace $0x8FFFFFFF  }
0x98: {  	s19 =	sld [smem:$0x3FDB];
	_ =	sdelay $0x1  }
0x99: {  	s4 =	simm.s32 $_scs_section_size  }
0x9a: {  	s5 =	simm.s32 $_size__tile_overlayer_lowered;
	s6 =	simm.s32 $_tile_overlayer_lowered  }
0x9b: {  	s22 =	simm.s32 $0x1BFF;
	s21 =	sshll.u32 s6, $0x1;
	s3 =	sadd.s32 s4, s19  }
0x9c: {  	s7 =	simm.s32 $0x0;
	s20 =	sshll.u32 s5, $0x1;
	s5 =	sadd.s32 s21, s3  }
0x9d: {  	[timem:s7], [sflag:s22] =	dma.local [hbm:s5], s20  }
0x9e: {  	_ =	swait.ge [sflag:s22], s20  }
0x9f: {  	s4 =	ssub.s32 $0x0, s20;
	[sflag:s22] =	ssyncset.done $0x0  }
0xa0: {  	[sflag:s22] =	ssyncadd.s32 s4;
	_ =	sdelay $0x1  }
0xa1: {  	s23 =	simm.s32 $0x1B8B  }
0xa2: {  	_ =	swait.ge [sflag:s23], $0x1  }
0xa3: {  	[sflag:s23] =	ssyncset.done $0x0  }
0xa4: {  	s25 =	simm.s32 $0x1B8E;
	s24 =	sld [smem:$0x3FFE];
	[sflag:s23] =	ssyncadd.s32 $0xFFFFFFFF  }
0xa5: {  	s26 =	simm.s32 $execute0_lowered;
	[smem:$0x3FD2] =	sst s25  }
0xa6: {  	s5 =	sshll.u32 s26, $0x1;
	_ =	strace $0x80000046;
	[dreg:$0x1] =	wrdreg $0xFFFFFFFF  }
0xa7: {  	s28 =	simm.s32 $_size_execute0_lowered;
	s3 =	sadd.s32 s3, s5;
	[dreg:$0x0] =	wrdreg $0x0  }
0xa8: {  	s5 =	sshll.u32 s28, $0x1;
	[dreg:$0x2] =	wrdreg s3  }
0xa9: {  	[dreg:$0x3] =	wrdreg s5  }
0xaa: {  	[dreg:$0x4] =	wrdreg $0xC0  }
0xab: {  	_ =	task [dreg:s7], $0x5FFFF  }
0xac: {  	[dreg:$0x1] =	wrdreg $0xFFFFFFFF  }
0xad: {  	[dreg:$0x0] =	wrdreg $0x60  }
0xae: {  	[dreg:$0x2] =	wrdreg s24  }
0xaf: {  	[dreg:$0x3] =	wrdreg s2  }
0xb0: {  	[dreg:$0x4] =	wrdreg $0x124000  }
0xb1: {  	[dreg:$0x5] =	wrdreg $0x9  }
0xb2: {  	_ =	task.clear_ibuf [dreg:s7], $0x6FFFF;
	_ =	strace $0x90000046  }
0xb3: {  	s29 =	simm.s32 $0x9;
	_ =	strace $0x80000048  }
0xb4: {  	_ =	swait.ge [sflag:s29], $0x1  }
0xb5: {  	[sflag:s29] =	ssyncadd.s32 $0xFFFFFFFF  }
0xb6: {  	_ =	strace $0x90000048  }
0xb7: {  	_ =	sfence  }
0xb8: {  	s30 =	sld [smem:$0x0];
	_ =	sdelay $0x2  }
0xb9: {  	s31 =	sshll.u32 s1, $0xD;
	s1 =	sshrl.u32 s1, $0x2  }
0xba: {  	s3 =	sand.u32 $0x4000, s31;
	s1 =	sadd.s32 s1, s30  }
0xbb: {  	s0 =	sor.u32 s3, s0;
	s1 =	sshll.u32 s1, $0x11  }
0xbc: {  	s0 =	sor.u32 s1, s0  }
0xbd: {  	s0 =	sadd.s32 $0x8F2B, s0  }
0xbe: {  	[sflag:s0] =	ssyncadd.remote.s32 $0x1  }
0xbf: {  	_ =	sfence.sel $0xFFFF  }
0xc0: {  	[dreg:$0x0] =	wrdreg $0xFFFFFFFF;
	(pc) =	sbr.abs _section_cstart, $3  }
0xc1: {  	[dreg:$0x1] =	wrdreg $0xFFFFFFFF  }
0xc2: {  	_ =	task.clear_ibuf [dreg:s7], $0x2FFFF;
	_ =	strace $0x9FFFFFFF  }
0xc3: {  	(tm) =	ssettm $0x7FFFFFFF  }
tec
execute0_lowered:
.L_overlay_start_1:
0x0: {  	(tag) =	ssettag $0x1  }
0x1: {  	s0 =	rddreg [dreg:$0x0];
	v0 =	vlaneseq.u32  }
0x2: {  	s7 =	rddreg [dreg:$0x1];
	s3 =	simm.s32 $0x0;
	v6 =	vmul.u32 $0x28, v0  }
0x3: {  	[smem:$0x7FF] =	sst s3  }
0x4: {  	s8 =	rddreg [dreg:$0x2];
	_ =	strace $0x80000047;
	v2 =	vor.u32 $0x1, v6;
	[tilespmem:$0x1FE00] =	vst v6  }
0x5: {  	v3 =	vor.u32 $0x2, v6;
	[tilespmem:$0x1FE10] =	vst v2  }
0x6: {  	v4 =	vor.u32 $0x3, v6;
	[tilespmem:$0x1FE20] =	vst v3  }
0x7: {  	v5 =	vor.u32 $0x4, v6;
	[tilespmem:$0x1FE30] =	vst v4  }
0x8: {  	v7 =	vor.u32 $0x6, v6;
	[tilespmem:$0x1FE40] =	vst v5  }
0x9: {  	v8 =	vor.u32 $0x7, v6;
	[tilespmem:$0x1FE50] =	vst v7  }
0xa: {  	v9 =	vadd.s32 $0x8, v6;
	[tilespmem:$0x1FE60] =	vst v8  }
0xb: {  	v10 =	vadd.s32 $0x9, v6;
	[tilespmem:$0x1FE70] =	vst v9  }
0xc: {  	v11 =	vadd.s32 $0xA, v6;
	[tilespmem:$0x1FE80] =	vst v10  }
0xd: {  	v12 =	vadd.s32 $0xB, v6;
	[tilespmem:$0x1FE90] =	vst v11  }
0xe: {  	v13 =	vadd.s32 $0xC, v6;
	[tilespmem:$0x1FEA0] =	vst v12  }
0xf: {  	v14 =	vadd.s32 $0xD, v6;
	[tilespmem:$0x1FEB0] =	vst v13  }
0x10: {  	v15 =	vadd.s32 $0xE, v6;
	[tilespmem:$0x1FEC0] =	vst v14  }
0x11: {  	v16 =	vadd.s32 $0xF, v6;
	[tilespmem:$0x1FED0] =	vst v15  }
0x12: {  	v17 =	vadd.s32 $0x10, v6;
	[tilespmem:$0x1FEE0] =	vst v16  }
0x13: {  	v18 =	vadd.s32 $0x11, v6;
	[tilespmem:$0x1FEF0] =	vst v17  }
0x14: {  	s1 =	srdreg.scid;
	s9 =	stileid.u32;
	v19 =	vadd.s32 $0x12, v6;
	[tilespmem:$0x1FF00] =	vst v18  }
0x15: {  	s30 =	simm.s32 $0x200;
	s31 =	simm.s32 $0x2;
	s22 =	sadd.s32 $0x1000, s7;
	v20 =	vadd.s32 $0x13, v6;
	[tilespmem:$0x1FF10] =	vst v19  }
0x16: {  	s1 =	sand.u32 $0x1, s1;
	s23 =	sadd.s32 $0x2000, s7;
	[dreg:$0x9] =	wrdreg s22;
	v21 =	vadd.s32 $0x14, v6;
	[tilespmem:$0x1FF20] =	vst v20  }
0x17: {  	s2 =	sshll.u32 s9, $0x1;
	s24 =	sadd.s32 $0x3000, s7;
	[dreg:$0xa] =	wrdreg s23;
	v22 =	vadd.s32 $0x15, v6;
	[tilespmem:$0x1FF30] =	vst v21  }
0x18: {  	s5 =	sadd.s32 $0x19FE00, s0;
	s25 =	sadd.s32 $0x4000, s7;
	[dreg:$0xb] =	wrdreg s24;
	v23 =	vadd.s32 $0x16, v6;
	[tilespmem:$0x1FF40] =	vst v22  }
0x19: {  	s26 =	sadd.s32 $0x5000, s7;
	s28 =	sadd.s32 $0x6000, s7;
	[dreg:$0xc] =	wrdreg s25;
	v24 =	vadd.s32 $0x17, v6;
	[tilespmem:$0x1FF50] =	vst v23  }
0x1a: {  	s29 =	sadd.s32 $0x7000, s7;
	p0 =	sne.s32 s9, $0x0;
	[dreg:$0xd] =	wrdreg s26;
	v25 =	vadd.s32 $0x18, v6;
	[tilespmem:$0x1FF60] =	vst v24  }
0x1b: {  	s2 =	sor.u32 s1, s2;
	s1 =	ssub.s32 $0x2, s1;
	[dreg:$0xe] =	wrdreg s28;
	v26 =	vadd.s32 $0x19, v6;
	[tilespmem:$0x1FF70] =	vst v25  }
0x1c: {  	[dreg:$0xf] =	wrdreg s29;
	s4 =	sshll.u32 s2, $0x4;
	s21 =	sshll.u32 s2, $0x7;
	v27 =	vadd.s32 $0x1A, v6;
	[tilespmem:$0x1FF80] =	vst v26  }
0x1d: {  	v28 =	vadd.s32 $0x1B, v6;
	s4 =	sadd.s32 s4, s0;
	s0 =	sadd.s32 $0x19400, s0;
	[dreg:$0x8] =	wrdreg s21;
	[tilespmem:$0x1FF90] =	vst v27  }
0x1e: {  	s23 =	simm.s32 $0x400;
	v29 =	vadd.s32 $0x1C, v6;
	[tilespmem:$0x1FFA0] =	vst v28;
	[dreg:$0x4] =	wrdreg s0;
	s18 =	sadd.s32 $0x400, s4  }
0x1f: {  	s6 =	sshrl.u32 s1, $0x1;
	v30 =	vadd.s32 $0x1D, v6;
	[tilespmem:$0x1FFB0] =	vst v29;
	s19 =	sadd.s32 $0xC00, s4;
	[dreg:$0x5] =	wrdreg s18  }
0x20: {  	v31 =	vadd.s32 $0x1E, v6;
	s17 =	ssub.s32 s1, s6;
	[tilespmem:$0x1FFC0] =	vst v30;
	s20 =	sadd.s32 $0x1400, s4;
	[dreg:$0x6] =	wrdreg s19  }
0x21: {  	s24 =	simm.s32 $0x8000;
	v0 =	vadd.s32 $0x1F, v6;
	[tilespmem:$0x1FFD0] =	vst v31;
	s0 =	smax.u32 s17, $0x1;
	[dreg:$0x7] =	wrdreg s20  }
0x22: {  	s26 =	simm.s32 $0x4;
	v63 =	vor.u32 $0x5, v6;
	[tilespmem:$0x1FFE0] =	vst v0;
	[dreg:$0x10] =	wrdreg s0;
	s0 =	sshrl.u32 @!p0 s8, $0x3  }
0x23: {  	s2 =	simm.s32 $0x0;
	[tilespmem:$0x1FFF0] =	vst v63;
	[dreg:$0x11] =	wrdreg s0;
	s0 =	simm.s32 $0x8  }
.LBB2_1:
0x24: {  	[dreg:$0x12] =	wrdreg s2  }
0x25: {  	s1 =	rddreg [dreg:$0x5]  }
0x26: {  	s4 =	simm.s32 $0x80;
	s6 =	simm.s32 $0x1000;
	s2 =	rddreg [dreg:$0x4]  }
0x27: {  	[tilespmem:s3], [sflag:$0x1] =	stream.strided.gather [hbm4b:s1+s4], $0x200, s6, s4, $0x38;
	[tilespmem:$0x1EC00] =	vst v63  }
0x28: {  	s7 =	rddreg [dreg:$0x11];
	s1 =	simm.s32 @!p0 $0x1C05  }
0x29: {  	[spmem:s7], [sflag:s1] =	dma.local @!p0 [hbm:s2], $0x19000  }
0x2a: {  	s1 =	simm.s32 @!p0 $0x5  }
0x2b: {  	_ =	swait.ge @!p0 [sflag:s1], $0x19000  }
0x2c: {  	[sflag:s1] =	ssyncset.done @!p0 $0x0  }
0x2d: {  	s18 =	simm.s32 $0x1;
	[sflag:s1] =	ssyncadd.s32 @!p0 $0xFFFE7000  }
0x2e: {  	_ =	swait.ge [sflag:s18], $0x200  }
0x2f: {  	[sflag:s18] =	ssyncset.done $0x0  }
0x30: {  	[sflag:s18] =	ssyncadd.s32 $0xFFFFFE00  }
0x31: {  	[tilespmem:s23], [sflag:$0x2] =	stream.indirect.gather [hbm4b:s5+s4], $0x28, s3, s4, $0xb8;
	[tilespmem:$0x1EC00] =	vst v63  }
0x32: {  	s19 =	simm.s32 $0x1800  }
0x33: {  	[tilespmem:s19], [sflag:$0x2] =	stream.indirect.gather [hbm4b:s5+s4], $0x28, s4, s4, $0xb8;
	[tilespmem:$0x1EC00] =	vst v63  }
0x34: {  	s20 =	simm.s32 $0x100;
	s21 =	simm.s32 $0x2C00  }
0x35: {  	[tilespmem:s21], [sflag:$0x2] =	stream.indirect.gather [hbm4b:s5+s4], $0x28, s20, s4, $0xb8;
	[tilespmem:$0x1EC00] =	vst v63  }
0x36: {  	s22 =	simm.s32 $0x180;
	s25 =	simm.s32 $0x4000  }
0x37: {  	[tilespmem:s25], [sflag:$0x2] =	stream.indirect.gather [hbm4b:s5+s4], $0x28, s22, s4, $0xb8;
	[tilespmem:$0x1EC00] =	vst v63  }
0x38: {  	s28 =	rddreg [dreg:$0x6]  }
0x39: {  	[tilespmem:s30], [sflag:$0x1] =	stream.strided.gather [hbm4b:s28+s4], $0x200, s6, s4, $0x38;
	[tilespmem:$0x1EC00] =	vst v63  }
0x3a: {  	p1 =	por $0x0, $0x0;
	s29 =	simm.s32 $0x0;
	[bflag:$0x0] =	sbarrier.arrive $0xFFFF  }
.LBB2_2:
0x3b: {  	_ =	swait.ge [sflag:s31], $0x1400  }
0x3c: {  	[sflag:s31] =	ssyncset.done $0x0  }
0x3d: {  	[sflag:s31] =	ssyncadd.s32 $0xFFFFEC00  }
0x3e: {  	_ =	swait.ge [sflag:s31], $0x1400  }
0x3f: {  	[sflag:s31] =	ssyncset.done $0x0  }
0x40: {  	[sflag:s31] =	ssyncadd.s32 $0xFFFFEC00  }
0x41: {  	_ =	swait.ge [sflag:s31], $0x1400  }
0x42: {  	[sflag:s31] =	ssyncset.done $0x0  }
0x43: {  	[sflag:s31] =	ssyncadd.s32 $0xFFFFEC00  }
0x44: {  	_ =	swait.ge [sflag:s31], $0x1400  }
0x45: {  	s6 =	sadd.s32 $0x1, s29;
	p2 =	seq.s32 s29, $0x31;
	[sflag:s31] =	ssyncset.done $0x0  }
0x46: {  	s1 =	simm.s32 @!p2 $0x1;
	s2 =	sand.u32 @!p2 $0x1, s6;
	[sflag:s31] =	ssyncadd.s32 $0xFFFFEC00  }
0x47: {  	s4 =	smul.u32 @!p2 $0x14000, s2;
	_ =	swait.ge @!p2 [sflag:s1], $0x200  }
0x48: {  	[sflag:s1] =	ssyncset.done @!p2 $0x0  }
0x49: {  	[sflag:s1] =	ssyncadd.s32 @!p2 $0xFFFFFE00;
	s1 =	sshrl.u32 @!p2 s4, $0x2  }
0x4a: {  	s7 =	simm.s32 @!p2 $0x80;
	s2 =	sshll.u32 @!p2 s2, $0x9;
	s4 =	sor.u32 @!p2 $0x400, s1  }
0x4b: {  	[tilespmem:s4], [sflag:$0x2] =	stream.indirect.gather @!p2 [hbm4b:s5+s7], $0x28, s2, s7, $0xb8;
	[tilespmem:$0x1EC00] =	vst v63  }
0x4c: {  	s8 =	sor.u32 @!p2 $0x80, s2;
	s4 =	sadd.s32 @!p2 $0x1800, s1  }
0x4d: {  	[tilespmem:s4], [sflag:$0x2] =	stream.indirect.gather @!p2 [hbm4b:s5+s7], $0x28, s8, s7, $0xb8;
	[tilespmem:$0x1EC00] =	vst v63  }
0x4e: {  	s4 =	sadd.s32 @!p2 $0x2C00, s1;
	s8 =	sor.u32 @!p2 $0x100, s2  }
0x4f: {  	[tilespmem:s4], [sflag:$0x2] =	stream.indirect.gather @!p2 [hbm4b:s5+s7], $0x28, s8, s7, $0xb8;
	[tilespmem:$0x1EC00] =	vst v63  }
0x50: {  	p3 =	sgt.u32 @!p2 s29, $0x2F;
	s1 =	sadd.s32 @!p2 $0x4000, s1;
	s2 =	sor.u32 @!p2 $0x180, s2  }
0x51: {  	[tilespmem:s1], [sflag:$0x2] =	stream.indirect.gather @!p2 [hbm4b:s5+s7], $0x28, s2, s7, $0xb8;
	[tilespmem:$0x1EC00] =	vst v63  }
0x52: {  	p2 =	por p2, p3  }
0x53: {  	s4 =	rddreg [dreg:$0x7];
	s1 =	sshll.u32 @!p2 s29, $0x9  }
0x54: {  	s2 =	sshll.u32 @!p2 s29, $0xB;
	s7 =	simm.s32 @!p2 $0x1000;
	p3 =	seq.s32 @!p2 s29, $0x0  }
0x55: {  	s1 =	sand.u32 @!p2 $0x200, s1;
	s2 =	sadd.s32 @!p2 s2, s4;
	s4 =	simm.s32 @!p2 $0x80  }
0x56: {  	[tilespmem:s1], [sflag:$0x1] =	stream.strided.gather @!p2 [hbm4b:s2+s4], $0x200, s7, s4, $0x38;
	[tilespmem:$0x1EC00] =	vst v63  }
0x57: {  	p2 =	por p2, !p3  }
.Ltmp0:
0x58: {  	_ = 	snop;
	(pc) =	sbr.rel @!p2 .LBB2_4-.Ltmp0, $1  }
0x59: {  	_ =	sdelay $0x3  }
0x5a: {  	_ =	swait.ge [sflag:s26], $0x200  }
0x5b: {  	[sflag:s26] =	ssyncset.done $0x0  }
0x5c: {  	[sflag:s26] =	ssyncadd.s32 $0xFFFFFE00  }
0x5d: {  	_ =	swait.ge [sflag:s26], $0x200  }
0x5e: {  	[sflag:s26] =	ssyncset.done $0x0  }
0x5f: {  	[sflag:s26] =	ssyncadd.s32 $0xFFFFFE00  }
0x60: {  	_ =	swait.ge [sflag:s26], $0x200  }
0x61: {  	[sflag:s26] =	ssyncset.done $0x0  }
0x62: {  	[sflag:s26] =	ssyncadd.s32 $0xFFFFFE00  }
0x63: {  	_ =	swait.ge [sflag:s26], $0x200  }
0x64: {  	p2 =	slt.u32 s29, $0x2;
	[sflag:s26] =	ssyncset.done $0x0  }
0x65: {  	s1 =	simm.s32 @!p2 $0x3;
	[sflag:s26] =	ssyncadd.s32 $0xFFFFFE00  }
0x66: {  	_ =	swait.ge @!p2 [sflag:s1], $0x1000  }
0x67: {  	[sflag:s1] =	ssyncset.done @!p2 $0x0  }
0x68: {  	[sflag:s1] =	ssyncadd.s32 @!p2 $0xFFFFF000  }
0x69: {  	_ =	swait.ge @!p2 [sflag:s1], $0x1000  }
0x6a: {  	[sflag:s1] =	ssyncset.done @!p2 $0x0  }
0x6b: {  	[sflag:s1] =	ssyncadd.s32 @!p2 $0xFFFFF000  }
0x6c: {  	_ =	swait.ge @!p2 [sflag:s1], $0x1000  }
0x6d: {  	[sflag:s1] =	ssyncset.done @!p2 $0x0  }
0x6e: {  	[sflag:s1] =	ssyncadd.s32 @!p2 $0xFFFFF000  }
0x6f: {  	_ =	swait.ge @!p2 [sflag:s1], $0x1000  }
0x70: {  	[sflag:s1] =	ssyncset.done @!p2 $0x0  }
0x71: {  	[sflag:s1] =	ssyncadd.s32 @!p2 $0xFFFFF000  }
.LBB2_4:
0x72: {  	s1 =	simm.s32 $0x1  }
0x73: {  	s1 =	simm.s32 @!p1 $0x0  }
0x74: {  	s2 =	sshll.u32 s1, $0x9  }
0x75: {  	s13 =	sadd.s32 $0x0, s2  }
0x76: {  	v32 =	vmov s13  }
0x77: {  	v32 =	vmul.u32 $0x28, v32;
	_ =	sdelay $0x1  }
0x78: {  	v32 =	vbroadcast v32, $0x0;
	_ =	sdelay $0x1  }
0x79: {  	v33 =	vadd.s32 v6, v32  }
0x7a: {  	v34 =	vadd.s32 v2, v32  }
0x7b: {  	v35 =	vadd.s32 v3, v32  }
0x7c: {  	v30 =	vld [tilespmem:$0x1FFC0];
	v36 =	vadd.s32 v4, v32  }
0x7d: {  	v31 =	vld [tilespmem:$0x1FFD0];
	v37 =	vadd.s32 v5, v32  }
0x7e: {  	v38 =	vadd.s32 v63, v32;
	v1 =	vld.idx.msk [tilespmem:v33+s23+$0x0], $0xffff  }
0x7f: {  	v39 =	vadd.s32 v7, v32;
	v34 =	vld.idx.msk [tilespmem:v34+s23+$0x0], $0xffff  }
0x80: {  	v40 =	vadd.s32 v8, v32;
	v35 =	vld.idx.msk [tilespmem:v35+s23+$0x0], $0xffff  }
0x81: {  	v41 =	vadd.s32 v9, v32;
	v36 =	vld.idx.msk [tilespmem:v36+s23+$0x0], $0xffff  }
0x82: {  	v42 =	vadd.s32 v10, v32;
	v37 =	vld.idx.msk [tilespmem:v37+s23+$0x0], $0xffff  }
0x83: {  	v43 =	vadd.s32 v11, v32;
	v38 =	vld.idx.msk [tilespmem:v38+s23+$0x0], $0xffff  }
0x84: {  	v44 =	vadd.s32 v12, v32;
	v39 =	vld.idx.msk [tilespmem:v39+s23+$0x0], $0xffff  }
0x85: {  	v45 =	vadd.s32 v13, v32;
	v40 =	vld.idx.msk [tilespmem:v40+s23+$0x0], $0xffff  }
0x86: {  	v46 =	vadd.s32 v14, v32;
	v41 =	vld.idx.msk [tilespmem:v41+s23+$0x0], $0xffff  }
0x87: {  	v47 =	vadd.s32 v15, v32;
	v42 =	vld.idx.msk [tilespmem:v42+s23+$0x0], $0xffff  }
0x88: {  	v48 =	vadd.s32 v16, v32;
	v43 =	vld.idx.msk [tilespmem:v43+s23+$0x0], $0xffff  }
0x89: {  	v49 =	vadd.s32 v17, v32;
	v44 =	vld.idx.msk [tilespmem:v44+s23+$0x0], $0xffff  }
0x8a: {  	v50 =	vadd.s32 v18, v32;
	v45 =	vld.idx.msk [tilespmem:v45+s23+$0x0], $0xffff  }
0x8b: {  	v51 =	vadd.s32 v19, v32;
	v46 =	vld.idx.msk [tilespmem:v46+s23+$0x0], $0xffff  }
0x8c: {  	v52 =	vadd.s32 v20, v32;
	v47 =	vld.idx.msk [tilespmem:v47+s23+$0x0], $0xffff  }
0x8d: {  	v53 =	vadd.s32 v21, v32;
	v48 =	vld.idx.msk [tilespmem:v48+s23+$0x0], $0xffff  }
0x8e: {  	v54 =	vadd.s32 v22, v32;
	v49 =	vld.idx.msk [tilespmem:v49+s23+$0x0], $0xffff  }
0x8f: {  	v55 =	vadd.s32 v23, v32;
	v50 =	vld.idx.msk [tilespmem:v50+s23+$0x0], $0xffff  }
0x90: {  	v56 =	vadd.s32 v24, v32;
	v51 =	vld.idx.msk [tilespmem:v51+s23+$0x0], $0xffff  }
0x91: {  	v57 =	vadd.s32 v25, v32;
	v52 =	vld.idx.msk [tilespmem:v52+s23+$0x0], $0xffff  }
0x92: {  	v58 =	vadd.s32 v0, v32;
	v53 =	vld.idx.msk [tilespmem:v53+s23+$0x0], $0xffff  }
0x93: {  	v59 =	vadd.s32 v26, v32;
	v54 =	vld.idx.msk [tilespmem:v54+s23+$0x0], $0xffff  }
0x94: {  	v60 =	vadd.s32 v27, v32;
	v55 =	vld.idx.msk [tilespmem:v55+s23+$0x0], $0xffff  }
0x95: {  	v61 =	vadd.s32 v28, v32;
	v56 =	vld.idx.msk [tilespmem:v56+s23+$0x0], $0xffff  }
0x96: {  	v62 =	vadd.s32 v29, v32;
	v57 =	vld.idx.msk [tilespmem:v57+s23+$0x0], $0xffff  }
0x97: {  	v63 =	vadd.s32 v30, v32;
	v58 =	vld.idx.msk [tilespmem:v58+s23+$0x0], $0xffff  }
0x98: {  	v32 =	vadd.s32 v31, v32;
	v59 =	vld.idx.msk [tilespmem:v59+s23+$0x0], $0xffff  }
0x99: {  	v60 =	vld.idx.msk [tilespmem:v60+s23+$0x0], $0xffff  }
0x9a: {  	s1 =	sshll.u32 s1, $0xE;
	v61 =	vld.idx.msk [tilespmem:v61+s23+$0x0], $0xffff  }
0x9b: {  	s22 =	sadd.s32 $0xE380, s1;
	v62 =	vld.idx.msk [tilespmem:v62+s23+$0x0], $0xffff  }
0x9c: {  	s9 =	sadd.s32 $0xD380, s1;
	s11 =	sadd.s32 $0xC380, s1;
	s1 =	sor.u32 $0xAC00, s1;
	v63 =	vld.idx.msk [tilespmem:v63+s23+$0x0], $0xffff;
	[tilespmem:$0x1FDF0] =	vst v1  }
0x9d: {  	v33 =	vld.idx.msk [tilespmem:v32+s23+$0x0], $0xffff;
	[tilespmem:s1+$0x780] =	vst v58  }
0x9e: {  	[tilespmem:s1+$0xFFFFF880] =	vst v34  }
0x9f: {  	[tilespmem:s1+$0xFFFFF900] =	vst v35  }
0xa0: {  	[tilespmem:s1+$0xFFFFF980] =	vst v36  }
0xa1: {  	[tilespmem:s1+$0xFFFFFA00] =	vst v37  }
0xa2: {  	[tilespmem:s1+$0xFFFFFA80] =	vst v38  }
0xa3: {  	[tilespmem:s1+$0xFFFFFB00] =	vst v39  }
0xa4: {  	[tilespmem:s1+$0xFFFFFB80] =	vst v40  }
0xa5: {  	[tilespmem:s1+$0xFFFFFC00] =	vst v41  }
0xa6: {  	[tilespmem:s1+$0xFFFFFC80] =	vst v42  }
0xa7: {  	[tilespmem:s1+$0xFFFFFD00] =	vst v43  }
0xa8: {  	[tilespmem:s1+$0xFFFFFD80] =	vst v44  }
0xa9: {  	[tilespmem:s1+$0xFFFFFE00] =	vst v45  }
0xaa: {  	[tilespmem:s1+$0xFFFFFE80] =	vst v46  }
0xab: {  	[tilespmem:s1+$0xFFFFFF00] =	vst v47  }
0xac: {  	[tilespmem:s1+$0xFFFFFF80] =	vst v48  }
0xad: {  	[tilespmem:s1+$0x0] =	vst v49  }
0xae: {  	[tilespmem:s1+$0x80] =	vst v50  }
0xaf: {  	[tilespmem:s1+$0x100] =	vst v51  }
0xb0: {  	[tilespmem:s1+$0x180] =	vst v52  }
0xb1: {  	[tilespmem:s1+$0x200] =	vst v53  }
0xb2: {  	s28 =	sadd.s32 $0x10, s2;
	[tilespmem:s1+$0x280] =	vst v54  }
0xb3: {  	v48 =	vmov s28;
	[tilespmem:s1+$0x300] =	vst v55  }
0xb4: {  	[tilespmem:s1+$0x380] =	vst v56;
	v32 =	vmul.u32 $0x28, v48  }
0xb5: {  	[tilespmem:s1+$0x400] =	vst v57  }
0xb6: {  	[tilespmem:s1+$0x480] =	vst v59;
	v32 =	vbroadcast v32, $0x0  }
0xb7: {  	v1 =	vmov v6;
	v6 =	vmov v0;
	[tilespmem:s1+$0x500] =	vst v60;
	v0 =	vld [tilespmem:$0x1FDF0]  }
0xb8: {  	[tilespmem:s1+$0x580] =	vst v61;
	v49 =	vadd.s32 v1, v32  }
0xb9: {  	[tilespmem:s1+$0x600] =	vst v62;
	v50 =	vadd.s32 v2, v32  }
0xba: {  	[tilespmem:s1+$0x680] =	vst v63;
	v51 =	vadd.s32 v3, v32  }
0xbb: {  	[tilespmem:s1+$0x700] =	vst v33;
	v52 =	vadd.s32 v4, v32  }
0xbc: {  	v53 =	vadd.s32 v5, v32;
	[tilespmem:s1+$0xFFFFF800] =	vst v0;
	v0 =	vld [tilespmem:$0x1FFF0]  }
0xbd: {  	v55 =	vadd.s32 v7, v32;
	v33 =	vld.idx.msk [tilespmem:v49+s23+$0x0], $0xffff  }
0xbe: {  	v56 =	vadd.s32 v8, v32;
	v34 =	vld.idx.msk [tilespmem:v50+s23+$0x0], $0xffff  }
0xbf: {  	v57 =	vadd.s32 v9, v32;
	v35 =	vld.idx.msk [tilespmem:v51+s23+$0x0], $0xffff  }
0xc0: {  	v58 =	vadd.s32 v10, v32;
	v36 =	vld.idx.msk [tilespmem:v52+s23+$0x0], $0xffff  }
0xc1: {  	v59 =	vadd.s32 v11, v32;
	v37 =	vld.idx.msk [tilespmem:v53+s23+$0x0], $0xffff  }
0xc2: {  	v60 =	vadd.s32 v12, v32;
	v39 =	vld.idx.msk [tilespmem:v55+s23+$0x0], $0xffff  }
0xc3: {  	v61 =	vadd.s32 v13, v32;
	v40 =	vld.idx.msk [tilespmem:v56+s23+$0x0], $0xffff  }
0xc4: {  	v62 =	vadd.s32 v14, v32;
	v41 =	vld.idx.msk [tilespmem:v57+s23+$0x0], $0xffff  }
0xc5: {  	v63 =	vadd.s32 v15, v32;
	v42 =	vld.idx.msk [tilespmem:v58+s23+$0x0], $0xffff  }
0xc6: {  	v43 =	vld.idx.msk [tilespmem:v59+s23+$0x0], $0xffff;
	v54 =	vadd.s32 v0, v32  }
0xc7: {  	s20 =	sshll.u32 s29, $0xE;
	v44 =	vld.idx.msk [tilespmem:v60+s23+$0x0], $0xffff  }
0xc8: {  	s4 =	sand.u32 $0x4000, s20;
	v45 =	vld.idx.msk [tilespmem:v61+s23+$0x0], $0xffff  }
0xc9: {  	s21 =	sor.u32 $0xA400, s4;
	s18 =	sor.u32 $0xA800, s4;
	v46 =	vld.idx.msk [tilespmem:v62+s23+$0x0], $0xffff  }
0xca: {  	s8 =	sor.u32 $0xAC00, s4;
	s7 =	sor.u32 $0xB000, s4;
	s19 =	sor.u32 $0x180, s2;
	v48 =	vadd.s32 v19, v32;
	v52 =	vadd.s32 v16, v32;
	v47 =	vld.idx.msk [tilespmem:v63+s23+$0x0], $0xffff  }
0xcb: {  	s10 =	sor.u32 $0x100, s2;
	s12 =	sor.u32 $0x80, s2;
	s13 =	simm.s32 $0x20;
	v50 =	vadd.s32 v17, v32;
	v51 =	vadd.s32 v18, v32;
	v49 =	vadd.s32 v20, v32;
	v38 =	vld.idx.msk [tilespmem:v54+s23+$0x0], $0xffff  }
.LBB2_5:
0xcc: {  	_ =	sdelay $0x3  }
0xcd: {  	v52 =	vld.idx.msk [tilespmem:v52+s23+$0x0], $0xffff;
	v53 =	vadd.s32 v21, v32  }
0xce: {  	v50 =	vld.idx.msk [tilespmem:v50+s23+$0x0], $0xffff;
	v54 =	vadd.s32 v22, v32  }
0xcf: {  	v51 =	vld.idx.msk [tilespmem:v51+s23+$0x0], $0xffff;
	v55 =	vadd.s32 v23, v32  }
0xd0: {  	v48 =	vld.idx.msk [tilespmem:v48+s23+$0x0], $0xffff;
	v56 =	vadd.s32 v24, v32  }
0xd1: {  	v49 =	vld.idx.msk [tilespmem:v49+s23+$0x0], $0xffff;
	v57 =	vadd.s32 v25, v32  }
0xd2: {  	v58 =	vadd.s32 v6, v32;
	v53 =	vld.idx.msk [tilespmem:v53+s23+$0x0], $0xffff  }
0xd3: {  	v59 =	vadd.s32 v26, v32;
	v54 =	vld.idx.msk [tilespmem:v54+s23+$0x0], $0xffff  }
0xd4: {  	v60 =	vadd.s32 v27, v32;
	v55 =	vld.idx.msk [tilespmem:v55+s23+$0x0], $0xffff  }
0xd5: {  	v61 =	vadd.s32 v28, v32;
	v56 =	vld.idx.msk [tilespmem:v56+s23+$0x0], $0xffff  }
0xd6: {  	v62 =	vadd.s32 v29, v32;
	v57 =	vld.idx.msk [tilespmem:v57+s23+$0x0], $0xffff  }
0xd7: {  	v63 =	vadd.s32 v30, v32;
	v58 =	vld.idx.msk [tilespmem:v58+s23+$0x0], $0xffff  }
0xd8: {  	v32 =	vadd.s32 v31, v32;
	v59 =	vld.idx.msk [tilespmem:v59+s23+$0x0], $0xffff  }
0xd9: {  	v60 =	vld.idx.msk [tilespmem:v60+s23+$0x0], $0xffff  }
0xda: {  	v61 =	vld.idx.msk [tilespmem:v61+s23+$0x0], $0xffff  }
0xdb: {  	v62 =	vld.idx.msk [tilespmem:v62+s23+$0x0], $0xffff  }
0xdc: {  	s1 =	sadd.s32 $0x10, s1;
	v63 =	vld.idx.msk [tilespmem:v63+s23+$0x0], $0xffff  }
0xdd: {  	v0 =	vld.idx.msk [tilespmem:v32+s23+$0x0], $0xffff;
	[tilespmem:s1+$0xFFFFF800] =	vst v33  }
0xde: {  	[tilespmem:s1+$0xFFFFF880] =	vst v34  }
0xdf: {  	[tilespmem:s1+$0xFFFFF900] =	vst v35  }
0xe0: {  	[tilespmem:s1+$0xFFFFF980] =	vst v36  }
0xe1: {  	[tilespmem:s1+$0xFFFFFA00] =	vst v37  }
0xe2: {  	[tilespmem:s1+$0xFFFFFA80] =	vst v38  }
0xe3: {  	[tilespmem:s1+$0xFFFFFB00] =	vst v39  }
0xe4: {  	[tilespmem:s1+$0xFFFFFB80] =	vst v40  }
0xe5: {  	[tilespmem:s1+$0xFFFFFC00] =	vst v41  }
0xe6: {  	[tilespmem:s1+$0xFFFFFC80] =	vst v42  }
0xe7: {  	[tilespmem:s1+$0xFFFFFD00] =	vst v43  }
0xe8: {  	[tilespmem:s1+$0xFFFFFD80] =	vst v44  }
0xe9: {  	[tilespmem:s1+$0xFFFFFE00] =	vst v45  }
0xea: {  	[tilespmem:s1+$0xFFFFFE80] =	vst v46  }
0xeb: {  	[tilespmem:s1+$0xFFFFFF00] =	vst v47  }
0xec: {  	[tilespmem:s1+$0xFFFFFF80] =	vst v52  }
0xed: {  	[tilespmem:s1+$0x0] =	vst v50  }
0xee: {  	[tilespmem:s1+$0x80] =	vst v51  }
0xef: {  	[tilespmem:s1+$0x100] =	vst v48  }
0xf0: {  	[tilespmem:s1+$0x180] =	vst v49  }
0xf1: {  	[tilespmem:s1+$0x780] =	vst v58  }
0xf2: {  	s14 =	sadd.s32 s13, s2;
	[tilespmem:s1+$0x200] =	vst v53  }
0xf3: {  	v49 =	vmov s14;
	[tilespmem:s1+$0x280] =	vst v54  }
0xf4: {  	v32 =	vmul.u32 $0x28, v49;
	[tilespmem:s1+$0x300] =	vst v55  }
0xf5: {  	[tilespmem:s1+$0x380] =	vst v56  }
0xf6: {  	v32 =	vbroadcast v32, $0x0;
	[tilespmem:s1+$0x400] =	vst v57  }
0xf7: {  	[tilespmem:s1+$0x480] =	vst v59  }
0xf8: {  	v50 =	vadd.s32 v1, v32;
	[tilespmem:s1+$0x500] =	vst v60  }
0xf9: {  	v51 =	vadd.s32 v2, v32;
	[tilespmem:s1+$0x580] =	vst v61  }
0xfa: {  	v52 =	vadd.s32 v3, v32;
	[tilespmem:s1+$0x600] =	vst v62  }
0xfb: {  	v53 =	vadd.s32 v4, v32;
	[tilespmem:s1+$0x680] =	vst v63  }
0xfc: {  	v63 =	vld [tilespmem:$0x1FFF0];
	v54 =	vadd.s32 v5, v32;
	[tilespmem:s1+$0x700] =	vst v0  }
0xfd: {  	v55 =	vadd.s32 v7, v32;
	v33 =	vld.idx.msk [tilespmem:v50+s23+$0x0], $0xffff  }
0xfe: {  	v56 =	vadd.s32 v8, v32;
	v34 =	vld.idx.msk [tilespmem:v51+s23+$0x0], $0xffff  }
0xff: {  	v57 =	vadd.s32 v9, v32;
	v35 =	vld.idx.msk [tilespmem:v52+s23+$0x0], $0xffff  }
0x100: {  	v58 =	vadd.s32 v10, v32;
	v36 =	vld.idx.msk [tilespmem:v53+s23+$0x0], $0xffff  }
0x101: {  	v0 =	vadd.s32 v63, v32;
	v37 =	vld.idx.msk [tilespmem:v54+s23+$0x0], $0xffff  }
0x102: {  	v59 =	vadd.s32 v12, v32;
	v39 =	vld.idx.msk [tilespmem:v55+s23+$0x0], $0xffff  }
0x103: {  	v60 =	vadd.s32 v13, v32;
	v40 =	vld.idx.msk [tilespmem:v56+s23+$0x0], $0xffff  }
0x104: {  	v61 =	vadd.s32 v14, v32;
	v41 =	vld.idx.msk [tilespmem:v57+s23+$0x0], $0xffff  }
0x105: {  	v62 =	vadd.s32 v15, v32;
	v42 =	vld.idx.msk [tilespmem:v58+s23+$0x0], $0xffff  }
0x106: {  	p2 =	seq.s32 s13, $0x70;
	v38 =	vld.idx.msk [tilespmem:v0+s23+$0x0], $0xffff;
	v0 =	vadd.s32 v11, v32  }
.Ltmp1:
0x107: {  	v44 =	vld.idx.msk [tilespmem:v59+s23+$0x0], $0xffff;
	(pc) =	sbr.rel @!p2 .LBB2_5-.Ltmp1, $4  }
0x108: {  	v45 =	vld.idx.msk [tilespmem:v60+s23+$0x0], $0xffff  }
0x109: {  	v46 =	vld.idx.msk [tilespmem:v61+s23+$0x0], $0xffff  }
0x10a: {  	v48 =	vadd.s32 v19, v32;
	v49 =	vadd.s32 v20, v32;
	v47 =	vld.idx.msk [tilespmem:v62+s23+$0x0], $0xffff  }
0x10b: {  	s13 =	sadd.s32 $0x10, s13;
	v52 =	vadd.s32 v16, v32;
	v50 =	vadd.s32 v17, v32;
	v51 =	vadd.s32 v18, v32;
	v43 =	vld.idx.msk [tilespmem:v0+s23+$0x0], $0xffff  }
0x10c: {  	_ =	sdelay $0x3  }
0x10d: {  	v0 =	vld.idx.msk [tilespmem:v52+s23+$0x0], $0xffff;
	v62 =	vadd.s32 v21, v32  }
0x10e: {  	v50 =	vld.idx.msk [tilespmem:v50+s23+$0x0], $0xffff;
	v53 =	vadd.s32 v22, v32  }
0x10f: {  	v51 =	vld.idx.msk [tilespmem:v51+s23+$0x0], $0xffff;
	v54 =	vadd.s32 v23, v32  }
0x110: {  	v48 =	vld.idx.msk [tilespmem:v48+s23+$0x0], $0xffff;
	v55 =	vadd.s32 v24, v32  }
0x111: {  	v49 =	vld.idx.msk [tilespmem:v49+s23+$0x0], $0xffff;
	v56 =	vadd.s32 v25, v32  }
0x112: {  	v57 =	vadd.s32 v6, v32;
	v52 =	vld.idx.msk [tilespmem:v62+s23+$0x0], $0xffff  }
0x113: {  	v58 =	vadd.s32 v26, v32;
	v53 =	vld.idx.msk [tilespmem:v53+s23+$0x0], $0xffff  }
0x114: {  	v59 =	vadd.s32 v27, v32;
	v54 =	vld.idx.msk [tilespmem:v54+s23+$0x0], $0xffff  }
0x115: {  	v60 =	vadd.s32 v28, v32;
	v55 =	vld.idx.msk [tilespmem:v55+s23+$0x0], $0xffff  }
0x116: {  	v61 =	vadd.s32 v29, v32;
	v56 =	vld.idx.msk [tilespmem:v56+s23+$0x0], $0xffff  }
0x117: {  	v62 =	vadd.s32 v30, v32;
	v57 =	vld.idx.msk [tilespmem:v57+s23+$0x0], $0xffff  }
0x118: {  	v58 =	vld.idx.msk [tilespmem:v58+s23+$0x0], $0xffff;
	v32 =	vadd.s32 v31, v32  }
0x119: {  	v59 =	vld.idx.msk [tilespmem:v59+s23+$0x0], $0xffff  }
0x11a: {  	v60 =	vld.idx.msk [tilespmem:v60+s23+$0x0], $0xffff  }
0x11b: {  	v61 =	vld.idx.msk [tilespmem:v61+s23+$0x0], $0xffff  }
0x11c: {  	s1 =	sadd.s32 $0x10, s1;
	v62 =	vld.idx.msk [tilespmem:v62+s23+$0x0], $0xffff  }
0x11d: {  	v32 =	vld.idx.msk [tilespmem:v32+s23+$0x0], $0xffff;
	[tilespmem:s1+$0x780] =	vst v57  }
0x11e: {  	v1 =	vld [tilespmem:$0x1FE00];
	[tilespmem:s1+$0xFFFFF800] =	vst v33  }
0x11f: {  	v2 =	vld [tilespmem:$0x1FE10];
	[tilespmem:s1+$0xFFFFF880] =	vst v34  }
0x120: {  	v3 =	vld [tilespmem:$0x1FE20];
	[tilespmem:s1+$0xFFFFF900] =	vst v35  }
0x121: {  	v4 =	vld [tilespmem:$0x1FE30];
	[tilespmem:s1+$0xFFFFF980] =	vst v36  }
0x122: {  	v5 =	vld [tilespmem:$0x1FE40];
	[tilespmem:s1+$0xFFFFFA00] =	vst v37  }
0x123: {  	v7 =	vld [tilespmem:$0x1FE50];
	[tilespmem:s1+$0xFFFFFA80] =	vst v38  }
0x124: {  	v8 =	vld [tilespmem:$0x1FE60];
	[tilespmem:s1+$0xFFFFFB00] =	vst v39  }
0x125: {  	v9 =	vld [tilespmem:$0x1FE70];
	[tilespmem:s1+$0xFFFFFB80] =	vst v40  }
0x126: {  	v10 =	vld [tilespmem:$0x1FE80];
	[tilespmem:s1+$0xFFFFFC00] =	vst v41  }
0x127: {  	v11 =	vld [tilespmem:$0x1FE90];
	[tilespmem:s1+$0xFFFFFC80] =	vst v42  }
0x128: {  	v12 =	vld [tilespmem:$0x1FEA0];
	[tilespmem:s1+$0xFFFFFD00] =	vst v43  }
0x129: {  	v13 =	vld [tilespmem:$0x1FEB0];
	[tilespmem:s1+$0xFFFFFD80] =	vst v44  }
0x12a: {  	v14 =	vld [tilespmem:$0x1FEC0];
	[tilespmem:s1+$0xFFFFFE00] =	vst v45  }
0x12b: {  	v15 =	vld [tilespmem:$0x1FED0];
	[tilespmem:s1+$0xFFFFFE80] =	vst v46  }
0x12c: {  	v16 =	vld [tilespmem:$0x1FEE0];
	[tilespmem:s1+$0xFFFFFF00] =	vst v47  }
0x12d: {  	v17 =	vld [tilespmem:$0x1FEF0];
	[tilespmem:s1+$0xFFFFFF80] =	vst v0  }
0x12e: {  	v18 =	vld [tilespmem:$0x1FF00];
	[tilespmem:s1+$0x0] =	vst v50  }
0x12f: {  	v19 =	vld [tilespmem:$0x1FF10];
	[tilespmem:s1+$0x80] =	vst v51  }
0x130: {  	v20 =	vld [tilespmem:$0x1FF20];
	[tilespmem:s1+$0x100] =	vst v48  }
0x131: {  	v21 =	vld [tilespmem:$0x1FF30];
	[tilespmem:s1+$0x180] =	vst v49  }
0x132: {  	s13 =	sadd.s32 $0x0, s12;
	v22 =	vld [tilespmem:$0x1FF40];
	[tilespmem:s1+$0x200] =	vst v52  }
0x133: {  	v23 =	vld [tilespmem:$0x1FF50];
	[tilespmem:s1+$0x280] =	vst v53;
	v0 =	vmov s13  }
0x134: {  	v24 =	vld [tilespmem:$0x1FF60];
	[tilespmem:s1+$0x300] =	vst v54;
	v0 =	vmul.u32 $0x28, v0  }
0x135: {  	v25 =	vld [tilespmem:$0x1FF70];
	[tilespmem:s1+$0x380] =	vst v55  }
0x136: {  	v6 =	vld [tilespmem:$0x1FFE0];
	[tilespmem:s1+$0x400] =	vst v56;
	v0 =	vbroadcast v0, $0x0  }
0x137: {  	v26 =	vld [tilespmem:$0x1FF80];
	[tilespmem:s1+$0x480] =	vst v58  }
0x138: {  	v27 =	vld [tilespmem:$0x1FF90];
	[tilespmem:s1+$0x500] =	vst v59;
	v40 =	vadd.s32 v1, v0  }
0x139: {  	v28 =	vld [tilespmem:$0x1FFA0];
	[tilespmem:s1+$0x580] =	vst v60;
	v41 =	vadd.s32 v2, v0  }
0x13a: {  	v29 =	vld [tilespmem:$0x1FFB0];
	[tilespmem:s1+$0x600] =	vst v61;
	v42 =	vadd.s32 v3, v0  }
0x13b: {  	v30 =	vld [tilespmem:$0x1FFC0];
	[tilespmem:s1+$0x680] =	vst v62;
	v43 =	vadd.s32 v4, v0  }
0x13c: {  	v31 =	vld [tilespmem:$0x1FFD0];
	[tilespmem:s1+$0x700] =	vst v32;
	v44 =	vadd.s32 v5, v0  }
0x13d: {  	v45 =	vadd.s32 v63, v0;
	v32 =	vld.idx.msk [tilespmem:v40+s23+$0x0], $0xffff  }
0x13e: {  	v46 =	vadd.s32 v7, v0;
	v33 =	vld.idx.msk [tilespmem:v41+s23+$0x0], $0xffff  }
0x13f: {  	v47 =	vadd.s32 v8, v0;
	v34 =	vld.idx.msk [tilespmem:v42+s23+$0x0], $0xffff  }
0x140: {  	v48 =	vadd.s32 v9, v0;
	v35 =	vld.idx.msk [tilespmem:v43+s23+$0x0], $0xffff  }
0x141: {  	v49 =	vadd.s32 v10, v0;
	v36 =	vld.idx.msk [tilespmem:v44+s23+$0x0], $0xffff  }
0x142: {  	v50 =	vadd.s32 v11, v0;
	v37 =	vld.idx.msk [tilespmem:v45+s23+$0x0], $0xffff  }
0x143: {  	v51 =	vadd.s32 v12, v0;
	v38 =	vld.idx.msk [tilespmem:v46+s23+$0x0], $0xffff  }
0x144: {  	v52 =	vadd.s32 v13, v0;
	v39 =	vld.idx.msk [tilespmem:v47+s23+$0x0], $0xffff  }
0x145: {  	v53 =	vadd.s32 v14, v0;
	v40 =	vld.idx.msk [tilespmem:v48+s23+$0x0], $0xffff  }
0x146: {  	v54 =	vadd.s32 v15, v0;
	v41 =	vld.idx.msk [tilespmem:v49+s23+$0x0], $0xffff  }
0x147: {  	v55 =	vadd.s32 v16, v0;
	v42 =	vld.idx.msk [tilespmem:v50+s23+$0x0], $0xffff  }
0x148: {  	v56 =	vadd.s32 v17, v0;
	v43 =	vld.idx.msk [tilespmem:v51+s23+$0x0], $0xffff  }
0x149: {  	v57 =	vadd.s32 v18, v0;
	v44 =	vld.idx.msk [tilespmem:v52+s23+$0x0], $0xffff  }
0x14a: {  	v58 =	vadd.s32 v19, v0;
	v45 =	vld.idx.msk [tilespmem:v53+s23+$0x0], $0xffff  }
0x14b: {  	v59 =	vadd.s32 v20, v0;
	v46 =	vld.idx.msk [tilespmem:v54+s23+$0x0], $0xffff  }
0x14c: {  	v60 =	vadd.s32 v22, v0;
	v47 =	vld.idx.msk [tilespmem:v55+s23+$0x0], $0xffff  }
0x14d: {  	v61 =	vadd.s32 v23, v0;
	v48 =	vld.idx.msk [tilespmem:v56+s23+$0x0], $0xffff  }
0x14e: {  	v62 =	vadd.s32 v24, v0;
	v49 =	vld.idx.msk [tilespmem:v57+s23+$0x0], $0xffff  }
0x14f: {  	v52 =	vadd.s32 v21, v0;
	v50 =	vld.idx.msk [tilespmem:v58+s23+$0x0], $0xffff  }
0x150: {  	v51 =	vld.idx.msk [tilespmem:v59+s23+$0x0], $0xffff;
	v56 =	vadd.s32 v25, v0  }
0x151: {  	v57 =	vadd.s32 v6, v0;
	v53 =	vld.idx.msk [tilespmem:v60+s23+$0x0], $0xffff  }
0x152: {  	v58 =	vadd.s32 v26, v0;
	v54 =	vld.idx.msk [tilespmem:v61+s23+$0x0], $0xffff  }
0x153: {  	v59 =	vadd.s32 v27, v0;
	v55 =	vld.idx.msk [tilespmem:v62+s23+$0x0], $0xffff  }
0x154: {  	v60 =	vadd.s32 v28, v0;
	v52 =	vld.idx.msk [tilespmem:v52+s23+$0x0], $0xffff  }
0x155: {  	v61 =	vadd.s32 v29, v0;
	v56 =	vld.idx.msk [tilespmem:v56+s23+$0x0], $0xffff  }
0x156: {  	v62 =	vadd.s32 v30, v0;
	v57 =	vld.idx.msk [tilespmem:v57+s23+$0x0], $0xffff  }
0x157: {  	v0 =	vadd.s32 v31, v0;
	v58 =	vld.idx.msk [tilespmem:v58+s23+$0x0], $0xffff  }
0x158: {  	v59 =	vld.idx.msk [tilespmem:v59+s23+$0x0], $0xffff  }
0x159: {  	v60 =	vld.idx.msk [tilespmem:v60+s23+$0x0], $0xffff  }
0x15a: {  	v61 =	vld.idx.msk [tilespmem:v61+s23+$0x0], $0xffff  }
0x15b: {  	v62 =	vld.idx.msk [tilespmem:v62+s23+$0x0], $0xffff  }
0x15c: {  	v0 =	vld.idx.msk [tilespmem:v0+s23+$0x0], $0xffff;
	[tilespmem:s11+$0xFFFFF080] =	vst v32  }
0x15d: {  	[tilespmem:s11+$0xFFFFF100] =	vst v33  }
0x15e: {  	[tilespmem:s11+$0xFFFFF180] =	vst v34  }
0x15f: {  	[tilespmem:s11+$0xFFFFF200] =	vst v35  }
0x160: {  	[tilespmem:s11+$0xFFFFF280] =	vst v36  }
0x161: {  	[tilespmem:s11+$0xFFFFF300] =	vst v37  }
0x162: {  	[tilespmem:s11+$0xFFFFF380] =	vst v38  }
0x163: {  	[tilespmem:s11+$0xFFFFF400] =	vst v39  }
0x164: {  	[tilespmem:s11+$0xFFFFF480] =	vst v40  }
0x165: {  	[tilespmem:s11+$0xFFFFF500] =	vst v41  }
0x166: {  	[tilespmem:s11+$0xFFFFF580] =	vst v42  }
0x167: {  	[tilespmem:s11+$0xFFFFF600] =	vst v43  }
0x168: {  	[tilespmem:s11+$0xFFFFF680] =	vst v44  }
0x169: {  	[tilespmem:s11+$0xFFFFF700] =	vst v45  }
0x16a: {  	[tilespmem:s11+$0xFFFFF780] =	vst v46  }
0x16b: {  	[tilespmem:s11+$0xFFFFF800] =	vst v47  }
0x16c: {  	[tilespmem:s11+$0xFFFFF880] =	vst v48  }
0x16d: {  	[tilespmem:s11+$0xFFFFF900] =	vst v49  }
0x16e: {  	[tilespmem:s11+$0xFFFFF980] =	vst v50  }
0x16f: {  	[tilespmem:s11+$0xFFFFFA00] =	vst v51  }
0x170: {  	[tilespmem:s11+$0xFFFFFB00] =	vst v53  }
0x171: {  	s17 =	sadd.s32 $0x10, s12;
	[tilespmem:s11+$0xFFFFFB80] =	vst v54  }
0x172: {  	v50 =	vmov s17;
	[tilespmem:s11+$0xFFFFFC00] =	vst v55  }
0x173: {  	v32 =	vmul.u32 $0x28, v50;
	[tilespmem:s11+$0x0] =	vst v57  }
0x174: {  	[tilespmem:s11+$0xFFFFFA80] =	vst v52  }
0x175: {  	v32 =	vbroadcast v32, $0x0;
	[tilespmem:s11+$0xFFFFFC80] =	vst v56  }
0x176: {  	[tilespmem:s11+$0xFFFFFD00] =	vst v58  }
0x177: {  	v51 =	vadd.s32 v1, v32;
	[tilespmem:s11+$0xFFFFFD80] =	vst v59  }
0x178: {  	v52 =	vadd.s32 v2, v32;
	[tilespmem:s11+$0xFFFFFE00] =	vst v60  }
0x179: {  	v53 =	vadd.s32 v3, v32;
	[tilespmem:s11+$0xFFFFFE80] =	vst v61  }
0x17a: {  	v54 =	vadd.s32 v4, v32;
	[tilespmem:s11+$0xFFFFFF00] =	vst v62  }
0x17b: {  	v55 =	vadd.s32 v5, v32;
	[tilespmem:s11+$0xFFFFFF80] =	vst v0  }
0x17c: {  	v0 =	vadd.s32 v63, v32;
	v33 =	vld.idx.msk [tilespmem:v51+s23+$0x0], $0xffff  }
0x17d: {  	v56 =	vadd.s32 v7, v32;
	v34 =	vld.idx.msk [tilespmem:v52+s23+$0x0], $0xffff  }
0x17e: {  	v57 =	vadd.s32 v8, v32;
	v35 =	vld.idx.msk [tilespmem:v53+s23+$0x0], $0xffff  }
0x17f: {  	v58 =	vadd.s32 v9, v32;
	v36 =	vld.idx.msk [tilespmem:v54+s23+$0x0], $0xffff  }
0x180: {  	v59 =	vadd.s32 v10, v32;
	v37 =	vld.idx.msk [tilespmem:v55+s23+$0x0], $0xffff  }
0x181: {  	v60 =	vadd.s32 v12, v32;
	v38 =	vld.idx.msk [tilespmem:v0+s23+$0x0], $0xffff  }
0x182: {  	v61 =	vadd.s32 v13, v32;
	v39 =	vld.idx.msk [tilespmem:v56+s23+$0x0], $0xffff  }
0x183: {  	v62 =	vadd.s32 v14, v32;
	v40 =	vld.idx.msk [tilespmem:v57+s23+$0x0], $0xffff  }
0x184: {  	v63 =	vadd.s32 v15, v32;
	v41 =	vld.idx.msk [tilespmem:v58+s23+$0x0], $0xffff  }
0x185: {  	v0 =	vadd.s32 v11, v32;
	v42 =	vld.idx.msk [tilespmem:v59+s23+$0x0], $0xffff  }
0x186: {  	v44 =	vld.idx.msk [tilespmem:v60+s23+$0x0], $0xffff  }
0x187: {  	v45 =	vld.idx.msk [tilespmem:v61+s23+$0x0], $0xffff  }
0x188: {  	v46 =	vld.idx.msk [tilespmem:v62+s23+$0x0], $0xffff  }
0x189: {  	s2 =	sadd.s32 $0xB800, s4;
	s25 =	sadd.s32 $0xBC00, s4;
	v50 =	vadd.s32 v17, v32;
	v48 =	vadd.s32 v19, v32;
	v47 =	vld.idx.msk [tilespmem:v63+s23+$0x0], $0xffff  }
0x18a: {  	s28 =	sadd.s32 $0xC000, s4;
	s13 =	simm.s32 $0x20;
	s1 =	sadd.s32 $0xB400, s4;
	v49 =	vadd.s32 v20, v32;
	v52 =	vadd.s32 v16, v32;
	v51 =	vadd.s32 v18, v32;
	v43 =	vld.idx.msk [tilespmem:v0+s23+$0x0], $0xffff  }
.LBB2_7:
0x18b: {  	_ =	sdelay $0x3  }
0x18c: {  	v0 =	vld.idx.msk [tilespmem:v52+s23+$0x0], $0xffff;
	v63 =	vadd.s32 v21, v32  }
0x18d: {  	v50 =	vld.idx.msk [tilespmem:v50+s23+$0x0], $0xffff;
	v53 =	vadd.s32 v22, v32  }
0x18e: {  	v51 =	vld.idx.msk [tilespmem:v51+s23+$0x0], $0xffff;
	v54 =	vadd.s32 v23, v32  }
0x18f: {  	v48 =	vld.idx.msk [tilespmem:v48+s23+$0x0], $0xffff;
	v55 =	vadd.s32 v24, v32  }
0x190: {  	v49 =	vld.idx.msk [tilespmem:v49+s23+$0x0], $0xffff;
	v56 =	vadd.s32 v25, v32  }
0x191: {  	v57 =	vadd.s32 v6, v32;
	v52 =	vld.idx.msk [tilespmem:v63+s23+$0x0], $0xffff  }
0x192: {  	v58 =	vadd.s32 v26, v32;
	v53 =	vld.idx.msk [tilespmem:v53+s23+$0x0], $0xffff  }
0x193: {  	v59 =	vadd.s32 v27, v32;
	v54 =	vld.idx.msk [tilespmem:v54+s23+$0x0], $0xffff  }
0x194: {  	v60 =	vadd.s32 v28, v32;
	v55 =	vld.idx.msk [tilespmem:v55+s23+$0x0], $0xffff  }
0x195: {  	v61 =	vadd.s32 v29, v32;
	v56 =	vld.idx.msk [tilespmem:v56+s23+$0x0], $0xffff  }
0x196: {  	v62 =	vadd.s32 v30, v32;
	v57 =	vld.idx.msk [tilespmem:v57+s23+$0x0], $0xffff  }
0x197: {  	v32 =	vadd.s32 v31, v32;
	v58 =	vld.idx.msk [tilespmem:v58+s23+$0x0], $0xffff  }
0x198: {  	v59 =	vld.idx.msk [tilespmem:v59+s23+$0x0], $0xffff  }
0x199: {  	v60 =	vld.idx.msk [tilespmem:v60+s23+$0x0], $0xffff  }
0x19a: {  	v61 =	vld.idx.msk [tilespmem:v61+s23+$0x0], $0xffff  }
0x19b: {  	s11 =	sadd.s32 $0x10, s11;
	v62 =	vld.idx.msk [tilespmem:v62+s23+$0x0], $0xffff  }
0x19c: {  	v63 =	vld.idx.msk [tilespmem:v32+s23+$0x0], $0xffff;
	[tilespmem:s11+$0xFFFFF080] =	vst v33  }
0x19d: {  	[tilespmem:s11+$0xFFFFF100] =	vst v34  }
0x19e: {  	[tilespmem:s11+$0xFFFFF180] =	vst v35  }
0x19f: {  	[tilespmem:s11+$0xFFFFF200] =	vst v36  }
0x1a0: {  	[tilespmem:s11+$0xFFFFF280] =	vst v37  }
0x1a1: {  	[tilespmem:s11+$0xFFFFF300] =	vst v38  }
0x1a2: {  	[tilespmem:s11+$0xFFFFF380] =	vst v39  }
0x1a3: {  	[tilespmem:s11+$0xFFFFF400] =	vst v40  }
0x1a4: {  	[tilespmem:s11+$0xFFFFF480] =	vst v41  }
0x1a5: {  	[tilespmem:s11+$0xFFFFF500] =	vst v42  }
0x1a6: {  	[tilespmem:s11+$0xFFFFF580] =	vst v43  }
0x1a7: {  	[tilespmem:s11+$0xFFFFF600] =	vst v44  }
0x1a8: {  	[tilespmem:s11+$0xFFFFF680] =	vst v45  }
0x1a9: {  	[tilespmem:s11+$0xFFFFF700] =	vst v46  }
0x1aa: {  	[tilespmem:s11+$0xFFFFF780] =	vst v47  }
0x1ab: {  	[tilespmem:s11+$0xFFFFF800] =	vst v0  }
0x1ac: {  	[tilespmem:s11+$0xFFFFF880] =	vst v50  }
0x1ad: {  	[tilespmem:s11+$0xFFFFF900] =	vst v51  }
0x1ae: {  	[tilespmem:s11+$0xFFFFF980] =	vst v48  }
0x1af: {  	[tilespmem:s11+$0xFFFFFA00] =	vst v49  }
0x1b0: {  	[tilespmem:s11+$0x0] =	vst v57  }
0x1b1: {  	s14 =	sadd.s32 s13, s12;
	[tilespmem:s11+$0xFFFFFA80] =	vst v52  }
0x1b2: {  	v0 =	vmov s14;
	[tilespmem:s11+$0xFFFFFB00] =	vst v53  }
0x1b3: {  	v0 =	vmul.u32 $0x28, v0;
	[tilespmem:s11+$0xFFFFFB80] =	vst v54  }
0x1b4: {  	[tilespmem:s11+$0xFFFFFC00] =	vst v55  }
0x1b5: {  	v32 =	vbroadcast v0, $0x0;
	[tilespmem:s11+$0xFFFFFC80] =	vst v56  }
0x1b6: {  	[tilespmem:s11+$0xFFFFFD00] =	vst v58  }
0x1b7: {  	v0 =	vadd.s32 v1, v32;
	[tilespmem:s11+$0xFFFFFD80] =	vst v59  }
0x1b8: {  	v51 =	vadd.s32 v2, v32;
	[tilespmem:s11+$0xFFFFFE00] =	vst v60  }
0x1b9: {  	v52 =	vadd.s32 v3, v32;
	[tilespmem:s11+$0xFFFFFE80] =	vst v61  }
0x1ba: {  	v53 =	vadd.s32 v4, v32;
	[tilespmem:s11+$0xFFFFFF00] =	vst v62  }
0x1bb: {  	v54 =	vadd.s32 v5, v32;
	[tilespmem:s11+$0xFFFFFF80] =	vst v63;
	v63 =	vld [tilespmem:$0x1FFF0]  }
0x1bc: {  	v55 =	vadd.s32 v7, v32;
	v33 =	vld.idx.msk [tilespmem:v0+s23+$0x0], $0xffff  }
0x1bd: {  	v56 =	vadd.s32 v8, v32;
	v34 =	vld.idx.msk [tilespmem:v51+s23+$0x0], $0xffff  }
0x1be: {  	v57 =	vadd.s32 v9, v32;
	v35 =	vld.idx.msk [tilespmem:v52+s23+$0x0], $0xffff  }
0x1bf: {  	v58 =	vadd.s32 v10, v32;
	v36 =	vld.idx.msk [tilespmem:v53+s23+$0x0], $0xffff  }
0x1c0: {  	v0 =	vadd.s32 v63, v32;
	v37 =	vld.idx.msk [tilespmem:v54+s23+$0x0], $0xffff  }
0x1c1: {  	v59 =	vadd.s32 v12, v32;
	v39 =	vld.idx.msk [tilespmem:v55+s23+$0x0], $0xffff  }
0x1c2: {  	v60 =	vadd.s32 v13, v32;
	v40 =	vld.idx.msk [tilespmem:v56+s23+$0x0], $0xffff  }
0x1c3: {  	v61 =	vadd.s32 v14, v32;
	v41 =	vld.idx.msk [tilespmem:v57+s23+$0x0], $0xffff  }
0x1c4: {  	v62 =	vadd.s32 v15, v32;
	v42 =	vld.idx.msk [tilespmem:v58+s23+$0x0], $0xffff  }
0x1c5: {  	p2 =	seq.s32 s13, $0x70;
	v38 =	vld.idx.msk [tilespmem:v0+s23+$0x0], $0xffff;
	v0 =	vadd.s32 v11, v32  }
.Ltmp2:
0x1c6: {  	v44 =	vld.idx.msk [tilespmem:v59+s23+$0x0], $0xffff;
	(pc) =	sbr.rel @!p2 .LBB2_7-.Ltmp2, $4  }
0x1c7: {  	v45 =	vld.idx.msk [tilespmem:v60+s23+$0x0], $0xffff  }
0x1c8: {  	v46 =	vld.idx.msk [tilespmem:v61+s23+$0x0], $0xffff  }
0x1c9: {  	v50 =	vadd.s32 v17, v32;
	v48 =	vadd.s32 v19, v32;
	v47 =	vld.idx.msk [tilespmem:v62+s23+$0x0], $0xffff  }
0x1ca: {  	s13 =	sadd.s32 $0x10, s13;
	v49 =	vadd.s32 v20, v32;
	v52 =	vadd.s32 v16, v32;
	v51 =	vadd.s32 v18, v32;
	v43 =	vld.idx.msk [tilespmem:v0+s23+$0x0], $0xffff  }
0x1cb: {  	_ =	sdelay $0x3  }
0x1cc: {  	v0 =	vld.idx.msk [tilespmem:v52+s23+$0x0], $0xffff;
	v62 =	vadd.s32 v21, v32  }
0x1cd: {  	v50 =	vld.idx.msk [tilespmem:v50+s23+$0x0], $0xffff;
	v53 =	vadd.s32 v22, v32  }
0x1ce: {  	v51 =	vld.idx.msk [tilespmem:v51+s23+$0x0], $0xffff;
	v54 =	vadd.s32 v23, v32  }
0x1cf: {  	v48 =	vld.idx.msk [tilespmem:v48+s23+$0x0], $0xffff;
	v55 =	vadd.s32 v24, v32  }
0x1d0: {  	v49 =	vld.idx.msk [tilespmem:v49+s23+$0x0], $0xffff;
	v56 =	vadd.s32 v25, v32  }
0x1d1: {  	v57 =	vadd.s32 v6, v32;
	v52 =	vld.idx.msk [tilespmem:v62+s23+$0x0], $0xffff  }
0x1d2: {  	v58 =	vadd.s32 v26, v32;
	v53 =	vld.idx.msk [tilespmem:v53+s23+$0x0], $0xffff  }
0x1d3: {  	v59 =	vadd.s32 v27, v32;
	v54 =	vld.idx.msk [tilespmem:v54+s23+$0x0], $0xffff  }
0x1d4: {  	v60 =	vadd.s32 v28, v32;
	v55 =	vld.idx.msk [tilespmem:v55+s23+$0x0], $0xffff  }
0x1d5: {  	v61 =	vadd.s32 v29, v32;
	v56 =	vld.idx.msk [tilespmem:v56+s23+$0x0], $0xffff  }
0x1d6: {  	v62 =	vadd.s32 v30, v32;
	v57 =	vld.idx.msk [tilespmem:v57+s23+$0x0], $0xffff  }
0x1d7: {  	v58 =	vld.idx.msk [tilespmem:v58+s23+$0x0], $0xffff;
	v32 =	vadd.s32 v31, v32  }
0x1d8: {  	v59 =	vld.idx.msk [tilespmem:v59+s23+$0x0], $0xffff  }
0x1d9: {  	v60 =	vld.idx.msk [tilespmem:v60+s23+$0x0], $0xffff  }
0x1da: {  	v61 =	vld.idx.msk [tilespmem:v61+s23+$0x0], $0xffff  }
0x1db: {  	s11 =	sadd.s32 $0x10, s11;
	v62 =	vld.idx.msk [tilespmem:v62+s23+$0x0], $0xffff  }
0x1dc: {  	v32 =	vld.idx.msk [tilespmem:v32+s23+$0x0], $0xffff;
	[tilespmem:s11+$0x0] =	vst v57  }
0x1dd: {  	v1 =	vld [tilespmem:$0x1FE00];
	[tilespmem:s11+$0xFFFFF080] =	vst v33  }
0x1de: {  	v2 =	vld [tilespmem:$0x1FE10];
	[tilespmem:s11+$0xFFFFF100] =	vst v34  }
0x1df: {  	v3 =	vld [tilespmem:$0x1FE20];
	[tilespmem:s11+$0xFFFFF180] =	vst v35  }
0x1e0: {  	v4 =	vld [tilespmem:$0x1FE30];
	[tilespmem:s11+$0xFFFFF200] =	vst v36  }
0x1e1: {  	v5 =	vld [tilespmem:$0x1FE40];
	[tilespmem:s11+$0xFFFFF280] =	vst v37  }
0x1e2: {  	v7 =	vld [tilespmem:$0x1FE50];
	[tilespmem:s11+$0xFFFFF300] =	vst v38  }
0x1e3: {  	v8 =	vld [tilespmem:$0x1FE60];
	[tilespmem:s11+$0xFFFFF380] =	vst v39  }
0x1e4: {  	v9 =	vld [tilespmem:$0x1FE70];
	[tilespmem:s11+$0xFFFFF400] =	vst v40  }
0x1e5: {  	v10 =	vld [tilespmem:$0x1FE80];
	[tilespmem:s11+$0xFFFFF480] =	vst v41  }
0x1e6: {  	v11 =	vld [tilespmem:$0x1FE90];
	[tilespmem:s11+$0xFFFFF500] =	vst v42  }
0x1e7: {  	v12 =	vld [tilespmem:$0x1FEA0];
	[tilespmem:s11+$0xFFFFF580] =	vst v43  }
0x1e8: {  	v13 =	vld [tilespmem:$0x1FEB0];
	[tilespmem:s11+$0xFFFFF600] =	vst v44  }
0x1e9: {  	v14 =	vld [tilespmem:$0x1FEC0];
	[tilespmem:s11+$0xFFFFF680] =	vst v45  }
0x1ea: {  	v15 =	vld [tilespmem:$0x1FED0];
	[tilespmem:s11+$0xFFFFF700] =	vst v46  }
0x1eb: {  	v16 =	vld [tilespmem:$0x1FEE0];
	[tilespmem:s11+$0xFFFFF780] =	vst v47  }
0x1ec: {  	v17 =	vld [tilespmem:$0x1FEF0];
	[tilespmem:s11+$0xFFFFF800] =	vst v0  }
0x1ed: {  	v18 =	vld [tilespmem:$0x1FF00];
	[tilespmem:s11+$0xFFFFF880] =	vst v50  }
0x1ee: {  	v19 =	vld [tilespmem:$0x1FF10];
	[tilespmem:s11+$0xFFFFF900] =	vst v51  }
0x1ef: {  	v20 =	vld [tilespmem:$0x1FF20];
	[tilespmem:s11+$0xFFFFF980] =	vst v48  }
0x1f0: {  	v21 =	vld [tilespmem:$0x1FF30];
	[tilespmem:s11+$0xFFFFFA00] =	vst v49  }
0x1f1: {  	s15 =	sadd.s32 $0x0, s10;
	v22 =	vld [tilespmem:$0x1FF40];
	[tilespmem:s11+$0xFFFFFA80] =	vst v52  }
0x1f2: {  	v23 =	vld [tilespmem:$0x1FF50];
	[tilespmem:s11+$0xFFFFFB00] =	vst v53;
	v0 =	vmov s15  }
0x1f3: {  	v24 =	vld [tilespmem:$0x1FF60];
	[tilespmem:s11+$0xFFFFFB80] =	vst v54;
	v0 =	vmul.u32 $0x28, v0  }
0x1f4: {  	v25 =	vld [tilespmem:$0x1FF70];
	[tilespmem:s11+$0xFFFFFC00] =	vst v55  }
0x1f5: {  	v6 =	vld [tilespmem:$0x1FFE0];
	[tilespmem:s11+$0xFFFFFC80] =	vst v56;
	v0 =	vbroadcast v0, $0x0  }
0x1f6: {  	v26 =	vld [tilespmem:$0x1FF80];
	[tilespmem:s11+$0xFFFFFD00] =	vst v58  }
0x1f7: {  	v27 =	vld [tilespmem:$0x1FF90];
	[tilespmem:s11+$0xFFFFFD80] =	vst v59;
	v40 =	vadd.s32 v1, v0  }
0x1f8: {  	v28 =	vld [tilespmem:$0x1FFA0];
	[tilespmem:s11+$0xFFFFFE00] =	vst v60;
	v41 =	vadd.s32 v2, v0  }
0x1f9: {  	v29 =	vld [tilespmem:$0x1FFB0];
	[tilespmem:s11+$0xFFFFFE80] =	vst v61;
	v42 =	vadd.s32 v3, v0  }
0x1fa: {  	v30 =	vld [tilespmem:$0x1FFC0];
	[tilespmem:s11+$0xFFFFFF00] =	vst v62;
	v43 =	vadd.s32 v4, v0  }
0x1fb: {  	v31 =	vld [tilespmem:$0x1FFD0];
	[tilespmem:s11+$0xFFFFFF80] =	vst v32;
	v44 =	vadd.s32 v5, v0  }
0x1fc: {  	v45 =	vadd.s32 v63, v0;
	v32 =	vld.idx.msk [tilespmem:v40+s23+$0x0], $0xffff  }
0x1fd: {  	v46 =	vadd.s32 v7, v0;
	v33 =	vld.idx.msk [tilespmem:v41+s23+$0x0], $0xffff  }
0x1fe: {  	v47 =	vadd.s32 v8, v0;
	v34 =	vld.idx.msk [tilespmem:v42+s23+$0x0], $0xffff  }
0x1ff: {  	v48 =	vadd.s32 v9, v0;
	v35 =	vld.idx.msk [tilespmem:v43+s23+$0x0], $0xffff  }
0x200: {  	v49 =	vadd.s32 v10, v0;
	v36 =	vld.idx.msk [tilespmem:v44+s23+$0x0], $0xffff  }
0x201: {  	v50 =	vadd.s32 v11, v0;
	v37 =	vld.idx.msk [tilespmem:v45+s23+$0x0], $0xffff  }
0x202: {  	v51 =	vadd.s32 v12, v0;
	v38 =	vld.idx.msk [tilespmem:v46+s23+$0x0], $0xffff  }
0x203: {  	v52 =	vadd.s32 v13, v0;
	v39 =	vld.idx.msk [tilespmem:v47+s23+$0x0], $0xffff  }
0x204: {  	v53 =	vadd.s32 v14, v0;
	v40 =	vld.idx.msk [tilespmem:v48+s23+$0x0], $0xffff  }
0x205: {  	v54 =	vadd.s32 v15, v0;
	v41 =	vld.idx.msk [tilespmem:v49+s23+$0x0], $0xffff  }
0x206: {  	v55 =	vadd.s32 v16, v0;
	v42 =	vld.idx.msk [tilespmem:v50+s23+$0x0], $0xffff  }
0x207: {  	v56 =	vadd.s32 v17, v0;
	v43 =	vld.idx.msk [tilespmem:v51+s23+$0x0], $0xffff  }
0x208: {  	v57 =	vadd.s32 v18, v0;
	v44 =	vld.idx.msk [tilespmem:v52+s23+$0x0], $0xffff  }
0x209: {  	v58 =	vadd.s32 v19, v0;
	v45 =	vld.idx.msk [tilespmem:v53+s23+$0x0], $0xffff  }
0x20a: {  	v59 =	vadd.s32 v20, v0;
	v46 =	vld.idx.msk [tilespmem:v54+s23+$0x0], $0xffff  }
0x20b: {  	v60 =	vadd.s32 v22, v0;
	v47 =	vld.idx.msk [tilespmem:v55+s23+$0x0], $0xffff  }
0x20c: {  	v61 =	vadd.s32 v23, v0;
	v48 =	vld.idx.msk [tilespmem:v56+s23+$0x0], $0xffff  }
0x20d: {  	v62 =	vadd.s32 v24, v0;
	v49 =	vld.idx.msk [tilespmem:v57+s23+$0x0], $0xffff  }
0x20e: {  	v52 =	vadd.s32 v21, v0;
	v50 =	vld.idx.msk [tilespmem:v58+s23+$0x0], $0xffff  }
0x20f: {  	v51 =	vld.idx.msk [tilespmem:v59+s23+$0x0], $0xffff;
	v56 =	vadd.s32 v25, v0  }
0x210: {  	v57 =	vadd.s32 v6, v0;
	v53 =	vld.idx.msk [tilespmem:v60+s23+$0x0], $0xffff  }
0x211: {  	v58 =	vadd.s32 v26, v0;
	v54 =	vld.idx.msk [tilespmem:v61+s23+$0x0], $0xffff  }
0x212: {  	v59 =	vadd.s32 v27, v0;
	v55 =	vld.idx.msk [tilespmem:v62+s23+$0x0], $0xffff  }
0x213: {  	v60 =	vadd.s32 v28, v0;
	v52 =	vld.idx.msk [tilespmem:v52+s23+$0x0], $0xffff  }
0x214: {  	v61 =	vadd.s32 v29, v0;
	v56 =	vld.idx.msk [tilespmem:v56+s23+$0x0], $0xffff  }
0x215: {  	v62 =	vadd.s32 v30, v0;
	v57 =	vld.idx.msk [tilespmem:v57+s23+$0x0], $0xffff  }
0x216: {  	v0 =	vadd.s32 v31, v0;
	v58 =	vld.idx.msk [tilespmem:v58+s23+$0x0], $0xffff  }
0x217: {  	v59 =	vld.idx.msk [tilespmem:v59+s23+$0x0], $0xffff  }
0x218: {  	v60 =	vld.idx.msk [tilespmem:v60+s23+$0x0], $0xffff  }
0x219: {  	v61 =	vld.idx.msk [tilespmem:v61+s23+$0x0], $0xffff  }
0x21a: {  	v62 =	vld.idx.msk [tilespmem:v62+s23+$0x0], $0xffff  }
0x21b: {  	v0 =	vld.idx.msk [tilespmem:v0+s23+$0x0], $0xffff;
	[tilespmem:s9+$0xFFFFF080] =	vst v32  }
0x21c: {  	[tilespmem:s9+$0xFFFFF100] =	vst v33  }
0x21d: {  	[tilespmem:s9+$0xFFFFF180] =	vst v34  }
0x21e: {  	[tilespmem:s9+$0xFFFFF200] =	vst v35  }
0x21f: {  	[tilespmem:s9+$0xFFFFF280] =	vst v36  }
0x220: {  	[tilespmem:s9+$0xFFFFF300] =	vst v37  }
0x221: {  	[tilespmem:s9+$0xFFFFF380] =	vst v38  }
0x222: {  	[tilespmem:s9+$0xFFFFF400] =	vst v39  }
0x223: {  	[tilespmem:s9+$0xFFFFF480] =	vst v40  }
0x224: {  	[tilespmem:s9+$0xFFFFF500] =	vst v41  }
0x225: {  	[tilespmem:s9+$0xFFFFF580] =	vst v42  }
0x226: {  	[tilespmem:s9+$0xFFFFF600] =	vst v43  }
0x227: {  	[tilespmem:s9+$0xFFFFF680] =	vst v44  }
0x228: {  	[tilespmem:s9+$0xFFFFF700] =	vst v45  }
0x229: {  	[tilespmem:s9+$0xFFFFF780] =	vst v46  }
0x22a: {  	[tilespmem:s9+$0xFFFFF800] =	vst v47  }
0x22b: {  	[tilespmem:s9+$0xFFFFF880] =	vst v48  }
0x22c: {  	[tilespmem:s9+$0xFFFFF900] =	vst v49  }
0x22d: {  	[tilespmem:s9+$0xFFFFF980] =	vst v50  }
0x22e: {  	[tilespmem:s9+$0xFFFFFA00] =	vst v51  }
0x22f: {  	[tilespmem:s9+$0xFFFFFB00] =	vst v53  }
0x230: {  	s17 =	sadd.s32 $0x10, s10;
	[tilespmem:s9+$0xFFFFFB80] =	vst v54  }
0x231: {  	v50 =	vmov s17;
	[tilespmem:s9+$0xFFFFFC00] =	vst v55  }
0x232: {  	v32 =	vmul.u32 $0x28, v50;
	[tilespmem:s9+$0x0] =	vst v57  }
0x233: {  	[tilespmem:s9+$0xFFFFFA80] =	vst v52  }
0x234: {  	v32 =	vbroadcast v32, $0x0;
	[tilespmem:s9+$0xFFFFFC80] =	vst v56  }
0x235: {  	[tilespmem:s9+$0xFFFFFD00] =	vst v58  }
0x236: {  	v51 =	vadd.s32 v1, v32;
	[tilespmem:s9+$0xFFFFFD80] =	vst v59  }
0x237: {  	v52 =	vadd.s32 v2, v32;
	[tilespmem:s9+$0xFFFFFE00] =	vst v60  }
0x238: {  	v53 =	vadd.s32 v3, v32;
	[tilespmem:s9+$0xFFFFFE80] =	vst v61  }
0x239: {  	v54 =	vadd.s32 v4, v32;
	[tilespmem:s9+$0xFFFFFF00] =	vst v62  }
0x23a: {  	v55 =	vadd.s32 v5, v32;
	[tilespmem:s9+$0xFFFFFF80] =	vst v0  }
0x23b: {  	v0 =	vadd.s32 v63, v32;
	v33 =	vld.idx.msk [tilespmem:v51+s23+$0x0], $0xffff  }
0x23c: {  	v56 =	vadd.s32 v7, v32;
	v34 =	vld.idx.msk [tilespmem:v52+s23+$0x0], $0xffff  }
0x23d: {  	v57 =	vadd.s32 v8, v32;
	v35 =	vld.idx.msk [tilespmem:v53+s23+$0x0], $0xffff  }
0x23e: {  	v58 =	vadd.s32 v9, v32;
	v36 =	vld.idx.msk [tilespmem:v54+s23+$0x0], $0xffff  }
0x23f: {  	v59 =	vadd.s32 v10, v32;
	v37 =	vld.idx.msk [tilespmem:v55+s23+$0x0], $0xffff  }
0x240: {  	v60 =	vadd.s32 v12, v32;
	v38 =	vld.idx.msk [tilespmem:v0+s23+$0x0], $0xffff  }
0x241: {  	v61 =	vadd.s32 v13, v32;
	v39 =	vld.idx.msk [tilespmem:v56+s23+$0x0], $0xffff  }
0x242: {  	v62 =	vadd.s32 v14, v32;
	v40 =	vld.idx.msk [tilespmem:v57+s23+$0x0], $0xffff  }
0x243: {  	v63 =	vadd.s32 v15, v32;
	v41 =	vld.idx.msk [tilespmem:v58+s23+$0x0], $0xffff  }
0x244: {  	v0 =	vadd.s32 v11, v32;
	v42 =	vld.idx.msk [tilespmem:v59+s23+$0x0], $0xffff  }
0x245: {  	v44 =	vld.idx.msk [tilespmem:v60+s23+$0x0], $0xffff  }
0x246: {  	v45 =	vld.idx.msk [tilespmem:v61+s23+$0x0], $0xffff  }
0x247: {  	v46 =	vld.idx.msk [tilespmem:v62+s23+$0x0], $0xffff  }
0x248: {  	s14 =	sadd.s32 $0xC400, s4;
	s13 =	sadd.s32 $0xC800, s4;
	v50 =	vadd.s32 v17, v32;
	v48 =	vadd.s32 v19, v32;
	v47 =	vld.idx.msk [tilespmem:v63+s23+$0x0], $0xffff  }
0x249: {  	s12 =	sadd.s32 $0xCC00, s4;
	s15 =	simm.s32 $0x20;
	s11 =	sadd.s32 $0xD000, s4;
	v49 =	vadd.s32 v20, v32;
	v52 =	vadd.s32 v16, v32;
	v51 =	vadd.s32 v18, v32;
	v43 =	vld.idx.msk [tilespmem:v0+s23+$0x0], $0xffff  }
.LBB2_9:
0x24a: {  	_ =	sdelay $0x3  }
0x24b: {  	v0 =	vld.idx.msk [tilespmem:v52+s23+$0x0], $0xffff;
	v63 =	vadd.s32 v21, v32  }
0x24c: {  	v50 =	vld.idx.msk [tilespmem:v50+s23+$0x0], $0xffff;
	v53 =	vadd.s32 v22, v32  }
0x24d: {  	v51 =	vld.idx.msk [tilespmem:v51+s23+$0x0], $0xffff;
	v54 =	vadd.s32 v23, v32  }
0x24e: {  	v48 =	vld.idx.msk [tilespmem:v48+s23+$0x0], $0xffff;
	v55 =	vadd.s32 v24, v32  }
0x24f: {  	v49 =	vld.idx.msk [tilespmem:v49+s23+$0x0], $0xffff;
	v56 =	vadd.s32 v25, v32  }
0x250: {  	v57 =	vadd.s32 v6, v32;
	v52 =	vld.idx.msk [tilespmem:v63+s23+$0x0], $0xffff  }
0x251: {  	v58 =	vadd.s32 v26, v32;
	v53 =	vld.idx.msk [tilespmem:v53+s23+$0x0], $0xffff  }
0x252: {  	v59 =	vadd.s32 v27, v32;
	v54 =	vld.idx.msk [tilespmem:v54+s23+$0x0], $0xffff  }
0x253: {  	v60 =	vadd.s32 v28, v32;
	v55 =	vld.idx.msk [tilespmem:v55+s23+$0x0], $0xffff  }
0x254: {  	v61 =	vadd.s32 v29, v32;
	v56 =	vld.idx.msk [tilespmem:v56+s23+$0x0], $0xffff  }
0x255: {  	v62 =	vadd.s32 v30, v32;
	v57 =	vld.idx.msk [tilespmem:v57+s23+$0x0], $0xffff  }
0x256: {  	v32 =	vadd.s32 v31, v32;
	v58 =	vld.idx.msk [tilespmem:v58+s23+$0x0], $0xffff  }
0x257: {  	v59 =	vld.idx.msk [tilespmem:v59+s23+$0x0], $0xffff  }
0x258: {  	v60 =	vld.idx.msk [tilespmem:v60+s23+$0x0], $0xffff  }
0x259: {  	v61 =	vld.idx.msk [tilespmem:v61+s23+$0x0], $0xffff  }
0x25a: {  	s9 =	sadd.s32 $0x10, s9;
	v62 =	vld.idx.msk [tilespmem:v62+s23+$0x0], $0xffff  }
0x25b: {  	v63 =	vld.idx.msk [tilespmem:v32+s23+$0x0], $0xffff;
	[tilespmem:s9+$0xFFFFF080] =	vst v33  }
0x25c: {  	[tilespmem:s9+$0xFFFFF100] =	vst v34  }
0x25d: {  	[tilespmem:s9+$0xFFFFF180] =	vst v35  }
0x25e: {  	[tilespmem:s9+$0xFFFFF200] =	vst v36  }
0x25f: {  	[tilespmem:s9+$0xFFFFF280] =	vst v37  }
0x260: {  	[tilespmem:s9+$0xFFFFF300] =	vst v38  }
0x261: {  	[tilespmem:s9+$0xFFFFF380] =	vst v39  }
0x262: {  	[tilespmem:s9+$0xFFFFF400] =	vst v40  }
0x263: {  	[tilespmem:s9+$0xFFFFF480] =	vst v41  }
0x264: {  	[tilespmem:s9+$0xFFFFF500] =	vst v42  }
0x265: {  	[tilespmem:s9+$0xFFFFF580] =	vst v43  }
0x266: {  	[tilespmem:s9+$0xFFFFF600] =	vst v44  }
0x267: {  	[tilespmem:s9+$0xFFFFF680] =	vst v45  }
0x268: {  	[tilespmem:s9+$0xFFFFF700] =	vst v46  }
0x269: {  	[tilespmem:s9+$0xFFFFF780] =	vst v47  }
0x26a: {  	[tilespmem:s9+$0xFFFFF800] =	vst v0  }
0x26b: {  	[tilespmem:s9+$0xFFFFF880] =	vst v50  }
0x26c: {  	[tilespmem:s9+$0xFFFFF900] =	vst v51  }
0x26d: {  	[tilespmem:s9+$0xFFFFF980] =	vst v48  }
0x26e: {  	[tilespmem:s9+$0xFFFFFA00] =	vst v49  }
0x26f: {  	[tilespmem:s9+$0x0] =	vst v57  }
0x270: {  	s16 =	sadd.s32 s15, s10;
	[tilespmem:s9+$0xFFFFFA80] =	vst v52  }
0x271: {  	v0 =	vmov s16;
	[tilespmem:s9+$0xFFFFFB00] =	vst v53  }
0x272: {  	v0 =	vmul.u32 $0x28, v0;
	[tilespmem:s9+$0xFFFFFB80] =	vst v54  }
0x273: {  	[tilespmem:s9+$0xFFFFFC00] =	vst v55  }
0x274: {  	v32 =	vbroadcast v0, $0x0;
	[tilespmem:s9+$0xFFFFFC80] =	vst v56  }
0x275: {  	[tilespmem:s9+$0xFFFFFD00] =	vst v58  }
0x276: {  	v0 =	vadd.s32 v1, v32;
	[tilespmem:s9+$0xFFFFFD80] =	vst v59  }
0x277: {  	v51 =	vadd.s32 v2, v32;
	[tilespmem:s9+$0xFFFFFE00] =	vst v60  }
0x278: {  	v52 =	vadd.s32 v3, v32;
	[tilespmem:s9+$0xFFFFFE80] =	vst v61  }
0x279: {  	v53 =	vadd.s32 v4, v32;
	[tilespmem:s9+$0xFFFFFF00] =	vst v62  }
0x27a: {  	v54 =	vadd.s32 v5, v32;
	[tilespmem:s9+$0xFFFFFF80] =	vst v63;
	v63 =	vld [tilespmem:$0x1FFF0]  }
0x27b: {  	v55 =	vadd.s32 v7, v32;
	v33 =	vld.idx.msk [tilespmem:v0+s23+$0x0], $0xffff  }
0x27c: {  	v56 =	vadd.s32 v8, v32;
	v34 =	vld.idx.msk [tilespmem:v51+s23+$0x0], $0xffff  }
0x27d: {  	v57 =	vadd.s32 v9, v32;
	v35 =	vld.idx.msk [tilespmem:v52+s23+$0x0], $0xffff  }
0x27e: {  	v58 =	vadd.s32 v10, v32;
	v36 =	vld.idx.msk [tilespmem:v53+s23+$0x0], $0xffff  }
0x27f: {  	v0 =	vadd.s32 v63, v32;
	v37 =	vld.idx.msk [tilespmem:v54+s23+$0x0], $0xffff  }
0x280: {  	v59 =	vadd.s32 v12, v32;
	v39 =	vld.idx.msk [tilespmem:v55+s23+$0x0], $0xffff  }
0x281: {  	v60 =	vadd.s32 v13, v32;
	v40 =	vld.idx.msk [tilespmem:v56+s23+$0x0], $0xffff  }
0x282: {  	v61 =	vadd.s32 v14, v32;
	v41 =	vld.idx.msk [tilespmem:v57+s23+$0x0], $0xffff  }
0x283: {  	v62 =	vadd.s32 v15, v32;
	v42 =	vld.idx.msk [tilespmem:v58+s23+$0x0], $0xffff  }
0x284: {  	p2 =	seq.s32 s15, $0x70;
	v38 =	vld.idx.msk [tilespmem:v0+s23+$0x0], $0xffff;
	v0 =	vadd.s32 v11, v32  }
.Ltmp3:
0x285: {  	v44 =	vld.idx.msk [tilespmem:v59+s23+$0x0], $0xffff;
	(pc) =	sbr.rel @!p2 .LBB2_9-.Ltmp3, $4  }
0x286: {  	v45 =	vld.idx.msk [tilespmem:v60+s23+$0x0], $0xffff  }
0x287: {  	v46 =	vld.idx.msk [tilespmem:v61+s23+$0x0], $0xffff  }
0x288: {  	v50 =	vadd.s32 v17, v32;
	v48 =	vadd.s32 v19, v32;
	v47 =	vld.idx.msk [tilespmem:v62+s23+$0x0], $0xffff  }
0x289: {  	s15 =	sadd.s32 $0x10, s15;
	v49 =	vadd.s32 v20, v32;
	v52 =	vadd.s32 v16, v32;
	v51 =	vadd.s32 v18, v32;
	v43 =	vld.idx.msk [tilespmem:v0+s23+$0x0], $0xffff  }
0x28a: {  	_ =	sdelay $0x3  }
0x28b: {  	v0 =	vld.idx.msk [tilespmem:v52+s23+$0x0], $0xffff;
	v62 =	vadd.s32 v21, v32  }
0x28c: {  	v50 =	vld.idx.msk [tilespmem:v50+s23+$0x0], $0xffff;
	v53 =	vadd.s32 v22, v32  }
0x28d: {  	v51 =	vld.idx.msk [tilespmem:v51+s23+$0x0], $0xffff;
	v54 =	vadd.s32 v23, v32  }
0x28e: {  	v48 =	vld.idx.msk [tilespmem:v48+s23+$0x0], $0xffff;
	v55 =	vadd.s32 v24, v32  }
0x28f: {  	v49 =	vld.idx.msk [tilespmem:v49+s23+$0x0], $0xffff;
	v56 =	vadd.s32 v25, v32  }
0x290: {  	v57 =	vadd.s32 v6, v32;
	v52 =	vld.idx.msk [tilespmem:v62+s23+$0x0], $0xffff  }
0x291: {  	v58 =	vadd.s32 v26, v32;
	v53 =	vld.idx.msk [tilespmem:v53+s23+$0x0], $0xffff  }
0x292: {  	v59 =	vadd.s32 v27, v32;
	v54 =	vld.idx.msk [tilespmem:v54+s23+$0x0], $0xffff  }
0x293: {  	v60 =	vadd.s32 v28, v32;
	v55 =	vld.idx.msk [tilespmem:v55+s23+$0x0], $0xffff  }
0x294: {  	v61 =	vadd.s32 v29, v32;
	v56 =	vld.idx.msk [tilespmem:v56+s23+$0x0], $0xffff  }
0x295: {  	v62 =	vadd.s32 v30, v32;
	v57 =	vld.idx.msk [tilespmem:v57+s23+$0x0], $0xffff  }
0x296: {  	v58 =	vld.idx.msk [tilespmem:v58+s23+$0x0], $0xffff;
	v32 =	vadd.s32 v31, v32  }
0x297: {  	v59 =	vld.idx.msk [tilespmem:v59+s23+$0x0], $0xffff  }
0x298: {  	v60 =	vld.idx.msk [tilespmem:v60+s23+$0x0], $0xffff  }
0x299: {  	v61 =	vld.idx.msk [tilespmem:v61+s23+$0x0], $0xffff  }
0x29a: {  	s9 =	sadd.s32 $0x10, s9;
	v62 =	vld.idx.msk [tilespmem:v62+s23+$0x0], $0xffff  }
0x29b: {  	v32 =	vld.idx.msk [tilespmem:v32+s23+$0x0], $0xffff;
	[tilespmem:s9+$0x0] =	vst v57  }
0x29c: {  	v6 =	vld [tilespmem:$0x1FE00];
	[tilespmem:s9+$0xFFFFF080] =	vst v33  }
0x29d: {  	v2 =	vld [tilespmem:$0x1FE10];
	[tilespmem:s9+$0xFFFFF100] =	vst v34  }
0x29e: {  	v3 =	vld [tilespmem:$0x1FE20];
	[tilespmem:s9+$0xFFFFF180] =	vst v35  }
0x29f: {  	v4 =	vld [tilespmem:$0x1FE30];
	[tilespmem:s9+$0xFFFFF200] =	vst v36  }
0x2a0: {  	v5 =	vld [tilespmem:$0x1FE40];
	[tilespmem:s9+$0xFFFFF280] =	vst v37  }
0x2a1: {  	v7 =	vld [tilespmem:$0x1FE50];
	[tilespmem:s9+$0xFFFFF300] =	vst v38  }
0x2a2: {  	v8 =	vld [tilespmem:$0x1FE60];
	[tilespmem:s9+$0xFFFFF380] =	vst v39  }
0x2a3: {  	v9 =	vld [tilespmem:$0x1FE70];
	[tilespmem:s9+$0xFFFFF400] =	vst v40  }
0x2a4: {  	v10 =	vld [tilespmem:$0x1FE80];
	[tilespmem:s9+$0xFFFFF480] =	vst v41  }
0x2a5: {  	v11 =	vld [tilespmem:$0x1FE90];
	[tilespmem:s9+$0xFFFFF500] =	vst v42  }
0x2a6: {  	v12 =	vld [tilespmem:$0x1FEA0];
	[tilespmem:s9+$0xFFFFF580] =	vst v43  }
0x2a7: {  	v13 =	vld [tilespmem:$0x1FEB0];
	[tilespmem:s9+$0xFFFFF600] =	vst v44  }
0x2a8: {  	v14 =	vld [tilespmem:$0x1FEC0];
	[tilespmem:s9+$0xFFFFF680] =	vst v45  }
0x2a9: {  	v15 =	vld [tilespmem:$0x1FED0];
	[tilespmem:s9+$0xFFFFF700] =	vst v46  }
0x2aa: {  	v16 =	vld [tilespmem:$0x1FEE0];
	[tilespmem:s9+$0xFFFFF780] =	vst v47  }
0x2ab: {  	v17 =	vld [tilespmem:$0x1FEF0];
	[tilespmem:s9+$0xFFFFF800] =	vst v0  }
0x2ac: {  	v18 =	vld [tilespmem:$0x1FF00];
	[tilespmem:s9+$0xFFFFF880] =	vst v50  }
0x2ad: {  	v19 =	vld [tilespmem:$0x1FF10];
	[tilespmem:s9+$0xFFFFF900] =	vst v51  }
0x2ae: {  	v20 =	vld [tilespmem:$0x1FF20];
	[tilespmem:s9+$0xFFFFF980] =	vst v48  }
0x2af: {  	v21 =	vld [tilespmem:$0x1FF30];
	[tilespmem:s9+$0xFFFFFA00] =	vst v49  }
0x2b0: {  	s16 =	sadd.s32 $0x0, s19;
	v22 =	vld [tilespmem:$0x1FF40];
	[tilespmem:s9+$0xFFFFFA80] =	vst v52  }
0x2b1: {  	v23 =	vld [tilespmem:$0x1FF50];
	[tilespmem:s9+$0xFFFFFB00] =	vst v53;
	v0 =	vmov s16  }
0x2b2: {  	v24 =	vld [tilespmem:$0x1FF60];
	[tilespmem:s9+$0xFFFFFB80] =	vst v54;
	v0 =	vmul.u32 $0x28, v0  }
0x2b3: {  	v25 =	vld [tilespmem:$0x1FF70];
	[tilespmem:s9+$0xFFFFFC00] =	vst v55  }
0x2b4: {  	v1 =	vld [tilespmem:$0x1FFE0];
	[tilespmem:s9+$0xFFFFFC80] =	vst v56;
	v0 =	vbroadcast v0, $0x0  }
0x2b5: {  	v26 =	vld [tilespmem:$0x1FF80];
	[tilespmem:s9+$0xFFFFFD00] =	vst v58  }
0x2b6: {  	v27 =	vld [tilespmem:$0x1FF90];
	[tilespmem:s9+$0xFFFFFD80] =	vst v59;
	v40 =	vadd.s32 v6, v0  }
0x2b7: {  	v28 =	vld [tilespmem:$0x1FFA0];
	[tilespmem:s9+$0xFFFFFE00] =	vst v60;
	v41 =	vadd.s32 v2, v0  }
0x2b8: {  	v29 =	vld [tilespmem:$0x1FFB0];
	[tilespmem:s9+$0xFFFFFE80] =	vst v61;
	v42 =	vadd.s32 v3, v0  }
0x2b9: {  	v30 =	vld [tilespmem:$0x1FFC0];
	[tilespmem:s9+$0xFFFFFF00] =	vst v62;
	v43 =	vadd.s32 v4, v0  }
0x2ba: {  	v31 =	vld [tilespmem:$0x1FFD0];
	[tilespmem:s9+$0xFFFFFF80] =	vst v32;
	v44 =	vadd.s32 v5, v0  }
0x2bb: {  	v45 =	vadd.s32 v63, v0;
	v32 =	vld.idx.msk [tilespmem:v40+s23+$0x0], $0xffff  }
0x2bc: {  	v46 =	vadd.s32 v7, v0;
	v33 =	vld.idx.msk [tilespmem:v41+s23+$0x0], $0xffff  }
0x2bd: {  	v47 =	vadd.s32 v8, v0;
	v34 =	vld.idx.msk [tilespmem:v42+s23+$0x0], $0xffff  }
0x2be: {  	v48 =	vadd.s32 v9, v0;
	v35 =	vld.idx.msk [tilespmem:v43+s23+$0x0], $0xffff  }
0x2bf: {  	v49 =	vadd.s32 v10, v0;
	v36 =	vld.idx.msk [tilespmem:v44+s23+$0x0], $0xffff  }
0x2c0: {  	v50 =	vadd.s32 v11, v0;
	v37 =	vld.idx.msk [tilespmem:v45+s23+$0x0], $0xffff  }
0x2c1: {  	v51 =	vadd.s32 v12, v0;
	v38 =	vld.idx.msk [tilespmem:v46+s23+$0x0], $0xffff  }
0x2c2: {  	v52 =	vadd.s32 v13, v0;
	v39 =	vld.idx.msk [tilespmem:v47+s23+$0x0], $0xffff  }
0x2c3: {  	v53 =	vadd.s32 v14, v0;
	v40 =	vld.idx.msk [tilespmem:v48+s23+$0x0], $0xffff  }
0x2c4: {  	v54 =	vadd.s32 v15, v0;
	v41 =	vld.idx.msk [tilespmem:v49+s23+$0x0], $0xffff  }
0x2c5: {  	v55 =	vadd.s32 v16, v0;
	v42 =	vld.idx.msk [tilespmem:v50+s23+$0x0], $0xffff  }
0x2c6: {  	v56 =	vadd.s32 v17, v0;
	v43 =	vld.idx.msk [tilespmem:v51+s23+$0x0], $0xffff  }
0x2c7: {  	v57 =	vadd.s32 v18, v0;
	v44 =	vld.idx.msk [tilespmem:v52+s23+$0x0], $0xffff  }
0x2c8: {  	v58 =	vadd.s32 v19, v0;
	v45 =	vld.idx.msk [tilespmem:v53+s23+$0x0], $0xffff  }
0x2c9: {  	v59 =	vadd.s32 v20, v0;
	v46 =	vld.idx.msk [tilespmem:v54+s23+$0x0], $0xffff  }
0x2ca: {  	v60 =	vadd.s32 v22, v0;
	v47 =	vld.idx.msk [tilespmem:v55+s23+$0x0], $0xffff  }
0x2cb: {  	v61 =	vadd.s32 v23, v0;
	v48 =	vld.idx.msk [tilespmem:v56+s23+$0x0], $0xffff  }
0x2cc: {  	v62 =	vadd.s32 v24, v0;
	v49 =	vld.idx.msk [tilespmem:v57+s23+$0x0], $0xffff  }
0x2cd: {  	v52 =	vadd.s32 v21, v0;
	v50 =	vld.idx.msk [tilespmem:v58+s23+$0x0], $0xffff  }
0x2ce: {  	v51 =	vld.idx.msk [tilespmem:v59+s23+$0x0], $0xffff;
	v56 =	vadd.s32 v25, v0  }
0x2cf: {  	v57 =	vadd.s32 v1, v0;
	v53 =	vld.idx.msk [tilespmem:v60+s23+$0x0], $0xffff  }
0x2d0: {  	v58 =	vadd.s32 v26, v0;
	v54 =	vld.idx.msk [tilespmem:v61+s23+$0x0], $0xffff  }
0x2d1: {  	v59 =	vadd.s32 v27, v0;
	v55 =	vld.idx.msk [tilespmem:v62+s23+$0x0], $0xffff  }
0x2d2: {  	v60 =	vadd.s32 v28, v0;
	v52 =	vld.idx.msk [tilespmem:v52+s23+$0x0], $0xffff  }
0x2d3: {  	v61 =	vadd.s32 v29, v0;
	v56 =	vld.idx.msk [tilespmem:v56+s23+$0x0], $0xffff  }
0x2d4: {  	v62 =	vadd.s32 v30, v0;
	v57 =	vld.idx.msk [tilespmem:v57+s23+$0x0], $0xffff  }
0x2d5: {  	v0 =	vadd.s32 v31, v0;
	v58 =	vld.idx.msk [tilespmem:v58+s23+$0x0], $0xffff  }
0x2d6: {  	v59 =	vld.idx.msk [tilespmem:v59+s23+$0x0], $0xffff  }
0x2d7: {  	v60 =	vld.idx.msk [tilespmem:v60+s23+$0x0], $0xffff  }
0x2d8: {  	v61 =	vld.idx.msk [tilespmem:v61+s23+$0x0], $0xffff  }
0x2d9: {  	v62 =	vld.idx.msk [tilespmem:v62+s23+$0x0], $0xffff  }
0x2da: {  	v0 =	vld.idx.msk [tilespmem:v0+s23+$0x0], $0xffff;
	[tilespmem:s22+$0xFFFFF080] =	vst v32  }
0x2db: {  	[tilespmem:s22+$0xFFFFF100] =	vst v33  }
0x2dc: {  	[tilespmem:s22+$0xFFFFF180] =	vst v34  }
0x2dd: {  	[tilespmem:s22+$0xFFFFF200] =	vst v35  }
0x2de: {  	[tilespmem:s22+$0xFFFFF280] =	vst v36  }
0x2df: {  	[tilespmem:s22+$0xFFFFF300] =	vst v37  }
0x2e0: {  	[tilespmem:s22+$0xFFFFF380] =	vst v38  }
0x2e1: {  	[tilespmem:s22+$0xFFFFF400] =	vst v39  }
0x2e2: {  	[tilespmem:s22+$0xFFFFF480] =	vst v40  }
0x2e3: {  	[tilespmem:s22+$0xFFFFF500] =	vst v41  }
0x2e4: {  	[tilespmem:s22+$0xFFFFF580] =	vst v42  }
0x2e5: {  	[tilespmem:s22+$0xFFFFF600] =	vst v43  }
0x2e6: {  	[tilespmem:s22+$0xFFFFF680] =	vst v44  }
0x2e7: {  	[tilespmem:s22+$0xFFFFF700] =	vst v45  }
0x2e8: {  	[tilespmem:s22+$0xFFFFF780] =	vst v46  }
0x2e9: {  	[tilespmem:s22+$0xFFFFF800] =	vst v47  }
0x2ea: {  	[tilespmem:s22+$0xFFFFF880] =	vst v48  }
0x2eb: {  	[tilespmem:s22+$0xFFFFF900] =	vst v49  }
0x2ec: {  	[tilespmem:s22+$0xFFFFF980] =	vst v50  }
0x2ed: {  	[tilespmem:s22+$0xFFFFFA00] =	vst v51  }
0x2ee: {  	[tilespmem:s22+$0xFFFFFB00] =	vst v53  }
0x2ef: {  	s17 =	sadd.s32 $0x10, s19;
	[tilespmem:s22+$0xFFFFFB80] =	vst v54  }
0x2f0: {  	v50 =	vmov s17;
	[tilespmem:s22+$0xFFFFFC00] =	vst v55  }
0x2f1: {  	v32 =	vmul.u32 $0x28, v50;
	[tilespmem:s22+$0x0] =	vst v57  }
0x2f2: {  	[tilespmem:s22+$0xFFFFFA80] =	vst v52  }
0x2f3: {  	v32 =	vbroadcast v32, $0x0;
	[tilespmem:s22+$0xFFFFFC80] =	vst v56  }
0x2f4: {  	[tilespmem:s22+$0xFFFFFD00] =	vst v58  }
0x2f5: {  	v51 =	vadd.s32 v6, v32;
	[tilespmem:s22+$0xFFFFFD80] =	vst v59  }
0x2f6: {  	v52 =	vadd.s32 v2, v32;
	[tilespmem:s22+$0xFFFFFE00] =	vst v60  }
0x2f7: {  	v53 =	vadd.s32 v3, v32;
	[tilespmem:s22+$0xFFFFFE80] =	vst v61  }
0x2f8: {  	v54 =	vadd.s32 v4, v32;
	[tilespmem:s22+$0xFFFFFF00] =	vst v62  }
0x2f9: {  	v55 =	vadd.s32 v5, v32;
	[tilespmem:s22+$0xFFFFFF80] =	vst v0  }
0x2fa: {  	v0 =	vadd.s32 v63, v32;
	v33 =	vld.idx.msk [tilespmem:v51+s23+$0x0], $0xffff  }
0x2fb: {  	v56 =	vadd.s32 v7, v32;
	v34 =	vld.idx.msk [tilespmem:v52+s23+$0x0], $0xffff  }
0x2fc: {  	v57 =	vadd.s32 v8, v32;
	v35 =	vld.idx.msk [tilespmem:v53+s23+$0x0], $0xffff  }
0x2fd: {  	v58 =	vadd.s32 v9, v32;
	v36 =	vld.idx.msk [tilespmem:v54+s23+$0x0], $0xffff  }
0x2fe: {  	v59 =	vadd.s32 v10, v32;
	v37 =	vld.idx.msk [tilespmem:v55+s23+$0x0], $0xffff  }
0x2ff: {  	v60 =	vadd.s32 v12, v32;
	v38 =	vld.idx.msk [tilespmem:v0+s23+$0x0], $0xffff  }
0x300: {  	v61 =	vadd.s32 v13, v32;
	v39 =	vld.idx.msk [tilespmem:v56+s23+$0x0], $0xffff  }
0x301: {  	v62 =	vadd.s32 v14, v32;
	v40 =	vld.idx.msk [tilespmem:v57+s23+$0x0], $0xffff  }
0x302: {  	v63 =	vadd.s32 v15, v32;
	v41 =	vld.idx.msk [tilespmem:v58+s23+$0x0], $0xffff  }
0x303: {  	v0 =	vadd.s32 v11, v32;
	v42 =	vld.idx.msk [tilespmem:v59+s23+$0x0], $0xffff  }
0x304: {  	v44 =	vld.idx.msk [tilespmem:v60+s23+$0x0], $0xffff  }
0x305: {  	v45 =	vld.idx.msk [tilespmem:v61+s23+$0x0], $0xffff  }
0x306: {  	v46 =	vld.idx.msk [tilespmem:v62+s23+$0x0], $0xffff  }
0x307: {  	s15 =	sadd.s32 $0xD400, s4;
	s10 =	sadd.s32 $0xD800, s4;
	v50 =	vadd.s32 v17, v32;
	v48 =	vadd.s32 v19, v32;
	v47 =	vld.idx.msk [tilespmem:v63+s23+$0x0], $0xffff  }
0x308: {  	s16 =	simm.s32 $0x20;
	s9 =	sadd.s32 $0xDC00, s4;
	s4 =	sadd.s32 $0xE000, s4;
	v49 =	vadd.s32 v20, v32;
	v52 =	vadd.s32 v16, v32;
	v51 =	vadd.s32 v18, v32;
	v43 =	vld.idx.msk [tilespmem:v0+s23+$0x0], $0xffff  }
.LBB2_11:
0x309: {  	_ =	sdelay $0x3  }
0x30a: {  	v0 =	vld.idx.msk [tilespmem:v52+s23+$0x0], $0xffff;
	v63 =	vadd.s32 v21, v32  }
0x30b: {  	v50 =	vld.idx.msk [tilespmem:v50+s23+$0x0], $0xffff;
	v53 =	vadd.s32 v22, v32  }
0x30c: {  	v51 =	vld.idx.msk [tilespmem:v51+s23+$0x0], $0xffff;
	v54 =	vadd.s32 v23, v32  }
0x30d: {  	v48 =	vld.idx.msk [tilespmem:v48+s23+$0x0], $0xffff;
	v55 =	vadd.s32 v24, v32  }
0x30e: {  	v49 =	vld.idx.msk [tilespmem:v49+s23+$0x0], $0xffff;
	v56 =	vadd.s32 v25, v32  }
0x30f: {  	v57 =	vadd.s32 v1, v32;
	v52 =	vld.idx.msk [tilespmem:v63+s23+$0x0], $0xffff  }
0x310: {  	v58 =	vadd.s32 v26, v32;
	v53 =	vld.idx.msk [tilespmem:v53+s23+$0x0], $0xffff  }
0x311: {  	v59 =	vadd.s32 v27, v32;
	v54 =	vld.idx.msk [tilespmem:v54+s23+$0x0], $0xffff  }
0x312: {  	v60 =	vadd.s32 v28, v32;
	v55 =	vld.idx.msk [tilespmem:v55+s23+$0x0], $0xffff  }
0x313: {  	v61 =	vadd.s32 v29, v32;
	v56 =	vld.idx.msk [tilespmem:v56+s23+$0x0], $0xffff  }
0x314: {  	v62 =	vadd.s32 v30, v32;
	v57 =	vld.idx.msk [tilespmem:v57+s23+$0x0], $0xffff  }
0x315: {  	v32 =	vadd.s32 v31, v32;
	v58 =	vld.idx.msk [tilespmem:v58+s23+$0x0], $0xffff  }
0x316: {  	v59 =	vld.idx.msk [tilespmem:v59+s23+$0x0], $0xffff  }
0x317: {  	v60 =	vld.idx.msk [tilespmem:v60+s23+$0x0], $0xffff  }
0x318: {  	v61 =	vld.idx.msk [tilespmem:v61+s23+$0x0], $0xffff  }
0x319: {  	s22 =	sadd.s32 $0x10, s22;
	v62 =	vld.idx.msk [tilespmem:v62+s23+$0x0], $0xffff  }
0x31a: {  	v63 =	vld.idx.msk [tilespmem:v32+s23+$0x0], $0xffff;
	[tilespmem:s22+$0xFFFFF080] =	vst v33  }
0x31b: {  	[tilespmem:s22+$0xFFFFF100] =	vst v34  }
0x31c: {  	[tilespmem:s22+$0xFFFFF180] =	vst v35  }
0x31d: {  	[tilespmem:s22+$0xFFFFF200] =	vst v36  }
0x31e: {  	[tilespmem:s22+$0xFFFFF280] =	vst v37  }
0x31f: {  	[tilespmem:s22+$0xFFFFF300] =	vst v38  }
0x320: {  	[tilespmem:s22+$0xFFFFF380] =	vst v39  }
0x321: {  	[tilespmem:s22+$0xFFFFF400] =	vst v40  }
0x322: {  	[tilespmem:s22+$0xFFFFF480] =	vst v41  }
0x323: {  	[tilespmem:s22+$0xFFFFF500] =	vst v42  }
0x324: {  	[tilespmem:s22+$0xFFFFF580] =	vst v43  }
0x325: {  	[tilespmem:s22+$0xFFFFF600] =	vst v44  }
0x326: {  	[tilespmem:s22+$0xFFFFF680] =	vst v45  }
0x327: {  	[tilespmem:s22+$0xFFFFF700] =	vst v46  }
0x328: {  	[tilespmem:s22+$0xFFFFF780] =	vst v47  }
0x329: {  	[tilespmem:s22+$0xFFFFF800] =	vst v0  }
0x32a: {  	[tilespmem:s22+$0xFFFFF880] =	vst v50  }
0x32b: {  	[tilespmem:s22+$0xFFFFF900] =	vst v51  }
0x32c: {  	[tilespmem:s22+$0xFFFFF980] =	vst v48  }
0x32d: {  	[tilespmem:s22+$0xFFFFFA00] =	vst v49  }
0x32e: {  	[tilespmem:s22+$0x0] =	vst v57  }
0x32f: {  	s17 =	sadd.s32 s16, s19;
	[tilespmem:s22+$0xFFFFFA80] =	vst v52  }
0x330: {  	v0 =	vmov s17;
	[tilespmem:s22+$0xFFFFFB00] =	vst v53  }
0x331: {  	v0 =	vmul.u32 $0x28, v0;
	[tilespmem:s22+$0xFFFFFB80] =	vst v54  }
0x332: {  	[tilespmem:s22+$0xFFFFFC00] =	vst v55  }
0x333: {  	v32 =	vbroadcast v0, $0x0;
	[tilespmem:s22+$0xFFFFFC80] =	vst v56  }
0x334: {  	[tilespmem:s22+$0xFFFFFD00] =	vst v58  }
0x335: {  	v0 =	vadd.s32 v6, v32;
	[tilespmem:s22+$0xFFFFFD80] =	vst v59  }
0x336: {  	v51 =	vadd.s32 v2, v32;
	[tilespmem:s22+$0xFFFFFE00] =	vst v60  }
0x337: {  	v52 =	vadd.s32 v3, v32;
	[tilespmem:s22+$0xFFFFFE80] =	vst v61  }
0x338: {  	v53 =	vadd.s32 v4, v32;
	[tilespmem:s22+$0xFFFFFF00] =	vst v62  }
0x339: {  	v54 =	vadd.s32 v5, v32;
	[tilespmem:s22+$0xFFFFFF80] =	vst v63;
	v63 =	vld [tilespmem:$0x1FFF0]  }
0x33a: {  	v55 =	vadd.s32 v7, v32;
	v33 =	vld.idx.msk [tilespmem:v0+s23+$0x0], $0xffff  }
0x33b: {  	v56 =	vadd.s32 v8, v32;
	v34 =	vld.idx.msk [tilespmem:v51+s23+$0x0], $0xffff  }
0x33c: {  	v57 =	vadd.s32 v9, v32;
	v35 =	vld.idx.msk [tilespmem:v52+s23+$0x0], $0xffff  }
0x33d: {  	v58 =	vadd.s32 v10, v32;
	v36 =	vld.idx.msk [tilespmem:v53+s23+$0x0], $0xffff  }
0x33e: {  	v0 =	vadd.s32 v63, v32;
	v37 =	vld.idx.msk [tilespmem:v54+s23+$0x0], $0xffff  }
0x33f: {  	v59 =	vadd.s32 v12, v32;
	v39 =	vld.idx.msk [tilespmem:v55+s23+$0x0], $0xffff  }
0x340: {  	v60 =	vadd.s32 v13, v32;
	v40 =	vld.idx.msk [tilespmem:v56+s23+$0x0], $0xffff  }
0x341: {  	v61 =	vadd.s32 v14, v32;
	v41 =	vld.idx.msk [tilespmem:v57+s23+$0x0], $0xffff  }
0x342: {  	v62 =	vadd.s32 v15, v32;
	v42 =	vld.idx.msk [tilespmem:v58+s23+$0x0], $0xffff  }
0x343: {  	p2 =	sne.s32 s16, $0x70;
	v38 =	vld.idx.msk [tilespmem:v0+s23+$0x0], $0xffff;
	v0 =	vadd.s32 v11, v32  }
.Ltmp4:
0x344: {  	v44 =	vld.idx.msk [tilespmem:v59+s23+$0x0], $0xffff;
	(pc) =	sbr.rel @p2 .LBB2_11-.Ltmp4, $4  }
0x345: {  	v45 =	vld.idx.msk [tilespmem:v60+s23+$0x0], $0xffff  }
0x346: {  	v46 =	vld.idx.msk [tilespmem:v61+s23+$0x0], $0xffff  }
0x347: {  	v50 =	vadd.s32 v17, v32;
	v48 =	vadd.s32 v19, v32;
	v47 =	vld.idx.msk [tilespmem:v62+s23+$0x0], $0xffff  }
0x348: {  	s16 =	sadd.s32 $0x10, s16;
	v49 =	vadd.s32 v20, v32;
	v52 =	vadd.s32 v16, v32;
	v51 =	vadd.s32 v18, v32;
	v43 =	vld.idx.msk [tilespmem:v0+s23+$0x0], $0xffff  }
0x349: {  	_ =	sdelay $0x3  }
0x34a: {  	v0 =	vld.idx.msk [tilespmem:v52+s23+$0x0], $0xffff;
	v62 =	vadd.s32 v21, v32  }
0x34b: {  	v50 =	vld.idx.msk [tilespmem:v50+s23+$0x0], $0xffff;
	v53 =	vadd.s32 v22, v32  }
0x34c: {  	v51 =	vld.idx.msk [tilespmem:v51+s23+$0x0], $0xffff;
	v54 =	vadd.s32 v23, v32  }
0x34d: {  	v48 =	vld.idx.msk [tilespmem:v48+s23+$0x0], $0xffff;
	v55 =	vadd.s32 v24, v32  }
0x34e: {  	v49 =	vld.idx.msk [tilespmem:v49+s23+$0x0], $0xffff;
	v56 =	vadd.s32 v25, v32  }
0x34f: {  	v57 =	vadd.s32 v1, v32;
	v52 =	vld.idx.msk [tilespmem:v62+s23+$0x0], $0xffff  }
0x350: {  	v58 =	vadd.s32 v26, v32;
	v53 =	vld.idx.msk [tilespmem:v53+s23+$0x0], $0xffff  }
0x351: {  	v59 =	vadd.s32 v27, v32;
	v54 =	vld.idx.msk [tilespmem:v54+s23+$0x0], $0xffff  }
0x352: {  	v60 =	vadd.s32 v28, v32;
	v55 =	vld.idx.msk [tilespmem:v55+s23+$0x0], $0xffff  }
0x353: {  	v61 =	vadd.s32 v29, v32;
	v56 =	vld.idx.msk [tilespmem:v56+s23+$0x0], $0xffff  }
0x354: {  	v62 =	vadd.s32 v30, v32;
	v57 =	vld.idx.msk [tilespmem:v57+s23+$0x0], $0xffff  }
0x355: {  	v58 =	vld.idx.msk [tilespmem:v58+s23+$0x0], $0xffff;
	v32 =	vadd.s32 v31, v32  }
0x356: {  	v59 =	vld.idx.msk [tilespmem:v59+s23+$0x0], $0xffff  }
0x357: {  	v60 =	vld.idx.msk [tilespmem:v60+s23+$0x0], $0xffff  }
0x358: {  	v61 =	vld.idx.msk [tilespmem:v61+s23+$0x0], $0xffff  }
0x359: {  	s16 =	sadd.s32 $0x10, s22;
	v62 =	vld.idx.msk [tilespmem:v62+s23+$0x0], $0xffff  }
0x35a: {  	v32 =	vld.idx.msk [tilespmem:v32+s23+$0x0], $0xffff;
	[tilespmem:s16+$0x0] =	vst v57  }
0x35b: {  	[tilespmem:s16+$0xFFFFF080] =	vst v33  }
0x35c: {  	[tilespmem:s16+$0xFFFFF100] =	vst v34  }
0x35d: {  	[tilespmem:s16+$0xFFFFF180] =	vst v35  }
0x35e: {  	[tilespmem:s16+$0xFFFFF200] =	vst v36  }
0x35f: {  	[tilespmem:s16+$0xFFFFF280] =	vst v37  }
0x360: {  	[tilespmem:s16+$0xFFFFF300] =	vst v38  }
0x361: {  	[tilespmem:s16+$0xFFFFF380] =	vst v39  }
0x362: {  	[tilespmem:s16+$0xFFFFF400] =	vst v40  }
0x363: {  	[tilespmem:s16+$0xFFFFF480] =	vst v41  }
0x364: {  	[tilespmem:s16+$0xFFFFF500] =	vst v42  }
0x365: {  	[tilespmem:s16+$0xFFFFF580] =	vst v43  }
0x366: {  	[tilespmem:s16+$0xFFFFF600] =	vst v44  }
0x367: {  	[tilespmem:s16+$0xFFFFF680] =	vst v45  }
0x368: {  	[tilespmem:s16+$0xFFFFF700] =	vst v46  }
0x369: {  	[tilespmem:s16+$0xFFFFF780] =	vst v47  }
0x36a: {  	[tilespmem:s16+$0xFFFFF800] =	vst v0  }
0x36b: {  	[tilespmem:s16+$0xFFFFF880] =	vst v50  }
0x36c: {  	[tilespmem:s16+$0xFFFFF900] =	vst v51  }
0x36d: {  	[tilespmem:s16+$0xFFFFF980] =	vst v48  }
0x36e: {  	[tilespmem:s16+$0xFFFFFA00] =	vst v49  }
0x36f: {  	[tilespmem:s16+$0xFFFFFA80] =	vst v52  }
0x370: {  	[tilespmem:s16+$0xFFFFFB00] =	vst v53  }
0x371: {  	[tilespmem:s16+$0xFFFFFB80] =	vst v54  }
0x372: {  	[tilespmem:s16+$0xFFFFFC00] =	vst v55  }
0x373: {  	[tilespmem:s16+$0xFFFFFC80] =	vst v56  }
0x374: {  	[tilespmem:s16+$0xFFFFFD00] =	vst v58  }
0x375: {  	[tilespmem:s16+$0xFFFFFD80] =	vst v59  }
0x376: {  	[tilespmem:s16+$0xFFFFFE00] =	vst v60  }
0x377: {  	s17 =	sshll.u32 s29, $0x11;
	s19 =	rddreg [dreg:$0x8];
	[tilespmem:s16+$0xFFFFFE80] =	vst v61  }
0x378: {  	s17 =	sor.u32 s19, s17;
	s19 =	rddreg [dreg:$0x1];
	[tilespmem:s16+$0xFFFFFF00] =	vst v62  }
0x379: {  	[tilespmem:s16+$0xFFFFFF80] =	vst v32;
	s16 =	sadd.s32 s19, s17  }
0x37a: {  	[hbm4b:s16+s3] =	stream.linear.scatter [tilespmem:s21], [sflag:$0x3], $0x400, $0x38;
	[tilespmem:$0x1EC00] =	vst v63  }
0x37b: {  	s21 =	sadd.s32 $0x8000, s16  }
0x37c: {  	[hbm4b:s21+s3] =	stream.linear.scatter [tilespmem:s1], [sflag:$0x3], $0x400, $0x38;
	[tilespmem:$0x1EC00] =	vst v63  }
0x37d: {  	s22 =	sadd.s32 $0x10000, s16  }
0x37e: {  	[hbm4b:s22+s3] =	stream.linear.scatter [tilespmem:s14], [sflag:$0x3], $0x400, $0x38;
	[tilespmem:$0x1EC00] =	vst v63  }
0x37f: {  	s19 =	rddreg [dreg:$0x9];
	s16 =	sadd.s32 $0x18000, s16  }
0x380: {  	[hbm4b:s16+s3] =	stream.linear.scatter [tilespmem:s15], [sflag:$0x3], $0x400, $0x38;
	[tilespmem:$0x1EC00] =	vst v63  }
0x381: {  	s1 =	sadd.s32 s17, s19  }
0x382: {  	[hbm4b:s1+s3] =	stream.linear.scatter [tilespmem:s18], [sflag:$0x3], $0x400, $0x38;
	[tilespmem:$0x1EC00] =	vst v63  }
0x383: {  	s21 =	sadd.s32 $0x8000, s1  }
0x384: {  	[hbm4b:s21+s3] =	stream.linear.scatter [tilespmem:s2], [sflag:$0x3], $0x400, $0x38;
	[tilespmem:$0x1EC00] =	vst v63  }
0x385: {  	s22 =	sadd.s32 $0x10000, s1  }
0x386: {  	[hbm4b:s22+s3] =	stream.linear.scatter [tilespmem:s13], [sflag:$0x3], $0x400, $0x38;
	[tilespmem:$0x1EC00] =	vst v63  }
0x387: {  	s1 =	sadd.s32 $0x18000, s1;
	s2 =	rddreg [dreg:$0xa]  }
0x388: {  	[hbm4b:s1+s3] =	stream.linear.scatter [tilespmem:s10], [sflag:$0x3], $0x400, $0x38;
	[tilespmem:$0x1EC00] =	vst v63  }
0x389: {  	s1 =	sadd.s32 s17, s2  }
0x38a: {  	[hbm4b:s1+s3] =	stream.linear.scatter [tilespmem:s8], [sflag:$0x3], $0x400, $0x38;
	[tilespmem:$0x1EC00] =	vst v63  }
0x38b: {  	s10 =	sadd.s32 $0x8000, s1  }
0x38c: {  	[hbm4b:s10+s3] =	stream.linear.scatter [tilespmem:s25], [sflag:$0x3], $0x400, $0x38;
	[tilespmem:$0x1EC00] =	vst v63  }
0x38d: {  	s13 =	sadd.s32 $0x10000, s1  }
0x38e: {  	[hbm4b:s13+s3] =	stream.linear.scatter [tilespmem:s12], [sflag:$0x3], $0x400, $0x38;
	[tilespmem:$0x1EC00] =	vst v63  }
0x38f: {  	s14 =	rddreg [dreg:$0xb];
	s1 =	sadd.s32 $0x18000, s1  }
0x390: {  	[hbm4b:s1+s3] =	stream.linear.scatter [tilespmem:s9], [sflag:$0x3], $0x400, $0x38;
	[tilespmem:$0x1EC00] =	vst v63  }
0x391: {  	s1 =	sadd.s32 s17, s14  }
0x392: {  	[hbm4b:s1+s3] =	stream.linear.scatter [tilespmem:s7], [sflag:$0x3], $0x400, $0x38;
	[tilespmem:$0x1EC00] =	vst v63  }
0x393: {  	s15 =	sadd.s32 $0x8000, s1  }
0x394: {  	[hbm4b:s15+s3] =	stream.linear.scatter [tilespmem:s28], [sflag:$0x3], $0x400, $0x38;
	[tilespmem:$0x1EC00] =	vst v63  }
0x395: {  	s19 =	rddreg [dreg:$0x2];
	s16 =	sadd.s32 $0x10000, s1  }
0x396: {  	[hbm4b:s16+s3] =	stream.linear.scatter [tilespmem:s11], [sflag:$0x3], $0x400, $0x38;
	[tilespmem:$0x1EC00] =	vst v63  }
0x397: {  	s18 =	sand.u32 $0x3FFFC000, s20;
	s20 =	stileid.u32;
	s1 =	sadd.s32 $0x18000, s1  }
0x398: {  	[hbm4b:s1+s3] =	stream.linear.scatter [tilespmem:s4], [sflag:$0x3], $0x400, $0x38;
	[tilespmem:$0x1EC00] =	vst v63  }
0x399: {  	s21 =	rddreg [dreg:$0xc];
	s2 =	sshll.u32 s20, $0x6;
	s1 =	sadd.s32 s18, s19  }
0x39a: {  	s2 =	sor.u32 $0x1C04, s2;
	s4 =	sadd.s32 s17, s21;
	s22 =	sshrl.u32 s1, $0x3  }
0x39b: {  	[hbm:s4@s24], [sflag:s2] =	dma.strided [spmem:s22@s30], $0x200, s0, $0x10   }
0x39c: {  	s25 =	sadd.s32 $0x400, s1;
	s7 =	rddreg [dreg:$0xd]  }
0x39d: {  	s4 =	sshrl.u32 s25, $0x3;
	s7 =	sadd.s32 s17, s7  }
0x39e: {  	[hbm:s7@s24], [sflag:s2] =	dma.strided [spmem:s4@s30], $0x200, s0, $0x10   }
0x39f: {  	p2 =	sne.s32 s6, $0x32;
	s28 =	sadd.s32 $0x800, s1;
	s7 =	rddreg [dreg:$0xe]  }
.Ltmp5:
0x3a0: {  	s4 =	sshrl.u32 s28, $0x3;
	s7 =	sadd.s32 s17, s7;
	(pc) =	sbr.rel @p2 .LBB2_2-.Ltmp5, $4  }
0x3a1: {  	[hbm:s7@s24], [sflag:s2] =	dma.strided [spmem:s4@s30], $0x200, s0, $0x10   }
0x3a2: {  	p1 =	por !p1, !p1;
	s1 =	sadd.s32 $0xC00, s1;
	s4 =	rddreg [dreg:$0xf]  }
0x3a3: {  	s29 =	smov.u32 s6;
	s1 =	sshrl.u32 s1, $0x3;
	s4 =	sadd.s32 s17, s4  }
0x3a4: {  	v0 =	vmov v1;
	[hbm:s4@s24], [sflag:s2] =	dma.strided [spmem:s1@s30], $0x200, s0, $0x10   }
0x3a5: {  	s1 =	simm.s32 $0x3  }
0x3a6: {  	_ =	swait.ge [sflag:s1], $0x1000  }
0x3a7: {  	[sflag:s1] =	ssyncset.done $0x0  }
0x3a8: {  	[sflag:s1] =	ssyncadd.s32 $0xFFFFF000  }
0x3a9: {  	_ =	swait.ge [sflag:s1], $0x1000  }
0x3aa: {  	[sflag:s1] =	ssyncset.done $0x0  }
0x3ab: {  	[sflag:s1] =	ssyncadd.s32 $0xFFFFF000  }
0x3ac: {  	_ =	swait.ge [sflag:s1], $0x1000  }
0x3ad: {  	[sflag:s1] =	ssyncset.done $0x0  }
0x3ae: {  	[sflag:s1] =	ssyncadd.s32 $0xFFFFF000  }
0x3af: {  	_ =	swait.ge [sflag:s1], $0x1000  }
0x3b0: {  	[sflag:s1] =	ssyncset.done $0x0  }
0x3b1: {  	[sflag:s1] =	ssyncadd.s32 $0xFFFFF000  }
0x3b2: {  	_ =	swait.ge [sflag:s1], $0x1000  }
0x3b3: {  	[sflag:s1] =	ssyncset.done $0x0  }
0x3b4: {  	[sflag:s1] =	ssyncadd.s32 $0xFFFFF000  }
0x3b5: {  	_ =	swait.ge [sflag:s1], $0x1000  }
0x3b6: {  	[sflag:s1] =	ssyncset.done $0x0  }
0x3b7: {  	[sflag:s1] =	ssyncadd.s32 $0xFFFFF000  }
0x3b8: {  	_ =	swait.ge [sflag:s1], $0x1000  }
0x3b9: {  	[sflag:s1] =	ssyncset.done $0x0  }
0x3ba: {  	[sflag:s1] =	ssyncadd.s32 $0xFFFFF000  }
0x3bb: {  	_ =	swait.ge [sflag:s1], $0x1000  }
0x3bc: {  	[sflag:s1] =	ssyncset.done $0x0  }
0x3bd: {  	[sflag:s1] =	ssyncadd.s32 $0xFFFFF000  }
0x3be: {  	_ =	swait.ge [sflag:s26], $0x200  }
0x3bf: {  	[sflag:s26] =	ssyncset.done $0x0  }
0x3c0: {  	[sflag:s26] =	ssyncadd.s32 $0xFFFFFE00  }
0x3c1: {  	_ =	swait.ge [sflag:s26], $0x200  }
0x3c2: {  	[sflag:s26] =	ssyncset.done $0x0  }
0x3c3: {  	[sflag:s26] =	ssyncadd.s32 $0xFFFFFE00  }
0x3c4: {  	_ =	swait.ge [sflag:s26], $0x200  }
0x3c5: {  	[sflag:s26] =	ssyncset.done $0x0  }
0x3c6: {  	[sflag:s26] =	ssyncadd.s32 $0xFFFFFE00  }
0x3c7: {  	_ =	swait.ge [sflag:s26], $0x200  }
0x3c8: {  	s2 =	rddreg [dreg:$0x12]  }
0x3c9: {  	s29 =	rddreg [dreg:$0x10];
	s2 =	sadd.s32 $0x1, s2  }
0x3ca: {  	p1 =	sne.s32 s2, s29  }
.Ltmp6:
0x3cb: {  	_ = 	snop;
	(pc) =	sbr.rel @p1 .LBB2_1-.Ltmp6, $3  }
0x3cc: {  	_ =	sdelay $0x1  }
0x3cd: {  	[sflag:s26] =	ssyncset.done $0x0  }
0x3ce: {  	[sflag:s26] =	ssyncadd.s32 $0xFFFFFE00  }
0x3cf: {  	_ =	sfence.sel $0x180000  }
0x3d0: {  	[bflag:$0x0] =	sbarrier.arrive $0xFFFF  }
0x3d1: {  	_ =	strace $0x90000047  }
0x3d2: {  	[bflag:$0x2] =	sbarrier.arrive $0xFFFF  }
0x3d3: {  	s0 =	rddreg [dreg:$0x3]  }
0x3d4: {  	s0 =	sadd.s32 @!p0 $0x100000, s0  }
0x3d5: {  	[sflag:s0] =	ssyncadd.tile.s32 @!p0 $0x1;
	_ =	shalt  }
.Lfunc_end2:
_tile_overlayer_lowered:
.L_overlay_start_2:
0x3d6: {  	(tag) =	ssettag $0x2  }
0x3d7: {  	s0 =	rddreg [dreg:$0x0];
	s2 =	stileid.u32  }
0x3d8: {  	s1 =	rddreg [dreg:$0x1];
	p0 =	sne.s32 s2, $0x0  }
0x3d9: {  	s3 =	rddreg [dreg:$0x2];
	[bflag:$0x3] =	sbarrier.arrive $0xFFFF;
	s2 =	simm.s32 @!p0 $0x1C05  }
0x3da: {  	[timem:s3], [sflag:s2] =	dma.local @!p0 [hbm:s0], s1  }
0x3db: {  	s0 =	simm.s32 @!p0 $0x5  }
0x3dc: {  	_ =	swait.ge @!p0 [sflag:s0], s1  }
0x3dd: {  	s1 =	ssub.s32 @!p0 $0x0, s1;
	[sflag:s0] =	ssyncset.done @!p0 $0x0  }
0x3de: {  	[sflag:s0] =	ssyncadd.s32 @!p0 s1  }
0x3df: {  	[bflag:$0x3] =	sbarrier.arrive $0xFFFF  }
0x3e0: {  	_ =	shalt  }

</sc_bundles>
